<compile_context>
chip_gen: v7x
topology: tpu7x:2x2x1
jax: 0.10.2.dev20260603
libtpu: 0.0.44.dev20260713+nightly
codegen_flags: <defaults>
</compile_context>

<pallas_src>
import functools
from math import pi, sqrt

import numpy as np
import jax
import jax.numpy as jnp
from jax.experimental import pallas as pl
from jax.experimental.pallas import tpu as pltpu
from jax.experimental.pallas import tpu_sc as plsc

H = 128
R = 96
CUT = 5.0
G = 64
_INV_SQRT_3 = np.float32(1.0 / sqrt(3.0))
_INV_SQRT_H = np.float32(1.0 / sqrt(H))
_INV_SQRT_2 = np.float32(1.0 / sqrt(2.0))
_MEANS = np.linspace(np.exp(-CUT), 1.0, R).astype(np.float32)
_BETA = np.float32((2.0 / R * (1.0 - np.exp(-CUT))) ** -2)
_PI_OVER_CUT = np.float32(pi / CUT)


def _silu(x):
    return x / (1.0 + jnp.exp(-x))


def _norm3(v):
    n = jnp.sqrt(jnp.sum(v * v, axis=1, keepdims=True))
    m = n > 0
    return jnp.where(m, v / jnp.where(m, n, 1.0), 0.0)


def _cross(a, b):
    a0, a1, a2 = a[:, 0:1], a[:, 1:2], a[:, 2:3]
    b0, b1, b2 = b[:, 0:1], b[:, 1:2], b[:, 2:3]
    return jnp.concatenate(
        [a1 * b2 - a2 * b1, a2 * b0 - a0 * b2, a0 * b1 - a1 * b0], axis=1)


def _sc_segsum(vals, idx, n_out):
    E, D = vals.shape
    CC = 128
    ncc = D // CC
    T = 16
    ept = E // T
    ch = 80
    nch = ept // ch
    idx3 = idx.astype(jnp.int32).reshape(T, nch, ch)
    zer = jnp.zeros((n_out, CC), jnp.float32)
    mesh = plsc.VectorSubcoreMesh(core_axis_name="c", subcore_axis_name="s")

    @functools.partial(
        pl.kernel, mesh=mesh,
        out_type=jax.ShapeDtypeStruct((n_out, D), jnp.float32),
        scratch_types=[pltpu.VMEM((nch, ch), jnp.int32),
                       pltpu.VMEM((ch, CC), jnp.float32),
                       pltpu.VMEM_SHARED((n_out, CC), jnp.float32)],
    )
    def k(vals_hbm, idx_hbm, zer_hbm, out_hbm, idx_v, vals_v, acc_sh):
        cid = jax.lax.axis_index("c")
        sid = jax.lax.axis_index("s")
        pltpu.sync_copy(idx_hbm.at[sid], idx_v)
        base = sid * ept
        for j in range(ncc):
            mine = (j % 2) == cid

            @pl.when(jnp.logical_and(mine, sid == 0))
            def _():
                pltpu.sync_copy(zer_hbm, acc_sh)

            plsc.subcore_barrier()

            @pl.when(mine)
            def _():
                def body(kk, carry):
                    pltpu.sync_copy(
                        vals_hbm.at[pl.ds(base + kk * ch, ch),
                                    pl.ds(j * CC, CC)], vals_v)
                    pltpu.sync_copy(vals_v, acc_sh.at[idx_v.at[kk]], add=True)
                    return carry

                jax.lax.fori_loop(0, nch, body, 0)

            plsc.subcore_barrier()

            @pl.when(jnp.logical_and(mine, sid == 0))
            def _():
                pltpu.sync_copy(acc_sh, out_hbm.at[:, pl.ds(j * CC, CC)])

    return k(vals, idx3, zer)


def _row_call(body, blocked, full, out_widths, n_rows, bs):
    grid = (n_rows // bs,)
    in_specs = [pl.BlockSpec((bs, a.shape[1]), lambda i: (i, 0)) for a in blocked]
    for a in full:
        in_specs.append(
            pl.BlockSpec(a.shape, (lambda nd: (lambda i: (0,) * nd))(a.ndim)))
    out_shape = [jax.ShapeDtypeStruct((n_rows, w), jnp.float32) for w in out_widths]
    out_specs = [pl.BlockSpec((bs, w), lambda i: (i, 0)) for w in out_widths]
    res = pl.pallas_call(body, grid=grid, in_specs=in_specs,
                         out_specs=out_specs, out_shape=out_shape)(*blocked, *full)
    return res


def _e1_body(ps_ref, pd_ref, nb_ref, means_ref, w1_ref, b1_ref, w2_ref, b2_ref,
             re_ref, rh_ref, rb_ref, ef_ref, scn_ref, ed_ref):
    ps = ps_ref[...]
    pd = pd_ref[...]
    diff = ps - pd
    dist = jnp.sqrt(jnp.sum(diff * diff, axis=1, keepdims=True) + 1e-12)
    cosf = 0.5 * (jnp.cos(dist * _PI_OVER_CUT) + 1.0)
    mask = cosf * (dist < CUT).astype(jnp.float32)
    dev = jnp.exp(-dist) - means_ref[...]
    re = mask * jnp.exp(-_BETA * dev * dev)
    h1 = _silu(jnp.dot(re, w1_ref[...], preferred_element_type=jnp.float32)
               + b1_ref[...])
    rh = (jnp.dot(h1, w2_ref[...], preferred_element_type=jnp.float32)
          + b2_ref[...]) * cosf
    ed = _norm3(diff)
    ec = _norm3(_cross(ps, pd))
    ev = _cross(ed, ec)
    vecs = (ed, ec, ev)
    cols = []
    for i in range(3):
        for k in range(3):
            cols.append(vecs[k][:, i:i + 1])
    re_ref[...] = re
    rh_ref[...] = rh
    rb_ref[...] = cosf
    ef_ref[...] = jnp.concatenate(cols, axis=1)
    scn_ref[...] = rh * nb_ref[...]
    ed_ref[...] = ed


def _esv_body(rh_ref, ed_ref, sl_ref, out_ref):
    rh = rh_ref[...]
    sl = sl_ref[...]
    ed = ed_ref[...]
    parts = [rh * ed[:, i:i + 1] * sl for i in range(3)]
    out_ref[...] = jnp.concatenate(parts, axis=1)


def _scalrize(Sv, ef):
    sc = []
    for k in range(3):
        acc = Sv[:, 0:H] * ef[:, k:k + 1]
        for i in (1, 2):
            acc = acc + Sv[:, i * H:(i + 1) * H] * ef[:, 3 * i + k:3 * i + k + 1]
        sc.append(acc)
    sc[1] = jnp.abs(sc[1])
    return sc


def _edge_scalar(sc, lw1, lb1, lw2, lb2):
    out = sc[0] + lb2[0:1, 0:1]
    for k in range(32):
        hid = _silu(lw1[k:k + 1, 0:1] * sc[0] + lw1[k:k + 1, 1:2] * sc[1]
                    + lw1[k:k + 1, 2:3] * sc[2] + lb1[0:1, k:k + 1])
        out = out + lw2[0:1, k:k + 1] * hid
    return out


def _e2_body(Ss_ref, Sd_ref, ef_ref, rh_ref, re_ref, rb_ref,
             lw1_ref, lb1_ref, lw2_ref, lb2_ref, ew_ref):
    ef = ef_ref[...]
    rb = rb_ref[...]
    lw1 = lw1_ref[...]
    lb1 = lb1_ref[...]
    lw2 = lw2_ref[...]
    lb2 = lb2_ref[...]
    sc1 = _scalrize(Ss_ref[...], ef)
    sc2 = _scalrize(Sd_ref[...], ef)
    s3 = _edge_scalar(sc1, lw1, lb1, lw2, lb2)
    s4 = _edge_scalar(sc2, lw1, lb1, lw2, lb2)
    ew_ref[...] = jnp.concatenate(
        [s3 * rb, s4 * rb, rh_ref[...], re_ref[...]], axis=1)


def _make_e3_body(has_vec):
    def body(*refs):
        if has_vec:
            (ew_ref, re_ref, xh_ref, vs_ref, ed_ref,
             iw1_ref, ib1_ref, iw2_ref, ib2_ref, rw_ref, rbb_ref,
             mx_ref, mv_ref) = refs
        else:
            (ew_ref, re_ref, xh_ref, ed_ref,
             iw1_ref, ib1_ref, iw2_ref, ib2_ref, rw_ref, rbb_ref,
             mx_ref, mv_ref) = refs
        h = _silu(jnp.dot(ew_ref[...], iw1_ref[...],
                          preferred_element_type=jnp.float32) + ib1_ref[...])
        w = jnp.dot(h, iw2_ref[...], preferred_element_type=jnp.float32) + ib2_ref[...]
        rbfh = jnp.dot(re_ref[...], rw_ref[...],
                       preferred_element_type=jnp.float32) + rbb_ref[...]
        m = xh_ref[...] * (rbfh * w)
        mh2 = m[:, H:2 * H] * _INV_SQRT_3
        mh3 = m[:, 2 * H:3 * H]
        ed = ed_ref[...]
        parts = []
        for i in range(3):
            mv = mh3 * ed[:, i:i + 1]
            if has_vec:
                mv = mv + vs_ref[...][:, i * H:(i + 1) * H] * mh2
            parts.append(mv * _INV_SQRT_H)
        mx_ref[...] = m[:, 0:H]
        mv_ref[...] = jnp.concatenate(parts, axis=1)
    return body


def _nodemlp_body(s_ref, w1_ref, b1_ref, w2_ref, b2_ref, out_ref):
    h = _silu(jnp.dot(s_ref[...], w1_ref[...],
                      preferred_element_type=jnp.float32) + b1_ref[...])
    out_ref[...] = jnp.dot(h, w2_ref[...],
                           preferred_element_type=jnp.float32) + b2_ref[...]


def _slin_body(s_ref, w_ref, b_ref, out_ref):
    out_ref[...] = _silu(jnp.dot(s_ref[...], w_ref[...],
                                 preferred_element_type=jnp.float32) + b_ref[...])


def _fte_body(s_ref, ds_ref, v_ref, dv_ref, eq_ref, w1_ref, b1_ref,
              w2_ref, b2_ref, s_out_ref, v_out_ref):
    s = s_ref[...] + ds_ref[...]
    v = v_ref[...] + dv_ref[...]
    eq = eq_ref[...]
    vec1 = []
    vec2 = []
    for i in range(3):
        veq = jnp.dot(v[:, i * H:(i + 1) * H], eq,
                      preferred_element_type=jnp.float32)
        vec1.append(veq[:, 0:H])
        vec2.append(veq[:, H:2 * H])
    sumsq = vec1[0] * vec1[0] + vec1[1] * vec1[1] + vec1[2] * vec1[2]
    scalar = jnp.sqrt(sumsq + 1e-10)
    vdot = (vec1[0] * vec2[0] + vec1[1] * vec2[1] + vec1[2] * vec2[2]) * _INV_SQRT_H
    cat = jnp.concatenate([s, scalar], axis=1)
    hid = _silu(jnp.dot(cat, w1_ref[...],
                        preferred_element_type=jnp.float32) + b1_ref[...])
    xvh = jnp.dot(hid, w2_ref[...], preferred_element_type=jnp.float32) + b2_ref[...]
    xv1 = xvh[:, 0:H]
    xv2 = xvh[:, H:2 * H]
    xv3 = xvh[:, 2 * H:3 * H]
    s_out_ref[...] = s + (xv1 + xv2 + vdot) * _INV_SQRT_2
    v_out_ref[...] = jnp.concatenate(
        [v[:, i * H:(i + 1) * H] + xv3 * vec2[i] for i in range(3)], axis=1)


def _final_body(s_ref, b_ref, w_ref, bias_ref, out_ref):
    y = jnp.dot(s_ref[...], w_ref[...],
                preferred_element_type=jnp.float32) + bias_ref[...]
    b = b_ref[0, 0, :]
    oh = (b[:, None] == jax.lax.broadcasted_iota(jnp.int32, (1, G), 1)
          ).astype(jnp.float32)
    partial = jnp.sum(oh * y, axis=0, keepdims=True)

    @pl.when(pl.program_id(0) == 0)
    def _():
        out_ref[...] = jnp.zeros_like(out_ref)

    out_ref[...] += partial


def kernel(params, pos, z, batch, edge_index):
    p = params
    src = edge_index[0]
    dst = edge_index[1]
    N = pos.shape[0]
    E = src.shape[0]
    BE = 640 if E % 640 == 0 else E
    BN = 1000 if N % 1000 == 0 else N

    f32 = jnp.float32
    tk = lambda a, i: jnp.take(a, i, axis=0)
    if E % 6400 == 0:
        seg = lambda v, d: _sc_segsum(v, d, N)
    else:
        seg = lambda v, d: jax.ops.segment_sum(v, d, num_segments=N)
    rw = lambda w: w.T.astype(f32)
    rb_ = lambda b: b.reshape(1, -1).astype(f32)

    z_emb = tk(p['z_emb'], z)
    nb_src = tk(tk(p['nb_emb'], z), src)
    ps = tk(pos, src)
    pd = tk(pos, dst)

    re, rh, rbound, ef, scn, ed = _row_call(
        _e1_body, [ps, pd, nb_src],
        [jnp.asarray(_MEANS).reshape(1, R),
         rw(p['rl_w1']), rb_(p['rl_b1']), rw(p['rl_w2']), rb_(p['rl_b2'])],
        [R, H, 1, 9, H, 3], E, BE)

    s = z_emb + seg(scn, dst)

    s_lin, = _row_call(_slin_body, [s], [rw(p['sv_w']), rb_(p['sv_b'])],
                       [H], N, BN)
    sl_src = tk(s_lin, src)
    scontrib, = _row_call(_esv_body, [rh, ed, sl_src], [], [3 * H], E, BE)
    S = seg(scontrib, dst)

    ew, = _row_call(
        _e2_body, [tk(S, src), tk(S, dst), ef, rh, re, rbound],
        [p['lw1'].astype(f32), rb_(p['lb1']), p['lw2'].astype(f32),
         p['lb2'].reshape(1, 1).astype(f32)],
        [3 * H + R], E, BE)

    vec = jnp.zeros((N, 3 * H), f32)
    for li, lp in enumerate(p['layers']):
        xh, = _row_call(
            _nodemlp_body, [s],
            [rw(lp['x_w1']), rb_(lp['x_b1']), rw(lp['x_w2']), rb_(lp['x_b2'])],
            [3 * H], N, BN)
        blocked = [ew, re, tk(xh, src)]
        if li > 0:
            blocked.append(tk(vec, src))
        blocked.append(ed)
        mx, mvec = _row_call(
            _make_e3_body(li > 0), blocked,
            [rw(lp['inv_w1']), rb_(lp['inv_b1']), rw(lp['inv_w2']),
             rb_(lp['inv_b2']), rw(lp['rbf_w']), rb_(lp['rbf_b'])],
            [H, 3 * H], E, BE)
        s, vec = _row_call(
            _fte_body, [s, seg(mx, dst), vec, seg(mvec, dst)],
            [rw(lp['equi_w']), rw(lp['xe_w1']), rb_(lp['xe_b1']),
             rw(lp['xe_w2']), rb_(lp['xe_b2'])],
            [H, 3 * H], N, BN)

    y = s @ p['last_w'].T.astype(f32) + p['last_b'].astype(f32)
    return jax.ops.segment_sum(y, batch, num_segments=G)

# --- scband reference (transcript-rebuilt; emitter-appended) ---
"""Pipeline reference for scband-leftnet-73641509257758 (READ-ONLY COPY).

The authoritative reference and input builder live on the scoring server;
editing this copy changes nothing except your own understanding.
"""

import jax, jax.numpy as jnp
import numpy as np
from math import pi, sqrt

N = 10000
E = 160000
H = 128
R = 96
L = 2
G = 64
CUT = 5.0


def _lin_params(key, dout, din):
    kw, _ = jax.random.split(key)
    w = jax.random.normal(kw, (dout, din), jnp.float32) * (1.0 / np.sqrt(din))
    b = jnp.zeros((dout,), jnp.float32)
    return w, b


def _linear(x, w, b=None):
    y = x @ w.T
    if b is not None:
        y = y + b
    return y


def _silu(x):
    return x * jax.nn.sigmoid(x)


def _safe_normalize(v):
    n = jnp.linalg.norm(v, axis=-1, keepdims=True)
    return jnp.where(n > 0, v / jnp.where(n > 0, n, 1.0), 0.0)


def setup_inputs(seed: int = 0):
    key = jax.random.key(seed)
    ks = jax.random.split(key, 8)
    z = jax.random.randint(ks[0], (N,), 0, 95)
    pos = jax.random.normal(ks[1], (N, 3), jnp.float32)
    batch = jnp.sort(jax.random.randint(ks[2], (N,), 0, G))
    src = jax.random.randint(ks[3], (E,), 0, N)
    off = jax.random.randint(ks[4], (E,), 1, N)
    dst = (src + off) % N  # avoid self-loops (radius_graph never returns them)
    edge_index = jnp.stack([src, dst], axis=0)
    kp = jax.random.split(ks[5], 8 + 8 * L)
    p = {}
    p['z_emb'] = jax.random.normal(kp[0], (95, H), jnp.float32) * 0.1
    p['nb_emb'] = jax.random.normal(kp[1], (95, H), jnp.float32) * 0.1
    p['rl_w1'], p['rl_b1'] = _lin_params(kp[2], H, R)
    p['rl_w2'], p['rl_b2'] = _lin_params(kp[3], H, H)
    p['sv_w'], p['sv_b'] = _lin_params(kp[4], H, H)
    p['lw1'], p['lb1'] = _lin_params(kp[5], H // 4, 3)
    p['lw2'], p['lb2'] = _lin_params(kp[6], 1, H // 4)
    p['last_w'], p['last_b'] = _lin_params(kp[7], 1, H)
    layers = []
    for l in range(L):
        base = 8 + l * 8
        lp = {}
        lp['inv_w1'], lp['inv_b1'] = _lin_params(kp[base + 0], 3 * H, 3 * H + R)
        lp['inv_w2'], lp['inv_b2'] = _lin_params(kp[base + 1], 3 * H, 3 * H)
        lp['x_w1'], lp['x_b1'] = _lin_params(kp[base + 2], H, H)
        lp['x_w2'], lp['x_b2'] = _lin_params(kp[base + 3], 3 * H, H)
        lp['rbf_w'], lp['rbf_b'] = _lin_params(kp[base + 4], 3 * H, R)
        lp['equi_w'], _unused = _lin_params(kp[base + 5], 2 * H, H)
        lp['xe_w1'], lp['xe_b1'] = _lin_params(kp[base + 6], H, 2 * H)
        lp['xe_w2'], lp['xe_b2'] = _lin_params(kp[base + 7], 3 * H, H)
        layers.append(lp)
    p['layers'] = layers
    return {'params': p, 'pos': pos, 'z': z, 'batch': batch, 'edge_index': edge_index}


def _forward(p, pos, z, batch, edge_index):
    src = edge_index[0]
    dst = edge_index[1]
    z_emb = p['z_emb'][z]
    diff = pos[src] - pos[dst]
    dist = jnp.sqrt(jnp.sum(diff ** 2, axis=1) + 1e-12)
    means = jnp.linspace(np.exp(-CUT), 1.0, R).astype(jnp.float32)
    betas = jnp.full((R,), (2.0 / R * (1.0 - np.exp(-CUT))) ** -2, jnp.float32)
    d = dist[:, None]
    rb_mask = 0.5 * (jnp.cos(d * pi / CUT) + 1.0) * (d < CUT).astype(jnp.float32)
    radial_emb = rb_mask * jnp.exp(-betas * (jnp.exp(-d) - means) ** 2)
    radial_hidden = _linear(_silu(_linear(radial_emb, p['rl_w1'], p['rl_b1'])), p['rl_w2'], p['rl_b2'])
    rbounds = 0.5 * (jnp.cos(dist * pi / CUT) + 1.0)
    radial_hidden = rbounds[:, None] * radial_hidden
    # NeighborEmb: scatter-add of gathered neighbor embeddings weighted by radial_hidden
    nb = p['nb_emb'][z]
    s = z_emb + jax.ops.segment_sum(radial_hidden * nb[src], dst, num_segments=N)
    vec = jnp.zeros((N, 3, H), jnp.float32)
    # edge-wise frame
    edge_diff = _safe_normalize(diff)
    edge_cross = _safe_normalize(jnp.cross(pos[src], pos[dst]))
    edge_vertical = jnp.cross(edge_diff, edge_cross)
    edge_frame = jnp.stack([edge_diff, edge_cross, edge_vertical], axis=-1)
    # node-wise frame via mean neighbor position (scatter-mean)
    cnt = jax.ops.segment_sum(jnp.ones((E,), jnp.float32), dst, num_segments=N)
    mean_nb = jax.ops.segment_sum(pos[src], dst, num_segments=N) / jnp.maximum(cnt, 1.0)[:, None]
    node_diff = _safe_normalize(pos - mean_nb)
    node_cross = _safe_normalize(jnp.cross(pos, mean_nb))
    node_vertical = jnp.cross(node_diff, node_cross)
    node_frame = jnp.stack([node_diff, node_cross, node_vertical], axis=-1)
    # S_vector: local 3D substructure encoding
    s_lin = _silu(_linear(s, p['sv_w'], p['sv_b']))
    emb_ev = radial_hidden[:, None, :] * edge_diff[:, :, None]
    S = jax.ops.segment_sum((emb_ev * s_lin[src][:, None, :]).reshape(E, 3 * H), dst, num_segments=N).reshape(N, 3, H)

    def scalrize(Se):
        sc = jnp.sum(Se[:, :, None, :] * edge_frame[:, :, :, None], axis=1)
        sc = sc.at[:, 1, :].set(jnp.abs(sc[:, 1, :]))
        return sc

    sc1 = scalrize(S[src])
    sc2 = scalrize(S[dst])

    def edge_scalar(sc):
        hid = _silu(jnp.einsum('kj,ejh->ekh', p['lw1'], sc) + p['lb1'][None, :, None])
        out = jnp.einsum('k,ekh->eh', p['lw2'][0], hid) + p['lb2'][0]
        return out + sc[:, 0, :]

    scalar3 = edge_scalar(sc1)
    scalar4 = edge_scalar(sc2)
    edge_weight = jnp.concatenate([scalar3, scalar4], axis=-1) * rbounds[:, None]
    edge_weight = jnp.concatenate([edge_weight, radial_hidden, radial_emb], axis=-1)
    inv_sqrt_3 = 1.0 / sqrt(3.0)
    inv_sqrt_h = 1.0 / sqrt(H)
    inv_sqrt_2 = 1.0 / sqrt(2.0)
    for lp in p['layers']:
        # EquiMessagePassing
        xh = _linear(_silu(_linear(s, lp['x_w1'], lp['x_b1'])), lp['x_w2'], lp['x_b2'])
        rbfh = _linear(radial_emb, lp['rbf_w'], lp['rbf_b'])
        w = _linear(_silu(_linear(edge_weight, lp['inv_w1'], lp['inv_b1'])), lp['inv_w2'], lp['inv_b2'])
        rbfh = rbfh * w
        m = xh[src] * rbfh
        mx, mh2, mh3 = jnp.split(m, 3, axis=-1)
        mh2 = mh2 * inv_sqrt_3
        mvec = (vec[src] * mh2[:, None, :] + mh3[:, None, :] * edge_diff[:, :, None]) * inv_sqrt_h
        ds = jax.ops.segment_sum(mx, dst, num_segments=N)
        dvec = jax.ops.segment_sum(mvec.reshape(E, 3 * H), dst, num_segments=N).reshape(N, 3, H)
        s = s + ds
        vec = vec + dvec
        # FTE
        veq = vec @ lp['equi_w'].T
        vec1, vec2 = jnp.split(veq, 2, axis=-1)
        scal = jnp.sum(vec1[:, :, None, :] * node_frame[:, :, :, None], axis=1)
        scal = scal.at[:, 1, :].set(jnp.abs(scal[:, 1, :]))  # computed in reference but unused downstream
        scalar = jnp.sqrt(jnp.sum(vec1 ** 2, axis=-2) + 1e-10)
        vec_dot = jnp.sum(vec1 * vec2, axis=1) * inv_sqrt_h
        xvh = _linear(_silu(_linear(jnp.concatenate([s, scalar], axis=-1), lp['xe_w1'], lp['xe_b1'])), lp['xe_w2'], lp['xe_b2'])
        xv1, xv2, xv3 = jnp.split(xvh, 3, axis=-1)
        dx = (xv1 + xv2 + vec_dot) * inv_sqrt_2
        dvec2 = xv3[:, None, :] * vec2
        s = s + dx
        vec = vec + dvec2
    out = _linear(s, p['last_w'], p['last_b'])
    out = jax.ops.segment_sum(out, batch, num_segments=G)
    return out  # y_std=1, y_mean=0


def reference(params, pos, z, batch, edge_index):
    return _forward(params, pos, z, batch, edge_index)

if __name__ == "__main__":
    import jax
    _d = setup_inputs()
    print(jax.jit(kernel)(*tuple(_d.values())))

</pallas_src>

<mosaic_0001>
#map = affine_map<(d0, d1) -> (0, 0)>
#map1 = affine_map<(d0, d1) -> (0, 0, 0)>
module attributes {stable_mosaic.version = 14 : i64} {
  func.func @k(%arg0: i32, %arg1: i32, %arg2: memref<160000x128xf32, #tpu.memory_space<hbm>>, %arg3: memref<16x125x80xi32, #tpu.memory_space<hbm>>, %arg4: memref<10000x128xf32, #tpu.memory_space<hbm>>, %arg5: memref<10000x128xf32, #tpu.memory_space<hbm>>, %arg6: memref<125x80xi32, #tpu.memory_space<vmem>>, %arg7: memref<80x128xf32, #tpu.memory_space<vmem>>, %arg8: memref<10000x128xf32, #tpu.memory_space<vmem_shared>>) attributes {dimension_semantics = [#tpu.dimension_semantics<core_parallel>, #tpu.dimension_semantics<subcore_parallel>], iteration_bounds = array<i64: 2, 16>, scalar_prefetch = 0 : i64, scratch_operands = 3 : i64, tpu.core_type = #tpu.core_type<sc_vector_subcore>, window_params = [{transform_indices = #map}, {transform_indices = #map1}, {transform_indices = #map}, {transform_indices = #map}]} {
    "tpu.region"() ({
      %run_scoped3A = tpu.sem_alloc : memref<!tpu.dma_semaphore, #tpu.memory_space<semaphore_mem>>
      %dma_start3A = arith.constant 0 : i32
      %dma_start3A_15 = arith.constant 0 : i32
      %dma_start3A_16 = tpu.memref_slice %arg3[%arg1, %dma_start3A, %dma_start3A_15] : memref<16x125x80xi32, #tpu.memory_space<hbm>> -> memref<1x125x80xi32, #tpu.memory_space<hbm>>
      %dma_start3A_17 = tpu.memref_squeeze %dma_start3A_16 : memref<1x125x80xi32, #tpu.memory_space<hbm>> -> memref<125x80xi32, #tpu.memory_space<hbm>>
      %dma_start3A_18 = arith.constant 0 : i32
      %dma_start3A_19 = arith.constant 0 : i32
      %dma_start3A_20 = tpu.memref_slice %arg3[%arg1, %dma_start3A_18, %dma_start3A_19] : memref<16x125x80xi32, #tpu.memory_space<hbm>> -> memref<1x125x80xi32, #tpu.memory_space<hbm>>
      %dma_start3A_21 = tpu.memref_squeeze %dma_start3A_20 : memref<1x125x80xi32, #tpu.memory_space<hbm>> -> memref<125x80xi32, #tpu.memory_space<hbm>>
      tpu.enqueue_dma source(%dma_start3A_21 : memref<125x80xi32, #tpu.memory_space<hbm>>) target(%arg6 : memref<125x80xi32, #tpu.memory_space<vmem>>) target_semaphore(%run_scoped3A : memref<!tpu.dma_semaphore, #tpu.memory_space<semaphore_mem>>)
      %dma_wait3A = arith.constant 0 : i32
      %dma_wait3A_22 = arith.constant 0 : i32
      %dma_wait3A_23 = tpu.memref_slice %arg3[%arg1, %dma_wait3A, %dma_wait3A_22] : memref<16x125x80xi32, #tpu.memory_space<hbm>> -> memref<1x125x80xi32, #tpu.memory_space<hbm>>
      %dma_wait3A_24 = tpu.memref_squeeze %dma_wait3A_23 : memref<1x125x80xi32, #tpu.memory_space<hbm>> -> memref<125x80xi32, #tpu.memory_space<hbm>>
      %dma_wait3A_25 = arith.constant 0 : i32
      %dma_wait3A_26 = arith.constant 0 : i32
      %dma_wait3A_27 = tpu.memref_slice %arg3[%arg1, %dma_wait3A_25, %dma_wait3A_26] : memref<16x125x80xi32, #tpu.memory_space<hbm>> -> memref<1x125x80xi32, #tpu.memory_space<hbm>>
      %dma_wait3A_28 = tpu.memref_squeeze %dma_wait3A_27 : memref<1x125x80xi32, #tpu.memory_space<hbm>> -> memref<125x80xi32, #tpu.memory_space<hbm>>
      tpu.wait_dma2 semaphore(%run_scoped3A : memref<!tpu.dma_semaphore, #tpu.memory_space<semaphore_mem>>) src(%dma_wait3A_28 : memref<125x80xi32, #tpu.memory_space<hbm>>) dst(%arg6 : memref<125x80xi32, #tpu.memory_space<vmem>>)
      tpu.yield
    }) : () -> ()
    %mul3A = arith.constant 10000 : i32
    %mul3A_0 = arith.muli %arg1, %mul3A : i32
    %eq3A = arith.constant 0 : i32
    %eq3A_1 = arith.cmpi eq, %arg0, %eq3A : i32
    %eq3A_2 = arith.constant 0 : i32
    %eq3A_3 = arith.cmpi eq, %arg1, %eq3A_2 : i32
    %and3A = arith.andi %eq3A_1, %eq3A_3 : i1
    %convert_element_type3A = arith.extui %and3A : i1 to i32
    %cond3A = arith.constant 0 : i32
    %cond3A_4 = arith.cmpi ne, %convert_element_type3A, %cond3A : i32
    scf.if %cond3A_4 {
      "tpu.region"() ({
        %run_scoped3A = tpu.sem_alloc : memref<!tpu.dma_semaphore, #tpu.memory_space<semaphore_mem>>
        tpu.enqueue_dma source(%arg4 : memref<10000x128xf32, #tpu.memory_space<hbm>>) target(%arg8 : memref<10000x128xf32, #tpu.memory_space<vmem_shared>>) target_semaphore(%run_scoped3A : memref<!tpu.dma_semaphore, #tpu.memory_space<semaphore_mem>>)
        tpu.wait_dma2 semaphore(%run_scoped3A : memref<!tpu.dma_semaphore, #tpu.memory_space<semaphore_mem>>) src(%arg4 : memref<10000x128xf32, #tpu.memory_space<hbm>>) dst(%arg8 : memref<10000x128xf32, #tpu.memory_space<vmem_shared>>)
        tpu.yield
      }) : () -> ()
    } else {
    }
    %barrier3A = arith.constant 0 : index
    tpu.barrier barrier_id(%barrier3A)
    %convert_element_type3A_5 = arith.extui %eq3A_1 : i1 to i32
    %cond3A_6 = arith.constant 0 : i32
    %cond3A_7 = arith.cmpi ne, %convert_element_type3A_5, %cond3A_6 : i32
    scf.if %cond3A_7 {
      %scan3A = arith.constant 0 : i32
      %scan3A_15 = arith.constant 0 : i32
      %scan3A_16 = arith.constant 125 : i32
      %scan3A_17 = arith.addi %scan3A_15, %scan3A_16 : i32
      %scan3A_18 = arith.constant 1 : i32
      scf.for %scan3A_20 = %scan3A_15 to %scan3A_17 step %scan3A_18  : i32 {
        %mul3A_21 = arith.constant 80 : i32
        %mul3A_22 = arith.muli %scan3A_20, %mul3A_21 : i32
        %add3A = arith.addi %mul3A_0, %mul3A_22 : i32
        "tpu.region"() ({
          %run_scoped3A = tpu.sem_alloc : memref<!tpu.dma_semaphore, #tpu.memory_space<semaphore_mem>>
          %dma_start3A = arith.constant 0 : i32
          %dma_start3A_23 = tpu.memref_slice %arg2[%add3A, %dma_start3A] : memref<160000x128xf32, #tpu.memory_space<hbm>> -> memref<80x128xf32, #tpu.memory_space<hbm>>
          %dma_start3A_24 = arith.constant 0 : i32
          %dma_start3A_25 = tpu.memref_slice %arg2[%add3A, %dma_start3A_24] : memref<160000x128xf32, #tpu.memory_space<hbm>> -> memref<80x128xf32, #tpu.memory_space<hbm>>
          tpu.enqueue_dma source(%dma_start3A_25 : memref<80x128xf32, #tpu.memory_space<hbm>>) target(%arg7 : memref<80x128xf32, #tpu.memory_space<vmem>>) target_semaphore(%run_scoped3A : memref<!tpu.dma_semaphore, #tpu.memory_space<semaphore_mem>>)
          %dma_wait3A = arith.constant 0 : i32
          %dma_wait3A_26 = tpu.memref_slice %arg2[%add3A, %dma_wait3A] : memref<160000x128xf32, #tpu.memory_space<hbm>> -> memref<80x128xf32, #tpu.memory_space<hbm>>
          %dma_wait3A_27 = arith.constant 0 : i32
          %dma_wait3A_28 = tpu.memref_slice %arg2[%add3A, %dma_wait3A_27] : memref<160000x128xf32, #tpu.memory_space<hbm>> -> memref<80x128xf32, #tpu.memory_space<hbm>>
          tpu.wait_dma2 semaphore(%run_scoped3A : memref<!tpu.dma_semaphore, #tpu.memory_space<semaphore_mem>>) src(%dma_wait3A_28 : memref<80x128xf32, #tpu.memory_space<hbm>>) dst(%arg7 : memref<80x128xf32, #tpu.memory_space<vmem>>)
          tpu.yield
        }) : () -> ()
        "tpu.region"() ({
          %run_scoped3A = tpu.sem_alloc : memref<!tpu.dma_semaphore, #tpu.memory_space<semaphore_mem>>
          %dma_start3A = arith.constant 0 : i32
          %dma_start3A_23 = tpu.memref_slice %arg6[%scan3A_20, %dma_start3A] : memref<125x80xi32, #tpu.memory_space<vmem>> -> memref<1x80xi32, #tpu.memory_space<vmem>>
          %dma_start3A_24 = tpu.memref_squeeze %dma_start3A_23 : memref<1x80xi32, #tpu.memory_space<vmem>> -> memref<80xi32, #tpu.memory_space<vmem>>
          %dma_start3A_25 = arith.constant 0 : i32
          %dma_start3A_26 = arith.constant 0 : i32
          %dma_start3A_27 = tpu.memref_slice %arg8[%dma_start3A_25, %dma_start3A_26] : memref<10000x128xf32, #tpu.memory_space<vmem_shared>> -> memref<10000x128xf32, #tpu.memory_space<vmem_shared>>
          tpu.enqueue_indirect_dma source(%arg7 : memref<80x128xf32, #tpu.memory_space<vmem>>) target(%dma_start3A_27 : memref<10000x128xf32, #tpu.memory_space<vmem_shared>>) offsets(%dma_start3A_24 : memref<80xi32, #tpu.memory_space<vmem>>) semaphore(%run_scoped3A : memref<!tpu.dma_semaphore, #tpu.memory_space<semaphore_mem>>) {add = true}
          %dma_wait3A = arith.constant 0 : i32
          %dma_wait3A_28 = tpu.memref_slice %arg6[%scan3A_20, %dma_wait3A] : memref<125x80xi32, #tpu.memory_space<vmem>> -> memref<1x80xi32, #tpu.memory_space<vmem>>
          %dma_wait3A_29 = tpu.memref_squeeze %dma_wait3A_28 : memref<1x80xi32, #tpu.memory_space<vmem>> -> memref<80xi32, #tpu.memory_space<vmem>>
          %dma_wait3A_30 = arith.constant 0 : i32
          %dma_wait3A_31 = arith.constant 0 : i32
          %dma_wait3A_32 = tpu.memref_slice %arg8[%dma_wait3A_30, %dma_wait3A_31] : memref<10000x128xf32, #tpu.memory_space<vmem_shared>> -> memref<10000x128xf32, #tpu.memory_space<vmem_shared>>
          tpu.wait_indirect_dma semaphore(%run_scoped3A : memref<!tpu.dma_semaphore, #tpu.memory_space<semaphore_mem>>) src(%arg7 : memref<80x128xf32, #tpu.memory_space<vmem>>) dst(%dma_wait3A_32 : memref<10000x128xf32, #tpu.memory_space<vmem_shared>>)
          tpu.yield
        }) : () -> ()
      }
      %scan3A_19 = arith.constant 125 : i32
    } else {
    }
    %barrier3A_8 = arith.constant 0 : index
    tpu.barrier barrier_id(%barrier3A_8)
    %eq3A_9 = arith.constant 0 : i32
    %eq3A_10 = arith.cmpi eq, %arg1, %eq3A_9 : i32
    %and3A_11 = arith.andi %eq3A_1, %eq3A_10 : i1
    %convert_element_type3A_12 = arith.extui %and3A_11 : i1 to i32
    %cond3A_13 = arith.constant 0 : i32
    %cond3A_14 = arith.cmpi ne, %convert_element_type3A_12, %cond3A_13 : i32
    scf.if %cond3A_14 {
      "tpu.region"() ({
        %run_scoped3A = tpu.sem_alloc : memref<!tpu.dma_semaphore, #tpu.memory_space<semaphore_mem>>
        %dma_start3A = arith.constant 0 : i32
        %dma_start3A_15 = arith.constant 0 : i32
        %dma_start3A_16 = tpu.memref_slice %arg5[%dma_start3A, %dma_start3A_15] : memref<10000x128xf32, #tpu.memory_space<hbm>> -> memref<10000x128xf32, #tpu.memory_space<hbm>>
        tpu.enqueue_dma source(%arg8 : memref<10000x128xf32, #tpu.memory_space<vmem_shared>>) target(%dma_start3A_16 : memref<10000x128xf32, #tpu.memory_space<hbm>>) target_semaphore(%run_scoped3A : memref<!tpu.dma_semaphore, #tpu.memory_space<semaphore_mem>>)
        %dma_wait3A = arith.constant 0 : i32
        %dma_wait3A_17 = arith.constant 0 : i32
        %dma_wait3A_18 = tpu.memref_slice %arg5[%dma_wait3A, %dma_wait3A_17] : memref<10000x128xf32, #tpu.memory_space<hbm>> -> memref<10000x128xf32, #tpu.memory_space<hbm>>
        tpu.wait_dma2 semaphore(%run_scoped3A : memref<!tpu.dma_semaphore, #tpu.memory_space<semaphore_mem>>) src(%arg8 : memref<10000x128xf32, #tpu.memory_space<vmem_shared>>) dst(%dma_wait3A_18 : memref<10000x128xf32, #tpu.memory_space<hbm>>)
        tpu.yield
      }) : () -> ()
    } else {
    }
    return
  }
}

#map = affine_map<(d0, d1) -> (0, 0)>
#map1 = affine_map<(d0, d1) -> (0, 0, 0)>
module attributes {stable_mosaic.version = 14 : i64} {
  func.func @k(%arg0: i32, %arg1: i32, %arg2: memref<160000x384xf32, #tpu.memory_space<hbm>>, %arg3: memref<16x125x80xi32, #tpu.memory_space<hbm>>, %arg4: memref<10000x128xf32, #tpu.memory_space<hbm>>, %arg5: memref<10000x384xf32, #tpu.memory_space<hbm>>, %arg6: memref<125x80xi32, #tpu.memory_space<vmem>>, %arg7: memref<80x128xf32, #tpu.memory_space<vmem>>, %arg8: memref<10000x128xf32, #tpu.memory_space<vmem_shared>>) attributes {dimension_semantics = [#tpu.dimension_semantics<core_parallel>, #tpu.dimension_semantics<subcore_parallel>], iteration_bounds = array<i64: 2, 16>, scalar_prefetch = 0 : i64, scratch_operands = 3 : i64, tpu.core_type = #tpu.core_type<sc_vector_subcore>, window_params = [{transform_indices = #map}, {transform_indices = #map1}, {transform_indices = #map}, {transform_indices = #map}]} {
    "tpu.region"() ({
      %run_scoped3A = tpu.sem_alloc : memref<!tpu.dma_semaphore, #tpu.memory_space<semaphore_mem>>
      %dma_start3A = arith.constant 0 : i32
      %dma_start3A_53 = arith.constant 0 : i32
      %dma_start3A_54 = tpu.memref_slice %arg3[%arg1, %dma_start3A, %dma_start3A_53] : memref<16x125x80xi32, #tpu.memory_space<hbm>> -> memref<1x125x80xi32, #tpu.memory_space<hbm>>
      %dma_start3A_55 = tpu.memref_squeeze %dma_start3A_54 : memref<1x125x80xi32, #tpu.memory_space<hbm>> -> memref<125x80xi32, #tpu.memory_space<hbm>>
      %dma_start3A_56 = arith.constant 0 : i32
      %dma_start3A_57 = arith.constant 0 : i32
      %dma_start3A_58 = tpu.memref_slice %arg3[%arg1, %dma_start3A_56, %dma_start3A_57] : memref<16x125x80xi32, #tpu.memory_space<hbm>> -> memref<1x125x80xi32, #tpu.memory_space<hbm>>
      %dma_start3A_59 = tpu.memref_squeeze %dma_start3A_58 : memref<1x125x80xi32, #tpu.memory_space<hbm>> -> memref<125x80xi32, #tpu.memory_space<hbm>>
      tpu.enqueue_dma source(%dma_start3A_59 : memref<125x80xi32, #tpu.memory_space<hbm>>) target(%arg6 : memref<125x80xi32, #tpu.memory_space<vmem>>) target_semaphore(%run_scoped3A : memref<!tpu.dma_semaphore, #tpu.memory_space<semaphore_mem>>)
      %dma_wait3A = arith.constant 0 : i32
      %dma_wait3A_60 = arith.constant 0 : i32
      %dma_wait3A_61 = tpu.memref_slice %arg3[%arg1, %dma_wait3A, %dma_wait3A_60] : memref<16x125x80xi32, #tpu.memory_space<hbm>> -> memref<1x125x80xi32, #tpu.memory_space<hbm>>
      %dma_wait3A_62 = tpu.memref_squeeze %dma_wait3A_61 : memref<1x125x80xi32, #tpu.memory_space<hbm>> -> memref<125x80xi32, #tpu.memory_space<hbm>>
      %dma_wait3A_63 = arith.constant 0 : i32
      %dma_wait3A_64 = arith.constant 0 : i32
      %dma_wait3A_65 = tpu.memref_slice %arg3[%arg1, %dma_wait3A_63, %dma_wait3A_64] : memref<16x125x80xi32, #tpu.memory_space<hbm>> -> memref<1x125x80xi32, #tpu.memory_space<hbm>>
      %dma_wait3A_66 = tpu.memref_squeeze %dma_wait3A_65 : memref<1x125x80xi32, #tpu.memory_space<hbm>> -> memref<125x80xi32, #tpu.memory_space<hbm>>
      tpu.wait_dma2 semaphore(%run_scoped3A : memref<!tpu.dma_semaphore, #tpu.memory_space<semaphore_mem>>) src(%dma_wait3A_66 : memref<125x80xi32, #tpu.memory_space<hbm>>) dst(%arg6 : memref<125x80xi32, #tpu.memory_space<vmem>>)
      tpu.yield
    }) : () -> ()
    %mul3A = arith.constant 10000 : i32
    %mul3A_0 = arith.muli %arg1, %mul3A : i32
    %eq3A = arith.constant 0 : i32
    %eq3A_1 = arith.cmpi eq, %arg0, %eq3A : i32
    %eq3A_2 = arith.constant 0 : i32
    %eq3A_3 = arith.cmpi eq, %arg1, %eq3A_2 : i32
    %and3A = arith.andi %eq3A_1, %eq3A_3 : i1
    %convert_element_type3A = arith.extui %and3A : i1 to i32
    %cond3A = arith.constant 0 : i32
    %cond3A_4 = arith.cmpi ne, %convert_element_type3A, %cond3A : i32
    scf.if %cond3A_4 {
      "tpu.region"() ({
        %run_scoped3A = tpu.sem_alloc : memref<!tpu.dma_semaphore, #tpu.memory_space<semaphore_mem>>
        tpu.enqueue_dma source(%arg4 : memref<10000x128xf32, #tpu.memory_space<hbm>>) target(%arg8 : memref<10000x128xf32, #tpu.memory_space<vmem_shared>>) target_semaphore(%run_scoped3A : memref<!tpu.dma_semaphore, #tpu.memory_space<semaphore_mem>>)
        tpu.wait_dma2 semaphore(%run_scoped3A : memref<!tpu.dma_semaphore, #tpu.memory_space<semaphore_mem>>) src(%arg4 : memref<10000x128xf32, #tpu.memory_space<hbm>>) dst(%arg8 : memref<10000x128xf32, #tpu.memory_space<vmem_shared>>)
        tpu.yield
      }) : () -> ()
    } else {
    }
    %barrier3A = arith.constant 0 : index
    tpu.barrier barrier_id(%barrier3A)
    %convert_element_type3A_5 = arith.extui %eq3A_1 : i1 to i32
    %cond3A_6 = arith.constant 0 : i32
    %cond3A_7 = arith.cmpi ne, %convert_element_type3A_5, %cond3A_6 : i32
    scf.if %cond3A_7 {
      %scan3A = arith.constant 0 : i32
      %scan3A_53 = arith.constant 0 : i32
      %scan3A_54 = arith.constant 125 : i32
      %scan3A_55 = arith.addi %scan3A_53, %scan3A_54 : i32
      %scan3A_56 = arith.constant 1 : i32
      scf.for %scan3A_58 = %scan3A_53 to %scan3A_55 step %scan3A_56  : i32 {
        %mul3A_59 = arith.constant 80 : i32
        %mul3A_60 = arith.muli %scan3A_58, %mul3A_59 : i32
        %add3A = arith.addi %mul3A_0, %mul3A_60 : i32
        "tpu.region"() ({
          %run_scoped3A = tpu.sem_alloc : memref<!tpu.dma_semaphore, #tpu.memory_space<semaphore_mem>>
          %dma_start3A = arith.constant 0 : i32
          %dma_start3A_61 = tpu.memref_slice %arg2[%add3A, %dma_start3A] : memref<160000x384xf32, #tpu.memory_space<hbm>> -> memref<80x128xf32, #tpu.memory_space<hbm>>
          %dma_start3A_62 = arith.constant 0 : i32
          %dma_start3A_63 = tpu.memref_slice %arg2[%add3A, %dma_start3A_62] : memref<160000x384xf32, #tpu.memory_space<hbm>> -> memref<80x128xf32, #tpu.memory_space<hbm>>
          tpu.enqueue_dma source(%dma_start3A_63 : memref<80x128xf32, #tpu.memory_space<hbm>>) target(%arg7 : memref<80x128xf32, #tpu.memory_space<vmem>>) target_semaphore(%run_scoped3A : memref<!tpu.dma_semaphore, #tpu.memory_space<semaphore_mem>>)
          %dma_wait3A = arith.constant 0 : i32
          %dma_wait3A_64 = tpu.memref_slice %arg2[%add3A, %dma_wait3A] : memref<160000x384xf32, #tpu.memory_space<hbm>> -> memref<80x128xf32, #tpu.memory_space<hbm>>
          %dma_wait3A_65 = arith.constant 0 : i32
          %dma_wait3A_66 = tpu.memref_slice %arg2[%add3A, %dma_wait3A_65] : memref<160000x384xf32, #tpu.memory_space<hbm>> -> memref<80x128xf32, #tpu.memory_space<hbm>>
          tpu.wait_dma2 semaphore(%run_scoped3A : memref<!tpu.dma_semaphore, #tpu.memory_space<semaphore_mem>>) src(%dma_wait3A_66 : memref<80x128xf32, #tpu.memory_space<hbm>>) dst(%arg7 : memref<80x128xf32, #tpu.memory_space<vmem>>)
          tpu.yield
        }) : () -> ()
        "tpu.region"() ({
          %run_scoped3A = tpu.sem_alloc : memref<!tpu.dma_semaphore, #tpu.memory_space<semaphore_mem>>
          %dma_start3A = arith.constant 0 : i32
          %dma_start3A_61 = tpu.memref_slice %arg6[%scan3A_58, %dma_start3A] : memref<125x80xi32, #tpu.memory_space<vmem>> -> memref<1x80xi32, #tpu.memory_space<vmem>>
          %dma_start3A_62 = tpu.memref_squeeze %dma_start3A_61 : memref<1x80xi32, #tpu.memory_space<vmem>> -> memref<80xi32, #tpu.memory_space<vmem>>
          %dma_start3A_63 = arith.constant 0 : i32
          %dma_start3A_64 = arith.constant 0 : i32
          %dma_start3A_65 = tpu.memref_slice %arg8[%dma_start3A_63, %dma_start3A_64] : memref<10000x128xf32, #tpu.memory_space<vmem_shared>> -> memref<10000x128xf32, #tpu.memory_space<vmem_shared>>
          tpu.enqueue_indirect_dma source(%arg7 : memref<80x128xf32, #tpu.memory_space<vmem>>) target(%dma_start3A_65 : memref<10000x128xf32, #tpu.memory_space<vmem_shared>>) offsets(%dma_start3A_62 : memref<80xi32, #tpu.memory_space<vmem>>) semaphore(%run_scoped3A : memref<!tpu.dma_semaphore, #tpu.memory_space<semaphore_mem>>) {add = true}
          %dma_wait3A = arith.constant 0 : i32
          %dma_wait3A_66 = tpu.memref_slice %arg6[%scan3A_58, %dma_wait3A] : memref<125x80xi32, #tpu.memory_space<vmem>> -> memref<1x80xi32, #tpu.memory_space<vmem>>
          %dma_wait3A_67 = tpu.memref_squeeze %dma_wait3A_66 : memref<1x80xi32, #tpu.memory_space<vmem>> -> memref<80xi32, #tpu.memory_space<vmem>>
          %dma_wait3A_68 = arith.constant 0 : i32
          %dma_wait3A_69 = arith.constant 0 : i32
          %dma_wait3A_70 = tpu.memref_slice %arg8[%dma_wait3A_68, %dma_wait3A_69] : memref<10000x128xf32, #tpu.memory_space<vmem_shared>> -> memref<10000x128xf32, #tpu.memory_space<vmem_shared>>
          tpu.wait_indirect_dma semaphore(%run_scoped3A : memref<!tpu.dma_semaphore, #tpu.memory_space<semaphore_mem>>) src(%arg7 : memref<80x128xf32, #tpu.memory_space<vmem>>) dst(%dma_wait3A_70 : memref<10000x128xf32, #tpu.memory_space<vmem_shared>>)
          tpu.yield
        }) : () -> ()
      }
      %scan3A_57 = arith.constant 125 : i32
    } else {
    }
    %barrier3A_8 = arith.constant 0 : index
    tpu.barrier barrier_id(%barrier3A_8)
    %eq3A_9 = arith.constant 0 : i32
    %eq3A_10 = arith.cmpi eq, %arg1, %eq3A_9 : i32
    %and3A_11 = arith.andi %eq3A_1, %eq3A_10 : i1
    %convert_element_type3A_12 = arith.extui %and3A_11 : i1 to i32
    %cond3A_13 = arith.constant 0 : i32
    %cond3A_14 = arith.cmpi ne, %convert_element_type3A_12, %cond3A_13 : i32
    scf.if %cond3A_14 {
      "tpu.region"() ({
        %run_scoped3A = tpu.sem_alloc : memref<!tpu.dma_semaphore, #tpu.memory_space<semaphore_mem>>
        %dma_start3A = arith.constant 0 : i32
        %dma_start3A_53 = arith.constant 0 : i32
        %dma_start3A_54 = tpu.memref_slice %arg5[%dma_start3A, %dma_start3A_53] : memref<10000x384xf32, #tpu.memory_space<hbm>> -> memref<10000x128xf32, #tpu.memory_space<hbm>>
        tpu.enqueue_dma source(%arg8 : memref<10000x128xf32, #tpu.memory_space<vmem_shared>>) target(%dma_start3A_54 : memref<10000x128xf32, #tpu.memory_space<hbm>>) target_semaphore(%run_scoped3A : memref<!tpu.dma_semaphore, #tpu.memory_space<semaphore_mem>>)
        %dma_wait3A = arith.constant 0 : i32
        %dma_wait3A_55 = arith.constant 0 : i32
        %dma_wait3A_56 = tpu.memref_slice %arg5[%dma_wait3A, %dma_wait3A_55] : memref<10000x384xf32, #tpu.memory_space<hbm>> -> memref<10000x128xf32, #tpu.memory_space<hbm>>
        tpu.wait_dma2 semaphore(%run_scoped3A : memref<!tpu.dma_semaphore, #tpu.memory_space<semaphore_mem>>) src(%arg8 : memref<10000x128xf32, #tpu.memory_space<vmem_shared>>) dst(%dma_wait3A_56 : memref<10000x128xf32, #tpu.memory_space<hbm>>)
        tpu.yield
      }) : () -> ()
    } else {
    }
    %eq3A_15 = arith.constant 1 : i32
    %eq3A_16 = arith.cmpi eq, %arg0, %eq3A_15 : i32
    %eq3A_17 = arith.constant 0 : i32
    %eq3A_18 = arith.cmpi eq, %arg1, %eq3A_17 : i32
    %and3A_19 = arith.andi %eq3A_16, %eq3A_18 : i1
    %convert_element_type3A_20 = arith.extui %and3A_19 : i1 to i32
    %cond3A_21 = arith.constant 0 : i32
    %cond3A_22 = arith.cmpi ne, %convert_element_type3A_20, %cond3A_21 : i32
    scf.if %cond3A_22 {
      "tpu.region"() ({
        %run_scoped3A = tpu.sem_alloc : memref<!tpu.dma_semaphore, #tpu.memory_space<semaphore_mem>>
        tpu.enqueue_dma source(%arg4 : memref<10000x128xf32, #tpu.memory_space<hbm>>) target(%arg8 : memref<10000x128xf32, #tpu.memory_space<vmem_shared>>) target_semaphore(%run_scoped3A : memref<!tpu.dma_semaphore, #tpu.memory_space<semaphore_mem>>)
        tpu.wait_dma2 semaphore(%run_scoped3A : memref<!tpu.dma_semaphore, #tpu.memory_space<semaphore_mem>>) src(%arg4 : memref<10000x128xf32, #tpu.memory_space<hbm>>) dst(%arg8 : memref<10000x128xf32, #tpu.memory_space<vmem_shared>>)
        tpu.yield
      }) : () -> ()
    } else {
    }
    %barrier3A_23 = arith.constant 0 : index
    tpu.barrier barrier_id(%barrier3A_23)
    %convert_element_type3A_24 = arith.extui %eq3A_16 : i1 to i32
    %cond3A_25 = arith.constant 0 : i32
    %cond3A_26 = arith.cmpi ne, %convert_element_type3A_24, %cond3A_25 : i32
    scf.if %cond3A_26 {
      %scan3A = arith.constant 0 : i32
      %scan3A_53 = arith.constant 0 : i32
      %scan3A_54 = arith.constant 125 : i32
      %scan3A_55 = arith.addi %scan3A_53, %scan3A_54 : i32
      %scan3A_56 = arith.constant 1 : i32
      scf.for %scan3A_58 = %scan3A_53 to %scan3A_55 step %scan3A_56  : i32 {
        %mul3A_59 = arith.constant 80 : i32
        %mul3A_60 = arith.muli %scan3A_58, %mul3A_59 : i32
        %add3A = arith.addi %mul3A_0, %mul3A_60 : i32
        "tpu.region"() ({
          %run_scoped3A = tpu.sem_alloc : memref<!tpu.dma_semaphore, #tpu.memory_space<semaphore_mem>>
          %dma_start3A = arith.constant 128 : i32
          %dma_start3A_61 = tpu.memref_slice %arg2[%add3A, %dma_start3A] : memref<160000x384xf32, #tpu.memory_space<hbm>> -> memref<80x128xf32, #tpu.memory_space<hbm>>
          %dma_start3A_62 = arith.constant 128 : i32
          %dma_start3A_63 = tpu.memref_slice %arg2[%add3A, %dma_start3A_62] : memref<160000x384xf32, #tpu.memory_space<hbm>> -> memref<80x128xf32, #tpu.memory_space<hbm>>
          tpu.enqueue_dma source(%dma_start3A_63 : memref<80x128xf32, #tpu.memory_space<hbm>>) target(%arg7 : memref<80x128xf32, #tpu.memory_space<vmem>>) target_semaphore(%run_scoped3A : memref<!tpu.dma_semaphore, #tpu.memory_space<semaphore_mem>>)
          %dma_wait3A = arith.constant 128 : i32
          %dma_wait3A_64 = tpu.memref_slice %arg2[%add3A, %dma_wait3A] : memref<160000x384xf32, #tpu.memory_space<hbm>> -> memref<80x128xf32, #tpu.memory_space<hbm>>
          %dma_wait3A_65 = arith.constant 128 : i32
          %dma_wait3A_66 = tpu.memref_slice %arg2[%add3A, %dma_wait3A_65] : memref<160000x384xf32, #tpu.memory_space<hbm>> -> memref<80x128xf32, #tpu.memory_space<hbm>>
          tpu.wait_dma2 semaphore(%run_scoped3A : memref<!tpu.dma_semaphore, #tpu.memory_space<semaphore_mem>>) src(%dma_wait3A_66 : memref<80x128xf32, #tpu.memory_space<hbm>>) dst(%arg7 : memref<80x128xf32, #tpu.memory_space<vmem>>)
          tpu.yield
        }) : () -> ()
        "tpu.region"() ({
          %run_scoped3A = tpu.sem_alloc : memref<!tpu.dma_semaphore, #tpu.memory_space<semaphore_mem>>
          %dma_start3A = arith.constant 0 : i32
          %dma_start3A_61 = tpu.memref_slice %arg6[%scan3A_58, %dma_start3A] : memref<125x80xi32, #tpu.memory_space<vmem>> -> memref<1x80xi32, #tpu.memory_space<vmem>>
          %dma_start3A_62 = tpu.memref_squeeze %dma_start3A_61 : memref<1x80xi32, #tpu.memory_space<vmem>> -> memref<80xi32, #tpu.memory_space<vmem>>
          %dma_start3A_63 = arith.constant 0 : i32
          %dma_start3A_64 = arith.constant 0 : i32
          %dma_start3A_65 = tpu.memref_slice %arg8[%dma_start3A_63, %dma_start3A_64] : memref<10000x128xf32, #tpu.memory_space<vmem_shared>> -> memref<10000x128xf32, #tpu.memory_space<vmem_shared>>
          tpu.enqueue_indirect_dma source(%arg7 : memref<80x128xf32, #tpu.memory_space<vmem>>) target(%dma_start3A_65 : memref<10000x128xf32, #tpu.memory_space<vmem_shared>>) offsets(%dma_start3A_62 : memref<80xi32, #tpu.memory_space<vmem>>) semaphore(%run_scoped3A : memref<!tpu.dma_semaphore, #tpu.memory_space<semaphore_mem>>) {add = true}
          %dma_wait3A = arith.constant 0 : i32
          %dma_wait3A_66 = tpu.memref_slice %arg6[%scan3A_58, %dma_wait3A] : memref<125x80xi32, #tpu.memory_space<vmem>> -> memref<1x80xi32, #tpu.memory_space<vmem>>
          %dma_wait3A_67 = tpu.memref_squeeze %dma_wait3A_66 : memref<1x80xi32, #tpu.memory_space<vmem>> -> memref<80xi32, #tpu.memory_space<vmem>>
          %dma_wait3A_68 = arith.constant 0 : i32
          %dma_wait3A_69 = arith.constant 0 : i32
          %dma_wait3A_70 = tpu.memref_slice %arg8[%dma_wait3A_68, %dma_wait3A_69] : memref<10000x128xf32, #tpu.memory_space<vmem_shared>> -> memref<10000x128xf32, #tpu.memory_space<vmem_shared>>
          tpu.wait_indirect_dma semaphore(%run_scoped3A : memref<!tpu.dma_semaphore, #tpu.memory_space<semaphore_mem>>) src(%arg7 : memref<80x128xf32, #tpu.memory_space<vmem>>) dst(%dma_wait3A_70 : memref<10000x128xf32, #tpu.memory_space<vmem_shared>>)
          tpu.yield
        }) : () -> ()
      }
      %scan3A_57 = arith.constant 125 : i32
    } else {
    }
    %barrier3A_27 = arith.constant 0 : index
    tpu.barrier barrier_id(%barrier3A_27)
    %eq3A_28 = arith.constant 0 : i32
    %eq3A_29 = arith.cmpi eq, %arg1, %eq3A_28 : i32
    %and3A_30 = arith.andi %eq3A_16, %eq3A_29 : i1
    %convert_element_type3A_31 = arith.extui %and3A_30 : i1 to i32
    %cond3A_32 = arith.constant 0 : i32
    %cond3A_33 = arith.cmpi ne, %convert_element_type3A_31, %cond3A_32 : i32
    scf.if %cond3A_33 {
      "tpu.region"() ({
        %run_scoped3A = tpu.sem_alloc : memref<!tpu.dma_semaphore, #tpu.memory_space<semaphore_mem>>
        %dma_start3A = arith.constant 0 : i32
        %dma_start3A_53 = arith.constant 128 : i32
        %dma_start3A_54 = tpu.memref_slice %arg5[%dma_start3A, %dma_start3A_53] : memref<10000x384xf32, #tpu.memory_space<hbm>> -> memref<10000x128xf32, #tpu.memory_space<hbm>>
        tpu.enqueue_dma source(%arg8 : memref<10000x128xf32, #tpu.memory_space<vmem_shared>>) target(%dma_start3A_54 : memref<10000x128xf32, #tpu.memory_space<hbm>>) target_semaphore(%run_scoped3A : memref<!tpu.dma_semaphore, #tpu.memory_space<semaphore_mem>>)
        %dma_wait3A = arith.constant 0 : i32
        %dma_wait3A_55 = arith.constant 128 : i32
        %dma_wait3A_56 = tpu.memref_slice %arg5[%dma_wait3A, %dma_wait3A_55] : memref<10000x384xf32, #tpu.memory_space<hbm>> -> memref<10000x128xf32, #tpu.memory_space<hbm>>
        tpu.wait_dma2 semaphore(%run_scoped3A : memref<!tpu.dma_semaphore, #tpu.memory_space<semaphore_mem>>) src(%arg8 : memref<10000x128xf32, #tpu.memory_space<vmem_shared>>) dst(%dma_wait3A_56 : memref<10000x128xf32, #tpu.memory_space<hbm>>)
        tpu.yield
      }) : () -> ()
    } else {
    }
    %eq3A_34 = arith.constant 0 : i32
    %eq3A_35 = arith.cmpi eq, %arg0, %eq3A_34 : i32
    %eq3A_36 = arith.constant 0 : i32
    %eq3A_37 = arith.cmpi eq, %arg1, %eq3A_36 : i32
    %and3A_38 = arith.andi %eq3A_35, %eq3A_37 : i1
    %convert_element_type3A_39 = arith.extui %and3A_38 : i1 to i32
    %cond3A_40 = arith.constant 0 : i32
    %cond3A_41 = arith.cmpi ne, %convert_element_type3A_39, %cond3A_40 : i32
    scf.if %cond3A_41 {
      "tpu.region"() ({
        %run_scoped3A = tpu.sem_alloc : memref<!tpu.dma_semaphore, #tpu.memory_space<semaphore_mem>>
        tpu.enqueue_dma source(%arg4 : memref<10000x128xf32, #tpu.memory_space<hbm>>) target(%arg8 : memref<10000x128xf32, #tpu.memory_space<vmem_shared>>) target_semaphore(%run_scoped3A : memref<!tpu.dma_semaphore, #tpu.memory_space<semaphore_mem>>)
        tpu.wait_dma2 semaphore(%run_scoped3A : memref<!tpu.dma_semaphore, #tpu.memory_space<semaphore_mem>>) src(%arg4 : memref<10000x128xf32, #tpu.memory_space<hbm>>) dst(%arg8 : memref<10000x128xf32, #tpu.memory_space<vmem_shared>>)
        tpu.yield
      }) : () -> ()
    } else {
    }
    %barrier3A_42 = arith.constant 0 : index
    tpu.barrier barrier_id(%barrier3A_42)
    %convert_element_type3A_43 = arith.extui %eq3A_35 : i1 to i32
    %cond3A_44 = arith.constant 0 : i32
    %cond3A_45 = arith.cmpi ne, %convert_element_type3A_43, %cond3A_44 : i32
    scf.if %cond3A_45 {
      %scan3A = arith.constant 0 : i32
      %scan3A_53 = arith.constant 0 : i32
      %scan3A_54 = arith.constant 125 : i32
      %scan3A_55 = arith.addi %scan3A_53, %scan3A_54 : i32
      %scan3A_56 = arith.constant 1 : i32
      scf.for %scan3A_58 = %scan3A_53 to %scan3A_55 step %scan3A_56  : i32 {
        %mul3A_59 = arith.constant 80 : i32
        %mul3A_60 = arith.muli %scan3A_58, %mul3A_59 : i32
        %add3A = arith.addi %mul3A_0, %mul3A_60 : i32
        "tpu.region"() ({
          %run_scoped3A = tpu.sem_alloc : memref<!tpu.dma_semaphore, #tpu.memory_space<semaphore_mem>>
          %dma_start3A = arith.constant 256 : i32
          %dma_start3A_61 = tpu.memref_slice %arg2[%add3A, %dma_start3A] : memref<160000x384xf32, #tpu.memory_space<hbm>> -> memref<80x128xf32, #tpu.memory_space<hbm>>
          %dma_start3A_62 = arith.constant 256 : i32
          %dma_start3A_63 = tpu.memref_slice %arg2[%add3A, %dma_start3A_62] : memref<160000x384xf32, #tpu.memory_space<hbm>> -> memref<80x128xf32, #tpu.memory_space<hbm>>
          tpu.enqueue_dma source(%dma_start3A_63 : memref<80x128xf32, #tpu.memory_space<hbm>>) target(%arg7 : memref<80x128xf32, #tpu.memory_space<vmem>>) target_semaphore(%run_scoped3A : memref<!tpu.dma_semaphore, #tpu.memory_space<semaphore_mem>>)
          %dma_wait3A = arith.constant 256 : i32
          %dma_wait3A_64 = tpu.memref_slice %arg2[%add3A, %dma_wait3A] : memref<160000x384xf32, #tpu.memory_space<hbm>> -> memref<80x128xf32, #tpu.memory_space<hbm>>
          %dma_wait3A_65 = arith.constant 256 : i32
          %dma_wait3A_66 = tpu.memref_slice %arg2[%add3A, %dma_wait3A_65] : memref<160000x384xf32, #tpu.memory_space<hbm>> -> memref<80x128xf32, #tpu.memory_space<hbm>>
          tpu.wait_dma2 semaphore(%run_scoped3A : memref<!tpu.dma_semaphore, #tpu.memory_space<semaphore_mem>>) src(%dma_wait3A_66 : memref<80x128xf32, #tpu.memory_space<hbm>>) dst(%arg7 : memref<80x128xf32, #tpu.memory_space<vmem>>)
          tpu.yield
        }) : () -> ()
        "tpu.region"() ({
          %run_scoped3A = tpu.sem_alloc : memref<!tpu.dma_semaphore, #tpu.memory_space<semaphore_mem>>
          %dma_start3A = arith.constant 0 : i32
          %dma_start3A_61 = tpu.memref_slice %arg6[%scan3A_58, %dma_start3A] : memref<125x80xi32, #tpu.memory_space<vmem>> -> memref<1x80xi32, #tpu.memory_space<vmem>>
          %dma_start3A_62 = tpu.memref_squeeze %dma_start3A_61 : memref<1x80xi32, #tpu.memory_space<vmem>> -> memref<80xi32, #tpu.memory_space<vmem>>
          %dma_start3A_63 = arith.constant 0 : i32
          %dma_start3A_64 = arith.constant 0 : i32
          %dma_start3A_65 = tpu.memref_slice %arg8[%dma_start3A_63, %dma_start3A_64] : memref<10000x128xf32, #tpu.memory_space<vmem_shared>> -> memref<10000x128xf32, #tpu.memory_space<vmem_shared>>
          tpu.enqueue_indirect_dma source(%arg7 : memref<80x128xf32, #tpu.memory_space<vmem>>) target(%dma_start3A_65 : memref<10000x128xf32, #tpu.memory_space<vmem_shared>>) offsets(%dma_start3A_62 : memref<80xi32, #tpu.memory_space<vmem>>) semaphore(%run_scoped3A : memref<!tpu.dma_semaphore, #tpu.memory_space<semaphore_mem>>) {add = true}
          %dma_wait3A = arith.constant 0 : i32
          %dma_wait3A_66 = tpu.memref_slice %arg6[%scan3A_58, %dma_wait3A] : memref<125x80xi32, #tpu.memory_space<vmem>> -> memref<1x80xi32, #tpu.memory_space<vmem>>
          %dma_wait3A_67 = tpu.memref_squeeze %dma_wait3A_66 : memref<1x80xi32, #tpu.memory_space<vmem>> -> memref<80xi32, #tpu.memory_space<vmem>>
          %dma_wait3A_68 = arith.constant 0 : i32
          %dma_wait3A_69 = arith.constant 0 : i32
          %dma_wait3A_70 = tpu.memref_slice %arg8[%dma_wait3A_68, %dma_wait3A_69] : memref<10000x128xf32, #tpu.memory_space<vmem_shared>> -> memref<10000x128xf32, #tpu.memory_space<vmem_shared>>
          tpu.wait_indirect_dma semaphore(%run_scoped3A : memref<!tpu.dma_semaphore, #tpu.memory_space<semaphore_mem>>) src(%arg7 : memref<80x128xf32, #tpu.memory_space<vmem>>) dst(%dma_wait3A_70 : memref<10000x128xf32, #tpu.memory_space<vmem_shared>>)
          tpu.yield
        }) : () -> ()
      }
      %scan3A_57 = arith.constant 125 : i32
    } else {
    }
    %barrier3A_46 = arith.constant 0 : index
    tpu.barrier barrier_id(%barrier3A_46)
    %eq3A_47 = arith.constant 0 : i32
    %eq3A_48 = arith.cmpi eq, %arg1, %eq3A_47 : i32
    %and3A_49 = arith.andi %eq3A_35, %eq3A_48 : i1
    %convert_element_type3A_50 = arith.extui %and3A_49 : i1 to i32
    %cond3A_51 = arith.constant 0 : i32
    %cond3A_52 = arith.cmpi ne, %convert_element_type3A_50, %cond3A_51 : i32
    scf.if %cond3A_52 {
      "tpu.region"() ({
        %run_scoped3A = tpu.sem_alloc : memref<!tpu.dma_semaphore, #tpu.memory_space<semaphore_mem>>
        %dma_start3A = arith.constant 0 : i32
        %dma_start3A_53 = arith.constant 256 : i32
        %dma_start3A_54 = tpu.memref_slice %arg5[%dma_start3A, %dma_start3A_53] : memref<10000x384xf32, #tpu.memory_space<hbm>> -> memref<10000x128xf32, #tpu.memory_space<hbm>>
        tpu.enqueue_dma source(%arg8 : memref<10000x128xf32, #tpu.memory_space<vmem_shared>>) target(%dma_start3A_54 : memref<10000x128xf32, #tpu.memory_space<hbm>>) target_semaphore(%run_scoped3A : memref<!tpu.dma_semaphore, #tpu.memory_space<semaphore_mem>>)
        %dma_wait3A = arith.constant 0 : i32
        %dma_wait3A_55 = arith.constant 256 : i32
        %dma_wait3A_56 = tpu.memref_slice %arg5[%dma_wait3A, %dma_wait3A_55] : memref<10000x384xf32, #tpu.memory_space<hbm>> -> memref<10000x128xf32, #tpu.memory_space<hbm>>
        tpu.wait_dma2 semaphore(%run_scoped3A : memref<!tpu.dma_semaphore, #tpu.memory_space<semaphore_mem>>) src(%arg8 : memref<10000x128xf32, #tpu.memory_space<vmem_shared>>) dst(%dma_wait3A_56 : memref<10000x128xf32, #tpu.memory_space<hbm>>)
        tpu.yield
      }) : () -> ()
    } else {
    }
    return
  }
}

#map = affine_map<(d0, d1) -> (0, 0)>
#map1 = affine_map<(d0, d1) -> (0, 0, 0)>
module attributes {stable_mosaic.version = 14 : i64} {
  func.func @k(%arg0: i32, %arg1: i32, %arg2: memref<160000x384xf32, #tpu.memory_space<hbm>>, %arg3: memref<16x125x80xi32, #tpu.memory_space<hbm>>, %arg4: memref<10000x128xf32, #tpu.memory_space<hbm>>, %arg5: memref<10000x384xf32, #tpu.memory_space<hbm>>, %arg6: memref<125x80xi32, #tpu.memory_space<vmem>>, %arg7: memref<80x128xf32, #tpu.memory_space<vmem>>, %arg8: memref<10000x128xf32, #tpu.memory_space<vmem_shared>>) attributes {dimension_semantics = [#tpu.dimension_semantics<core_parallel>, #tpu.dimension_semantics<subcore_parallel>], iteration_bounds = array<i64: 2, 16>, scalar_prefetch = 0 : i64, scratch_operands = 3 : i64, tpu.core_type = #tpu.core_type<sc_vector_subcore>, window_params = [{transform_indices = #map}, {transform_indices = #map1}, {transform_indices = #map}, {transform_indices = #map}]} {
    "tpu.region"() ({
      %run_scoped3A = tpu.sem_alloc : memref<!tpu.dma_semaphore, #tpu.memory_space<semaphore_mem>>
      %dma_start3A = arith.constant 0 : i32
      %dma_start3A_53 = arith.constant 0 : i32
      %dma_start3A_54 = tpu.memref_slice %arg3[%arg1, %dma_start3A, %dma_start3A_53] : memref<16x125x80xi32, #tpu.memory_space<hbm>> -> memref<1x125x80xi32, #tpu.memory_space<hbm>>
      %dma_start3A_55 = tpu.memref_squeeze %dma_start3A_54 : memref<1x125x80xi32, #tpu.memory_space<hbm>> -> memref<125x80xi32, #tpu.memory_space<hbm>>
      %dma_start3A_56 = arith.constant 0 : i32
      %dma_start3A_57 = arith.constant 0 : i32
      %dma_start3A_58 = tpu.memref_slice %arg3[%arg1, %dma_start3A_56, %dma_start3A_57] : memref<16x125x80xi32, #tpu.memory_space<hbm>> -> memref<1x125x80xi32, #tpu.memory_space<hbm>>
      %dma_start3A_59 = tpu.memref_squeeze %dma_start3A_58 : memref<1x125x80xi32, #tpu.memory_space<hbm>> -> memref<125x80xi32, #tpu.memory_space<hbm>>
      tpu.enqueue_dma source(%dma_start3A_59 : memref<125x80xi32, #tpu.memory_space<hbm>>) target(%arg6 : memref<125x80xi32, #tpu.memory_space<vmem>>) target_semaphore(%run_scoped3A : memref<!tpu.dma_semaphore, #tpu.memory_space<semaphore_mem>>)
      %dma_wait3A = arith.constant 0 : i32
      %dma_wait3A_60 = arith.constant 0 : i32
      %dma_wait3A_61 = tpu.memref_slice %arg3[%arg1, %dma_wait3A, %dma_wait3A_60] : memref<16x125x80xi32, #tpu.memory_space<hbm>> -> memref<1x125x80xi32, #tpu.memory_space<hbm>>
      %dma_wait3A_62 = tpu.memref_squeeze %dma_wait3A_61 : memref<1x125x80xi32, #tpu.memory_space<hbm>> -> memref<125x80xi32, #tpu.memory_space<hbm>>
      %dma_wait3A_63 = arith.constant 0 : i32
      %dma_wait3A_64 = arith.constant 0 : i32
      %dma_wait3A_65 = tpu.memref_slice %arg3[%arg1, %dma_wait3A_63, %dma_wait3A_64] : memref<16x125x80xi32, #tpu.memory_space<hbm>> -> memref<1x125x80xi32, #tpu.memory_space<hbm>>
      %dma_wait3A_66 = tpu.memref_squeeze %dma_wait3A_65 : memref<1x125x80xi32, #tpu.memory_space<hbm>> -> memref<125x80xi32, #tpu.memory_space<hbm>>
      tpu.wait_dma2 semaphore(%run_scoped3A : memref<!tpu.dma_semaphore, #tpu.memory_space<semaphore_mem>>) src(%dma_wait3A_66 : memref<125x80xi32, #tpu.memory_space<hbm>>) dst(%arg6 : memref<125x80xi32, #tpu.memory_space<vmem>>)
      tpu.yield
    }) : () -> ()
    %mul3A = arith.constant 10000 : i32
    %mul3A_0 = arith.muli %arg1, %mul3A : i32
    %eq3A = arith.constant 0 : i32
    %eq3A_1 = arith.cmpi eq, %arg0, %eq3A : i32
    %eq3A_2 = arith.constant 0 : i32
    %eq3A_3 = arith.cmpi eq, %arg1, %eq3A_2 : i32
    %and3A = arith.andi %eq3A_1, %eq3A_3 : i1
    %convert_element_type3A = arith.extui %and3A : i1 to i32
    %cond3A = arith.constant 0 : i32
    %cond3A_4 = arith.cmpi ne, %convert_element_type3A, %cond3A : i32
    scf.if %cond3A_4 {
      "tpu.region"() ({
        %run_scoped3A = tpu.sem_alloc : memref<!tpu.dma_semaphore, #tpu.memory_space<semaphore_mem>>
        tpu.enqueue_dma source(%arg4 : memref<10000x128xf32, #tpu.memory_space<hbm>>) target(%arg8 : memref<10000x128xf32, #tpu.memory_space<vmem_shared>>) target_semaphore(%run_scoped3A : memref<!tpu.dma_semaphore, #tpu.memory_space<semaphore_mem>>)
        tpu.wait_dma2 semaphore(%run_scoped3A : memref<!tpu.dma_semaphore, #tpu.memory_space<semaphore_mem>>) src(%arg4 : memref<10000x128xf32, #tpu.memory_space<hbm>>) dst(%arg8 : memref<10000x128xf32, #tpu.memory_space<vmem_shared>>)
        tpu.yield
      }) : () -> ()
    } else {
    }
    %barrier3A = arith.constant 0 : index
    tpu.barrier barrier_id(%barrier3A)
    %convert_element_type3A_5 = arith.extui %eq3A_1 : i1 to i32
    %cond3A_6 = arith.constant 0 : i32
    %cond3A_7 = arith.cmpi ne, %convert_element_type3A_5, %cond3A_6 : i32
    scf.if %cond3A_7 {
      %scan3A = arith.constant 0 : i32
      %scan3A_53 = arith.constant 0 : i32
      %scan3A_54 = arith.constant 125 : i32
      %scan3A_55 = arith.addi %scan3A_53, %scan3A_54 : i32
      %scan3A_56 = arith.constant 1 : i32
      scf.for %scan3A_58 = %scan3A_53 to %scan3A_55 step %scan3A_56  : i32 {
        %mul3A_59 = arith.constant 80 : i32
        %mul3A_60 = arith.muli %scan3A_58, %mul3A_59 : i32
        %add3A = arith.addi %mul3A_0, %mul3A_60 : i32
        "tpu.region"() ({
          %run_scoped3A = tpu.sem_alloc : memref<!tpu.dma_semaphore, #tpu.memory_space<semaphore_mem>>
          %dma_start3A = arith.constant 0 : i32
          %dma_start3A_61 = tpu.memref_slice %arg2[%add3A, %dma_start3A] : memref<160000x384xf32, #tpu.memory_space<hbm>> -> memref<80x128xf32, #tpu.memory_space<hbm>>
          %dma_start3A_62 = arith.constant 0 : i32
          %dma_start3A_63 = tpu.memref_slice %arg2[%add3A, %dma_start3A_62] : memref<160000x384xf32, #tpu.memory_space<hbm>> -> memref<80x128xf32, #tpu.memory_space<hbm>>
          tpu.enqueue_dma source(%dma_start3A_63 : memref<80x128xf32, #tpu.memory_space<hbm>>) target(%arg7 : memref<80x128xf32, #tpu.memory_space<vmem>>) target_semaphore(%run_scoped3A : memref<!tpu.dma_semaphore, #tpu.memory_space<semaphore_mem>>)
          %dma_wait3A = arith.constant 0 : i32
          %dma_wait3A_64 = tpu.memref_slice %arg2[%add3A, %dma_wait3A] : memref<160000x384xf32, #tpu.memory_space<hbm>> -> memref<80x128xf32, #tpu.memory_space<hbm>>
          %dma_wait3A_65 = arith.constant 0 : i32
          %dma_wait3A_66 = tpu.memref_slice %arg2[%add3A, %dma_wait3A_65] : memref<160000x384xf32, #tpu.memory_space<hbm>> -> memref<80x128xf32, #tpu.memory_space<hbm>>
          tpu.wait_dma2 semaphore(%run_scoped3A : memref<!tpu.dma_semaphore, #tpu.memory_space<semaphore_mem>>) src(%dma_wait3A_66 : memref<80x128xf32, #tpu.memory_space<hbm>>) dst(%arg7 : memref<80x128xf32, #tpu.memory_space<vmem>>)
          tpu.yield
        }) : () -> ()
        "tpu.region"() ({
          %run_scoped3A = tpu.sem_alloc : memref<!tpu.dma_semaphore, #tpu.memory_space<semaphore_mem>>
          %dma_start3A = arith.constant 0 : i32
          %dma_start3A_61 = tpu.memref_slice %arg6[%scan3A_58, %dma_start3A] : memref<125x80xi32, #tpu.memory_space<vmem>> -> memref<1x80xi32, #tpu.memory_space<vmem>>
          %dma_start3A_62 = tpu.memref_squeeze %dma_start3A_61 : memref<1x80xi32, #tpu.memory_space<vmem>> -> memref<80xi32, #tpu.memory_space<vmem>>
          %dma_start3A_63 = arith.constant 0 : i32
          %dma_start3A_64 = arith.constant 0 : i32
          %dma_start3A_65 = tpu.memref_slice %arg8[%dma_start3A_63, %dma_start3A_64] : memref<10000x128xf32, #tpu.memory_space<vmem_shared>> -> memref<10000x128xf32, #tpu.memory_space<vmem_shared>>
          tpu.enqueue_indirect_dma source(%arg7 : memref<80x128xf32, #tpu.memory_space<vmem>>) target(%dma_start3A_65 : memref<10000x128xf32, #tpu.memory_space<vmem_shared>>) offsets(%dma_start3A_62 : memref<80xi32, #tpu.memory_space<vmem>>) semaphore(%run_scoped3A : memref<!tpu.dma_semaphore, #tpu.memory_space<semaphore_mem>>) {add = true}
          %dma_wait3A = arith.constant 0 : i32
          %dma_wait3A_66 = tpu.memref_slice %arg6[%scan3A_58, %dma_wait3A] : memref<125x80xi32, #tpu.memory_space<vmem>> -> memref<1x80xi32, #tpu.memory_space<vmem>>
          %dma_wait3A_67 = tpu.memref_squeeze %dma_wait3A_66 : memref<1x80xi32, #tpu.memory_space<vmem>> -> memref<80xi32, #tpu.memory_space<vmem>>
          %dma_wait3A_68 = arith.constant 0 : i32
          %dma_wait3A_69 = arith.constant 0 : i32
          %dma_wait3A_70 = tpu.memref_slice %arg8[%dma_wait3A_68, %dma_wait3A_69] : memref<10000x128xf32, #tpu.memory_space<vmem_shared>> -> memref<10000x128xf32, #tpu.memory_space<vmem_shared>>
          tpu.wait_indirect_dma semaphore(%run_scoped3A : memref<!tpu.dma_semaphore, #tpu.memory_space<semaphore_mem>>) src(%arg7 : memref<80x128xf32, #tpu.memory_space<vmem>>) dst(%dma_wait3A_70 : memref<10000x128xf32, #tpu.memory_space<vmem_shared>>)
          tpu.yield
        }) : () -> ()
      }
      %scan3A_57 = arith.constant 125 : i32
    } else {
    }
    %barrier3A_8 = arith.constant 0 : index
    tpu.barrier barrier_id(%barrier3A_8)
    %eq3A_9 = arith.constant 0 : i32
    %eq3A_10 = arith.cmpi eq, %arg1, %eq3A_9 : i32
    %and3A_11 = arith.andi %eq3A_1, %eq3A_10 : i1
    %convert_element_type3A_12 = arith.extui %and3A_11 : i1 to i32
    %cond3A_13 = arith.constant 0 : i32
    %cond3A_14 = arith.cmpi ne, %convert_element_type3A_12, %cond3A_13 : i32
    scf.if %cond3A_14 {
      "tpu.region"() ({
        %run_scoped3A = tpu.sem_alloc : memref<!tpu.dma_semaphore, #tpu.memory_space<semaphore_mem>>
        %dma_start3A = arith.constant 0 : i32
        %dma_start3A_53 = arith.constant 0 : i32
        %dma_start3A_54 = tpu.memref_slice %arg5[%dma_start3A, %dma_start3A_53] : memref<10000x384xf32, #tpu.memory_space<hbm>> -> memref<10000x128xf32, #tpu.memory_space<hbm>>
        tpu.enqueue_dma source(%arg8 : memref<10000x128xf32, #tpu.memory_space<vmem_shared>>) target(%dma_start3A_54 : memref<10000x128xf32, #tpu.memory_space<hbm>>) target_semaphore(%run_scoped3A : memref<!tpu.dma_semaphore, #tpu.memory_space<semaphore_mem>>)
        %dma_wait3A = arith.constant 0 : i32
        %dma_wait3A_55 = arith.constant 0 : i32
        %dma_wait3A_56 = tpu.memref_slice %arg5[%dma_wait3A, %dma_wait3A_55] : memref<10000x384xf32, #tpu.memory_space<hbm>> -> memref<10000x128xf32, #tpu.memory_space<hbm>>
        tpu.wait_dma2 semaphore(%run_scoped3A : memref<!tpu.dma_semaphore, #tpu.memory_space<semaphore_mem>>) src(%arg8 : memref<10000x128xf32, #tpu.memory_space<vmem_shared>>) dst(%dma_wait3A_56 : memref<10000x128xf32, #tpu.memory_space<hbm>>)
        tpu.yield
      }) : () -> ()
    } else {
    }
    %eq3A_15 = arith.constant 1 : i32
    %eq3A_16 = arith.cmpi eq, %arg0, %eq3A_15 : i32
    %eq3A_17 = arith.constant 0 : i32
    %eq3A_18 = arith.cmpi eq, %arg1, %eq3A_17 : i32
    %and3A_19 = arith.andi %eq3A_16, %eq3A_18 : i1
    %convert_element_type3A_20 = arith.extui %and3A_19 : i1 to i32
    %cond3A_21 = arith.constant 0 : i32
    %cond3A_22 = arith.cmpi ne, %convert_element_type3A_20, %cond3A_21 : i32
    scf.if %cond3A_22 {
      "tpu.region"() ({
        %run_scoped3A = tpu.sem_alloc : memref<!tpu.dma_semaphore, #tpu.memory_space<semaphore_mem>>
        tpu.enqueue_dma source(%arg4 : memref<10000x128xf32, #tpu.memory_space<hbm>>) target(%arg8 : memref<10000x128xf32, #tpu.memory_space<vmem_shared>>) target_semaphore(%run_scoped3A : memref<!tpu.dma_semaphore, #tpu.memory_space<semaphore_mem>>)
        tpu.wait_dma2 semaphore(%run_scoped3A : memref<!tpu.dma_semaphore, #tpu.memory_space<semaphore_mem>>) src(%arg4 : memref<10000x128xf32, #tpu.memory_space<hbm>>) dst(%arg8 : memref<10000x128xf32, #tpu.memory_space<vmem_shared>>)
        tpu.yield
      }) : () -> ()
    } else {
    }
    %barrier3A_23 = arith.constant 0 : index
    tpu.barrier barrier_id(%barrier3A_23)
    %convert_element_type3A_24 = arith.extui %eq3A_16 : i1 to i32
    %cond3A_25 = arith.constant 0 : i32
    %cond3A_26 = arith.cmpi ne, %convert_element_type3A_24, %cond3A_25 : i32
    scf.if %cond3A_26 {
      %scan3A = arith.constant 0 : i32
      %scan3A_53 = arith.constant 0 : i32
      %scan3A_54 = arith.constant 125 : i32
      %scan3A_55 = arith.addi %scan3A_53, %scan3A_54 : i32
      %scan3A_56 = arith.constant 1 : i32
      scf.for %scan3A_58 = %scan3A_53 to %scan3A_55 step %scan3A_56  : i32 {
        %mul3A_59 = arith.constant 80 : i32
        %mul3A_60 = arith.muli %scan3A_58, %mul3A_59 : i32
        %add3A = arith.addi %mul3A_0, %mul3A_60 : i32
        "tpu.region"() ({
          %run_scoped3A = tpu.sem_alloc : memref<!tpu.dma_semaphore, #tpu.memory_space<semaphore_mem>>
          %dma_start3A = arith.constant 128 : i32
          %dma_start3A_61 = tpu.memref_slice %arg2[%add3A, %dma_start3A] : memref<160000x384xf32, #tpu.memory_space<hbm>> -> memref<80x128xf32, #tpu.memory_space<hbm>>
          %dma_start3A_62 = arith.constant 128 : i32
          %dma_start3A_63 = tpu.memref_slice %arg2[%add3A, %dma_start3A_62] : memref<160000x384xf32, #tpu.memory_space<hbm>> -> memref<80x128xf32, #tpu.memory_space<hbm>>
          tpu.enqueue_dma source(%dma_start3A_63 : memref<80x128xf32, #tpu.memory_space<hbm>>) target(%arg7 : memref<80x128xf32, #tpu.memory_space<vmem>>) target_semaphore(%run_scoped3A : memref<!tpu.dma_semaphore, #tpu.memory_space<semaphore_mem>>)
          %dma_wait3A = arith.constant 128 : i32
          %dma_wait3A_64 = tpu.memref_slice %arg2[%add3A, %dma_wait3A] : memref<160000x384xf32, #tpu.memory_space<hbm>> -> memref<80x128xf32, #tpu.memory_space<hbm>>
          %dma_wait3A_65 = arith.constant 128 : i32
          %dma_wait3A_66 = tpu.memref_slice %arg2[%add3A, %dma_wait3A_65] : memref<160000x384xf32, #tpu.memory_space<hbm>> -> memref<80x128xf32, #tpu.memory_space<hbm>>
          tpu.wait_dma2 semaphore(%run_scoped3A : memref<!tpu.dma_semaphore, #tpu.memory_space<semaphore_mem>>) src(%dma_wait3A_66 : memref<80x128xf32, #tpu.memory_space<hbm>>) dst(%arg7 : memref<80x128xf32, #tpu.memory_space<vmem>>)
          tpu.yield
        }) : () -> ()
        "tpu.region"() ({
          %run_scoped3A = tpu.sem_alloc : memref<!tpu.dma_semaphore, #tpu.memory_space<semaphore_mem>>
          %dma_start3A = arith.constant 0 : i32
          %dma_start3A_61 = tpu.memref_slice %arg6[%scan3A_58, %dma_start3A] : memref<125x80xi32, #tpu.memory_space<vmem>> -> memref<1x80xi32, #tpu.memory_space<vmem>>
          %dma_start3A_62 = tpu.memref_squeeze %dma_start3A_61 : memref<1x80xi32, #tpu.memory_space<vmem>> -> memref<80xi32, #tpu.memory_space<vmem>>
          %dma_start3A_63 = arith.constant 0 : i32
          %dma_start3A_64 = arith.constant 0 : i32
          %dma_start3A_65 = tpu.memref_slice %arg8[%dma_start3A_63, %dma_start3A_64] : memref<10000x128xf32, #tpu.memory_space<vmem_shared>> -> memref<10000x128xf32, #tpu.memory_space<vmem_shared>>
          tpu.enqueue_indirect_dma source(%arg7 : memref<80x128xf32, #tpu.memory_space<vmem>>) target(%dma_start3A_65 : memref<10000x128xf32, #tpu.memory_space<vmem_shared>>) offsets(%dma_start3A_62 : memref<80xi32, #tpu.memory_space<vmem>>) semaphore(%run_scoped3A : memref<!tpu.dma_semaphore, #tpu.memory_space<semaphore_mem>>) {add = true}
          %dma_wait3A = arith.constant 0 : i32
          %dma_wait3A_66 = tpu.memref_slice %arg6[%scan3A_58, %dma_wait3A] : memref<125x80xi32, #tpu.memory_space<vmem>> -> memref<1x80xi32, #tpu.memory_space<vmem>>
          %dma_wait3A_67 = tpu.memref_squeeze %dma_wait3A_66 : memref<1x80xi32, #tpu.memory_space<vmem>> -> memref<80xi32, #tpu.memory_space<vmem>>
          %dma_wait3A_68 = arith.constant 0 : i32
          %dma_wait3A_69 = arith.constant 0 : i32
          %dma_wait3A_70 = tpu.memref_slice %arg8[%dma_wait3A_68, %dma_wait3A_69] : memref<10000x128xf32, #tpu.memory_space<vmem_shared>> -> memref<10000x128xf32, #tpu.memory_space<vmem_shared>>
          tpu.wait_indirect_dma semaphore(%run_scoped3A : memref<!tpu.dma_semaphore, #tpu.memory_space<semaphore_mem>>) src(%arg7 : memref<80x128xf32, #tpu.memory_space<vmem>>) dst(%dma_wait3A_70 : memref<10000x128xf32, #tpu.memory_space<vmem_shared>>)
          tpu.yield
        }) : () -> ()
      }
      %scan3A_57 = arith.constant 125 : i32
    } else {
    }
    %barrier3A_27 = arith.constant 0 : index
    tpu.barrier barrier_id(%barrier3A_27)
    %eq3A_28 = arith.constant 0 : i32
    %eq3A_29 = arith.cmpi eq, %arg1, %eq3A_28 : i32
    %and3A_30 = arith.andi %eq3A_16, %eq3A_29 : i1
    %convert_element_type3A_31 = arith.extui %and3A_30 : i1 to i32
    %cond3A_32 = arith.constant 0 : i32
    %cond3A_33 = arith.cmpi ne, %convert_element_type3A_31, %cond3A_32 : i32
    scf.if %cond3A_33 {
      "tpu.region"() ({
        %run_scoped3A = tpu.sem_alloc : memref<!tpu.dma_semaphore, #tpu.memory_space<semaphore_mem>>
        %dma_start3A = arith.constant 0 : i32
        %dma_start3A_53 = arith.constant 128 : i32
        %dma_start3A_54 = tpu.memref_slice %arg5[%dma_start3A, %dma_start3A_53] : memref<10000x384xf32, #tpu.memory_space<hbm>> -> memref<10000x128xf32, #tpu.memory_space<hbm>>
        tpu.enqueue_dma source(%arg8 : memref<10000x128xf32, #tpu.memory_space<vmem_shared>>) target(%dma_start3A_54 : memref<10000x128xf32, #tpu.memory_space<hbm>>) target_semaphore(%run_scoped3A : memref<!tpu.dma_semaphore, #tpu.memory_space<semaphore_mem>>)
        %dma_wait3A = arith.constant 0 : i32
        %dma_wait3A_55 = arith.constant 128 : i32
        %dma_wait3A_56 = tpu.memref_slice %arg5[%dma_wait3A, %dma_wait3A_55] : memref<10000x384xf32, #tpu.memory_space<hbm>> -> memref<10000x128xf32, #tpu.memory_space<hbm>>
        tpu.wait_dma2 semaphore(%run_scoped3A : memref<!tpu.dma_semaphore, #tpu.memory_space<semaphore_mem>>) src(%arg8 : memref<10000x128xf32, #tpu.memory_space<vmem_shared>>) dst(%dma_wait3A_56 : memref<10000x128xf32, #tpu.memory_space<hbm>>)
        tpu.yield
      }) : () -> ()
    } else {
    }
    %eq3A_34 = arith.constant 0 : i32
    %eq3A_35 = arith.cmpi eq, %arg0, %eq3A_34 : i32
    %eq3A_36 = arith.constant 0 : i32
    %eq3A_37 = arith.cmpi eq, %arg1, %eq3A_36 : i32
    %and3A_38 = arith.andi %eq3A_35, %eq3A_37 : i1
    %convert_element_type3A_39 = arith.extui %and3A_38 : i1 to i32
    %cond3A_40 = arith.constant 0 : i32
    %cond3A_41 = arith.cmpi ne, %convert_element_type3A_39, %cond3A_40 : i32
    scf.if %cond3A_41 {
      "tpu.region"() ({
        %run_scoped3A = tpu.sem_alloc : memref<!tpu.dma_semaphore, #tpu.memory_space<semaphore_mem>>
        tpu.enqueue_dma source(%arg4 : memref<10000x128xf32, #tpu.memory_space<hbm>>) target(%arg8 : memref<10000x128xf32, #tpu.memory_space<vmem_shared>>) target_semaphore(%run_scoped3A : memref<!tpu.dma_semaphore, #tpu.memory_space<semaphore_mem>>)
        tpu.wait_dma2 semaphore(%run_scoped3A : memref<!tpu.dma_semaphore, #tpu.memory_space<semaphore_mem>>) src(%arg4 : memref<10000x128xf32, #tpu.memory_space<hbm>>) dst(%arg8 : memref<10000x128xf32, #tpu.memory_space<vmem_shared>>)
        tpu.yield
      }) : () -> ()
    } else {
    }
    %barrier3A_42 = arith.constant 0 : index
    tpu.barrier barrier_id(%barrier3A_42)
    %convert_element_type3A_43 = arith.extui %eq3A_35 : i1 to i32
    %cond3A_44 = arith.constant 0 : i32
    %cond3A_45 = arith.cmpi ne, %convert_element_type3A_43, %cond3A_44 : i32
    scf.if %cond3A_45 {
      %scan3A = arith.constant 0 : i32
      %scan3A_53 = arith.constant 0 : i32
      %scan3A_54 = arith.constant 125 : i32
      %scan3A_55 = arith.addi %scan3A_53, %scan3A_54 : i32
      %scan3A_56 = arith.constant 1 : i32
      scf.for %scan3A_58 = %scan3A_53 to %scan3A_55 step %scan3A_56  : i32 {
        %mul3A_59 = arith.constant 80 : i32
        %mul3A_60 = arith.muli %scan3A_58, %mul3A_59 : i32
        %add3A = arith.addi %mul3A_0, %mul3A_60 : i32
        "tpu.region"() ({
          %run_scoped3A = tpu.sem_alloc : memref<!tpu.dma_semaphore, #tpu.memory_space<semaphore_mem>>
          %dma_start3A = arith.constant 256 : i32
          %dma_start3A_61 = tpu.memref_slice %arg2[%add3A, %dma_start3A] : memref<160000x384xf32, #tpu.memory_space<hbm>> -> memref<80x128xf32, #tpu.memory_space<hbm>>
          %dma_start3A_62 = arith.constant 256 : i32
          %dma_start3A_63 = tpu.memref_slice %arg2[%add3A, %dma_start3A_62] : memref<160000x384xf32, #tpu.memory_space<hbm>> -> memref<80x128xf32, #tpu.memory_space<hbm>>
          tpu.enqueue_dma source(%dma_start3A_63 : memref<80x128xf32, #tpu.memory_space<hbm>>) target(%arg7 : memref<80x128xf32, #tpu.memory_space<vmem>>) target_semaphore(%run_scoped3A : memref<!tpu.dma_semaphore, #tpu.memory_space<semaphore_mem>>)
          %dma_wait3A = arith.constant 256 : i32
          %dma_wait3A_64 = tpu.memref_slice %arg2[%add3A, %dma_wait3A] : memref<160000x384xf32, #tpu.memory_space<hbm>> -> memref<80x128xf32, #tpu.memory_space<hbm>>
          %dma_wait3A_65 = arith.constant 256 : i32
          %dma_wait3A_66 = tpu.memref_slice %arg2[%add3A, %dma_wait3A_65] : memref<160000x384xf32, #tpu.memory_space<hbm>> -> memref<80x128xf32, #tpu.memory_space<hbm>>
          tpu.wait_dma2 semaphore(%run_scoped3A : memref<!tpu.dma_semaphore, #tpu.memory_space<semaphore_mem>>) src(%dma_wait3A_66 : memref<80x128xf32, #tpu.memory_space<hbm>>) dst(%arg7 : memref<80x128xf32, #tpu.memory_space<vmem>>)
          tpu.yield
        }) : () -> ()
        "tpu.region"() ({
          %run_scoped3A = tpu.sem_alloc : memref<!tpu.dma_semaphore, #tpu.memory_space<semaphore_mem>>
          %dma_start3A = arith.constant 0 : i32
          %dma_start3A_61 = tpu.memref_slice %arg6[%scan3A_58, %dma_start3A] : memref<125x80xi32, #tpu.memory_space<vmem>> -> memref<1x80xi32, #tpu.memory_space<vmem>>
          %dma_start3A_62 = tpu.memref_squeeze %dma_start3A_61 : memref<1x80xi32, #tpu.memory_space<vmem>> -> memref<80xi32, #tpu.memory_space<vmem>>
          %dma_start3A_63 = arith.constant 0 : i32
          %dma_start3A_64 = arith.constant 0 : i32
          %dma_start3A_65 = tpu.memref_slice %arg8[%dma_start3A_63, %dma_start3A_64] : memref<10000x128xf32, #tpu.memory_space<vmem_shared>> -> memref<10000x128xf32, #tpu.memory_space<vmem_shared>>
          tpu.enqueue_indirect_dma source(%arg7 : memref<80x128xf32, #tpu.memory_space<vmem>>) target(%dma_start3A_65 : memref<10000x128xf32, #tpu.memory_space<vmem_shared>>) offsets(%dma_start3A_62 : memref<80xi32, #tpu.memory_space<vmem>>) semaphore(%run_scoped3A : memref<!tpu.dma_semaphore, #tpu.memory_space<semaphore_mem>>) {add = true}
          %dma_wait3A = arith.constant 0 : i32
          %dma_wait3A_66 = tpu.memref_slice %arg6[%scan3A_58, %dma_wait3A] : memref<125x80xi32, #tpu.memory_space<vmem>> -> memref<1x80xi32, #tpu.memory_space<vmem>>
          %dma_wait3A_67 = tpu.memref_squeeze %dma_wait3A_66 : memref<1x80xi32, #tpu.memory_space<vmem>> -> memref<80xi32, #tpu.memory_space<vmem>>
          %dma_wait3A_68 = arith.constant 0 : i32
          %dma_wait3A_69 = arith.constant 0 : i32
          %dma_wait3A_70 = tpu.memref_slice %arg8[%dma_wait3A_68, %dma_wait3A_69] : memref<10000x128xf32, #tpu.memory_space<vmem_shared>> -> memref<10000x128xf32, #tpu.memory_space<vmem_shared>>
          tpu.wait_indirect_dma semaphore(%run_scoped3A : memref<!tpu.dma_semaphore, #tpu.memory_space<semaphore_mem>>) src(%arg7 : memref<80x128xf32, #tpu.memory_space<vmem>>) dst(%dma_wait3A_70 : memref<10000x128xf32, #tpu.memory_space<vmem_shared>>)
          tpu.yield
        }) : () -> ()
      }
      %scan3A_57 = arith.constant 125 : i32
    } else {
    }
    %barrier3A_46 = arith.constant 0 : index
    tpu.barrier barrier_id(%barrier3A_46)
    %eq3A_47 = arith.constant 0 : i32
    %eq3A_48 = arith.cmpi eq, %arg1, %eq3A_47 : i32
    %and3A_49 = arith.andi %eq3A_35, %eq3A_48 : i1
    %convert_element_type3A_50 = arith.extui %and3A_49 : i1 to i32
    %cond3A_51 = arith.constant 0 : i32
    %cond3A_52 = arith.cmpi ne, %convert_element_type3A_50, %cond3A_51 : i32
    scf.if %cond3A_52 {
      "tpu.region"() ({
        %run_scoped3A = tpu.sem_alloc : memref<!tpu.dma_semaphore, #tpu.memory_space<semaphore_mem>>
        %dma_start3A = arith.constant 0 : i32
        %dma_start3A_53 = arith.constant 256 : i32
        %dma_start3A_54 = tpu.memref_slice %arg5[%dma_start3A, %dma_start3A_53] : memref<10000x384xf32, #tpu.memory_space<hbm>> -> memref<10000x128xf32, #tpu.memory_space<hbm>>
        tpu.enqueue_dma source(%arg8 : memref<10000x128xf32, #tpu.memory_space<vmem_shared>>) target(%dma_start3A_54 : memref<10000x128xf32, #tpu.memory_space<hbm>>) target_semaphore(%run_scoped3A : memref<!tpu.dma_semaphore, #tpu.memory_space<semaphore_mem>>)
        %dma_wait3A = arith.constant 0 : i32
        %dma_wait3A_55 = arith.constant 256 : i32
        %dma_wait3A_56 = tpu.memref_slice %arg5[%dma_wait3A, %dma_wait3A_55] : memref<10000x384xf32, #tpu.memory_space<hbm>> -> memref<10000x128xf32, #tpu.memory_space<hbm>>
        tpu.wait_dma2 semaphore(%run_scoped3A : memref<!tpu.dma_semaphore, #tpu.memory_space<semaphore_mem>>) src(%arg8 : memref<10000x128xf32, #tpu.memory_space<vmem_shared>>) dst(%dma_wait3A_56 : memref<10000x128xf32, #tpu.memory_space<hbm>>)
        tpu.yield
      }) : () -> ()
    } else {
    }
    return
  }
}

#map = affine_map<(d0, d1) -> (0, 0)>
#map1 = affine_map<(d0, d1) -> (0, 0, 0)>
module attributes {stable_mosaic.version = 14 : i64} {
  func.func @k(%arg0: i32, %arg1: i32, %arg2: memref<160000x128xf32, #tpu.memory_space<hbm>>, %arg3: memref<16x125x80xi32, #tpu.memory_space<hbm>>, %arg4: memref<10000x128xf32, #tpu.memory_space<hbm>>, %arg5: memref<10000x128xf32, #tpu.memory_space<hbm>>, %arg6: memref<125x80xi32, #tpu.memory_space<vmem>>, %arg7: memref<80x128xf32, #tpu.memory_space<vmem>>, %arg8: memref<10000x128xf32, #tpu.memory_space<vmem_shared>>) attributes {dimension_semantics = [#tpu.dimension_semantics<core_parallel>, #tpu.dimension_semantics<subcore_parallel>], iteration_bounds = array<i64: 2, 16>, scalar_prefetch = 0 : i64, scratch_operands = 3 : i64, tpu.core_type = #tpu.core_type<sc_vector_subcore>, window_params = [{transform_indices = #map}, {transform_indices = #map1}, {transform_indices = #map}, {transform_indices = #map}]} {
    "tpu.region"() ({
      %run_scoped3A = tpu.sem_alloc : memref<!tpu.dma_semaphore, #tpu.memory_space<semaphore_mem>>
      %dma_start3A = arith.constant 0 : i32
      %dma_start3A_15 = arith.constant 0 : i32
      %dma_start3A_16 = tpu.memref_slice %arg3[%arg1, %dma_start3A, %dma_start3A_15] : memref<16x125x80xi32, #tpu.memory_space<hbm>> -> memref<1x125x80xi32, #tpu.memory_space<hbm>>
      %dma_start3A_17 = tpu.memref_squeeze %dma_start3A_16 : memref<1x125x80xi32, #tpu.memory_space<hbm>> -> memref<125x80xi32, #tpu.memory_space<hbm>>
      %dma_start3A_18 = arith.constant 0 : i32
      %dma_start3A_19 = arith.constant 0 : i32
      %dma_start3A_20 = tpu.memref_slice %arg3[%arg1, %dma_start3A_18, %dma_start3A_19] : memref<16x125x80xi32, #tpu.memory_space<hbm>> -> memref<1x125x80xi32, #tpu.memory_space<hbm>>
      %dma_start3A_21 = tpu.memref_squeeze %dma_start3A_20 : memref<1x125x80xi32, #tpu.memory_space<hbm>> -> memref<125x80xi32, #tpu.memory_space<hbm>>
      tpu.enqueue_dma source(%dma_start3A_21 : memref<125x80xi32, #tpu.memory_space<hbm>>) target(%arg6 : memref<125x80xi32, #tpu.memory_space<vmem>>) target_semaphore(%run_scoped3A : memref<!tpu.dma_semaphore, #tpu.memory_space<semaphore_mem>>)
      %dma_wait3A = arith.constant 0 : i32
      %dma_wait3A_22 = arith.constant 0 : i32
      %dma_wait3A_23 = tpu.memref_slice %arg3[%arg1, %dma_wait3A, %dma_wait3A_22] : memref<16x125x80xi32, #tpu.memory_space<hbm>> -> memref<1x125x80xi32, #tpu.memory_space<hbm>>
      %dma_wait3A_24 = tpu.memref_squeeze %dma_wait3A_23 : memref<1x125x80xi32, #tpu.memory_space<hbm>> -> memref<125x80xi32, #tpu.memory_space<hbm>>
      %dma_wait3A_25 = arith.constant 0 : i32
      %dma_wait3A_26 = arith.constant 0 : i32
      %dma_wait3A_27 = tpu.memref_slice %arg3[%arg1, %dma_wait3A_25, %dma_wait3A_26] : memref<16x125x80xi32, #tpu.memory_space<hbm>> -> memref<1x125x80xi32, #tpu.memory_space<hbm>>
      %dma_wait3A_28 = tpu.memref_squeeze %dma_wait3A_27 : memref<1x125x80xi32, #tpu.memory_space<hbm>> -> memref<125x80xi32, #tpu.memory_space<hbm>>
      tpu.wait_dma2 semaphore(%run_scoped3A : memref<!tpu.dma_semaphore, #tpu.memory_space<semaphore_mem>>) src(%dma_wait3A_28 : memref<125x80xi32, #tpu.memory_space<hbm>>) dst(%arg6 : memref<125x80xi32, #tpu.memory_space<vmem>>)
      tpu.yield
    }) : () -> ()
    %mul3A = arith.constant 10000 : i32
    %mul3A_0 = arith.muli %arg1, %mul3A : i32
    %eq3A = arith.constant 0 : i32
    %eq3A_1 = arith.cmpi eq, %arg0, %eq3A : i32
    %eq3A_2 = arith.constant 0 : i32
    %eq3A_3 = arith.cmpi eq, %arg1, %eq3A_2 : i32
    %and3A = arith.andi %eq3A_1, %eq3A_3 : i1
    %convert_element_type3A = arith.extui %and3A : i1 to i32
    %cond3A = arith.constant 0 : i32
    %cond3A_4 = arith.cmpi ne, %convert_element_type3A, %cond3A : i32
    scf.if %cond3A_4 {
      "tpu.region"() ({
        %run_scoped3A = tpu.sem_alloc : memref<!tpu.dma_semaphore, #tpu.memory_space<semaphore_mem>>
        tpu.enqueue_dma source(%arg4 : memref<10000x128xf32, #tpu.memory_space<hbm>>) target(%arg8 : memref<10000x128xf32, #tpu.memory_space<vmem_shared>>) target_semaphore(%run_scoped3A : memref<!tpu.dma_semaphore, #tpu.memory_space<semaphore_mem>>)
        tpu.wait_dma2 semaphore(%run_scoped3A : memref<!tpu.dma_semaphore, #tpu.memory_space<semaphore_mem>>) src(%arg4 : memref<10000x128xf32, #tpu.memory_space<hbm>>) dst(%arg8 : memref<10000x128xf32, #tpu.memory_space<vmem_shared>>)
        tpu.yield
      }) : () -> ()
    } else {
    }
    %barrier3A = arith.constant 0 : index
    tpu.barrier barrier_id(%barrier3A)
    %convert_element_type3A_5 = arith.extui %eq3A_1 : i1 to i32
    %cond3A_6 = arith.constant 0 : i32
    %cond3A_7 = arith.cmpi ne, %convert_element_type3A_5, %cond3A_6 : i32
    scf.if %cond3A_7 {
      %scan3A = arith.constant 0 : i32
      %scan3A_15 = arith.constant 0 : i32
      %scan3A_16 = arith.constant 125 : i32
      %scan3A_17 = arith.addi %scan3A_15, %scan3A_16 : i32
      %scan3A_18 = arith.constant 1 : i32
      scf.for %scan3A_20 = %scan3A_15 to %scan3A_17 step %scan3A_18  : i32 {
        %mul3A_21 = arith.constant 80 : i32
        %mul3A_22 = arith.muli %scan3A_20, %mul3A_21 : i32
        %add3A = arith.addi %mul3A_0, %mul3A_22 : i32
        "tpu.region"() ({
          %run_scoped3A = tpu.sem_alloc : memref<!tpu.dma_semaphore, #tpu.memory_space<semaphore_mem>>
          %dma_start3A = arith.constant 0 : i32
          %dma_start3A_23 = tpu.memref_slice %arg2[%add3A, %dma_start3A] : memref<160000x128xf32, #tpu.memory_space<hbm>> -> memref<80x128xf32, #tpu.memory_space<hbm>>
          %dma_start3A_24 = arith.constant 0 : i32
          %dma_start3A_25 = tpu.memref_slice %arg2[%add3A, %dma_start3A_24] : memref<160000x128xf32, #tpu.memory_space<hbm>> -> memref<80x128xf32, #tpu.memory_space<hbm>>
          tpu.enqueue_dma source(%dma_start3A_25 : memref<80x128xf32, #tpu.memory_space<hbm>>) target(%arg7 : memref<80x128xf32, #tpu.memory_space<vmem>>) target_semaphore(%run_scoped3A : memref<!tpu.dma_semaphore, #tpu.memory_space<semaphore_mem>>)
          %dma_wait3A = arith.constant 0 : i32
          %dma_wait3A_26 = tpu.memref_slice %arg2[%add3A, %dma_wait3A] : memref<160000x128xf32, #tpu.memory_space<hbm>> -> memref<80x128xf32, #tpu.memory_space<hbm>>
          %dma_wait3A_27 = arith.constant 0 : i32
          %dma_wait3A_28 = tpu.memref_slice %arg2[%add3A, %dma_wait3A_27] : memref<160000x128xf32, #tpu.memory_space<hbm>> -> memref<80x128xf32, #tpu.memory_space<hbm>>
          tpu.wait_dma2 semaphore(%run_scoped3A : memref<!tpu.dma_semaphore, #tpu.memory_space<semaphore_mem>>) src(%dma_wait3A_28 : memref<80x128xf32, #tpu.memory_space<hbm>>) dst(%arg7 : memref<80x128xf32, #tpu.memory_space<vmem>>)
          tpu.yield
        }) : () -> ()
        "tpu.region"() ({
          %run_scoped3A = tpu.sem_alloc : memref<!tpu.dma_semaphore, #tpu.memory_space<semaphore_mem>>
          %dma_start3A = arith.constant 0 : i32
          %dma_start3A_23 = tpu.memref_slice %arg6[%scan3A_20, %dma_start3A] : memref<125x80xi32, #tpu.memory_space<vmem>> -> memref<1x80xi32, #tpu.memory_space<vmem>>
          %dma_start3A_24 = tpu.memref_squeeze %dma_start3A_23 : memref<1x80xi32, #tpu.memory_space<vmem>> -> memref<80xi32, #tpu.memory_space<vmem>>
          %dma_start3A_25 = arith.constant 0 : i32
          %dma_start3A_26 = arith.constant 0 : i32
          %dma_start3A_27 = tpu.memref_slice %arg8[%dma_start3A_25, %dma_start3A_26] : memref<10000x128xf32, #tpu.memory_space<vmem_shared>> -> memref<10000x128xf32, #tpu.memory_space<vmem_shared>>
          tpu.enqueue_indirect_dma source(%arg7 : memref<80x128xf32, #tpu.memory_space<vmem>>) target(%dma_start3A_27 : memref<10000x128xf32, #tpu.memory_space<vmem_shared>>) offsets(%dma_start3A_24 : memref<80xi32, #tpu.memory_space<vmem>>) semaphore(%run_scoped3A : memref<!tpu.dma_semaphore, #tpu.memory_space<semaphore_mem>>) {add = true}
          %dma_wait3A = arith.constant 0 : i32
          %dma_wait3A_28 = tpu.memref_slice %arg6[%scan3A_20, %dma_wait3A] : memref<125x80xi32, #tpu.memory_space<vmem>> -> memref<1x80xi32, #tpu.memory_space<vmem>>
          %dma_wait3A_29 = tpu.memref_squeeze %dma_wait3A_28 : memref<1x80xi32, #tpu.memory_space<vmem>> -> memref<80xi32, #tpu.memory_space<vmem>>
          %dma_wait3A_30 = arith.constant 0 : i32
          %dma_wait3A_31 = arith.constant 0 : i32
          %dma_wait3A_32 = tpu.memref_slice %arg8[%dma_wait3A_30, %dma_wait3A_31] : memref<10000x128xf32, #tpu.memory_space<vmem_shared>> -> memref<10000x128xf32, #tpu.memory_space<vmem_shared>>
          tpu.wait_indirect_dma semaphore(%run_scoped3A : memref<!tpu.dma_semaphore, #tpu.memory_space<semaphore_mem>>) src(%arg7 : memref<80x128xf32, #tpu.memory_space<vmem>>) dst(%dma_wait3A_32 : memref<10000x128xf32, #tpu.memory_space<vmem_shared>>)
          tpu.yield
        }) : () -> ()
      }
      %scan3A_19 = arith.constant 125 : i32
    } else {
    }
    %barrier3A_8 = arith.constant 0 : index
    tpu.barrier barrier_id(%barrier3A_8)
    %eq3A_9 = arith.constant 0 : i32
    %eq3A_10 = arith.cmpi eq, %arg1, %eq3A_9 : i32
    %and3A_11 = arith.andi %eq3A_1, %eq3A_10 : i1
    %convert_element_type3A_12 = arith.extui %and3A_11 : i1 to i32
    %cond3A_13 = arith.constant 0 : i32
    %cond3A_14 = arith.cmpi ne, %convert_element_type3A_12, %cond3A_13 : i32
    scf.if %cond3A_14 {
      "tpu.region"() ({
        %run_scoped3A = tpu.sem_alloc : memref<!tpu.dma_semaphore, #tpu.memory_space<semaphore_mem>>
        %dma_start3A = arith.constant 0 : i32
        %dma_start3A_15 = arith.constant 0 : i32
        %dma_start3A_16 = tpu.memref_slice %arg5[%dma_start3A, %dma_start3A_15] : memref<10000x128xf32, #tpu.memory_space<hbm>> -> memref<10000x128xf32, #tpu.memory_space<hbm>>
        tpu.enqueue_dma source(%arg8 : memref<10000x128xf32, #tpu.memory_space<vmem_shared>>) target(%dma_start3A_16 : memref<10000x128xf32, #tpu.memory_space<hbm>>) target_semaphore(%run_scoped3A : memref<!tpu.dma_semaphore, #tpu.memory_space<semaphore_mem>>)
        %dma_wait3A = arith.constant 0 : i32
        %dma_wait3A_17 = arith.constant 0 : i32
        %dma_wait3A_18 = tpu.memref_slice %arg5[%dma_wait3A, %dma_wait3A_17] : memref<10000x128xf32, #tpu.memory_space<hbm>> -> memref<10000x128xf32, #tpu.memory_space<hbm>>
        tpu.wait_dma2 semaphore(%run_scoped3A : memref<!tpu.dma_semaphore, #tpu.memory_space<semaphore_mem>>) src(%arg8 : memref<10000x128xf32, #tpu.memory_space<vmem_shared>>) dst(%dma_wait3A_18 : memref<10000x128xf32, #tpu.memory_space<hbm>>)
        tpu.yield
      }) : () -> ()
    } else {
    }
    return
  }
}

#map = affine_map<(d0, d1) -> (0, 0)>
#map1 = affine_map<(d0, d1) -> (0, 0, 0)>
module attributes {stable_mosaic.version = 14 : i64} {
  func.func @k(%arg0: i32, %arg1: i32, %arg2: memref<160000x384xf32, #tpu.memory_space<hbm>>, %arg3: memref<16x125x80xi32, #tpu.memory_space<hbm>>, %arg4: memref<10000x128xf32, #tpu.memory_space<hbm>>, %arg5: memref<10000x384xf32, #tpu.memory_space<hbm>>, %arg6: memref<125x80xi32, #tpu.memory_space<vmem>>, %arg7: memref<80x128xf32, #tpu.memory_space<vmem>>, %arg8: memref<10000x128xf32, #tpu.memory_space<vmem_shared>>) attributes {dimension_semantics = [#tpu.dimension_semantics<core_parallel>, #tpu.dimension_semantics<subcore_parallel>], iteration_bounds = array<i64: 2, 16>, scalar_prefetch = 0 : i64, scratch_operands = 3 : i64, tpu.core_type = #tpu.core_type<sc_vector_subcore>, window_params = [{transform_indices = #map}, {transform_indices = #map1}, {transform_indices = #map}, {transform_indices = #map}]} {
    "tpu.region"() ({
      %run_scoped3A = tpu.sem_alloc : memref<!tpu.dma_semaphore, #tpu.memory_space<semaphore_mem>>
      %dma_start3A = arith.constant 0 : i32
      %dma_start3A_53 = arith.constant 0 : i32
      %dma_start3A_54 = tpu.memref_slice %arg3[%arg1, %dma_start3A, %dma_start3A_53] : memref<16x125x80xi32, #tpu.memory_space<hbm>> -> memref<1x125x80xi32, #tpu.memory_space<hbm>>
      %dma_start3A_55 = tpu.memref_squeeze %dma_start3A_54 : memref<1x125x80xi32, #tpu.memory_space<hbm>> -> memref<125x80xi32, #tpu.memory_space<hbm>>
      %dma_start3A_56 = arith.constant 0 : i32
      %dma_start3A_57 = arith.constant 0 : i32
      %dma_start3A_58 = tpu.memref_slice %arg3[%arg1, %dma_start3A_56, %dma_start3A_57] : memref<16x125x80xi32, #tpu.memory_space<hbm>> -> memref<1x125x80xi32, #tpu.memory_space<hbm>>
      %dma_start3A_59 = tpu.memref_squeeze %dma_start3A_58 : memref<1x125x80xi32, #tpu.memory_space<hbm>> -> memref<125x80xi32, #tpu.memory_space<hbm>>
      tpu.enqueue_dma source(%dma_start3A_59 : memref<125x80xi32, #tpu.memory_space<hbm>>) target(%arg6 : memref<125x80xi32, #tpu.memory_space<vmem>>) target_semaphore(%run_scoped3A : memref<!tpu.dma_semaphore, #tpu.memory_space<semaphore_mem>>)
      %dma_wait3A = arith.constant 0 : i32
      %dma_wait3A_60 = arith.constant 0 : i32
      %dma_wait3A_61 = tpu.memref_slice %arg3[%arg1, %dma_wait3A, %dma_wait3A_60] : memref<16x125x80xi32, #tpu.memory_space<hbm>> -> memref<1x125x80xi32, #tpu.memory_space<hbm>>
      %dma_wait3A_62 = tpu.memref_squeeze %dma_wait3A_61 : memref<1x125x80xi32, #tpu.memory_space<hbm>> -> memref<125x80xi32, #tpu.memory_space<hbm>>
      %dma_wait3A_63 = arith.constant 0 : i32
      %dma_wait3A_64 = arith.constant 0 : i32
      %dma_wait3A_65 = tpu.memref_slice %arg3[%arg1, %dma_wait3A_63, %dma_wait3A_64] : memref<16x125x80xi32, #tpu.memory_space<hbm>> -> memref<1x125x80xi32, #tpu.memory_space<hbm>>
      %dma_wait3A_66 = tpu.memref_squeeze %dma_wait3A_65 : memref<1x125x80xi32, #tpu.memory_space<hbm>> -> memref<125x80xi32, #tpu.memory_space<hbm>>
      tpu.wait_dma2 semaphore(%run_scoped3A : memref<!tpu.dma_semaphore, #tpu.memory_space<semaphore_mem>>) src(%dma_wait3A_66 : memref<125x80xi32, #tpu.memory_space<hbm>>) dst(%arg6 : memref<125x80xi32, #tpu.memory_space<vmem>>)
      tpu.yield
    }) : () -> ()
    %mul3A = arith.constant 10000 : i32
    %mul3A_0 = arith.muli %arg1, %mul3A : i32
    %eq3A = arith.constant 0 : i32
    %eq3A_1 = arith.cmpi eq, %arg0, %eq3A : i32
    %eq3A_2 = arith.constant 0 : i32
    %eq3A_3 = arith.cmpi eq, %arg1, %eq3A_2 : i32
    %and3A = arith.andi %eq3A_1, %eq3A_3 : i1
    %convert_element_type3A = arith.extui %and3A : i1 to i32
    %cond3A = arith.constant 0 : i32
    %cond3A_4 = arith.cmpi ne, %convert_element_type3A, %cond3A : i32
    scf.if %cond3A_4 {
      "tpu.region"() ({
        %run_scoped3A = tpu.sem_alloc : memref<!tpu.dma_semaphore, #tpu.memory_space<semaphore_mem>>
        tpu.enqueue_dma source(%arg4 : memref<10000x128xf32, #tpu.memory_space<hbm>>) target(%arg8 : memref<10000x128xf32, #tpu.memory_space<vmem_shared>>) target_semaphore(%run_scoped3A : memref<!tpu.dma_semaphore, #tpu.memory_space<semaphore_mem>>)
        tpu.wait_dma2 semaphore(%run_scoped3A : memref<!tpu.dma_semaphore, #tpu.memory_space<semaphore_mem>>) src(%arg4 : memref<10000x128xf32, #tpu.memory_space<hbm>>) dst(%arg8 : memref<10000x128xf32, #tpu.memory_space<vmem_shared>>)
        tpu.yield
      }) : () -> ()
    } else {
    }
    %barrier3A = arith.constant 0 : index
    tpu.barrier barrier_id(%barrier3A)
    %convert_element_type3A_5 = arith.extui %eq3A_1 : i1 to i32
    %cond3A_6 = arith.constant 0 : i32
    %cond3A_7 = arith.cmpi ne, %convert_element_type3A_5, %cond3A_6 : i32
    scf.if %cond3A_7 {
      %scan3A = arith.constant 0 : i32
      %scan3A_53 = arith.constant 0 : i32
      %scan3A_54 = arith.constant 125 : i32
      %scan3A_55 = arith.addi %scan3A_53, %scan3A_54 : i32
      %scan3A_56 = arith.constant 1 : i32
      scf.for %scan3A_58 = %scan3A_53 to %scan3A_55 step %scan3A_56  : i32 {
        %mul3A_59 = arith.constant 80 : i32
        %mul3A_60 = arith.muli %scan3A_58, %mul3A_59 : i32
        %add3A = arith.addi %mul3A_0, %mul3A_60 : i32
        "tpu.region"() ({
          %run_scoped3A = tpu.sem_alloc : memref<!tpu.dma_semaphore, #tpu.memory_space<semaphore_mem>>
          %dma_start3A = arith.constant 0 : i32
          %dma_start3A_61 = tpu.memref_slice %arg2[%add3A, %dma_start3A] : memref<160000x384xf32, #tpu.memory_space<hbm>> -> memref<80x128xf32, #tpu.memory_space<hbm>>
          %dma_start3A_62 = arith.constant 0 : i32
          %dma_start3A_63 = tpu.memref_slice %arg2[%add3A, %dma_start3A_62] : memref<160000x384xf32, #tpu.memory_space<hbm>> -> memref<80x128xf32, #tpu.memory_space<hbm>>
          tpu.enqueue_dma source(%dma_start3A_63 : memref<80x128xf32, #tpu.memory_space<hbm>>) target(%arg7 : memref<80x128xf32, #tpu.memory_space<vmem>>) target_semaphore(%run_scoped3A : memref<!tpu.dma_semaphore, #tpu.memory_space<semaphore_mem>>)
          %dma_wait3A = arith.constant 0 : i32
          %dma_wait3A_64 = tpu.memref_slice %arg2[%add3A, %dma_wait3A] : memref<160000x384xf32, #tpu.memory_space<hbm>> -> memref<80x128xf32, #tpu.memory_space<hbm>>
          %dma_wait3A_65 = arith.constant 0 : i32
          %dma_wait3A_66 = tpu.memref_slice %arg2[%add3A, %dma_wait3A_65] : memref<160000x384xf32, #tpu.memory_space<hbm>> -> memref<80x128xf32, #tpu.memory_space<hbm>>
          tpu.wait_dma2 semaphore(%run_scoped3A : memref<!tpu.dma_semaphore, #tpu.memory_space<semaphore_mem>>) src(%dma_wait3A_66 : memref<80x128xf32, #tpu.memory_space<hbm>>) dst(%arg7 : memref<80x128xf32, #tpu.memory_space<vmem>>)
          tpu.yield
        }) : () -> ()
        "tpu.region"() ({
          %run_scoped3A = tpu.sem_alloc : memref<!tpu.dma_semaphore, #tpu.memory_space<semaphore_mem>>
          %dma_start3A = arith.constant 0 : i32
          %dma_start3A_61 = tpu.memref_slice %arg6[%scan3A_58, %dma_start3A] : memref<125x80xi32, #tpu.memory_space<vmem>> -> memref<1x80xi32, #tpu.memory_space<vmem>>
          %dma_start3A_62 = tpu.memref_squeeze %dma_start3A_61 : memref<1x80xi32, #tpu.memory_space<vmem>> -> memref<80xi32, #tpu.memory_space<vmem>>
          %dma_start3A_63 = arith.constant 0 : i32
          %dma_start3A_64 = arith.constant 0 : i32
          %dma_start3A_65 = tpu.memref_slice %arg8[%dma_start3A_63, %dma_start3A_64] : memref<10000x128xf32, #tpu.memory_space<vmem_shared>> -> memref<10000x128xf32, #tpu.memory_space<vmem_shared>>
          tpu.enqueue_indirect_dma source(%arg7 : memref<80x128xf32, #tpu.memory_space<vmem>>) target(%dma_start3A_65 : memref<10000x128xf32, #tpu.memory_space<vmem_shared>>) offsets(%dma_start3A_62 : memref<80xi32, #tpu.memory_space<vmem>>) semaphore(%run_scoped3A : memref<!tpu.dma_semaphore, #tpu.memory_space<semaphore_mem>>) {add = true}
          %dma_wait3A = arith.constant 0 : i32
          %dma_wait3A_66 = tpu.memref_slice %arg6[%scan3A_58, %dma_wait3A] : memref<125x80xi32, #tpu.memory_space<vmem>> -> memref<1x80xi32, #tpu.memory_space<vmem>>
          %dma_wait3A_67 = tpu.memref_squeeze %dma_wait3A_66 : memref<1x80xi32, #tpu.memory_space<vmem>> -> memref<80xi32, #tpu.memory_space<vmem>>
          %dma_wait3A_68 = arith.constant 0 : i32
          %dma_wait3A_69 = arith.constant 0 : i32
          %dma_wait3A_70 = tpu.memref_slice %arg8[%dma_wait3A_68, %dma_wait3A_69] : memref<10000x128xf32, #tpu.memory_space<vmem_shared>> -> memref<10000x128xf32, #tpu.memory_space<vmem_shared>>
          tpu.wait_indirect_dma semaphore(%run_scoped3A : memref<!tpu.dma_semaphore, #tpu.memory_space<semaphore_mem>>) src(%arg7 : memref<80x128xf32, #tpu.memory_space<vmem>>) dst(%dma_wait3A_70 : memref<10000x128xf32, #tpu.memory_space<vmem_shared>>)
          tpu.yield
        }) : () -> ()
      }
      %scan3A_57 = arith.constant 125 : i32
    } else {
    }
    %barrier3A_8 = arith.constant 0 : index
    tpu.barrier barrier_id(%barrier3A_8)
    %eq3A_9 = arith.constant 0 : i32
    %eq3A_10 = arith.cmpi eq, %arg1, %eq3A_9 : i32
    %and3A_11 = arith.andi %eq3A_1, %eq3A_10 : i1
    %convert_element_type3A_12 = arith.extui %and3A_11 : i1 to i32
    %cond3A_13 = arith.constant 0 : i32
    %cond3A_14 = arith.cmpi ne, %convert_element_type3A_12, %cond3A_13 : i32
    scf.if %cond3A_14 {
      "tpu.region"() ({
        %run_scoped3A = tpu.sem_alloc : memref<!tpu.dma_semaphore, #tpu.memory_space<semaphore_mem>>
        %dma_start3A = arith.constant 0 : i32
        %dma_start3A_53 = arith.constant 0 : i32
        %dma_start3A_54 = tpu.memref_slice %arg5[%dma_start3A, %dma_start3A_53] : memref<10000x384xf32, #tpu.memory_space<hbm>> -> memref<10000x128xf32, #tpu.memory_space<hbm>>
        tpu.enqueue_dma source(%arg8 : memref<10000x128xf32, #tpu.memory_space<vmem_shared>>) target(%dma_start3A_54 : memref<10000x128xf32, #tpu.memory_space<hbm>>) target_semaphore(%run_scoped3A : memref<!tpu.dma_semaphore, #tpu.memory_space<semaphore_mem>>)
        %dma_wait3A = arith.constant 0 : i32
        %dma_wait3A_55 = arith.constant 0 : i32
        %dma_wait3A_56 = tpu.memref_slice %arg5[%dma_wait3A, %dma_wait3A_55] : memref<10000x384xf32, #tpu.memory_space<hbm>> -> memref<10000x128xf32, #tpu.memory_space<hbm>>
        tpu.wait_dma2 semaphore(%run_scoped3A : memref<!tpu.dma_semaphore, #tpu.memory_space<semaphore_mem>>) src(%arg8 : memref<10000x128xf32, #tpu.memory_space<vmem_shared>>) dst(%dma_wait3A_56 : memref<10000x128xf32, #tpu.memory_space<hbm>>)
        tpu.yield
      }) : () -> ()
    } else {
    }
    %eq3A_15 = arith.constant 1 : i32
    %eq3A_16 = arith.cmpi eq, %arg0, %eq3A_15 : i32
    %eq3A_17 = arith.constant 0 : i32
    %eq3A_18 = arith.cmpi eq, %arg1, %eq3A_17 : i32
    %and3A_19 = arith.andi %eq3A_16, %eq3A_18 : i1
    %convert_element_type3A_20 = arith.extui %and3A_19 : i1 to i32
    %cond3A_21 = arith.constant 0 : i32
    %cond3A_22 = arith.cmpi ne, %convert_element_type3A_20, %cond3A_21 : i32
    scf.if %cond3A_22 {
      "tpu.region"() ({
        %run_scoped3A = tpu.sem_alloc : memref<!tpu.dma_semaphore, #tpu.memory_space<semaphore_mem>>
        tpu.enqueue_dma source(%arg4 : memref<10000x128xf32, #tpu.memory_space<hbm>>) target(%arg8 : memref<10000x128xf32, #tpu.memory_space<vmem_shared>>) target_semaphore(%run_scoped3A : memref<!tpu.dma_semaphore, #tpu.memory_space<semaphore_mem>>)
        tpu.wait_dma2 semaphore(%run_scoped3A : memref<!tpu.dma_semaphore, #tpu.memory_space<semaphore_mem>>) src(%arg4 : memref<10000x128xf32, #tpu.memory_space<hbm>>) dst(%arg8 : memref<10000x128xf32, #tpu.memory_space<vmem_shared>>)
        tpu.yield
      }) : () -> ()
    } else {
    }
    %barrier3A_23 = arith.constant 0 : index
    tpu.barrier barrier_id(%barrier3A_23)
    %convert_element_type3A_24 = arith.extui %eq3A_16 : i1 to i32
    %cond3A_25 = arith.constant 0 : i32
    %cond3A_26 = arith.cmpi ne, %convert_element_type3A_24, %cond3A_25 : i32
    scf.if %cond3A_26 {
      %scan3A = arith.constant 0 : i32
      %scan3A_53 = arith.constant 0 : i32
      %scan3A_54 = arith.constant 125 : i32
      %scan3A_55 = arith.addi %scan3A_53, %scan3A_54 : i32
      %scan3A_56 = arith.constant 1 : i32
      scf.for %scan3A_58 = %scan3A_53 to %scan3A_55 step %scan3A_56  : i32 {
        %mul3A_59 = arith.constant 80 : i32
        %mul3A_60 = arith.muli %scan3A_58, %mul3A_59 : i32
        %add3A = arith.addi %mul3A_0, %mul3A_60 : i32
        "tpu.region"() ({
          %run_scoped3A = tpu.sem_alloc : memref<!tpu.dma_semaphore, #tpu.memory_space<semaphore_mem>>
          %dma_start3A = arith.constant 128 : i32
          %dma_start3A_61 = tpu.memref_slice %arg2[%add3A, %dma_start3A] : memref<160000x384xf32, #tpu.memory_space<hbm>> -> memref<80x128xf32, #tpu.memory_space<hbm>>
          %dma_start3A_62 = arith.constant 128 : i32
          %dma_start3A_63 = tpu.memref_slice %arg2[%add3A, %dma_start3A_62] : memref<160000x384xf32, #tpu.memory_space<hbm>> -> memref<80x128xf32, #tpu.memory_space<hbm>>
          tpu.enqueue_dma source(%dma_start3A_63 : memref<80x128xf32, #tpu.memory_space<hbm>>) target(%arg7 : memref<80x128xf32, #tpu.memory_space<vmem>>) target_semaphore(%run_scoped3A : memref<!tpu.dma_semaphore, #tpu.memory_space<semaphore_mem>>)
          %dma_wait3A = arith.constant 128 : i32
          %dma_wait3A_64 = tpu.memref_slice %arg2[%add3A, %dma_wait3A] : memref<160000x384xf32, #tpu.memory_space<hbm>> -> memref<80x128xf32, #tpu.memory_space<hbm>>
          %dma_wait3A_65 = arith.constant 128 : i32
          %dma_wait3A_66 = tpu.memref_slice %arg2[%add3A, %dma_wait3A_65] : memref<160000x384xf32, #tpu.memory_space<hbm>> -> memref<80x128xf32, #tpu.memory_space<hbm>>
          tpu.wait_dma2 semaphore(%run_scoped3A : memref<!tpu.dma_semaphore, #tpu.memory_space<semaphore_mem>>) src(%dma_wait3A_66 : memref<80x128xf32, #tpu.memory_space<hbm>>) dst(%arg7 : memref<80x128xf32, #tpu.memory_space<vmem>>)
          tpu.yield
        }) : () -> ()
        "tpu.region"() ({
          %run_scoped3A = tpu.sem_alloc : memref<!tpu.dma_semaphore, #tpu.memory_space<semaphore_mem>>
          %dma_start3A = arith.constant 0 : i32
          %dma_start3A_61 = tpu.memref_slice %arg6[%scan3A_58, %dma_start3A] : memref<125x80xi32, #tpu.memory_space<vmem>> -> memref<1x80xi32, #tpu.memory_space<vmem>>
          %dma_start3A_62 = tpu.memref_squeeze %dma_start3A_61 : memref<1x80xi32, #tpu.memory_space<vmem>> -> memref<80xi32, #tpu.memory_space<vmem>>
          %dma_start3A_63 = arith.constant 0 : i32
          %dma_start3A_64 = arith.constant 0 : i32
          %dma_start3A_65 = tpu.memref_slice %arg8[%dma_start3A_63, %dma_start3A_64] : memref<10000x128xf32, #tpu.memory_space<vmem_shared>> -> memref<10000x128xf32, #tpu.memory_space<vmem_shared>>
          tpu.enqueue_indirect_dma source(%arg7 : memref<80x128xf32, #tpu.memory_space<vmem>>) target(%dma_start3A_65 : memref<10000x128xf32, #tpu.memory_space<vmem_shared>>) offsets(%dma_start3A_62 : memref<80xi32, #tpu.memory_space<vmem>>) semaphore(%run_scoped3A : memref<!tpu.dma_semaphore, #tpu.memory_space<semaphore_mem>>) {add = true}
          %dma_wait3A = arith.constant 0 : i32
          %dma_wait3A_66 = tpu.memref_slice %arg6[%scan3A_58, %dma_wait3A] : memref<125x80xi32, #tpu.memory_space<vmem>> -> memref<1x80xi32, #tpu.memory_space<vmem>>
          %dma_wait3A_67 = tpu.memref_squeeze %dma_wait3A_66 : memref<1x80xi32, #tpu.memory_space<vmem>> -> memref<80xi32, #tpu.memory_space<vmem>>
          %dma_wait3A_68 = arith.constant 0 : i32
          %dma_wait3A_69 = arith.constant 0 : i32
          %dma_wait3A_70 = tpu.memref_slice %arg8[%dma_wait3A_68, %dma_wait3A_69] : memref<10000x128xf32, #tpu.memory_space<vmem_shared>> -> memref<10000x128xf32, #tpu.memory_space<vmem_shared>>
          tpu.wait_indirect_dma semaphore(%run_scoped3A : memref<!tpu.dma_semaphore, #tpu.memory_space<semaphore_mem>>) src(%arg7 : memref<80x128xf32, #tpu.memory_space<vmem>>) dst(%dma_wait3A_70 : memref<10000x128xf32, #tpu.memory_space<vmem_shared>>)
          tpu.yield
        }) : () -> ()
      }
      %scan3A_57 = arith.constant 125 : i32
    } else {
    }
    %barrier3A_27 = arith.constant 0 : index
    tpu.barrier barrier_id(%barrier3A_27)
    %eq3A_28 = arith.constant 0 : i32
    %eq3A_29 = arith.cmpi eq, %arg1, %eq3A_28 : i32
    %and3A_30 = arith.andi %eq3A_16, %eq3A_29 : i1
    %convert_element_type3A_31 = arith.extui %and3A_30 : i1 to i32
    %cond3A_32 = arith.constant 0 : i32
    %cond3A_33 = arith.cmpi ne, %convert_element_type3A_31, %cond3A_32 : i32
    scf.if %cond3A_33 {
      "tpu.region"() ({
        %run_scoped3A = tpu.sem_alloc : memref<!tpu.dma_semaphore, #tpu.memory_space<semaphore_mem>>
        %dma_start3A = arith.constant 0 : i32
        %dma_start3A_53 = arith.constant 128 : i32
        %dma_start3A_54 = tpu.memref_slice %arg5[%dma_start3A, %dma_start3A_53] : memref<10000x384xf32, #tpu.memory_space<hbm>> -> memref<10000x128xf32, #tpu.memory_space<hbm>>
        tpu.enqueue_dma source(%arg8 : memref<10000x128xf32, #tpu.memory_space<vmem_shared>>) target(%dma_start3A_54 : memref<10000x128xf32, #tpu.memory_space<hbm>>) target_semaphore(%run_scoped3A : memref<!tpu.dma_semaphore, #tpu.memory_space<semaphore_mem>>)
        %dma_wait3A = arith.constant 0 : i32
        %dma_wait3A_55 = arith.constant 128 : i32
        %dma_wait3A_56 = tpu.memref_slice %arg5[%dma_wait3A, %dma_wait3A_55] : memref<10000x384xf32, #tpu.memory_space<hbm>> -> memref<10000x128xf32, #tpu.memory_space<hbm>>
        tpu.wait_dma2 semaphore(%run_scoped3A : memref<!tpu.dma_semaphore, #tpu.memory_space<semaphore_mem>>) src(%arg8 : memref<10000x128xf32, #tpu.memory_space<vmem_shared>>) dst(%dma_wait3A_56 : memref<10000x128xf32, #tpu.memory_space<hbm>>)
        tpu.yield
      }) : () -> ()
    } else {
    }
    %eq3A_34 = arith.constant 0 : i32
    %eq3A_35 = arith.cmpi eq, %arg0, %eq3A_34 : i32
    %eq3A_36 = arith.constant 0 : i32
    %eq3A_37 = arith.cmpi eq, %arg1, %eq3A_36 : i32
    %and3A_38 = arith.andi %eq3A_35, %eq3A_37 : i1
    %convert_element_type3A_39 = arith.extui %and3A_38 : i1 to i32
    %cond3A_40 = arith.constant 0 : i32
    %cond3A_41 = arith.cmpi ne, %convert_element_type3A_39, %cond3A_40 : i32
    scf.if %cond3A_41 {
      "tpu.region"() ({
        %run_scoped3A = tpu.sem_alloc : memref<!tpu.dma_semaphore, #tpu.memory_space<semaphore_mem>>
        tpu.enqueue_dma source(%arg4 : memref<10000x128xf32, #tpu.memory_space<hbm>>) target(%arg8 : memref<10000x128xf32, #tpu.memory_space<vmem_shared>>) target_semaphore(%run_scoped3A : memref<!tpu.dma_semaphore, #tpu.memory_space<semaphore_mem>>)
        tpu.wait_dma2 semaphore(%run_scoped3A : memref<!tpu.dma_semaphore, #tpu.memory_space<semaphore_mem>>) src(%arg4 : memref<10000x128xf32, #tpu.memory_space<hbm>>) dst(%arg8 : memref<10000x128xf32, #tpu.memory_space<vmem_shared>>)
        tpu.yield
      }) : () -> ()
    } else {
    }
    %barrier3A_42 = arith.constant 0 : index
    tpu.barrier barrier_id(%barrier3A_42)
    %convert_element_type3A_43 = arith.extui %eq3A_35 : i1 to i32
    %cond3A_44 = arith.constant 0 : i32
    %cond3A_45 = arith.cmpi ne, %convert_element_type3A_43, %cond3A_44 : i32
    scf.if %cond3A_45 {
      %scan3A = arith.constant 0 : i32
      %scan3A_53 = arith.constant 0 : i32
      %scan3A_54 = arith.constant 125 : i32
      %scan3A_55 = arith.addi %scan3A_53, %scan3A_54 : i32
      %scan3A_56 = arith.constant 1 : i32
      scf.for %scan3A_58 = %scan3A_53 to %scan3A_55 step %scan3A_56  : i32 {
        %mul3A_59 = arith.constant 80 : i32
        %mul3A_60 = arith.muli %scan3A_58, %mul3A_59 : i32
        %add3A = arith.addi %mul3A_0, %mul3A_60 : i32
        "tpu.region"() ({
          %run_scoped3A = tpu.sem_alloc : memref<!tpu.dma_semaphore, #tpu.memory_space<semaphore_mem>>
          %dma_start3A = arith.constant 256 : i32
          %dma_start3A_61 = tpu.memref_slice %arg2[%add3A, %dma_start3A] : memref<160000x384xf32, #tpu.memory_space<hbm>> -> memref<80x128xf32, #tpu.memory_space<hbm>>
          %dma_start3A_62 = arith.constant 256 : i32
          %dma_start3A_63 = tpu.memref_slice %arg2[%add3A, %dma_start3A_62] : memref<160000x384xf32, #tpu.memory_space<hbm>> -> memref<80x128xf32, #tpu.memory_space<hbm>>
          tpu.enqueue_dma source(%dma_start3A_63 : memref<80x128xf32, #tpu.memory_space<hbm>>) target(%arg7 : memref<80x128xf32, #tpu.memory_space<vmem>>) target_semaphore(%run_scoped3A : memref<!tpu.dma_semaphore, #tpu.memory_space<semaphore_mem>>)
          %dma_wait3A = arith.constant 256 : i32
          %dma_wait3A_64 = tpu.memref_slice %arg2[%add3A, %dma_wait3A] : memref<160000x384xf32, #tpu.memory_space<hbm>> -> memref<80x128xf32, #tpu.memory_space<hbm>>
          %dma_wait3A_65 = arith.constant 256 : i32
          %dma_wait3A_66 = tpu.memref_slice %arg2[%add3A, %dma_wait3A_65] : memref<160000x384xf32, #tpu.memory_space<hbm>> -> memref<80x128xf32, #tpu.memory_space<hbm>>
          tpu.wait_dma2 semaphore(%run_scoped3A : memref<!tpu.dma_semaphore, #tpu.memory_space<semaphore_mem>>) src(%dma_wait3A_66 : memref<80x128xf32, #tpu.memory_space<hbm>>) dst(%arg7 : memref<80x128xf32, #tpu.memory_space<vmem>>)
          tpu.yield
        }) : () -> ()
        "tpu.region"() ({
          %run_scoped3A = tpu.sem_alloc : memref<!tpu.dma_semaphore, #tpu.memory_space<semaphore_mem>>
          %dma_start3A = arith.constant 0 : i32
          %dma_start3A_61 = tpu.memref_slice %arg6[%scan3A_58, %dma_start3A] : memref<125x80xi32, #tpu.memory_space<vmem>> -> memref<1x80xi32, #tpu.memory_space<vmem>>
          %dma_start3A_62 = tpu.memref_squeeze %dma_start3A_61 : memref<1x80xi32, #tpu.memory_space<vmem>> -> memref<80xi32, #tpu.memory_space<vmem>>
          %dma_start3A_63 = arith.constant 0 : i32
          %dma_start3A_64 = arith.constant 0 : i32
          %dma_start3A_65 = tpu.memref_slice %arg8[%dma_start3A_63, %dma_start3A_64] : memref<10000x128xf32, #tpu.memory_space<vmem_shared>> -> memref<10000x128xf32, #tpu.memory_space<vmem_shared>>
          tpu.enqueue_indirect_dma source(%arg7 : memref<80x128xf32, #tpu.memory_space<vmem>>) target(%dma_start3A_65 : memref<10000x128xf32, #tpu.memory_space<vmem_shared>>) offsets(%dma_start3A_62 : memref<80xi32, #tpu.memory_space<vmem>>) semaphore(%run_scoped3A : memref<!tpu.dma_semaphore, #tpu.memory_space<semaphore_mem>>) {add = true}
          %dma_wait3A = arith.constant 0 : i32
          %dma_wait3A_66 = tpu.memref_slice %arg6[%scan3A_58, %dma_wait3A] : memref<125x80xi32, #tpu.memory_space<vmem>> -> memref<1x80xi32, #tpu.memory_space<vmem>>
          %dma_wait3A_67 = tpu.memref_squeeze %dma_wait3A_66 : memref<1x80xi32, #tpu.memory_space<vmem>> -> memref<80xi32, #tpu.memory_space<vmem>>
          %dma_wait3A_68 = arith.constant 0 : i32
          %dma_wait3A_69 = arith.constant 0 : i32
          %dma_wait3A_70 = tpu.memref_slice %arg8[%dma_wait3A_68, %dma_wait3A_69] : memref<10000x128xf32, #tpu.memory_space<vmem_shared>> -> memref<10000x128xf32, #tpu.memory_space<vmem_shared>>
          tpu.wait_indirect_dma semaphore(%run_scoped3A : memref<!tpu.dma_semaphore, #tpu.memory_space<semaphore_mem>>) src(%arg7 : memref<80x128xf32, #tpu.memory_space<vmem>>) dst(%dma_wait3A_70 : memref<10000x128xf32, #tpu.memory_space<vmem_shared>>)
          tpu.yield
        }) : () -> ()
      }
      %scan3A_57 = arith.constant 125 : i32
    } else {
    }
    %barrier3A_46 = arith.constant 0 : index
    tpu.barrier barrier_id(%barrier3A_46)
    %eq3A_47 = arith.constant 0 : i32
    %eq3A_48 = arith.cmpi eq, %arg1, %eq3A_47 : i32
    %and3A_49 = arith.andi %eq3A_35, %eq3A_48 : i1
    %convert_element_type3A_50 = arith.extui %and3A_49 : i1 to i32
    %cond3A_51 = arith.constant 0 : i32
    %cond3A_52 = arith.cmpi ne, %convert_element_type3A_50, %cond3A_51 : i32
    scf.if %cond3A_52 {
      "tpu.region"() ({
        %run_scoped3A = tpu.sem_alloc : memref<!tpu.dma_semaphore, #tpu.memory_space<semaphore_mem>>
        %dma_start3A = arith.constant 0 : i32
        %dma_start3A_53 = arith.constant 256 : i32
        %dma_start3A_54 = tpu.memref_slice %arg5[%dma_start3A, %dma_start3A_53] : memref<10000x384xf32, #tpu.memory_space<hbm>> -> memref<10000x128xf32, #tpu.memory_space<hbm>>
        tpu.enqueue_dma source(%arg8 : memref<10000x128xf32, #tpu.memory_space<vmem_shared>>) target(%dma_start3A_54 : memref<10000x128xf32, #tpu.memory_space<hbm>>) target_semaphore(%run_scoped3A : memref<!tpu.dma_semaphore, #tpu.memory_space<semaphore_mem>>)
        %dma_wait3A = arith.constant 0 : i32
        %dma_wait3A_55 = arith.constant 256 : i32
        %dma_wait3A_56 = tpu.memref_slice %arg5[%dma_wait3A, %dma_wait3A_55] : memref<10000x384xf32, #tpu.memory_space<hbm>> -> memref<10000x128xf32, #tpu.memory_space<hbm>>
        tpu.wait_dma2 semaphore(%run_scoped3A : memref<!tpu.dma_semaphore, #tpu.memory_space<semaphore_mem>>) src(%arg8 : memref<10000x128xf32, #tpu.memory_space<vmem_shared>>) dst(%dma_wait3A_56 : memref<10000x128xf32, #tpu.memory_space<hbm>>)
        tpu.yield
      }) : () -> ()
    } else {
    }
    return
  }
}

#map = affine_map<(d0, d1) -> (0, 0)>
#map1 = affine_map<(d0, d1) -> (0, 0, 0)>
module attributes {stable_mosaic.version = 14 : i64} {
  func.func @k(%arg0: i32, %arg1: i32, %arg2: memref<160000x128xf32, #tpu.memory_space<hbm>>, %arg3: memref<16x125x80xi32, #tpu.memory_space<hbm>>, %arg4: memref<10000x128xf32, #tpu.memory_space<hbm>>, %arg5: memref<10000x128xf32, #tpu.memory_space<hbm>>, %arg6: memref<125x80xi32, #tpu.memory_space<vmem>>, %arg7: memref<80x128xf32, #tpu.memory_space<vmem>>, %arg8: memref<10000x128xf32, #tpu.memory_space<vmem_shared>>) attributes {dimension_semantics = [#tpu.dimension_semantics<core_parallel>, #tpu.dimension_semantics<subcore_parallel>], iteration_bounds = array<i64: 2, 16>, scalar_prefetch = 0 : i64, scratch_operands = 3 : i64, tpu.core_type = #tpu.core_type<sc_vector_subcore>, window_params = [{transform_indices = #map}, {transform_indices = #map1}, {transform_indices = #map}, {transform_indices = #map}]} {
    "tpu.region"() ({
      %run_scoped3A = tpu.sem_alloc : memref<!tpu.dma_semaphore, #tpu.memory_space<semaphore_mem>>
      %dma_start3A = arith.constant 0 : i32
      %dma_start3A_15 = arith.constant 0 : i32
      %dma_start3A_16 = tpu.memref_slice %arg3[%arg1, %dma_start3A, %dma_start3A_15] : memref<16x125x80xi32, #tpu.memory_space<hbm>> -> memref<1x125x80xi32, #tpu.memory_space<hbm>>
      %dma_start3A_17 = tpu.memref_squeeze %dma_start3A_16 : memref<1x125x80xi32, #tpu.memory_space<hbm>> -> memref<125x80xi32, #tpu.memory_space<hbm>>
      %dma_start3A_18 = arith.constant 0 : i32
      %dma_start3A_19 = arith.constant 0 : i32
      %dma_start3A_20 = tpu.memref_slice %arg3[%arg1, %dma_start3A_18, %dma_start3A_19] : memref<16x125x80xi32, #tpu.memory_space<hbm>> -> memref<1x125x80xi32, #tpu.memory_space<hbm>>
      %dma_start3A_21 = tpu.memref_squeeze %dma_start3A_20 : memref<1x125x80xi32, #tpu.memory_space<hbm>> -> memref<125x80xi32, #tpu.memory_space<hbm>>
      tpu.enqueue_dma source(%dma_start3A_21 : memref<125x80xi32, #tpu.memory_space<hbm>>) target(%arg6 : memref<125x80xi32, #tpu.memory_space<vmem>>) target_semaphore(%run_scoped3A : memref<!tpu.dma_semaphore, #tpu.memory_space<semaphore_mem>>)
      %dma_wait3A = arith.constant 0 : i32
      %dma_wait3A_22 = arith.constant 0 : i32
      %dma_wait3A_23 = tpu.memref_slice %arg3[%arg1, %dma_wait3A, %dma_wait3A_22] : memref<16x125x80xi32, #tpu.memory_space<hbm>> -> memref<1x125x80xi32, #tpu.memory_space<hbm>>
      %dma_wait3A_24 = tpu.memref_squeeze %dma_wait3A_23 : memref<1x125x80xi32, #tpu.memory_space<hbm>> -> memref<125x80xi32, #tpu.memory_space<hbm>>
      %dma_wait3A_25 = arith.constant 0 : i32
      %dma_wait3A_26 = arith.constant 0 : i32
      %dma_wait3A_27 = tpu.memref_slice %arg3[%arg1, %dma_wait3A_25, %dma_wait3A_26] : memref<16x125x80xi32, #tpu.memory_space<hbm>> -> memref<1x125x80xi32, #tpu.memory_space<hbm>>
      %dma_wait3A_28 = tpu.memref_squeeze %dma_wait3A_27 : memref<1x125x80xi32, #tpu.memory_space<hbm>> -> memref<125x80xi32, #tpu.memory_space<hbm>>
      tpu.wait_dma2 semaphore(%run_scoped3A : memref<!tpu.dma_semaphore, #tpu.memory_space<semaphore_mem>>) src(%dma_wait3A_28 : memref<125x80xi32, #tpu.memory_space<hbm>>) dst(%arg6 : memref<125x80xi32, #tpu.memory_space<vmem>>)
      tpu.yield
    }) : () -> ()
    %mul3A = arith.constant 10000 : i32
    %mul3A_0 = arith.muli %arg1, %mul3A : i32
    %eq3A = arith.constant 0 : i32
    %eq3A_1 = arith.cmpi eq, %arg0, %eq3A : i32
    %eq3A_2 = arith.constant 0 : i32
    %eq3A_3 = arith.cmpi eq, %arg1, %eq3A_2 : i32
    %and3A = arith.andi %eq3A_1, %eq3A_3 : i1
    %convert_element_type3A = arith.extui %and3A : i1 to i32
    %cond3A = arith.constant 0 : i32
    %cond3A_4 = arith.cmpi ne, %convert_element_type3A, %cond3A : i32
    scf.if %cond3A_4 {
      "tpu.region"() ({
        %run_scoped3A = tpu.sem_alloc : memref<!tpu.dma_semaphore, #tpu.memory_space<semaphore_mem>>
        tpu.enqueue_dma source(%arg4 : memref<10000x128xf32, #tpu.memory_space<hbm>>) target(%arg8 : memref<10000x128xf32, #tpu.memory_space<vmem_shared>>) target_semaphore(%run_scoped3A : memref<!tpu.dma_semaphore, #tpu.memory_space<semaphore_mem>>)
        tpu.wait_dma2 semaphore(%run_scoped3A : memref<!tpu.dma_semaphore, #tpu.memory_space<semaphore_mem>>) src(%arg4 : memref<10000x128xf32, #tpu.memory_space<hbm>>) dst(%arg8 : memref<10000x128xf32, #tpu.memory_space<vmem_shared>>)
        tpu.yield
      }) : () -> ()
    } else {
    }
    %barrier3A = arith.constant 0 : index
    tpu.barrier barrier_id(%barrier3A)
    %convert_element_type3A_5 = arith.extui %eq3A_1 : i1 to i32
    %cond3A_6 = arith.constant 0 : i32
    %cond3A_7 = arith.cmpi ne, %convert_element_type3A_5, %cond3A_6 : i32
    scf.if %cond3A_7 {
      %scan3A = arith.constant 0 : i32
      %scan3A_15 = arith.constant 0 : i32
      %scan3A_16 = arith.constant 125 : i32
      %scan3A_17 = arith.addi %scan3A_15, %scan3A_16 : i32
      %scan3A_18 = arith.constant 1 : i32
      scf.for %scan3A_20 = %scan3A_15 to %scan3A_17 step %scan3A_18  : i32 {
        %mul3A_21 = arith.constant 80 : i32
        %mul3A_22 = arith.muli %scan3A_20, %mul3A_21 : i32
        %add3A = arith.addi %mul3A_0, %mul3A_22 : i32
        "tpu.region"() ({
          %run_scoped3A = tpu.sem_alloc : memref<!tpu.dma_semaphore, #tpu.memory_space<semaphore_mem>>
          %dma_start3A = arith.constant 0 : i32
          %dma_start3A_23 = tpu.memref_slice %arg2[%add3A, %dma_start3A] : memref<160000x128xf32, #tpu.memory_space<hbm>> -> memref<80x128xf32, #tpu.memory_space<hbm>>
          %dma_start3A_24 = arith.constant 0 : i32
          %dma_start3A_25 = tpu.memref_slice %arg2[%add3A, %dma_start3A_24] : memref<160000x128xf32, #tpu.memory_space<hbm>> -> memref<80x128xf32, #tpu.memory_space<hbm>>
          tpu.enqueue_dma source(%dma_start3A_25 : memref<80x128xf32, #tpu.memory_space<hbm>>) target(%arg7 : memref<80x128xf32, #tpu.memory_space<vmem>>) target_semaphore(%run_scoped3A : memref<!tpu.dma_semaphore, #tpu.memory_space<semaphore_mem>>)
          %dma_wait3A = arith.constant 0 : i32
          %dma_wait3A_26 = tpu.memref_slice %arg2[%add3A, %dma_wait3A] : memref<160000x128xf32, #tpu.memory_space<hbm>> -> memref<80x128xf32, #tpu.memory_space<hbm>>
          %dma_wait3A_27 = arith.constant 0 : i32
          %dma_wait3A_28 = tpu.memref_slice %arg2[%add3A, %dma_wait3A_27] : memref<160000x128xf32, #tpu.memory_space<hbm>> -> memref<80x128xf32, #tpu.memory_space<hbm>>
          tpu.wait_dma2 semaphore(%run_scoped3A : memref<!tpu.dma_semaphore, #tpu.memory_space<semaphore_mem>>) src(%dma_wait3A_28 : memref<80x128xf32, #tpu.memory_space<hbm>>) dst(%arg7 : memref<80x128xf32, #tpu.memory_space<vmem>>)
          tpu.yield
        }) : () -> ()
        "tpu.region"() ({
          %run_scoped3A = tpu.sem_alloc : memref<!tpu.dma_semaphore, #tpu.memory_space<semaphore_mem>>
          %dma_start3A = arith.constant 0 : i32
          %dma_start3A_23 = tpu.memref_slice %arg6[%scan3A_20, %dma_start3A] : memref<125x80xi32, #tpu.memory_space<vmem>> -> memref<1x80xi32, #tpu.memory_space<vmem>>
          %dma_start3A_24 = tpu.memref_squeeze %dma_start3A_23 : memref<1x80xi32, #tpu.memory_space<vmem>> -> memref<80xi32, #tpu.memory_space<vmem>>
          %dma_start3A_25 = arith.constant 0 : i32
          %dma_start3A_26 = arith.constant 0 : i32
          %dma_start3A_27 = tpu.memref_slice %arg8[%dma_start3A_25, %dma_start3A_26] : memref<10000x128xf32, #tpu.memory_space<vmem_shared>> -> memref<10000x128xf32, #tpu.memory_space<vmem_shared>>
          tpu.enqueue_indirect_dma source(%arg7 : memref<80x128xf32, #tpu.memory_space<vmem>>) target(%dma_start3A_27 : memref<10000x128xf32, #tpu.memory_space<vmem_shared>>) offsets(%dma_start3A_24 : memref<80xi32, #tpu.memory_space<vmem>>) semaphore(%run_scoped3A : memref<!tpu.dma_semaphore, #tpu.memory_space<semaphore_mem>>) {add = true}
          %dma_wait3A = arith.constant 0 : i32
          %dma_wait3A_28 = tpu.memref_slice %arg6[%scan3A_20, %dma_wait3A] : memref<125x80xi32, #tpu.memory_space<vmem>> -> memref<1x80xi32, #tpu.memory_space<vmem>>
          %dma_wait3A_29 = tpu.memref_squeeze %dma_wait3A_28 : memref<1x80xi32, #tpu.memory_space<vmem>> -> memref<80xi32, #tpu.memory_space<vmem>>
          %dma_wait3A_30 = arith.constant 0 : i32
          %dma_wait3A_31 = arith.constant 0 : i32
          %dma_wait3A_32 = tpu.memref_slice %arg8[%dma_wait3A_30, %dma_wait3A_31] : memref<10000x128xf32, #tpu.memory_space<vmem_shared>> -> memref<10000x128xf32, #tpu.memory_space<vmem_shared>>
          tpu.wait_indirect_dma semaphore(%run_scoped3A : memref<!tpu.dma_semaphore, #tpu.memory_space<semaphore_mem>>) src(%arg7 : memref<80x128xf32, #tpu.memory_space<vmem>>) dst(%dma_wait3A_32 : memref<10000x128xf32, #tpu.memory_space<vmem_shared>>)
          tpu.yield
        }) : () -> ()
      }
      %scan3A_19 = arith.constant 125 : i32
    } else {
    }
    %barrier3A_8 = arith.constant 0 : index
    tpu.barrier barrier_id(%barrier3A_8)
    %eq3A_9 = arith.constant 0 : i32
    %eq3A_10 = arith.cmpi eq, %arg1, %eq3A_9 : i32
    %and3A_11 = arith.andi %eq3A_1, %eq3A_10 : i1
    %convert_element_type3A_12 = arith.extui %and3A_11 : i1 to i32
    %cond3A_13 = arith.constant 0 : i32
    %cond3A_14 = arith.cmpi ne, %convert_element_type3A_12, %cond3A_13 : i32
    scf.if %cond3A_14 {
      "tpu.region"() ({
        %run_scoped3A = tpu.sem_alloc : memref<!tpu.dma_semaphore, #tpu.memory_space<semaphore_mem>>
        %dma_start3A = arith.constant 0 : i32
        %dma_start3A_15 = arith.constant 0 : i32
        %dma_start3A_16 = tpu.memref_slice %arg5[%dma_start3A, %dma_start3A_15] : memref<10000x128xf32, #tpu.memory_space<hbm>> -> memref<10000x128xf32, #tpu.memory_space<hbm>>
        tpu.enqueue_dma source(%arg8 : memref<10000x128xf32, #tpu.memory_space<vmem_shared>>) target(%dma_start3A_16 : memref<10000x128xf32, #tpu.memory_space<hbm>>) target_semaphore(%run_scoped3A : memref<!tpu.dma_semaphore, #tpu.memory_space<semaphore_mem>>)
        %dma_wait3A = arith.constant 0 : i32
        %dma_wait3A_17 = arith.constant 0 : i32
        %dma_wait3A_18 = tpu.memref_slice %arg5[%dma_wait3A, %dma_wait3A_17] : memref<10000x128xf32, #tpu.memory_space<hbm>> -> memref<10000x128xf32, #tpu.memory_space<hbm>>
        tpu.wait_dma2 semaphore(%run_scoped3A : memref<!tpu.dma_semaphore, #tpu.memory_space<semaphore_mem>>) src(%arg8 : memref<10000x128xf32, #tpu.memory_space<vmem_shared>>) dst(%dma_wait3A_18 : memref<10000x128xf32, #tpu.memory_space<hbm>>)
        tpu.yield
      }) : () -> ()
    } else {
    }
    return
  }
}

module attributes {stable_mosaic.version = 14 : i64} {
  func.func @_e1_body(%arg0: i32, %arg1: memref<640x3xf32, #tpu.memory_space<vmem>>, %arg2: memref<640x3xf32, #tpu.memory_space<vmem>>, %arg3: memref<640x128xf32, #tpu.memory_space<vmem>>, %arg4: memref<1x96xf32, #tpu.memory_space<vmem>>, %arg5: memref<96x128xf32, #tpu.memory_space<vmem>>, %arg6: memref<1x128xf32, #tpu.memory_space<vmem>>, %arg7: memref<128x128xf32, #tpu.memory_space<vmem>>, %arg8: memref<1x128xf32, #tpu.memory_space<vmem>>, %arg9: memref<640x96xf32, #tpu.memory_space<vmem>>, %arg10: memref<640x128xf32, #tpu.memory_space<vmem>>, %arg11: memref<640x1xf32, #tpu.memory_space<vmem>>, %arg12: memref<640x9xf32, #tpu.memory_space<vmem>>, %arg13: memref<640x128xf32, #tpu.memory_space<vmem>>, %arg14: memref<640x3xf32, #tpu.memory_space<vmem>>) attributes {dimension_semantics = [#tpu.dimension_semantics<arbitrary>], iteration_bounds = array<i64: 250>, scalar_prefetch = 0 : i64, scratch_operands = 0 : i64, tpu.core_type = #tpu.core_type<tc>, window_params = [{transform_indices = @transform_0, window_bounds = array<i64: 640, 3>}, {transform_indices = @transform_1, window_bounds = array<i64: 640, 3>}, {transform_indices = @transform_2, window_bounds = array<i64: 640, 128>}, {pipeline_mode = #tpu.pipeline_mode<synchronous>, transform_indices = @transform_3, window_bounds = array<i64: 1, 96>}, {pipeline_mode = #tpu.pipeline_mode<synchronous>, transform_indices = @transform_4, window_bounds = array<i64: 96, 128>}, {pipeline_mode = #tpu.pipeline_mode<synchronous>, transform_indices = @transform_5, window_bounds = array<i64: 1, 128>}, {pipeline_mode = #tpu.pipeline_mode<synchronous>, transform_indices = @transform_6, window_bounds = array<i64: 128, 128>}, {pipeline_mode = #tpu.pipeline_mode<synchronous>, transform_indices = @transform_7, window_bounds = array<i64: 1, 128>}, {transform_indices = @transform_8, window_bounds = array<i64: 640, 96>}, {transform_indices = @transform_9, window_bounds = array<i64: 640, 128>}, {transform_indices = @transform_10, window_bounds = array<i64: 640, 1>}, {transform_indices = @transform_11, window_bounds = array<i64: 640, 9>}, {transform_indices = @transform_12, window_bounds = array<i64: 640, 128>}, {transform_indices = @transform_13, window_bounds = array<i64: 640, 3>}]} {
    %get3A = arith.constant 0 : index
    %get3A_0 = arith.constant 0 : index
    %get3A_1 = vector.load %arg1[%get3A, %get3A_0] : memref<640x3xf32, #tpu.memory_space<vmem>>, vector<640x3xf32>
    %get3A_2 = arith.constant 0 : index
    %get3A_3 = arith.constant 0 : index
    %get3A_4 = vector.load %arg2[%get3A_2, %get3A_3] : memref<640x3xf32, #tpu.memory_space<vmem>>, vector<640x3xf32>
    %sub3A = arith.subf %get3A_1, %get3A_4 : vector<640x3xf32>
    %mul3A = arith.mulf %sub3A, %sub3A : vector<640x3xf32>
    %reduce_sum3A = arith.constant dense<0.000000e+00> : vector<640xf32>
    %reduce_sum3A_5 = vector.multi_reduction <add>, %mul3A, %reduce_sum3A [1] : vector<640x3xf32> to vector<640xf32>
    %broadcast_in_dim3A = vector.shape_cast %reduce_sum3A_5 : vector<640xf32> to vector<640x1xf32>
    %add3A = arith.constant 9.99999996E-13 : f32
    %add3A_6 = vector.broadcast %add3A : f32 to vector<640x1xf32>
    %add3A_7 = arith.addf %broadcast_in_dim3A, %add3A_6 : vector<640x1xf32>
    %sqrt3A = math.sqrt %add3A_7 : vector<640x1xf32>
    %mul3A_8 = arith.constant 0.628318548 : f32
    %mul3A_9 = vector.broadcast %mul3A_8 : f32 to vector<640x1xf32>
    %mul3A_10 = arith.mulf %sqrt3A, %mul3A_9 : vector<640x1xf32>
    %cos3A = math.cos %mul3A_10 : vector<640x1xf32>
    %add3A_11 = arith.constant 1.000000e+00 : f32
    %add3A_12 = vector.broadcast %add3A_11 : f32 to vector<640x1xf32>
    %add3A_13 = arith.addf %cos3A, %add3A_12 : vector<640x1xf32>
    %mul3A_14 = arith.constant 5.000000e-01 : f32
    %mul3A_15 = vector.broadcast %mul3A_14 : f32 to vector<640x1xf32>
    %mul3A_16 = arith.mulf %mul3A_15, %add3A_13 : vector<640x1xf32>
    %lt3A = arith.constant 5.000000e+00 : f32
    %lt3A_17 = vector.broadcast %lt3A : f32 to vector<640x1xf32>
    %lt3A_18 = arith.cmpf olt, %sqrt3A, %lt3A_17 : vector<640x1xf32>
    %convert_element_type3A = arith.extui %lt3A_18 : vector<640x1xi1> to vector<640x1xi32>
    %convert_element_type3A_19 = arith.sitofp %convert_element_type3A : vector<640x1xi32> to vector<640x1xf32>
    %mul3A_20 = arith.mulf %mul3A_16, %convert_element_type3A_19 : vector<640x1xf32>
    %neg3A = arith.constant 0.000000e+00 : f32
    %neg3A_21 = vector.broadcast %neg3A : f32 to vector<640x1xf32>
    %neg3A_22 = arith.subf %neg3A_21, %sqrt3A : vector<640x1xf32>
    %exp3A = math.exp %neg3A_22 : vector<640x1xf32>
    %get3A_23 = arith.constant 0 : index
    %get3A_24 = arith.constant 0 : index
    %get3A_25 = vector.load %arg4[%get3A_23, %get3A_24] : memref<1x96xf32, #tpu.memory_space<vmem>>, vector<1x96xf32>
    %sub3A_26 = vector.broadcast %exp3A : vector<640x1xf32> to vector<640x96xf32>
    %sub3A_27 = vector.broadcast %get3A_25 : vector<1x96xf32> to vector<640x96xf32>
    %sub3A_28 = arith.subf %sub3A_26, %sub3A_27 : vector<640x96xf32>
    %mul3A_29 = arith.constant -2335.36499 : f32
    %mul3A_30 = vector.broadcast %mul3A_29 : f32 to vector<640x96xf32>
    %mul3A_31 = arith.mulf %mul3A_30, %sub3A_28 : vector<640x96xf32>
    %mul3A_32 = arith.mulf %mul3A_31, %sub3A_28 : vector<640x96xf32>
    %exp3A_33 = math.exp %mul3A_32 : vector<640x96xf32>
    %mul3A_34 = vector.broadcast %mul3A_20 : vector<640x1xf32> to vector<640x96xf32>
    %mul3A_35 = arith.mulf %mul3A_34, %exp3A_33 : vector<640x96xf32>
    %get3A_36 = arith.constant 0 : index
    %get3A_37 = arith.constant 0 : index
    %get3A_38 = vector.load %arg5[%get3A_36, %get3A_37] : memref<96x128xf32, #tpu.memory_space<vmem>>, vector<96x128xf32>
    %dot_general3A = arith.constant dense<0.000000e+00> : vector<640x128xf32>
    %dot_general3A_39 = tpu.matmul %mul3A_35, %get3A_38, %dot_general3A {dimension_numbers = #tpu.dot_dimension_numbers<[1], [0], [0], [1], [0, 0, 1, 1], [], []>, transpose_lhs_hint = false} : vector<640x96xf32>, vector<96x128xf32>, vector<640x128xf32> -> vector<640x128xf32>
    %get3A_40 = arith.constant 0 : index
    %get3A_41 = arith.constant 0 : index
    %get3A_42 = vector.load %arg6[%get3A_40, %get3A_41] : memref<1x128xf32, #tpu.memory_space<vmem>>, vector<1x128xf32>
    %add3A_43 = vector.broadcast %get3A_42 : vector<1x128xf32> to vector<640x128xf32>
    %add3A_44 = arith.addf %dot_general3A_39, %add3A_43 : vector<640x128xf32>
    %logistic3A = arith.negf %add3A_44 : vector<640x128xf32>
    %logistic3A_45 = math.exp %logistic3A : vector<640x128xf32>
    %logistic3A_46 = arith.constant 1.000000e+00 : f32
    %logistic3A_47 = vector.broadcast %logistic3A_46 : f32 to vector<640x128xf32>
    %logistic3A_48 = arith.addf %logistic3A_47, %logistic3A_45 : vector<640x128xf32>
    %logistic3A_49 = arith.divf %logistic3A_47, %logistic3A_48 : vector<640x128xf32>
    %mul3A_50 = arith.mulf %add3A_44, %logistic3A_49 : vector<640x128xf32>
    %get3A_51 = arith.constant 0 : index
    %get3A_52 = arith.constant 0 : index
    %get3A_53 = vector.load %arg7[%get3A_51, %get3A_52] : memref<128x128xf32, #tpu.memory_space<vmem>>, vector<128x128xf32>
    %dot_general3A_54 = arith.constant dense<0.000000e+00> : vector<640x128xf32>
    %dot_general3A_55 = tpu.matmul %mul3A_50, %get3A_53, %dot_general3A_54 {dimension_numbers = #tpu.dot_dimension_numbers<[1], [0], [0], [1], [0, 0, 1, 1], [], []>, transpose_lhs_hint = false} : vector<640x128xf32>, vector<128x128xf32>, vector<640x128xf32> -> vector<640x128xf32>
    %get3A_56 = arith.constant 0 : index
    %get3A_57 = arith.constant 0 : index
    %get3A_58 = vector.load %arg8[%get3A_56, %get3A_57] : memref<1x128xf32, #tpu.memory_space<vmem>>, vector<1x128xf32>
    %add3A_59 = vector.broadcast %get3A_58 : vector<1x128xf32> to vector<640x128xf32>
    %add3A_60 = arith.addf %dot_general3A_55, %add3A_59 : vector<640x128xf32>
    %mul3A_61 = vector.broadcast %mul3A_16 : vector<640x1xf32> to vector<640x128xf32>
    %mul3A_62 = arith.mulf %add3A_60, %mul3A_61 : vector<640x128xf32>
    %mul3A_63 = arith.mulf %sub3A, %sub3A : vector<640x3xf32>
    %reduce_sum3A_64 = arith.constant dense<0.000000e+00> : vector<640xf32>
    %reduce_sum3A_65 = vector.multi_reduction <add>, %mul3A_63, %reduce_sum3A_64 [1] : vector<640x3xf32> to vector<640xf32>
    %broadcast_in_dim3A_66 = vector.shape_cast %reduce_sum3A_65 : vector<640xf32> to vector<640x1xf32>
    %sqrt3A_67 = math.sqrt %broadcast_in_dim3A_66 : vector<640x1xf32>
    %gt3A = arith.constant 0.000000e+00 : f32
    %gt3A_68 = vector.broadcast %gt3A : f32 to vector<640x1xf32>
    %gt3A_69 = arith.cmpf ogt, %sqrt3A_67, %gt3A_68 : vector<640x1xf32>
    %jit3A = arith.constant 1.000000e+00 : f32
    %broadcast_in_dim3A_70 = vector.broadcast %jit3A : f32 to vector<640x1xf32>
    %select_n3A = arith.select %gt3A_69, %sqrt3A_67, %broadcast_in_dim3A_70 : vector<640x1xi1>, vector<640x1xf32>
    %div3A = vector.broadcast %select_n3A : vector<640x1xf32> to vector<640x3xf32>
    %div3A_71 = arith.divf %sub3A, %div3A : vector<640x3xf32>
    %jit3A_72 = arith.constant 0.000000e+00 : f32
    %broadcast_in_dim3A_73 = vector.shape_cast %gt3A_69 : vector<640x1xi1> to vector<640x1xi1>
    %broadcast_in_dim3A_74 = vector.broadcast %broadcast_in_dim3A_73 : vector<640x1xi1> to vector<640x3xi1>
    %broadcast_in_dim3A_75 = vector.broadcast %jit3A_72 : f32 to vector<640x3xf32>
    %select_n3A_76 = arith.select %broadcast_in_dim3A_74, %div3A_71, %broadcast_in_dim3A_75 : vector<640x3xi1>, vector<640x3xf32>
    %slice3A = vector.extract_strided_slice %get3A_1 {offsets = [0, 0], sizes = [640, 1], strides = [1, 1]} : vector<640x3xf32> to vector<640x1xf32>
    %slice3A_77 = vector.extract_strided_slice %get3A_1 {offsets = [0, 1], sizes = [640, 1], strides = [1, 1]} : vector<640x3xf32> to vector<640x1xf32>
    %slice3A_78 = vector.extract_strided_slice %get3A_1 {offsets = [0, 2], sizes = [640, 1], strides = [1, 1]} : vector<640x3xf32> to vector<640x1xf32>
    %slice3A_79 = vector.extract_strided_slice %get3A_4 {offsets = [0, 0], sizes = [640, 1], strides = [1, 1]} : vector<640x3xf32> to vector<640x1xf32>
    %slice3A_80 = vector.extract_strided_slice %get3A_4 {offsets = [0, 1], sizes = [640, 1], strides = [1, 1]} : vector<640x3xf32> to vector<640x1xf32>
    %slice3A_81 = vector.extract_strided_slice %get3A_4 {offsets = [0, 2], sizes = [640, 1], strides = [1, 1]} : vector<640x3xf32> to vector<640x1xf32>
    %mul3A_82 = arith.mulf %slice3A_77, %slice3A_81 : vector<640x1xf32>
    %mul3A_83 = arith.mulf %slice3A_78, %slice3A_80 : vector<640x1xf32>
    %sub3A_84 = arith.subf %mul3A_82, %mul3A_83 : vector<640x1xf32>
    %mul3A_85 = arith.mulf %slice3A_78, %slice3A_79 : vector<640x1xf32>
    %mul3A_86 = arith.mulf %slice3A, %slice3A_81 : vector<640x1xf32>
    %sub3A_87 = arith.subf %mul3A_85, %mul3A_86 : vector<640x1xf32>
    %mul3A_88 = arith.mulf %slice3A, %slice3A_80 : vector<640x1xf32>
    %mul3A_89 = arith.mulf %slice3A_77, %slice3A_79 : vector<640x1xf32>
    %sub3A_90 = arith.subf %mul3A_88, %mul3A_89 : vector<640x1xf32>
    %concatenate3A = tpu.concatenate %sub3A_84, %sub3A_87, %sub3A_90 in 1 : vector<640x1xf32>, vector<640x1xf32>, vector<640x1xf32> -> vector<640x3xf32>
    %mul3A_91 = arith.mulf %concatenate3A, %concatenate3A : vector<640x3xf32>
    %reduce_sum3A_92 = arith.constant dense<0.000000e+00> : vector<640xf32>
    %reduce_sum3A_93 = vector.multi_reduction <add>, %mul3A_91, %reduce_sum3A_92 [1] : vector<640x3xf32> to vector<640xf32>
    %broadcast_in_dim3A_94 = vector.shape_cast %reduce_sum3A_93 : vector<640xf32> to vector<640x1xf32>
    %sqrt3A_95 = math.sqrt %broadcast_in_dim3A_94 : vector<640x1xf32>
    %gt3A_96 = arith.constant 0.000000e+00 : f32
    %gt3A_97 = vector.broadcast %gt3A_96 : f32 to vector<640x1xf32>
    %gt3A_98 = arith.cmpf ogt, %sqrt3A_95, %gt3A_97 : vector<640x1xf32>
    %jit3A_99 = arith.constant 1.000000e+00 : f32
    %broadcast_in_dim3A_100 = vector.broadcast %jit3A_99 : f32 to vector<640x1xf32>
    %select_n3A_101 = arith.select %gt3A_98, %sqrt3A_95, %broadcast_in_dim3A_100 : vector<640x1xi1>, vector<640x1xf32>
    %div3A_102 = vector.broadcast %select_n3A_101 : vector<640x1xf32> to vector<640x3xf32>
    %div3A_103 = arith.divf %concatenate3A, %div3A_102 : vector<640x3xf32>
    %jit3A_104 = arith.constant 0.000000e+00 : f32
    %broadcast_in_dim3A_105 = vector.shape_cast %gt3A_98 : vector<640x1xi1> to vector<640x1xi1>
    %broadcast_in_dim3A_106 = vector.broadcast %broadcast_in_dim3A_105 : vector<640x1xi1> to vector<640x3xi1>
    %broadcast_in_dim3A_107 = vector.broadcast %jit3A_104 : f32 to vector<640x3xf32>
    %select_n3A_108 = arith.select %broadcast_in_dim3A_106, %div3A_103, %broadcast_in_dim3A_107 : vector<640x3xi1>, vector<640x3xf32>
    %slice3A_109 = vector.extract_strided_slice %select_n3A_76 {offsets = [0, 0], sizes = [640, 1], strides = [1, 1]} : vector<640x3xf32> to vector<640x1xf32>
    %slice3A_110 = vector.extract_strided_slice %select_n3A_76 {offsets = [0, 1], sizes = [640, 1], strides = [1, 1]} : vector<640x3xf32> to vector<640x1xf32>
    %slice3A_111 = vector.extract_strided_slice %select_n3A_76 {offsets = [0, 2], sizes = [640, 1], strides = [1, 1]} : vector<640x3xf32> to vector<640x1xf32>
    %slice3A_112 = vector.extract_strided_slice %select_n3A_108 {offsets = [0, 0], sizes = [640, 1], strides = [1, 1]} : vector<640x3xf32> to vector<640x1xf32>
    %slice3A_113 = vector.extract_strided_slice %select_n3A_108 {offsets = [0, 1], sizes = [640, 1], strides = [1, 1]} : vector<640x3xf32> to vector<640x1xf32>
    %slice3A_114 = vector.extract_strided_slice %select_n3A_108 {offsets = [0, 2], sizes = [640, 1], strides = [1, 1]} : vector<640x3xf32> to vector<640x1xf32>
    %mul3A_115 = arith.mulf %slice3A_110, %slice3A_114 : vector<640x1xf32>
    %mul3A_116 = arith.mulf %slice3A_111, %slice3A_113 : vector<640x1xf32>
    %sub3A_117 = arith.subf %mul3A_115, %mul3A_116 : vector<640x1xf32>
    %mul3A_118 = arith.mulf %slice3A_111, %slice3A_112 : vector<640x1xf32>
    %mul3A_119 = arith.mulf %slice3A_109, %slice3A_114 : vector<640x1xf32>
    %sub3A_120 = arith.subf %mul3A_118, %mul3A_119 : vector<640x1xf32>
    %mul3A_121 = arith.mulf %slice3A_109, %slice3A_113 : vector<640x1xf32>
    %mul3A_122 = arith.mulf %slice3A_110, %slice3A_112 : vector<640x1xf32>
    %sub3A_123 = arith.subf %mul3A_121, %mul3A_122 : vector<640x1xf32>
    %concatenate3A_124 = tpu.concatenate %sub3A_117, %sub3A_120, %sub3A_123 in 1 : vector<640x1xf32>, vector<640x1xf32>, vector<640x1xf32> -> vector<640x3xf32>
    %slice3A_125 = vector.extract_strided_slice %select_n3A_76 {offsets = [0, 0], sizes = [640, 1], strides = [1, 1]} : vector<640x3xf32> to vector<640x1xf32>
    %slice3A_126 = vector.extract_strided_slice %select_n3A_108 {offsets = [0, 0], sizes = [640, 1], strides = [1, 1]} : vector<640x3xf32> to vector<640x1xf32>
    %slice3A_127 = vector.extract_strided_slice %concatenate3A_124 {offsets = [0, 0], sizes = [640, 1], strides = [1, 1]} : vector<640x3xf32> to vector<640x1xf32>
    %slice3A_128 = vector.extract_strided_slice %select_n3A_76 {offsets = [0, 1], sizes = [640, 1], strides = [1, 1]} : vector<640x3xf32> to vector<640x1xf32>
    %slice3A_129 = vector.extract_strided_slice %select_n3A_108 {offsets = [0, 1], sizes = [640, 1], strides = [1, 1]} : vector<640x3xf32> to vector<640x1xf32>
    %slice3A_130 = vector.extract_strided_slice %concatenate3A_124 {offsets = [0, 1], sizes = [640, 1], strides = [1, 1]} : vector<640x3xf32> to vector<640x1xf32>
    %slice3A_131 = vector.extract_strided_slice %select_n3A_76 {offsets = [0, 2], sizes = [640, 1], strides = [1, 1]} : vector<640x3xf32> to vector<640x1xf32>
    %slice3A_132 = vector.extract_strided_slice %select_n3A_108 {offsets = [0, 2], sizes = [640, 1], strides = [1, 1]} : vector<640x3xf32> to vector<640x1xf32>
    %slice3A_133 = vector.extract_strided_slice %concatenate3A_124 {offsets = [0, 2], sizes = [640, 1], strides = [1, 1]} : vector<640x3xf32> to vector<640x1xf32>
    %swap3A = arith.constant 0 : index
    %swap3A_134 = arith.constant 0 : index
    %swap3A_135 = vector.load %arg9[%swap3A, %swap3A_134] : memref<640x96xf32, #tpu.memory_space<vmem>>, vector<640x96xf32>
    tpu.vector_store %arg9[%swap3A, %swap3A_134], %mul3A_35 {strides = array<i32>} : memref<640x96xf32, #tpu.memory_space<vmem>>, vector<640x96xf32>,
    %swap3A_136 = arith.constant 0 : index
    %swap3A_137 = arith.constant 0 : index
    %swap3A_138 = vector.load %arg10[%swap3A_136, %swap3A_137] : memref<640x128xf32, #tpu.memory_space<vmem>>, vector<640x128xf32>
    tpu.vector_store %arg10[%swap3A_136, %swap3A_137], %mul3A_62 {strides = array<i32>} : memref<640x128xf32, #tpu.memory_space<vmem>>, vector<640x128xf32>,
    %swap3A_139 = arith.constant 0 : index
    %swap3A_140 = arith.constant 0 : index
    %swap3A_141 = vector.load %arg11[%swap3A_139, %swap3A_140] : memref<640x1xf32, #tpu.memory_space<vmem>>, vector<640x1xf32>
    tpu.vector_store %arg11[%swap3A_139, %swap3A_140], %mul3A_16 {strides = array<i32>} : memref<640x1xf32, #tpu.memory_space<vmem>>, vector<640x1xf32>,
    %concatenate3A_142 = tpu.concatenate %slice3A_125, %slice3A_126, %slice3A_127, %slice3A_128, %slice3A_129, %slice3A_130, %slice3A_131, %slice3A_132, %slice3A_133 in 1 : vector<640x1xf32>, vector<640x1xf32>, vector<640x1xf32>, vector<640x1xf32>, vector<640x1xf32>, vector<640x1xf32>, vector<640x1xf32>, vector<640x1xf32>, vector<640x1xf32> -> vector<640x9xf32>
    %swap3A_143 = arith.constant 0 : index
    %swap3A_144 = arith.constant 0 : index
    %swap3A_145 = vector.load %arg12[%swap3A_143, %swap3A_144] : memref<640x9xf32, #tpu.memory_space<vmem>>, vector<640x9xf32>
    tpu.vector_store %arg12[%swap3A_143, %swap3A_144], %concatenate3A_142 {strides = array<i32>} : memref<640x9xf32, #tpu.memory_space<vmem>>, vector<640x9xf32>,
    %get3A_146 = arith.constant 0 : index
    %get3A_147 = arith.constant 0 : index
    %get3A_148 = vector.load %arg3[%get3A_146, %get3A_147] : memref<640x128xf32, #tpu.memory_space<vmem>>, vector<640x128xf32>
    %mul3A_149 = arith.mulf %mul3A_62, %get3A_148 : vector<640x128xf32>
    %swap3A_150 = arith.constant 0 : index
    %swap3A_151 = arith.constant 0 : index
    %swap3A_152 = vector.load %arg13[%swap3A_150, %swap3A_151] : memref<640x128xf32, #tpu.memory_space<vmem>>, vector<640x128xf32>
    tpu.vector_store %arg13[%swap3A_150, %swap3A_151], %mul3A_149 {strides = array<i32>} : memref<640x128xf32, #tpu.memory_space<vmem>>, vector<640x128xf32>,
    %swap3A_153 = arith.constant 0 : index
    %swap3A_154 = arith.constant 0 : index
    %swap3A_155 = vector.load %arg14[%swap3A_153, %swap3A_154] : memref<640x3xf32, #tpu.memory_space<vmem>>, vector<640x3xf32>
    tpu.vector_store %arg14[%swap3A_153, %swap3A_154], %select_n3A_76 {strides = array<i32>} : memref<640x3xf32, #tpu.memory_space<vmem>>, vector<640x3xf32>,
    return
  }
  func.func @transform_0(%arg0: i32) -> (i32, i32) {
    %c0_i32 = arith.constant 0 : i32
    %c0_i32_0 = arith.constant 0 : i32
    return %arg0, %c0_i32 : i32, i32
  }
  func.func @transform_1(%arg0: i32) -> (i32, i32) {
    %c0_i32 = arith.constant 0 : i32
    %c0_i32_0 = arith.constant 0 : i32
    return %arg0, %c0_i32 : i32, i32
  }
  func.func @transform_2(%arg0: i32) -> (i32, i32) {
    %c0_i32 = arith.constant 0 : i32
    %c0_i32_0 = arith.constant 0 : i32
    return %arg0, %c0_i32 : i32, i32
  }
  func.func @transform_3(%arg0: i32) -> (i32, i32) {
    %c0_i32 = arith.constant 0 : i32
    %c0_i32_0 = arith.constant 0 : i32
    %c0_i32_1 = arith.constant 0 : i32
    return %c0_i32, %c0_i32_0 : i32, i32
  }
  func.func @transform_4(%arg0: i32) -> (i32, i32) {
    %c0_i32 = arith.constant 0 : i32
    %c0_i32_0 = arith.constant 0 : i32
    %c0_i32_1 = arith.constant 0 : i32
    return %c0_i32, %c0_i32_0 : i32, i32
  }
  func.func @transform_5(%arg0: i32) -> (i32, i32) {
    %c0_i32 = arith.constant 0 : i32
    %c0_i32_0 = arith.constant 0 : i32
    %c0_i32_1 = arith.constant 0 : i32
    return %c0_i32, %c0_i32_0 : i32, i32
  }
  func.func @transform_6(%arg0: i32) -> (i32, i32) {
    %c0_i32 = arith.constant 0 : i32
    %c0_i32_0 = arith.constant 0 : i32
    %c0_i32_1 = arith.constant 0 : i32
    return %c0_i32, %c0_i32_0 : i32, i32
  }
  func.func @transform_7(%arg0: i32) -> (i32, i32) {
    %c0_i32 = arith.constant 0 : i32
    %c0_i32_0 = arith.constant 0 : i32
    %c0_i32_1 = arith.constant 0 : i32
    return %c0_i32, %c0_i32_0 : i32, i32
  }
  func.func @transform_8(%arg0: i32) -> (i32, i32) {
    %c0_i32 = arith.constant 0 : i32
    %c0_i32_0 = arith.constant 0 : i32
    return %arg0, %c0_i32 : i32, i32
  }
  func.func @transform_9(%arg0: i32) -> (i32, i32) {
    %c0_i32 = arith.constant 0 : i32
    %c0_i32_0 = arith.constant 0 : i32
    return %arg0, %c0_i32 : i32, i32
  }
  func.func @transform_10(%arg0: i32) -> (i32, i32) {
    %c0_i32 = arith.constant 0 : i32
    %c0_i32_0 = arith.constant 0 : i32
    return %arg0, %c0_i32 : i32, i32
  }
  func.func @transform_11(%arg0: i32) -> (i32, i32) {
    %c0_i32 = arith.constant 0 : i32
    %c0_i32_0 = arith.constant 0 : i32
    return %arg0, %c0_i32 : i32, i32
  }
  func.func @transform_12(%arg0: i32) -> (i32, i32) {
    %c0_i32 = arith.constant 0 : i32
    %c0_i32_0 = arith.constant 0 : i32
    return %arg0, %c0_i32 : i32, i32
  }
  func.func @transform_13(%arg0: i32) -> (i32, i32) {
    %c0_i32 = arith.constant 0 : i32
    %c0_i32_0 = arith.constant 0 : i32
    return %arg0, %c0_i32 : i32, i32
  }
}

module attributes {stable_mosaic.version = 14 : i64} {
  func.func @_slin_body(%arg0: i32, %arg1: memref<1000x128xf32, #tpu.memory_space<vmem>>, %arg2: memref<128x128xf32, #tpu.memory_space<vmem>>, %arg3: memref<1x128xf32, #tpu.memory_space<vmem>>, %arg4: memref<1000x128xf32, #tpu.memory_space<vmem>>) attributes {dimension_semantics = [#tpu.dimension_semantics<arbitrary>], iteration_bounds = array<i64: 10>, scalar_prefetch = 0 : i64, scratch_operands = 0 : i64, tpu.core_type = #tpu.core_type<tc>, window_params = [{transform_indices = @transform_0, window_bounds = array<i64: 1000, 128>}, {pipeline_mode = #tpu.pipeline_mode<synchronous>, transform_indices = @transform_1, window_bounds = array<i64: 128, 128>}, {pipeline_mode = #tpu.pipeline_mode<synchronous>, transform_indices = @transform_2, window_bounds = array<i64: 1, 128>}, {transform_indices = @transform_3, window_bounds = array<i64: 1000, 128>}]} {
    %get3A = arith.constant 0 : index
    %get3A_0 = arith.constant 0 : index
    %get3A_1 = vector.load %arg1[%get3A, %get3A_0] : memref<1000x128xf32, #tpu.memory_space<vmem>>, vector<1000x128xf32>
    %get3A_2 = arith.constant 0 : index
    %get3A_3 = arith.constant 0 : index
    %get3A_4 = vector.load %arg2[%get3A_2, %get3A_3] : memref<128x128xf32, #tpu.memory_space<vmem>>, vector<128x128xf32>
    %dot_general3A = arith.constant dense<0.000000e+00> : vector<1000x128xf32>
    %dot_general3A_5 = tpu.matmul %get3A_1, %get3A_4, %dot_general3A {dimension_numbers = #tpu.dot_dimension_numbers<[1], [0], [0], [1], [0, 0, 1, 1], [], []>, transpose_lhs_hint = false} : vector<1000x128xf32>, vector<128x128xf32>, vector<1000x128xf32> -> vector<1000x128xf32>
    %get3A_6 = arith.constant 0 : index
    %get3A_7 = arith.constant 0 : index
    %get3A_8 = vector.load %arg3[%get3A_6, %get3A_7] : memref<1x128xf32, #tpu.memory_space<vmem>>, vector<1x128xf32>
    %add3A = vector.broadcast %get3A_8 : vector<1x128xf32> to vector<1000x128xf32>
    %add3A_9 = arith.addf %dot_general3A_5, %add3A : vector<1000x128xf32>
    %logistic3A = arith.negf %add3A_9 : vector<1000x128xf32>
    %logistic3A_10 = math.exp %logistic3A : vector<1000x128xf32>
    %logistic3A_11 = arith.constant 1.000000e+00 : f32
    %logistic3A_12 = vector.broadcast %logistic3A_11 : f32 to vector<1000x128xf32>
    %logistic3A_13 = arith.addf %logistic3A_12, %logistic3A_10 : vector<1000x128xf32>
    %logistic3A_14 = arith.divf %logistic3A_12, %logistic3A_13 : vector<1000x128xf32>
    %mul3A = arith.mulf %add3A_9, %logistic3A_14 : vector<1000x128xf32>
    %swap3A = arith.constant 0 : index
    %swap3A_15 = arith.constant 0 : index
    %swap3A_16 = vector.load %arg4[%swap3A, %swap3A_15] : memref<1000x128xf32, #tpu.memory_space<vmem>>, vector<1000x128xf32>
    tpu.vector_store %arg4[%swap3A, %swap3A_15], %mul3A {strides = array<i32>} : memref<1000x128xf32, #tpu.memory_space<vmem>>, vector<1000x128xf32>,
    return
  }
  func.func @transform_0(%arg0: i32) -> (i32, i32) {
    %c0_i32 = arith.constant 0 : i32
    %c0_i32_0 = arith.constant 0 : i32
    return %arg0, %c0_i32 : i32, i32
  }
  func.func @transform_1(%arg0: i32) -> (i32, i32) {
    %c0_i32 = arith.constant 0 : i32
    %c0_i32_0 = arith.constant 0 : i32
    %c0_i32_1 = arith.constant 0 : i32
    return %c0_i32, %c0_i32_0 : i32, i32
  }
  func.func @transform_2(%arg0: i32) -> (i32, i32) {
    %c0_i32 = arith.constant 0 : i32
    %c0_i32_0 = arith.constant 0 : i32
    %c0_i32_1 = arith.constant 0 : i32
    return %c0_i32, %c0_i32_0 : i32, i32
  }
  func.func @transform_3(%arg0: i32) -> (i32, i32) {
    %c0_i32 = arith.constant 0 : i32
    %c0_i32_0 = arith.constant 0 : i32
    return %arg0, %c0_i32 : i32, i32
  }
}

module attributes {stable_mosaic.version = 14 : i64} {
  func.func @_esv_body(%arg0: i32, %arg1: memref<640x128xf32, #tpu.memory_space<vmem>>, %arg2: memref<640x3xf32, #tpu.memory_space<vmem>>, %arg3: memref<640x128xf32, #tpu.memory_space<vmem>>, %arg4: memref<640x384xf32, #tpu.memory_space<vmem>>) attributes {dimension_semantics = [#tpu.dimension_semantics<arbitrary>], iteration_bounds = array<i64: 250>, scalar_prefetch = 0 : i64, scratch_operands = 0 : i64, tpu.core_type = #tpu.core_type<tc>, window_params = [{transform_indices = @transform_0, window_bounds = array<i64: 640, 128>}, {transform_indices = @transform_1, window_bounds = array<i64: 640, 3>}, {transform_indices = @transform_2, window_bounds = array<i64: 640, 128>}, {transform_indices = @transform_3, window_bounds = array<i64: 640, 384>}]} {
    %get3A = arith.constant 0 : index
    %get3A_0 = arith.constant 0 : index
    %get3A_1 = vector.load %arg1[%get3A, %get3A_0] : memref<640x128xf32, #tpu.memory_space<vmem>>, vector<640x128xf32>
    %get3A_2 = arith.constant 0 : index
    %get3A_3 = arith.constant 0 : index
    %get3A_4 = vector.load %arg3[%get3A_2, %get3A_3] : memref<640x128xf32, #tpu.memory_space<vmem>>, vector<640x128xf32>
    %get3A_5 = arith.constant 0 : index
    %get3A_6 = arith.constant 0 : index
    %get3A_7 = vector.load %arg2[%get3A_5, %get3A_6] : memref<640x3xf32, #tpu.memory_space<vmem>>, vector<640x3xf32>
    %slice3A = vector.extract_strided_slice %get3A_7 {offsets = [0, 0], sizes = [640, 1], strides = [1, 1]} : vector<640x3xf32> to vector<640x1xf32>
    %mul3A = vector.broadcast %slice3A : vector<640x1xf32> to vector<640x128xf32>
    %mul3A_8 = arith.mulf %get3A_1, %mul3A : vector<640x128xf32>
    %mul3A_9 = arith.mulf %mul3A_8, %get3A_4 : vector<640x128xf32>
    %slice3A_10 = vector.extract_strided_slice %get3A_7 {offsets = [0, 1], sizes = [640, 1], strides = [1, 1]} : vector<640x3xf32> to vector<640x1xf32>
    %mul3A_11 = vector.broadcast %slice3A_10 : vector<640x1xf32> to vector<640x128xf32>
    %mul3A_12 = arith.mulf %get3A_1, %mul3A_11 : vector<640x128xf32>
    %mul3A_13 = arith.mulf %mul3A_12, %get3A_4 : vector<640x128xf32>
    %slice3A_14 = vector.extract_strided_slice %get3A_7 {offsets = [0, 2], sizes = [640, 1], strides = [1, 1]} : vector<640x3xf32> to vector<640x1xf32>
    %mul3A_15 = vector.broadcast %slice3A_14 : vector<640x1xf32> to vector<640x128xf32>
    %mul3A_16 = arith.mulf %get3A_1, %mul3A_15 : vector<640x128xf32>
    %mul3A_17 = arith.mulf %mul3A_16, %get3A_4 : vector<640x128xf32>
    %concatenate3A = tpu.concatenate %mul3A_9, %mul3A_13, %mul3A_17 in 1 : vector<640x128xf32>, vector<640x128xf32>, vector<640x128xf32> -> vector<640x384xf32>
    %swap3A = arith.constant 0 : index
    %swap3A_18 = arith.constant 0 : index
    %swap3A_19 = vector.load %arg4[%swap3A, %swap3A_18] : memref<640x384xf32, #tpu.memory_space<vmem>>, vector<640x384xf32>
    tpu.vector_store %arg4[%swap3A, %swap3A_18], %concatenate3A {strides = array<i32>} : memref<640x384xf32, #tpu.memory_space<vmem>>, vector<640x384xf32>,
    return
  }
  func.func @transform_0(%arg0: i32) -> (i32, i32) {
    %c0_i32 = arith.constant 0 : i32
    %c0_i32_0 = arith.constant 0 : i32
    return %arg0, %c0_i32 : i32, i32
  }
  func.func @transform_1(%arg0: i32) -> (i32, i32) {
    %c0_i32 = arith.constant 0 : i32
    %c0_i32_0 = arith.constant 0 : i32
    return %arg0, %c0_i32 : i32, i32
  }
  func.func @transform_2(%arg0: i32) -> (i32, i32) {
    %c0_i32 = arith.constant 0 : i32
    %c0_i32_0 = arith.constant 0 : i32
    return %arg0, %c0_i32 : i32, i32
  }
  func.func @transform_3(%arg0: i32) -> (i32, i32) {
    %c0_i32 = arith.constant 0 : i32
    %c0_i32_0 = arith.constant 0 : i32
    return %arg0, %c0_i32 : i32, i32
  }
}

module attributes {stable_mosaic.version = 14 : i64} {
  func.func @_nodemlp_body(%arg0: i32, %arg1: memref<1000x128xf32, #tpu.memory_space<vmem>>, %arg2: memref<128x128xf32, #tpu.memory_space<vmem>>, %arg3: memref<1x128xf32, #tpu.memory_space<vmem>>, %arg4: memref<128x384xf32, #tpu.memory_space<vmem>>, %arg5: memref<1x384xf32, #tpu.memory_space<vmem>>, %arg6: memref<1000x384xf32, #tpu.memory_space<vmem>>) attributes {dimension_semantics = [#tpu.dimension_semantics<arbitrary>], iteration_bounds = array<i64: 10>, scalar_prefetch = 0 : i64, scratch_operands = 0 : i64, tpu.core_type = #tpu.core_type<tc>, window_params = [{transform_indices = @transform_0, window_bounds = array<i64: 1000, 128>}, {pipeline_mode = #tpu.pipeline_mode<synchronous>, transform_indices = @transform_1, window_bounds = array<i64: 128, 128>}, {pipeline_mode = #tpu.pipeline_mode<synchronous>, transform_indices = @transform_2, window_bounds = array<i64: 1, 128>}, {pipeline_mode = #tpu.pipeline_mode<synchronous>, transform_indices = @transform_3, window_bounds = array<i64: 128, 384>}, {pipeline_mode = #tpu.pipeline_mode<synchronous>, transform_indices = @transform_4, window_bounds = array<i64: 1, 384>}, {transform_indices = @transform_5, window_bounds = array<i64: 1000, 384>}]} {
    %get3A = arith.constant 0 : index
    %get3A_0 = arith.constant 0 : index
    %get3A_1 = vector.load %arg1[%get3A, %get3A_0] : memref<1000x128xf32, #tpu.memory_space<vmem>>, vector<1000x128xf32>
    %get3A_2 = arith.constant 0 : index
    %get3A_3 = arith.constant 0 : index
    %get3A_4 = vector.load %arg2[%get3A_2, %get3A_3] : memref<128x128xf32, #tpu.memory_space<vmem>>, vector<128x128xf32>
    %dot_general3A = arith.constant dense<0.000000e+00> : vector<1000x128xf32>
    %dot_general3A_5 = tpu.matmul %get3A_1, %get3A_4, %dot_general3A {dimension_numbers = #tpu.dot_dimension_numbers<[1], [0], [0], [1], [0, 0, 1, 1], [], []>, transpose_lhs_hint = false} : vector<1000x128xf32>, vector<128x128xf32>, vector<1000x128xf32> -> vector<1000x128xf32>
    %get3A_6 = arith.constant 0 : index
    %get3A_7 = arith.constant 0 : index
    %get3A_8 = vector.load %arg3[%get3A_6, %get3A_7] : memref<1x128xf32, #tpu.memory_space<vmem>>, vector<1x128xf32>
    %add3A = vector.broadcast %get3A_8 : vector<1x128xf32> to vector<1000x128xf32>
    %add3A_9 = arith.addf %dot_general3A_5, %add3A : vector<1000x128xf32>
    %logistic3A = arith.negf %add3A_9 : vector<1000x128xf32>
    %logistic3A_10 = math.exp %logistic3A : vector<1000x128xf32>
    %logistic3A_11 = arith.constant 1.000000e+00 : f32
    %logistic3A_12 = vector.broadcast %logistic3A_11 : f32 to vector<1000x128xf32>
    %logistic3A_13 = arith.addf %logistic3A_12, %logistic3A_10 : vector<1000x128xf32>
    %logistic3A_14 = arith.divf %logistic3A_12, %logistic3A_13 : vector<1000x128xf32>
    %mul3A = arith.mulf %add3A_9, %logistic3A_14 : vector<1000x128xf32>
    %get3A_15 = arith.constant 0 : index
    %get3A_16 = arith.constant 0 : index
    %get3A_17 = vector.load %arg4[%get3A_15, %get3A_16] : memref<128x384xf32, #tpu.memory_space<vmem>>, vector<128x384xf32>
    %dot_general3A_18 = arith.constant dense<0.000000e+00> : vector<1000x384xf32>
    %dot_general3A_19 = tpu.matmul %mul3A, %get3A_17, %dot_general3A_18 {dimension_numbers = #tpu.dot_dimension_numbers<[1], [0], [0], [1], [0, 0, 1, 1], [], []>, transpose_lhs_hint = false} : vector<1000x128xf32>, vector<128x384xf32>, vector<1000x384xf32> -> vector<1000x384xf32>
    %get3A_20 = arith.constant 0 : index
    %get3A_21 = arith.constant 0 : index
    %get3A_22 = vector.load %arg5[%get3A_20, %get3A_21] : memref<1x384xf32, #tpu.memory_space<vmem>>, vector<1x384xf32>
    %add3A_23 = vector.broadcast %get3A_22 : vector<1x384xf32> to vector<1000x384xf32>
    %add3A_24 = arith.addf %dot_general3A_19, %add3A_23 : vector<1000x384xf32>
    %swap3A = arith.constant 0 : index
    %swap3A_25 = arith.constant 0 : index
    %swap3A_26 = vector.load %arg6[%swap3A, %swap3A_25] : memref<1000x384xf32, #tpu.memory_space<vmem>>, vector<1000x384xf32>
    tpu.vector_store %arg6[%swap3A, %swap3A_25], %add3A_24 {strides = array<i32>} : memref<1000x384xf32, #tpu.memory_space<vmem>>, vector<1000x384xf32>,
    return
  }
  func.func @transform_0(%arg0: i32) -> (i32, i32) {
    %c0_i32 = arith.constant 0 : i32
    %c0_i32_0 = arith.constant 0 : i32
    return %arg0, %c0_i32 : i32, i32
  }
  func.func @transform_1(%arg0: i32) -> (i32, i32) {
    %c0_i32 = arith.constant 0 : i32
    %c0_i32_0 = arith.constant 0 : i32
    %c0_i32_1 = arith.constant 0 : i32
    return %c0_i32, %c0_i32_0 : i32, i32
  }
  func.func @transform_2(%arg0: i32) -> (i32, i32) {
    %c0_i32 = arith.constant 0 : i32
    %c0_i32_0 = arith.constant 0 : i32
    %c0_i32_1 = arith.constant 0 : i32
    return %c0_i32, %c0_i32_0 : i32, i32
  }
  func.func @transform_3(%arg0: i32) -> (i32, i32) {
    %c0_i32 = arith.constant 0 : i32
    %c0_i32_0 = arith.constant 0 : i32
    %c0_i32_1 = arith.constant 0 : i32
    return %c0_i32, %c0_i32_0 : i32, i32
  }
  func.func @transform_4(%arg0: i32) -> (i32, i32) {
    %c0_i32 = arith.constant 0 : i32
    %c0_i32_0 = arith.constant 0 : i32
    %c0_i32_1 = arith.constant 0 : i32
    return %c0_i32, %c0_i32_0 : i32, i32
  }
  func.func @transform_5(%arg0: i32) -> (i32, i32) {
    %c0_i32 = arith.constant 0 : i32
    %c0_i32_0 = arith.constant 0 : i32
    return %arg0, %c0_i32 : i32, i32
  }
}

module attributes {stable_mosaic.version = 14 : i64} {
  func.func @_e2_body(%arg0: i32, %arg1: memref<640x384xf32, #tpu.memory_space<vmem>>, %arg2: memref<640x384xf32, #tpu.memory_space<vmem>>, %arg3: memref<640x9xf32, #tpu.memory_space<vmem>>, %arg4: memref<640x128xf32, #tpu.memory_space<vmem>>, %arg5: memref<640x96xf32, #tpu.memory_space<vmem>>, %arg6: memref<640x1xf32, #tpu.memory_space<vmem>>, %arg7: memref<32x3xf32, #tpu.memory_space<vmem>>, %arg8: memref<1x32xf32, #tpu.memory_space<vmem>>, %arg9: memref<1x32xf32, #tpu.memory_space<vmem>>, %arg10: memref<1x1xf32, #tpu.memory_space<vmem>>, %arg11: memref<640x480xf32, #tpu.memory_space<vmem>>) attributes {dimension_semantics = [#tpu.dimension_semantics<arbitrary>], iteration_bounds = array<i64: 250>, scalar_prefetch = 0 : i64, scratch_operands = 0 : i64, tpu.core_type = #tpu.core_type<tc>, window_params = [{transform_indices = @transform_0, window_bounds = array<i64: 640, 384>}, {transform_indices = @transform_1, window_bounds = array<i64: 640, 384>}, {transform_indices = @transform_2, window_bounds = array<i64: 640, 9>}, {transform_indices = @transform_3, window_bounds = array<i64: 640, 128>}, {transform_indices = @transform_4, window_bounds = array<i64: 640, 96>}, {transform_indices = @transform_5, window_bounds = array<i64: 640, 1>}, {pipeline_mode = #tpu.pipeline_mode<synchronous>, transform_indices = @transform_6, window_bounds = array<i64: 32, 3>}, {pipeline_mode = #tpu.pipeline_mode<synchronous>, transform_indices = @transform_7, window_bounds = array<i64: 1, 32>}, {pipeline_mode = #tpu.pipeline_mode<synchronous>, transform_indices = @transform_8, window_bounds = array<i64: 1, 32>}, {pipeline_mode = #tpu.pipeline_mode<synchronous>, transform_indices = @transform_9, window_bounds = array<i64: 1, 1>}, {transform_indices = @transform_10, window_bounds = array<i64: 640, 480>}]} {
    %get3A = arith.constant 0 : index
    %get3A_0 = arith.constant 0 : index
    %get3A_1 = vector.load %arg3[%get3A, %get3A_0] : memref<640x9xf32, #tpu.memory_space<vmem>>, vector<640x9xf32>
    %get3A_2 = arith.constant 0 : index
    %get3A_3 = arith.constant 0 : index
    %get3A_4 = vector.load %arg6[%get3A_2, %get3A_3] : memref<640x1xf32, #tpu.memory_space<vmem>>, vector<640x1xf32>
    %get3A_5 = arith.constant 0 : index
    %get3A_6 = arith.constant 0 : index
    %get3A_7 = vector.load %arg7[%get3A_5, %get3A_6] : memref<32x3xf32, #tpu.memory_space<vmem>>, vector<32x3xf32>
    %get3A_8 = arith.constant 0 : index
    %get3A_9 = arith.constant 0 : index
    %get3A_10 = vector.load %arg8[%get3A_8, %get3A_9] : memref<1x32xf32, #tpu.memory_space<vmem>>, vector<1x32xf32>
    %get3A_11 = arith.constant 0 : index
    %get3A_12 = arith.constant 0 : index
    %get3A_13 = vector.load %arg9[%get3A_11, %get3A_12] : memref<1x32xf32, #tpu.memory_space<vmem>>, vector<1x32xf32>
    %get3A_14 = arith.constant 0 : index
    %get3A_15 = arith.constant 0 : index
    %get3A_16 = vector.load %arg10[%get3A_14, %get3A_15] : memref<1x1xf32, #tpu.memory_space<vmem>>, vector<1x1xf32>
    %get3A_17 = arith.constant 0 : index
    %get3A_18 = arith.constant 0 : index
    %get3A_19 = vector.load %arg1[%get3A_17, %get3A_18] : memref<640x384xf32, #tpu.memory_space<vmem>>, vector<640x384xf32>
    %slice3A = vector.extract_strided_slice %get3A_19 {offsets = [0, 0], sizes = [640, 128], strides = [1, 1]} : vector<640x384xf32> to vector<640x128xf32>
    %slice3A_20 = vector.extract_strided_slice %get3A_1 {offsets = [0, 0], sizes = [640, 1], strides = [1, 1]} : vector<640x9xf32> to vector<640x1xf32>
    %mul3A = vector.broadcast %slice3A_20 : vector<640x1xf32> to vector<640x128xf32>
    %mul3A_21 = arith.mulf %slice3A, %mul3A : vector<640x128xf32>
    %slice3A_22 = vector.extract_strided_slice %get3A_19 {offsets = [0, 128], sizes = [640, 128], strides = [1, 1]} : vector<640x384xf32> to vector<640x128xf32>
    %slice3A_23 = vector.extract_strided_slice %get3A_1 {offsets = [0, 3], sizes = [640, 1], strides = [1, 1]} : vector<640x9xf32> to vector<640x1xf32>
    %mul3A_24 = vector.broadcast %slice3A_23 : vector<640x1xf32> to vector<640x128xf32>
    %mul3A_25 = arith.mulf %slice3A_22, %mul3A_24 : vector<640x128xf32>
    %add3A = arith.addf %mul3A_21, %mul3A_25 : vector<640x128xf32>
    %slice3A_26 = vector.extract_strided_slice %get3A_19 {offsets = [0, 256], sizes = [640, 128], strides = [1, 1]} : vector<640x384xf32> to vector<640x128xf32>
    %slice3A_27 = vector.extract_strided_slice %get3A_1 {offsets = [0, 6], sizes = [640, 1], strides = [1, 1]} : vector<640x9xf32> to vector<640x1xf32>
    %mul3A_28 = vector.broadcast %slice3A_27 : vector<640x1xf32> to vector<640x128xf32>
    %mul3A_29 = arith.mulf %slice3A_26, %mul3A_28 : vector<640x128xf32>
    %add3A_30 = arith.addf %add3A, %mul3A_29 : vector<640x128xf32>
    %slice3A_31 = vector.extract_strided_slice %get3A_19 {offsets = [0, 0], sizes = [640, 128], strides = [1, 1]} : vector<640x384xf32> to vector<640x128xf32>
    %slice3A_32 = vector.extract_strided_slice %get3A_1 {offsets = [0, 1], sizes = [640, 1], strides = [1, 1]} : vector<640x9xf32> to vector<640x1xf32>
    %mul3A_33 = vector.broadcast %slice3A_32 : vector<640x1xf32> to vector<640x128xf32>
    %mul3A_34 = arith.mulf %slice3A_31, %mul3A_33 : vector<640x128xf32>
    %slice3A_35 = vector.extract_strided_slice %get3A_19 {offsets = [0, 128], sizes = [640, 128], strides = [1, 1]} : vector<640x384xf32> to vector<640x128xf32>
    %slice3A_36 = vector.extract_strided_slice %get3A_1 {offsets = [0, 4], sizes = [640, 1], strides = [1, 1]} : vector<640x9xf32> to vector<640x1xf32>
    %mul3A_37 = vector.broadcast %slice3A_36 : vector<640x1xf32> to vector<640x128xf32>
    %mul3A_38 = arith.mulf %slice3A_35, %mul3A_37 : vector<640x128xf32>
    %add3A_39 = arith.addf %mul3A_34, %mul3A_38 : vector<640x128xf32>
    %slice3A_40 = vector.extract_strided_slice %get3A_19 {offsets = [0, 256], sizes = [640, 128], strides = [1, 1]} : vector<640x384xf32> to vector<640x128xf32>
    %slice3A_41 = vector.extract_strided_slice %get3A_1 {offsets = [0, 7], sizes = [640, 1], strides = [1, 1]} : vector<640x9xf32> to vector<640x1xf32>
    %mul3A_42 = vector.broadcast %slice3A_41 : vector<640x1xf32> to vector<640x128xf32>
    %mul3A_43 = arith.mulf %slice3A_40, %mul3A_42 : vector<640x128xf32>
    %add3A_44 = arith.addf %add3A_39, %mul3A_43 : vector<640x128xf32>
    %slice3A_45 = vector.extract_strided_slice %get3A_19 {offsets = [0, 0], sizes = [640, 128], strides = [1, 1]} : vector<640x384xf32> to vector<640x128xf32>
    %slice3A_46 = vector.extract_strided_slice %get3A_1 {offsets = [0, 2], sizes = [640, 1], strides = [1, 1]} : vector<640x9xf32> to vector<640x1xf32>
    %mul3A_47 = vector.broadcast %slice3A_46 : vector<640x1xf32> to vector<640x128xf32>
    %mul3A_48 = arith.mulf %slice3A_45, %mul3A_47 : vector<640x128xf32>
    %slice3A_49 = vector.extract_strided_slice %get3A_19 {offsets = [0, 128], sizes = [640, 128], strides = [1, 1]} : vector<640x384xf32> to vector<640x128xf32>
    %slice3A_50 = vector.extract_strided_slice %get3A_1 {offsets = [0, 5], sizes = [640, 1], strides = [1, 1]} : vector<640x9xf32> to vector<640x1xf32>
    %mul3A_51 = vector.broadcast %slice3A_50 : vector<640x1xf32> to vector<640x128xf32>
    %mul3A_52 = arith.mulf %slice3A_49, %mul3A_51 : vector<640x128xf32>
    %add3A_53 = arith.addf %mul3A_48, %mul3A_52 : vector<640x128xf32>
    %slice3A_54 = vector.extract_strided_slice %get3A_19 {offsets = [0, 256], sizes = [640, 128], strides = [1, 1]} : vector<640x384xf32> to vector<640x128xf32>
    %slice3A_55 = vector.extract_strided_slice %get3A_1 {offsets = [0, 8], sizes = [640, 1], strides = [1, 1]} : vector<640x9xf32> to vector<640x1xf32>
    %mul3A_56 = vector.broadcast %slice3A_55 : vector<640x1xf32> to vector<640x128xf32>
    %mul3A_57 = arith.mulf %slice3A_54, %mul3A_56 : vector<640x128xf32>
    %add3A_58 = arith.addf %add3A_53, %mul3A_57 : vector<640x128xf32>
    %abs3A = math.absf %add3A_44 : vector<640x128xf32>
    %get3A_59 = arith.constant 0 : index
    %get3A_60 = arith.constant 0 : index
    %get3A_61 = vector.load %arg2[%get3A_59, %get3A_60] : memref<640x384xf32, #tpu.memory_space<vmem>>, vector<640x384xf32>
    %slice3A_62 = vector.extract_strided_slice %get3A_61 {offsets = [0, 0], sizes = [640, 128], strides = [1, 1]} : vector<640x384xf32> to vector<640x128xf32>
    %slice3A_63 = vector.extract_strided_slice %get3A_1 {offsets = [0, 0], sizes = [640, 1], strides = [1, 1]} : vector<640x9xf32> to vector<640x1xf32>
    %mul3A_64 = vector.broadcast %slice3A_63 : vector<640x1xf32> to vector<640x128xf32>
    %mul3A_65 = arith.mulf %slice3A_62, %mul3A_64 : vector<640x128xf32>
    %slice3A_66 = vector.extract_strided_slice %get3A_61 {offsets = [0, 128], sizes = [640, 128], strides = [1, 1]} : vector<640x384xf32> to vector<640x128xf32>
    %slice3A_67 = vector.extract_strided_slice %get3A_1 {offsets = [0, 3], sizes = [640, 1], strides = [1, 1]} : vector<640x9xf32> to vector<640x1xf32>
    %mul3A_68 = vector.broadcast %slice3A_67 : vector<640x1xf32> to vector<640x128xf32>
    %mul3A_69 = arith.mulf %slice3A_66, %mul3A_68 : vector<640x128xf32>
    %add3A_70 = arith.addf %mul3A_65, %mul3A_69 : vector<640x128xf32>
    %slice3A_71 = vector.extract_strided_slice %get3A_61 {offsets = [0, 256], sizes = [640, 128], strides = [1, 1]} : vector<640x384xf32> to vector<640x128xf32>
    %slice3A_72 = vector.extract_strided_slice %get3A_1 {offsets = [0, 6], sizes = [640, 1], strides = [1, 1]} : vector<640x9xf32> to vector<640x1xf32>
    %mul3A_73 = vector.broadcast %slice3A_72 : vector<640x1xf32> to vector<640x128xf32>
    %mul3A_74 = arith.mulf %slice3A_71, %mul3A_73 : vector<640x128xf32>
    %add3A_75 = arith.addf %add3A_70, %mul3A_74 : vector<640x128xf32>
    %slice3A_76 = vector.extract_strided_slice %get3A_61 {offsets = [0, 0], sizes = [640, 128], strides = [1, 1]} : vector<640x384xf32> to vector<640x128xf32>
    %slice3A_77 = vector.extract_strided_slice %get3A_1 {offsets = [0, 1], sizes = [640, 1], strides = [1, 1]} : vector<640x9xf32> to vector<640x1xf32>
    %mul3A_78 = vector.broadcast %slice3A_77 : vector<640x1xf32> to vector<640x128xf32>
    %mul3A_79 = arith.mulf %slice3A_76, %mul3A_78 : vector<640x128xf32>
    %slice3A_80 = vector.extract_strided_slice %get3A_61 {offsets = [0, 128], sizes = [640, 128], strides = [1, 1]} : vector<640x384xf32> to vector<640x128xf32>
    %slice3A_81 = vector.extract_strided_slice %get3A_1 {offsets = [0, 4], sizes = [640, 1], strides = [1, 1]} : vector<640x9xf32> to vector<640x1xf32>
    %mul3A_82 = vector.broadcast %slice3A_81 : vector<640x1xf32> to vector<640x128xf32>
    %mul3A_83 = arith.mulf %slice3A_80, %mul3A_82 : vector<640x128xf32>
    %add3A_84 = arith.addf %mul3A_79, %mul3A_83 : vector<640x128xf32>
    %slice3A_85 = vector.extract_strided_slice %get3A_61 {offsets = [0, 256], sizes = [640, 128], strides = [1, 1]} : vector<640x384xf32> to vector<640x128xf32>
    %slice3A_86 = vector.extract_strided_slice %get3A_1 {offsets = [0, 7], sizes = [640, 1], strides = [1, 1]} : vector<640x9xf32> to vector<640x1xf32>
    %mul3A_87 = vector.broadcast %slice3A_86 : vector<640x1xf32> to vector<640x128xf32>
    %mul3A_88 = arith.mulf %slice3A_85, %mul3A_87 : vector<640x128xf32>
    %add3A_89 = arith.addf %add3A_84, %mul3A_88 : vector<640x128xf32>
    %slice3A_90 = vector.extract_strided_slice %get3A_61 {offsets = [0, 0], sizes = [640, 128], strides = [1, 1]} : vector<640x384xf32> to vector<640x128xf32>
    %slice3A_91 = vector.extract_strided_slice %get3A_1 {offsets = [0, 2], sizes = [640, 1], strides = [1, 1]} : vector<640x9xf32> to vector<640x1xf32>
    %mul3A_92 = vector.broadcast %slice3A_91 : vector<640x1xf32> to vector<640x128xf32>
    %mul3A_93 = arith.mulf %slice3A_90, %mul3A_92 : vector<640x128xf32>
    %slice3A_94 = vector.extract_strided_slice %get3A_61 {offsets = [0, 128], sizes = [640, 128], strides = [1, 1]} : vector<640x384xf32> to vector<640x128xf32>
    %slice3A_95 = vector.extract_strided_slice %get3A_1 {offsets = [0, 5], sizes = [640, 1], strides = [1, 1]} : vector<640x9xf32> to vector<640x1xf32>
    %mul3A_96 = vector.broadcast %slice3A_95 : vector<640x1xf32> to vector<640x128xf32>
    %mul3A_97 = arith.mulf %slice3A_94, %mul3A_96 : vector<640x128xf32>
    %add3A_98 = arith.addf %mul3A_93, %mul3A_97 : vector<640x128xf32>
    %slice3A_99 = vector.extract_strided_slice %get3A_61 {offsets = [0, 256], sizes = [640, 128], strides = [1, 1]} : vector<640x384xf32> to vector<640x128xf32>
    %slice3A_100 = vector.extract_strided_slice %get3A_1 {offsets = [0, 8], sizes = [640, 1], strides = [1, 1]} : vector<640x9xf32> to vector<640x1xf32>
    %mul3A_101 = vector.broadcast %slice3A_100 : vector<640x1xf32> to vector<640x128xf32>
    %mul3A_102 = arith.mulf %slice3A_99, %mul3A_101 : vector<640x128xf32>
    %add3A_103 = arith.addf %add3A_98, %mul3A_102 : vector<640x128xf32>
    %abs3A_104 = math.absf %add3A_89 : vector<640x128xf32>
    %add3A_105 = vector.broadcast %get3A_16 : vector<1x1xf32> to vector<640x128xf32>
    %add3A_106 = arith.addf %add3A_30, %add3A_105 : vector<640x128xf32>
    %slice3A_107 = vector.extract_strided_slice %get3A_7 {offsets = [0, 0], sizes = [1, 1], strides = [1, 1]} : vector<32x3xf32> to vector<1x1xf32>
    %mul3A_108 = vector.broadcast %slice3A_107 : vector<1x1xf32> to vector<640x128xf32>
    %mul3A_109 = arith.mulf %mul3A_108, %add3A_30 : vector<640x128xf32>
    %slice3A_110 = vector.extract_strided_slice %get3A_7 {offsets = [0, 1], sizes = [1, 1], strides = [1, 1]} : vector<32x3xf32> to vector<1x1xf32>
    %mul3A_111 = vector.broadcast %slice3A_110 : vector<1x1xf32> to vector<640x128xf32>
    %mul3A_112 = arith.mulf %mul3A_111, %abs3A : vector<640x128xf32>
    %add3A_113 = arith.addf %mul3A_109, %mul3A_112 : vector<640x128xf32>
    %slice3A_114 = vector.extract_strided_slice %get3A_7 {offsets = [0, 2], sizes = [1, 1], strides = [1, 1]} : vector<32x3xf32> to vector<1x1xf32>
    %mul3A_115 = vector.broadcast %slice3A_114 : vector<1x1xf32> to vector<640x128xf32>
    %mul3A_116 = arith.mulf %mul3A_115, %add3A_58 : vector<640x128xf32>
    %add3A_117 = arith.addf %add3A_113, %mul3A_116 : vector<640x128xf32>
    %slice3A_118 = vector.extract_strided_slice %get3A_10 {offsets = [0, 0], sizes = [1, 1], strides = [1, 1]} : vector<1x32xf32> to vector<1x1xf32>
    %add3A_119 = vector.broadcast %slice3A_118 : vector<1x1xf32> to vector<640x128xf32>
    %add3A_120 = arith.addf %add3A_117, %add3A_119 : vector<640x128xf32>
    %logistic3A = arith.negf %add3A_120 : vector<640x128xf32>
    %logistic3A_121 = math.exp %logistic3A : vector<640x128xf32>
    %logistic3A_122 = arith.constant 1.000000e+00 : f32
    %logistic3A_123 = vector.broadcast %logistic3A_122 : f32 to vector<640x128xf32>
    %logistic3A_124 = arith.addf %logistic3A_123, %logistic3A_121 : vector<640x128xf32>
    %logistic3A_125 = arith.divf %logistic3A_123, %logistic3A_124 : vector<640x128xf32>
    %mul3A_126 = arith.mulf %add3A_120, %logistic3A_125 : vector<640x128xf32>
    %slice3A_127 = vector.extract_strided_slice %get3A_13 {offsets = [0, 0], sizes = [1, 1], strides = [1, 1]} : vector<1x32xf32> to vector<1x1xf32>
    %mul3A_128 = vector.broadcast %slice3A_127 : vector<1x1xf32> to vector<640x128xf32>
    %mul3A_129 = arith.mulf %mul3A_128, %mul3A_126 : vector<640x128xf32>
    %add3A_130 = arith.addf %add3A_106, %mul3A_129 : vector<640x128xf32>
    %slice3A_131 = vector.extract_strided_slice %get3A_7 {offsets = [1, 0], sizes = [1, 1], strides = [1, 1]} : vector<32x3xf32> to vector<1x1xf32>
    %mul3A_132 = vector.broadcast %slice3A_131 : vector<1x1xf32> to vector<640x128xf32>
    %mul3A_133 = arith.mulf %mul3A_132, %add3A_30 : vector<640x128xf32>
    %slice3A_134 = vector.extract_strided_slice %get3A_7 {offsets = [1, 1], sizes = [1, 1], strides = [1, 1]} : vector<32x3xf32> to vector<1x1xf32>
    %mul3A_135 = vector.broadcast %slice3A_134 : vector<1x1xf32> to vector<640x128xf32>
    %mul3A_136 = arith.mulf %mul3A_135, %abs3A : vector<640x128xf32>
    %add3A_137 = arith.addf %mul3A_133, %mul3A_136 : vector<640x128xf32>
    %slice3A_138 = vector.extract_strided_slice %get3A_7 {offsets = [1, 2], sizes = [1, 1], strides = [1, 1]} : vector<32x3xf32> to vector<1x1xf32>
    %mul3A_139 = vector.broadcast %slice3A_138 : vector<1x1xf32> to vector<640x128xf32>
    %mul3A_140 = arith.mulf %mul3A_139, %add3A_58 : vector<640x128xf32>
    %add3A_141 = arith.addf %add3A_137, %mul3A_140 : vector<640x128xf32>
    %slice3A_142 = vector.extract_strided_slice %get3A_10 {offsets = [0, 1], sizes = [1, 1], strides = [1, 1]} : vector<1x32xf32> to vector<1x1xf32>
    %add3A_143 = vector.broadcast %slice3A_142 : vector<1x1xf32> to vector<640x128xf32>
    %add3A_144 = arith.addf %add3A_141, %add3A_143 : vector<640x128xf32>
    %logistic3A_145 = arith.negf %add3A_144 : vector<640x128xf32>
    %logistic3A_146 = math.exp %logistic3A_145 : vector<640x128xf32>
    %logistic3A_147 = arith.constant 1.000000e+00 : f32
    %logistic3A_148 = vector.broadcast %logistic3A_147 : f32 to vector<640x128xf32>
    %logistic3A_149 = arith.addf %logistic3A_148, %logistic3A_146 : vector<640x128xf32>
    %logistic3A_150 = arith.divf %logistic3A_148, %logistic3A_149 : vector<640x128xf32>
    %mul3A_151 = arith.mulf %add3A_144, %logistic3A_150 : vector<640x128xf32>
    %slice3A_152 = vector.extract_strided_slice %get3A_13 {offsets = [0, 1], sizes = [1, 1], strides = [1, 1]} : vector<1x32xf32> to vector<1x1xf32>
    %mul3A_153 = vector.broadcast %slice3A_152 : vector<1x1xf32> to vector<640x128xf32>
    %mul3A_154 = arith.mulf %mul3A_153, %mul3A_151 : vector<640x128xf32>
    %add3A_155 = arith.addf %add3A_130, %mul3A_154 : vector<640x128xf32>
    %slice3A_156 = vector.extract_strided_slice %get3A_7 {offsets = [2, 0], sizes = [1, 1], strides = [1, 1]} : vector<32x3xf32> to vector<1x1xf32>
    %mul3A_157 = vector.broadcast %slice3A_156 : vector<1x1xf32> to vector<640x128xf32>
    %mul3A_158 = arith.mulf %mul3A_157, %add3A_30 : vector<640x128xf32>
    %slice3A_159 = vector.extract_strided_slice %get3A_7 {offsets = [2, 1], sizes = [1, 1], strides = [1, 1]} : vector<32x3xf32> to vector<1x1xf32>
    %mul3A_160 = vector.broadcast %slice3A_159 : vector<1x1xf32> to vector<640x128xf32>
    %mul3A_161 = arith.mulf %mul3A_160, %abs3A : vector<640x128xf32>
    %add3A_162 = arith.addf %mul3A_158, %mul3A_161 : vector<640x128xf32>
    %slice3A_163 = vector.extract_strided_slice %get3A_7 {offsets = [2, 2], sizes = [1, 1], strides = [1, 1]} : vector<32x3xf32> to vector<1x1xf32>
    %mul3A_164 = vector.broadcast %slice3A_163 : vector<1x1xf32> to vector<640x128xf32>
    %mul3A_165 = arith.mulf %mul3A_164, %add3A_58 : vector<640x128xf32>
    %add3A_166 = arith.addf %add3A_162, %mul3A_165 : vector<640x128xf32>
    %slice3A_167 = vector.extract_strided_slice %get3A_10 {offsets = [0, 2], sizes = [1, 1], strides = [1, 1]} : vector<1x32xf32> to vector<1x1xf32>
    %add3A_168 = vector.broadcast %slice3A_167 : vector<1x1xf32> to vector<640x128xf32>
    %add3A_169 = arith.addf %add3A_166, %add3A_168 : vector<640x128xf32>
    %logistic3A_170 = arith.negf %add3A_169 : vector<640x128xf32>
    %logistic3A_171 = math.exp %logistic3A_170 : vector<640x128xf32>
    %logistic3A_172 = arith.constant 1.000000e+00 : f32
    %logistic3A_173 = vector.broadcast %logistic3A_172 : f32 to vector<640x128xf32>
    %logistic3A_174 = arith.addf %logistic3A_173, %logistic3A_171 : vector<640x128xf32>
    %logistic3A_175 = arith.divf %logistic3A_173, %logistic3A_174 : vector<640x128xf32>
    %mul3A_176 = arith.mulf %add3A_169, %logistic3A_175 : vector<640x128xf32>
    %slice3A_177 = vector.extract_strided_slice %get3A_13 {offsets = [0, 2], sizes = [1, 1], strides = [1, 1]} : vector<1x32xf32> to vector<1x1xf32>
    %mul3A_178 = vector.broadcast %slice3A_177 : vector<1x1xf32> to vector<640x128xf32>
    %mul3A_179 = arith.mulf %mul3A_178, %mul3A_176 : vector<640x128xf32>
    %add3A_180 = arith.addf %add3A_155, %mul3A_179 : vector<640x128xf32>
    %slice3A_181 = vector.extract_strided_slice %get3A_7 {offsets = [3, 0], sizes = [1, 1], strides = [1, 1]} : vector<32x3xf32> to vector<1x1xf32>
    %mul3A_182 = vector.broadcast %slice3A_181 : vector<1x1xf32> to vector<640x128xf32>
    %mul3A_183 = arith.mulf %mul3A_182, %add3A_30 : vector<640x128xf32>
    %slice3A_184 = vector.extract_strided_slice %get3A_7 {offsets = [3, 1], sizes = [1, 1], strides = [1, 1]} : vector<32x3xf32> to vector<1x1xf32>
    %mul3A_185 = vector.broadcast %slice3A_184 : vector<1x1xf32> to vector<640x128xf32>
    %mul3A_186 = arith.mulf %mul3A_185, %abs3A : vector<640x128xf32>
    %add3A_187 = arith.addf %mul3A_183, %mul3A_186 : vector<640x128xf32>
    %slice3A_188 = vector.extract_strided_slice %get3A_7 {offsets = [3, 2], sizes = [1, 1], strides = [1, 1]} : vector<32x3xf32> to vector<1x1xf32>
    %mul3A_189 = vector.broadcast %slice3A_188 : vector<1x1xf32> to vector<640x128xf32>
    %mul3A_190 = arith.mulf %mul3A_189, %add3A_58 : vector<640x128xf32>
    %add3A_191 = arith.addf %add3A_187, %mul3A_190 : vector<640x128xf32>
    %slice3A_192 = vector.extract_strided_slice %get3A_10 {offsets = [0, 3], sizes = [1, 1], strides = [1, 1]} : vector<1x32xf32> to vector<1x1xf32>
    %add3A_193 = vector.broadcast %slice3A_192 : vector<1x1xf32> to vector<640x128xf32>
    %add3A_194 = arith.addf %add3A_191, %add3A_193 : vector<640x128xf32>
    %logistic3A_195 = arith.negf %add3A_194 : vector<640x128xf32>
    %logistic3A_196 = math.exp %logistic3A_195 : vector<640x128xf32>
    %logistic3A_197 = arith.constant 1.000000e+00 : f32
    %logistic3A_198 = vector.broadcast %logistic3A_197 : f32 to vector<640x128xf32>
    %logistic3A_199 = arith.addf %logistic3A_198, %logistic3A_196 : vector<640x128xf32>
    %logistic3A_200 = arith.divf %logistic3A_198, %logistic3A_199 : vector<640x128xf32>
    %mul3A_201 = arith.mulf %add3A_194, %logistic3A_200 : vector<640x128xf32>
    %slice3A_202 = vector.extract_strided_slice %get3A_13 {offsets = [0, 3], sizes = [1, 1], strides = [1, 1]} : vector<1x32xf32> to vector<1x1xf32>
    %mul3A_203 = vector.broadcast %slice3A_202 : vector<1x1xf32> to vector<640x128xf32>
    %mul3A_204 = arith.mulf %mul3A_203, %mul3A_201 : vector<640x128xf32>
    %add3A_205 = arith.addf %add3A_180, %mul3A_204 : vector<640x128xf32>
    %slice3A_206 = vector.extract_strided_slice %get3A_7 {offsets = [4, 0], sizes = [1, 1], strides = [1, 1]} : vector<32x3xf32> to vector<1x1xf32>
    %mul3A_207 = vector.broadcast %slice3A_206 : vector<1x1xf32> to vector<640x128xf32>
    %mul3A_208 = arith.mulf %mul3A_207, %add3A_30 : vector<640x128xf32>
    %slice3A_209 = vector.extract_strided_slice %get3A_7 {offsets = [4, 1], sizes = [1, 1], strides = [1, 1]} : vector<32x3xf32> to vector<1x1xf32>
    %mul3A_210 = vector.broadcast %slice3A_209 : vector<1x1xf32> to vector<640x128xf32>
    %mul3A_211 = arith.mulf %mul3A_210, %abs3A : vector<640x128xf32>
    %add3A_212 = arith.addf %mul3A_208, %mul3A_211 : vector<640x128xf32>
    %slice3A_213 = vector.extract_strided_slice %get3A_7 {offsets = [4, 2], sizes = [1, 1], strides = [1, 1]} : vector<32x3xf32> to vector<1x1xf32>
    %mul3A_214 = vector.broadcast %slice3A_213 : vector<1x1xf32> to vector<640x128xf32>
    %mul3A_215 = arith.mulf %mul3A_214, %add3A_58 : vector<640x128xf32>
    %add3A_216 = arith.addf %add3A_212, %mul3A_215 : vector<640x128xf32>
    %slice3A_217 = vector.extract_strided_slice %get3A_10 {offsets = [0, 4], sizes = [1, 1], strides = [1, 1]} : vector<1x32xf32> to vector<1x1xf32>
    %add3A_218 = vector.broadcast %slice3A_217 : vector<1x1xf32> to vector<640x128xf32>
    %add3A_219 = arith.addf %add3A_216, %add3A_218 : vector<640x128xf32>
    %logistic3A_220 = arith.negf %add3A_219 : vector<640x128xf32>
    %logistic3A_221 = math.exp %logistic3A_220 : vector<640x128xf32>
    %logistic3A_222 = arith.constant 1.000000e+00 : f32
    %logistic3A_223 = vector.broadcast %logistic3A_222 : f32 to vector<640x128xf32>
    %logistic3A_224 = arith.addf %logistic3A_223, %logistic3A_221 : vector<640x128xf32>
    %logistic3A_225 = arith.divf %logistic3A_223, %logistic3A_224 : vector<640x128xf32>
    %mul3A_226 = arith.mulf %add3A_219, %logistic3A_225 : vector<640x128xf32>
    %slice3A_227 = vector.extract_strided_slice %get3A_13 {offsets = [0, 4], sizes = [1, 1], strides = [1, 1]} : vector<1x32xf32> to vector<1x1xf32>
    %mul3A_228 = vector.broadcast %slice3A_227 : vector<1x1xf32> to vector<640x128xf32>
    %mul3A_229 = arith.mulf %mul3A_228, %mul3A_226 : vector<640x128xf32>
    %add3A_230 = arith.addf %add3A_205, %mul3A_229 : vector<640x128xf32>
    %slice3A_231 = vector.extract_strided_slice %get3A_7 {offsets = [5, 0], sizes = [1, 1], strides = [1, 1]} : vector<32x3xf32> to vector<1x1xf32>
    %mul3A_232 = vector.broadcast %slice3A_231 : vector<1x1xf32> to vector<640x128xf32>
    %mul3A_233 = arith.mulf %mul3A_232, %add3A_30 : vector<640x128xf32>
    %slice3A_234 = vector.extract_strided_slice %get3A_7 {offsets = [5, 1], sizes = [1, 1], strides = [1, 1]} : vector<32x3xf32> to vector<1x1xf32>
    %mul3A_235 = vector.broadcast %slice3A_234 : vector<1x1xf32> to vector<640x128xf32>
    %mul3A_236 = arith.mulf %mul3A_235, %abs3A : vector<640x128xf32>
    %add3A_237 = arith.addf %mul3A_233, %mul3A_236 : vector<640x128xf32>
    %slice3A_238 = vector.extract_strided_slice %get3A_7 {offsets = [5, 2], sizes = [1, 1], strides = [1, 1]} : vector<32x3xf32> to vector<1x1xf32>
    %mul3A_239 = vector.broadcast %slice3A_238 : vector<1x1xf32> to vector<640x128xf32>
    %mul3A_240 = arith.mulf %mul3A_239, %add3A_58 : vector<640x128xf32>
    %add3A_241 = arith.addf %add3A_237, %mul3A_240 : vector<640x128xf32>
    %slice3A_242 = vector.extract_strided_slice %get3A_10 {offsets = [0, 5], sizes = [1, 1], strides = [1, 1]} : vector<1x32xf32> to vector<1x1xf32>
    %add3A_243 = vector.broadcast %slice3A_242 : vector<1x1xf32> to vector<640x128xf32>
    %add3A_244 = arith.addf %add3A_241, %add3A_243 : vector<640x128xf32>
    %logistic3A_245 = arith.negf %add3A_244 : vector<640x128xf32>
    %logistic3A_246 = math.exp %logistic3A_245 : vector<640x128xf32>
    %logistic3A_247 = arith.constant 1.000000e+00 : f32
    %logistic3A_248 = vector.broadcast %logistic3A_247 : f32 to vector<640x128xf32>
    %logistic3A_249 = arith.addf %logistic3A_248, %logistic3A_246 : vector<640x128xf32>
    %logistic3A_250 = arith.divf %logistic3A_248, %logistic3A_249 : vector<640x128xf32>
    %mul3A_251 = arith.mulf %add3A_244, %logistic3A_250 : vector<640x128xf32>
    %slice3A_252 = vector.extract_strided_slice %get3A_13 {offsets = [0, 5], sizes = [1, 1], strides = [1, 1]} : vector<1x32xf32> to vector<1x1xf32>
    %mul3A_253 = vector.broadcast %slice3A_252 : vector<1x1xf32> to vector<640x128xf32>
    %mul3A_254 = arith.mulf %mul3A_253, %mul3A_251 : vector<640x128xf32>
    %add3A_255 = arith.addf %add3A_230, %mul3A_254 : vector<640x128xf32>
    %slice3A_256 = vector.extract_strided_slice %get3A_7 {offsets = [6, 0], sizes = [1, 1], strides = [1, 1]} : vector<32x3xf32> to vector<1x1xf32>
    %mul3A_257 = vector.broadcast %slice3A_256 : vector<1x1xf32> to vector<640x128xf32>
    %mul3A_258 = arith.mulf %mul3A_257, %add3A_30 : vector<640x128xf32>
    %slice3A_259 = vector.extract_strided_slice %get3A_7 {offsets = [6, 1], sizes = [1, 1], strides = [1, 1]} : vector<32x3xf32> to vector<1x1xf32>
    %mul3A_260 = vector.broadcast %slice3A_259 : vector<1x1xf32> to vector<640x128xf32>
    %mul3A_261 = arith.mulf %mul3A_260, %abs3A : vector<640x128xf32>
    %add3A_262 = arith.addf %mul3A_258, %mul3A_261 : vector<640x128xf32>
    %slice3A_263 = vector.extract_strided_slice %get3A_7 {offsets = [6, 2], sizes = [1, 1], strides = [1, 1]} : vector<32x3xf32> to vector<1x1xf32>
    %mul3A_264 = vector.broadcast %slice3A_263 : vector<1x1xf32> to vector<640x128xf32>
    %mul3A_265 = arith.mulf %mul3A_264, %add3A_58 : vector<640x128xf32>
    %add3A_266 = arith.addf %add3A_262, %mul3A_265 : vector<640x128xf32>
    %slice3A_267 = vector.extract_strided_slice %get3A_10 {offsets = [0, 6], sizes = [1, 1], strides = [1, 1]} : vector<1x32xf32> to vector<1x1xf32>
    %add3A_268 = vector.broadcast %slice3A_267 : vector<1x1xf32> to vector<640x128xf32>
    %add3A_269 = arith.addf %add3A_266, %add3A_268 : vector<640x128xf32>
    %logistic3A_270 = arith.negf %add3A_269 : vector<640x128xf32>
    %logistic3A_271 = math.exp %logistic3A_270 : vector<640x128xf32>
    %logistic3A_272 = arith.constant 1.000000e+00 : f32
    %logistic3A_273 = vector.broadcast %logistic3A_272 : f32 to vector<640x128xf32>
    %logistic3A_274 = arith.addf %logistic3A_273, %logistic3A_271 : vector<640x128xf32>
    %logistic3A_275 = arith.divf %logistic3A_273, %logistic3A_274 : vector<640x128xf32>
    %mul3A_276 = arith.mulf %add3A_269, %logistic3A_275 : vector<640x128xf32>
    %slice3A_277 = vector.extract_strided_slice %get3A_13 {offsets = [0, 6], sizes = [1, 1], strides = [1, 1]} : vector<1x32xf32> to vector<1x1xf32>
    %mul3A_278 = vector.broadcast %slice3A_277 : vector<1x1xf32> to vector<640x128xf32>
    %mul3A_279 = arith.mulf %mul3A_278, %mul3A_276 : vector<640x128xf32>
    %add3A_280 = arith.addf %add3A_255, %mul3A_279 : vector<640x128xf32>
    %slice3A_281 = vector.extract_strided_slice %get3A_7 {offsets = [7, 0], sizes = [1, 1], strides = [1, 1]} : vector<32x3xf32> to vector<1x1xf32>
    %mul3A_282 = vector.broadcast %slice3A_281 : vector<1x1xf32> to vector<640x128xf32>
    %mul3A_283 = arith.mulf %mul3A_282, %add3A_30 : vector<640x128xf32>
    %slice3A_284 = vector.extract_strided_slice %get3A_7 {offsets = [7, 1], sizes = [1, 1], strides = [1, 1]} : vector<32x3xf32> to vector<1x1xf32>
    %mul3A_285 = vector.broadcast %slice3A_284 : vector<1x1xf32> to vector<640x128xf32>
    %mul3A_286 = arith.mulf %mul3A_285, %abs3A : vector<640x128xf32>
    %add3A_287 = arith.addf %mul3A_283, %mul3A_286 : vector<640x128xf32>
    %slice3A_288 = vector.extract_strided_slice %get3A_7 {offsets = [7, 2], sizes = [1, 1], strides = [1, 1]} : vector<32x3xf32> to vector<1x1xf32>
    %mul3A_289 = vector.broadcast %slice3A_288 : vector<1x1xf32> to vector<640x128xf32>
    %mul3A_290 = arith.mulf %mul3A_289, %add3A_58 : vector<640x128xf32>
    %add3A_291 = arith.addf %add3A_287, %mul3A_290 : vector<640x128xf32>
    %slice3A_292 = vector.extract_strided_slice %get3A_10 {offsets = [0, 7], sizes = [1, 1], strides = [1, 1]} : vector<1x32xf32> to vector<1x1xf32>
    %add3A_293 = vector.broadcast %slice3A_292 : vector<1x1xf32> to vector<640x128xf32>
    %add3A_294 = arith.addf %add3A_291, %add3A_293 : vector<640x128xf32>
    %logistic3A_295 = arith.negf %add3A_294 : vector<640x128xf32>
    %logistic3A_296 = math.exp %logistic3A_295 : vector<640x128xf32>
    %logistic3A_297 = arith.constant 1.000000e+00 : f32
    %logistic3A_298 = vector.broadcast %logistic3A_297 : f32 to vector<640x128xf32>
    %logistic3A_299 = arith.addf %logistic3A_298, %logistic3A_296 : vector<640x128xf32>
    %logistic3A_300 = arith.divf %logistic3A_298, %logistic3A_299 : vector<640x128xf32>
    %mul3A_301 = arith.mulf %add3A_294, %logistic3A_300 : vector<640x128xf32>
    %slice3A_302 = vector.extract_strided_slice %get3A_13 {offsets = [0, 7], sizes = [1, 1], strides = [1, 1]} : vector<1x32xf32> to vector<1x1xf32>
    %mul3A_303 = vector.broadcast %slice3A_302 : vector<1x1xf32> to vector<640x128xf32>
    %mul3A_304 = arith.mulf %mul3A_303, %mul3A_301 : vector<640x128xf32>
    %add3A_305 = arith.addf %add3A_280, %mul3A_304 : vector<640x128xf32>
    %slice3A_306 = vector.extract_strided_slice %get3A_7 {offsets = [8, 0], sizes = [1, 1], strides = [1, 1]} : vector<32x3xf32> to vector<1x1xf32>
    %mul3A_307 = vector.broadcast %slice3A_306 : vector<1x1xf32> to vector<640x128xf32>
    %mul3A_308 = arith.mulf %mul3A_307, %add3A_30 : vector<640x128xf32>
    %slice3A_309 = vector.extract_strided_slice %get3A_7 {offsets = [8, 1], sizes = [1, 1], strides = [1, 1]} : vector<32x3xf32> to vector<1x1xf32>
    %mul3A_310 = vector.broadcast %slice3A_309 : vector<1x1xf32> to vector<640x128xf32>
    %mul3A_311 = arith.mulf %mul3A_310, %abs3A : vector<640x128xf32>
    %add3A_312 = arith.addf %mul3A_308, %mul3A_311 : vector<640x128xf32>
    %slice3A_313 = vector.extract_strided_slice %get3A_7 {offsets = [8, 2], sizes = [1, 1], strides = [1, 1]} : vector<32x3xf32> to vector<1x1xf32>
    %mul3A_314 = vector.broadcast %slice3A_313 : vector<1x1xf32> to vector<640x128xf32>
    %mul3A_315 = arith.mulf %mul3A_314, %add3A_58 : vector<640x128xf32>
    %add3A_316 = arith.addf %add3A_312, %mul3A_315 : vector<640x128xf32>
    %slice3A_317 = vector.extract_strided_slice %get3A_10 {offsets = [0, 8], sizes = [1, 1], strides = [1, 1]} : vector<1x32xf32> to vector<1x1xf32>
    %add3A_318 = vector.broadcast %slice3A_317 : vector<1x1xf32> to vector<640x128xf32>
    %add3A_319 = arith.addf %add3A_316, %add3A_318 : vector<640x128xf32>
    %logistic3A_320 = arith.negf %add3A_319 : vector<640x128xf32>
    %logistic3A_321 = math.exp %logistic3A_320 : vector<640x128xf32>
    %logistic3A_322 = arith.constant 1.000000e+00 : f32
    %logistic3A_323 = vector.broadcast %logistic3A_322 : f32 to vector<640x128xf32>
    %logistic3A_324 = arith.addf %logistic3A_323, %logistic3A_321 : vector<640x128xf32>
    %logistic3A_325 = arith.divf %logistic3A_323, %logistic3A_324 : vector<640x128xf32>
    %mul3A_326 = arith.mulf %add3A_319, %logistic3A_325 : vector<640x128xf32>
    %slice3A_327 = vector.extract_strided_slice %get3A_13 {offsets = [0, 8], sizes = [1, 1], strides = [1, 1]} : vector<1x32xf32> to vector<1x1xf32>
    %mul3A_328 = vector.broadcast %slice3A_327 : vector<1x1xf32> to vector<640x128xf32>
    %mul3A_329 = arith.mulf %mul3A_328, %mul3A_326 : vector<640x128xf32>
    %add3A_330 = arith.addf %add3A_305, %mul3A_329 : vector<640x128xf32>
    %slice3A_331 = vector.extract_strided_slice %get3A_7 {offsets = [9, 0], sizes = [1, 1], strides = [1, 1]} : vector<32x3xf32> to vector<1x1xf32>
    %mul3A_332 = vector.broadcast %slice3A_331 : vector<1x1xf32> to vector<640x128xf32>
    %mul3A_333 = arith.mulf %mul3A_332, %add3A_30 : vector<640x128xf32>
    %slice3A_334 = vector.extract_strided_slice %get3A_7 {offsets = [9, 1], sizes = [1, 1], strides = [1, 1]} : vector<32x3xf32> to vector<1x1xf32>
    %mul3A_335 = vector.broadcast %slice3A_334 : vector<1x1xf32> to vector<640x128xf32>
    %mul3A_336 = arith.mulf %mul3A_335, %abs3A : vector<640x128xf32>
    %add3A_337 = arith.addf %mul3A_333, %mul3A_336 : vector<640x128xf32>
    %slice3A_338 = vector.extract_strided_slice %get3A_7 {offsets = [9, 2], sizes = [1, 1], strides = [1, 1]} : vector<32x3xf32> to vector<1x1xf32>
    %mul3A_339 = vector.broadcast %slice3A_338 : vector<1x1xf32> to vector<640x128xf32>
    %mul3A_340 = arith.mulf %mul3A_339, %add3A_58 : vector<640x128xf32>
    %add3A_341 = arith.addf %add3A_337, %mul3A_340 : vector<640x128xf32>
    %slice3A_342 = vector.extract_strided_slice %get3A_10 {offsets = [0, 9], sizes = [1, 1], strides = [1, 1]} : vector<1x32xf32> to vector<1x1xf32>
    %add3A_343 = vector.broadcast %slice3A_342 : vector<1x1xf32> to vector<640x128xf32>
    %add3A_344 = arith.addf %add3A_341, %add3A_343 : vector<640x128xf32>
    %logistic3A_345 = arith.negf %add3A_344 : vector<640x128xf32>
    %logistic3A_346 = math.exp %logistic3A_345 : vector<640x128xf32>
    %logistic3A_347 = arith.constant 1.000000e+00 : f32
    %logistic3A_348 = vector.broadcast %logistic3A_347 : f32 to vector<640x128xf32>
    %logistic3A_349 = arith.addf %logistic3A_348, %logistic3A_346 : vector<640x128xf32>
    %logistic3A_350 = arith.divf %logistic3A_348, %logistic3A_349 : vector<640x128xf32>
    %mul3A_351 = arith.mulf %add3A_344, %logistic3A_350 : vector<640x128xf32>
    %slice3A_352 = vector.extract_strided_slice %get3A_13 {offsets = [0, 9], sizes = [1, 1], strides = [1, 1]} : vector<1x32xf32> to vector<1x1xf32>
    %mul3A_353 = vector.broadcast %slice3A_352 : vector<1x1xf32> to vector<640x128xf32>
    %mul3A_354 = arith.mulf %mul3A_353, %mul3A_351 : vector<640x128xf32>
    %add3A_355 = arith.addf %add3A_330, %mul3A_354 : vector<640x128xf32>
    %slice3A_356 = vector.extract_strided_slice %get3A_7 {offsets = [10, 0], sizes = [1, 1], strides = [1, 1]} : vector<32x3xf32> to vector<1x1xf32>
    %mul3A_357 = vector.broadcast %slice3A_356 : vector<1x1xf32> to vector<640x128xf32>
    %mul3A_358 = arith.mulf %mul3A_357, %add3A_30 : vector<640x128xf32>
    %slice3A_359 = vector.extract_strided_slice %get3A_7 {offsets = [10, 1], sizes = [1, 1], strides = [1, 1]} : vector<32x3xf32> to vector<1x1xf32>
    %mul3A_360 = vector.broadcast %slice3A_359 : vector<1x1xf32> to vector<640x128xf32>
    %mul3A_361 = arith.mulf %mul3A_360, %abs3A : vector<640x128xf32>
    %add3A_362 = arith.addf %mul3A_358, %mul3A_361 : vector<640x128xf32>
    %slice3A_363 = vector.extract_strided_slice %get3A_7 {offsets = [10, 2], sizes = [1, 1], strides = [1, 1]} : vector<32x3xf32> to vector<1x1xf32>
    %mul3A_364 = vector.broadcast %slice3A_363 : vector<1x1xf32> to vector<640x128xf32>
    %mul3A_365 = arith.mulf %mul3A_364, %add3A_58 : vector<640x128xf32>
    %add3A_366 = arith.addf %add3A_362, %mul3A_365 : vector<640x128xf32>
    %slice3A_367 = vector.extract_strided_slice %get3A_10 {offsets = [0, 10], sizes = [1, 1], strides = [1, 1]} : vector<1x32xf32> to vector<1x1xf32>
    %add3A_368 = vector.broadcast %slice3A_367 : vector<1x1xf32> to vector<640x128xf32>
    %add3A_369 = arith.addf %add3A_366, %add3A_368 : vector<640x128xf32>
    %logistic3A_370 = arith.negf %add3A_369 : vector<640x128xf32>
    %logistic3A_371 = math.exp %logistic3A_370 : vector<640x128xf32>
    %logistic3A_372 = arith.constant 1.000000e+00 : f32
    %logistic3A_373 = vector.broadcast %logistic3A_372 : f32 to vector<640x128xf32>
    %logistic3A_374 = arith.addf %logistic3A_373, %logistic3A_371 : vector<640x128xf32>
    %logistic3A_375 = arith.divf %logistic3A_373, %logistic3A_374 : vector<640x128xf32>
    %mul3A_376 = arith.mulf %add3A_369, %logistic3A_375 : vector<640x128xf32>
    %slice3A_377 = vector.extract_strided_slice %get3A_13 {offsets = [0, 10], sizes = [1, 1], strides = [1, 1]} : vector<1x32xf32> to vector<1x1xf32>
    %mul3A_378 = vector.broadcast %slice3A_377 : vector<1x1xf32> to vector<640x128xf32>
    %mul3A_379 = arith.mulf %mul3A_378, %mul3A_376 : vector<640x128xf32>
    %add3A_380 = arith.addf %add3A_355, %mul3A_379 : vector<640x128xf32>
    %slice3A_381 = vector.extract_strided_slice %get3A_7 {offsets = [11, 0], sizes = [1, 1], strides = [1, 1]} : vector<32x3xf32> to vector<1x1xf32>
    %mul3A_382 = vector.broadcast %slice3A_381 : vector<1x1xf32> to vector<640x128xf32>
    %mul3A_383 = arith.mulf %mul3A_382, %add3A_30 : vector<640x128xf32>
    %slice3A_384 = vector.extract_strided_slice %get3A_7 {offsets = [11, 1], sizes = [1, 1], strides = [1, 1]} : vector<32x3xf32> to vector<1x1xf32>
    %mul3A_385 = vector.broadcast %slice3A_384 : vector<1x1xf32> to vector<640x128xf32>
    %mul3A_386 = arith.mulf %mul3A_385, %abs3A : vector<640x128xf32>
    %add3A_387 = arith.addf %mul3A_383, %mul3A_386 : vector<640x128xf32>
    %slice3A_388 = vector.extract_strided_slice %get3A_7 {offsets = [11, 2], sizes = [1, 1], strides = [1, 1]} : vector<32x3xf32> to vector<1x1xf32>
    %mul3A_389 = vector.broadcast %slice3A_388 : vector<1x1xf32> to vector<640x128xf32>
    %mul3A_390 = arith.mulf %mul3A_389, %add3A_58 : vector<640x128xf32>
    %add3A_391 = arith.addf %add3A_387, %mul3A_390 : vector<640x128xf32>
    %slice3A_392 = vector.extract_strided_slice %get3A_10 {offsets = [0, 11], sizes = [1, 1], strides = [1, 1]} : vector<1x32xf32> to vector<1x1xf32>
    %add3A_393 = vector.broadcast %slice3A_392 : vector<1x1xf32> to vector<640x128xf32>
    %add3A_394 = arith.addf %add3A_391, %add3A_393 : vector<640x128xf32>
    %logistic3A_395 = arith.negf %add3A_394 : vector<640x128xf32>
    %logistic3A_396 = math.exp %logistic3A_395 : vector<640x128xf32>
    %logistic3A_397 = arith.constant 1.000000e+00 : f32
    %logistic3A_398 = vector.broadcast %logistic3A_397 : f32 to vector<640x128xf32>
    %logistic3A_399 = arith.addf %logistic3A_398, %logistic3A_396 : vector<640x128xf32>
    %logistic3A_400 = arith.divf %logistic3A_398, %logistic3A_399 : vector<640x128xf32>
    %mul3A_401 = arith.mulf %add3A_394, %logistic3A_400 : vector<640x128xf32>
    %slice3A_402 = vector.extract_strided_slice %get3A_13 {offsets = [0, 11], sizes = [1, 1], strides = [1, 1]} : vector<1x32xf32> to vector<1x1xf32>
    %mul3A_403 = vector.broadcast %slice3A_402 : vector<1x1xf32> to vector<640x128xf32>
    %mul3A_404 = arith.mulf %mul3A_403, %mul3A_401 : vector<640x128xf32>
    %add3A_405 = arith.addf %add3A_380, %mul3A_404 : vector<640x128xf32>
    %slice3A_406 = vector.extract_strided_slice %get3A_7 {offsets = [12, 0], sizes = [1, 1], strides = [1, 1]} : vector<32x3xf32> to vector<1x1xf32>
    %mul3A_407 = vector.broadcast %slice3A_406 : vector<1x1xf32> to vector<640x128xf32>
    %mul3A_408 = arith.mulf %mul3A_407, %add3A_30 : vector<640x128xf32>
    %slice3A_409 = vector.extract_strided_slice %get3A_7 {offsets = [12, 1], sizes = [1, 1], strides = [1, 1]} : vector<32x3xf32> to vector<1x1xf32>
    %mul3A_410 = vector.broadcast %slice3A_409 : vector<1x1xf32> to vector<640x128xf32>
    %mul3A_411 = arith.mulf %mul3A_410, %abs3A : vector<640x128xf32>
    %add3A_412 = arith.addf %mul3A_408, %mul3A_411 : vector<640x128xf32>
    %slice3A_413 = vector.extract_strided_slice %get3A_7 {offsets = [12, 2], sizes = [1, 1], strides = [1, 1]} : vector<32x3xf32> to vector<1x1xf32>
    %mul3A_414 = vector.broadcast %slice3A_413 : vector<1x1xf32> to vector<640x128xf32>
    %mul3A_415 = arith.mulf %mul3A_414, %add3A_58 : vector<640x128xf32>
    %add3A_416 = arith.addf %add3A_412, %mul3A_415 : vector<640x128xf32>
    %slice3A_417 = vector.extract_strided_slice %get3A_10 {offsets = [0, 12], sizes = [1, 1], strides = [1, 1]} : vector<1x32xf32> to vector<1x1xf32>
    %add3A_418 = vector.broadcast %slice3A_417 : vector<1x1xf32> to vector<640x128xf32>
    %add3A_419 = arith.addf %add3A_416, %add3A_418 : vector<640x128xf32>
    %logistic3A_420 = arith.negf %add3A_419 : vector<640x128xf32>
    %logistic3A_421 = math.exp %logistic3A_420 : vector<640x128xf32>
    %logistic3A_422 = arith.constant 1.000000e+00 : f32
    %logistic3A_423 = vector.broadcast %logistic3A_422 : f32 to vector<640x128xf32>
    %logistic3A_424 = arith.addf %logistic3A_423, %logistic3A_421 : vector<640x128xf32>
    %logistic3A_425 = arith.divf %logistic3A_423, %logistic3A_424 : vector<640x128xf32>
    %mul3A_426 = arith.mulf %add3A_419, %logistic3A_425 : vector<640x128xf32>
    %slice3A_427 = vector.extract_strided_slice %get3A_13 {offsets = [0, 12], sizes = [1, 1], strides = [1, 1]} : vector<1x32xf32> to vector<1x1xf32>
    %mul3A_428 = vector.broadcast %slice3A_427 : vector<1x1xf32> to vector<640x128xf32>
    %mul3A_429 = arith.mulf %mul3A_428, %mul3A_426 : vector<640x128xf32>
    %add3A_430 = arith.addf %add3A_405, %mul3A_429 : vector<640x128xf32>
    %slice3A_431 = vector.extract_strided_slice %get3A_7 {offsets = [13, 0], sizes = [1, 1], strides = [1, 1]} : vector<32x3xf32> to vector<1x1xf32>
    %mul3A_432 = vector.broadcast %slice3A_431 : vector<1x1xf32> to vector<640x128xf32>
    %mul3A_433 = arith.mulf %mul3A_432, %add3A_30 : vector<640x128xf32>
    %slice3A_434 = vector.extract_strided_slice %get3A_7 {offsets = [13, 1], sizes = [1, 1], strides = [1, 1]} : vector<32x3xf32> to vector<1x1xf32>
    %mul3A_435 = vector.broadcast %slice3A_434 : vector<1x1xf32> to vector<640x128xf32>
    %mul3A_436 = arith.mulf %mul3A_435, %abs3A : vector<640x128xf32>
    %add3A_437 = arith.addf %mul3A_433, %mul3A_436 : vector<640x128xf32>
    %slice3A_438 = vector.extract_strided_slice %get3A_7 {offsets = [13, 2], sizes = [1, 1], strides = [1, 1]} : vector<32x3xf32> to vector<1x1xf32>
    %mul3A_439 = vector.broadcast %slice3A_438 : vector<1x1xf32> to vector<640x128xf32>
    %mul3A_440 = arith.mulf %mul3A_439, %add3A_58 : vector<640x128xf32>
    %add3A_441 = arith.addf %add3A_437, %mul3A_440 : vector<640x128xf32>
    %slice3A_442 = vector.extract_strided_slice %get3A_10 {offsets = [0, 13], sizes = [1, 1], strides = [1, 1]} : vector<1x32xf32> to vector<1x1xf32>
    %add3A_443 = vector.broadcast %slice3A_442 : vector<1x1xf32> to vector<640x128xf32>
    %add3A_444 = arith.addf %add3A_441, %add3A_443 : vector<640x128xf32>
    %logistic3A_445 = arith.negf %add3A_444 : vector<640x128xf32>
    %logistic3A_446 = math.exp %logistic3A_445 : vector<640x128xf32>
    %logistic3A_447 = arith.constant 1.000000e+00 : f32
    %logistic3A_448 = vector.broadcast %logistic3A_447 : f32 to vector<640x128xf32>
    %logistic3A_449 = arith.addf %logistic3A_448, %logistic3A_446 : vector<640x128xf32>
    %logistic3A_450 = arith.divf %logistic3A_448, %logistic3A_449 : vector<640x128xf32>
    %mul3A_451 = arith.mulf %add3A_444, %logistic3A_450 : vector<640x128xf32>
    %slice3A_452 = vector.extract_strided_slice %get3A_13 {offsets = [0, 13], sizes = [1, 1], strides = [1, 1]} : vector<1x32xf32> to vector<1x1xf32>
    %mul3A_453 = vector.broadcast %slice3A_452 : vector<1x1xf32> to vector<640x128xf32>
    %mul3A_454 = arith.mulf %mul3A_453, %mul3A_451 : vector<640x128xf32>
    %add3A_455 = arith.addf %add3A_430, %mul3A_454 : vector<640x128xf32>
    %slice3A_456 = vector.extract_strided_slice %get3A_7 {offsets = [14, 0], sizes = [1, 1], strides = [1, 1]} : vector<32x3xf32> to vector<1x1xf32>
    %mul3A_457 = vector.broadcast %slice3A_456 : vector<1x1xf32> to vector<640x128xf32>
    %mul3A_458 = arith.mulf %mul3A_457, %add3A_30 : vector<640x128xf32>
    %slice3A_459 = vector.extract_strided_slice %get3A_7 {offsets = [14, 1], sizes = [1, 1], strides = [1, 1]} : vector<32x3xf32> to vector<1x1xf32>
    %mul3A_460 = vector.broadcast %slice3A_459 : vector<1x1xf32> to vector<640x128xf32>
    %mul3A_461 = arith.mulf %mul3A_460, %abs3A : vector<640x128xf32>
    %add3A_462 = arith.addf %mul3A_458, %mul3A_461 : vector<640x128xf32>
    %slice3A_463 = vector.extract_strided_slice %get3A_7 {offsets = [14, 2], sizes = [1, 1], strides = [1, 1]} : vector<32x3xf32> to vector<1x1xf32>
    %mul3A_464 = vector.broadcast %slice3A_463 : vector<1x1xf32> to vector<640x128xf32>
    %mul3A_465 = arith.mulf %mul3A_464, %add3A_58 : vector<640x128xf32>
    %add3A_466 = arith.addf %add3A_462, %mul3A_465 : vector<640x128xf32>
    %slice3A_467 = vector.extract_strided_slice %get3A_10 {offsets = [0, 14], sizes = [1, 1], strides = [1, 1]} : vector<1x32xf32> to vector<1x1xf32>
    %add3A_468 = vector.broadcast %slice3A_467 : vector<1x1xf32> to vector<640x128xf32>
    %add3A_469 = arith.addf %add3A_466, %add3A_468 : vector<640x128xf32>
    %logistic3A_470 = arith.negf %add3A_469 : vector<640x128xf32>
    %logistic3A_471 = math.exp %logistic3A_470 : vector<640x128xf32>
    %logistic3A_472 = arith.constant 1.000000e+00 : f32
    %logistic3A_473 = vector.broadcast %logistic3A_472 : f32 to vector<640x128xf32>
    %logistic3A_474 = arith.addf %logistic3A_473, %logistic3A_471 : vector<640x128xf32>
    %logistic3A_475 = arith.divf %logistic3A_473, %logistic3A_474 : vector<640x128xf32>
    %mul3A_476 = arith.mulf %add3A_469, %logistic3A_475 : vector<640x128xf32>
    %slice3A_477 = vector.extract_strided_slice %get3A_13 {offsets = [0, 14], sizes = [1, 1], strides = [1, 1]} : vector<1x32xf32> to vector<1x1xf32>
    %mul3A_478 = vector.broadcast %slice3A_477 : vector<1x1xf32> to vector<640x128xf32>
    %mul3A_479 = arith.mulf %mul3A_478, %mul3A_476 : vector<640x128xf32>
    %add3A_480 = arith.addf %add3A_455, %mul3A_479 : vector<640x128xf32>
    %slice3A_481 = vector.extract_strided_slice %get3A_7 {offsets = [15, 0], sizes = [1, 1], strides = [1, 1]} : vector<32x3xf32> to vector<1x1xf32>
    %mul3A_482 = vector.broadcast %slice3A_481 : vector<1x1xf32> to vector<640x128xf32>
    %mul3A_483 = arith.mulf %mul3A_482, %add3A_30 : vector<640x128xf32>
    %slice3A_484 = vector.extract_strided_slice %get3A_7 {offsets = [15, 1], sizes = [1, 1], strides = [1, 1]} : vector<32x3xf32> to vector<1x1xf32>
    %mul3A_485 = vector.broadcast %slice3A_484 : vector<1x1xf32> to vector<640x128xf32>
    %mul3A_486 = arith.mulf %mul3A_485, %abs3A : vector<640x128xf32>
    %add3A_487 = arith.addf %mul3A_483, %mul3A_486 : vector<640x128xf32>
    %slice3A_488 = vector.extract_strided_slice %get3A_7 {offsets = [15, 2], sizes = [1, 1], strides = [1, 1]} : vector<32x3xf32> to vector<1x1xf32>
    %mul3A_489 = vector.broadcast %slice3A_488 : vector<1x1xf32> to vector<640x128xf32>
    %mul3A_490 = arith.mulf %mul3A_489, %add3A_58 : vector<640x128xf32>
    %add3A_491 = arith.addf %add3A_487, %mul3A_490 : vector<640x128xf32>
    %slice3A_492 = vector.extract_strided_slice %get3A_10 {offsets = [0, 15], sizes = [1, 1], strides = [1, 1]} : vector<1x32xf32> to vector<1x1xf32>
    %add3A_493 = vector.broadcast %slice3A_492 : vector<1x1xf32> to vector<640x128xf32>
    %add3A_494 = arith.addf %add3A_491, %add3A_493 : vector<640x128xf32>
    %logistic3A_495 = arith.negf %add3A_494 : vector<640x128xf32>
    %logistic3A_496 = math.exp %logistic3A_495 : vector<640x128xf32>
    %logistic3A_497 = arith.constant 1.000000e+00 : f32
    %logistic3A_498 = vector.broadcast %logistic3A_497 : f32 to vector<640x128xf32>
    %logistic3A_499 = arith.addf %logistic3A_498, %logistic3A_496 : vector<640x128xf32>
    %logistic3A_500 = arith.divf %logistic3A_498, %logistic3A_499 : vector<640x128xf32>
    %mul3A_501 = arith.mulf %add3A_494, %logistic3A_500 : vector<640x128xf32>
    %slice3A_502 = vector.extract_strided_slice %get3A_13 {offsets = [0, 15], sizes = [1, 1], strides = [1, 1]} : vector<1x32xf32> to vector<1x1xf32>
    %mul3A_503 = vector.broadcast %slice3A_502 : vector<1x1xf32> to vector<640x128xf32>
    %mul3A_504 = arith.mulf %mul3A_503, %mul3A_501 : vector<640x128xf32>
    %add3A_505 = arith.addf %add3A_480, %mul3A_504 : vector<640x128xf32>
    %slice3A_506 = vector.extract_strided_slice %get3A_7 {offsets = [16, 0], sizes = [1, 1], strides = [1, 1]} : vector<32x3xf32> to vector<1x1xf32>
    %mul3A_507 = vector.broadcast %slice3A_506 : vector<1x1xf32> to vector<640x128xf32>
    %mul3A_508 = arith.mulf %mul3A_507, %add3A_30 : vector<640x128xf32>
    %slice3A_509 = vector.extract_strided_slice %get3A_7 {offsets = [16, 1], sizes = [1, 1], strides = [1, 1]} : vector<32x3xf32> to vector<1x1xf32>
    %mul3A_510 = vector.broadcast %slice3A_509 : vector<1x1xf32> to vector<640x128xf32>
    %mul3A_511 = arith.mulf %mul3A_510, %abs3A : vector<640x128xf32>
    %add3A_512 = arith.addf %mul3A_508, %mul3A_511 : vector<640x128xf32>
    %slice3A_513 = vector.extract_strided_slice %get3A_7 {offsets = [16, 2], sizes = [1, 1], strides = [1, 1]} : vector<32x3xf32> to vector<1x1xf32>
    %mul3A_514 = vector.broadcast %slice3A_513 : vector<1x1xf32> to vector<640x128xf32>
    %mul3A_515 = arith.mulf %mul3A_514, %add3A_58 : vector<640x128xf32>
    %add3A_516 = arith.addf %add3A_512, %mul3A_515 : vector<640x128xf32>
    %slice3A_517 = vector.extract_strided_slice %get3A_10 {offsets = [0, 16], sizes = [1, 1], strides = [1, 1]} : vector<1x32xf32> to vector<1x1xf32>
    %add3A_518 = vector.broadcast %slice3A_517 : vector<1x1xf32> to vector<640x128xf32>
    %add3A_519 = arith.addf %add3A_516, %add3A_518 : vector<640x128xf32>
    %logistic3A_520 = arith.negf %add3A_519 : vector<640x128xf32>
    %logistic3A_521 = math.exp %logistic3A_520 : vector<640x128xf32>
    %logistic3A_522 = arith.constant 1.000000e+00 : f32
    %logistic3A_523 = vector.broadcast %logistic3A_522 : f32 to vector<640x128xf32>
    %logistic3A_524 = arith.addf %logistic3A_523, %logistic3A_521 : vector<640x128xf32>
    %logistic3A_525 = arith.divf %logistic3A_523, %logistic3A_524 : vector<640x128xf32>
    %mul3A_526 = arith.mulf %add3A_519, %logistic3A_525 : vector<640x128xf32>
    %slice3A_527 = vector.extract_strided_slice %get3A_13 {offsets = [0, 16], sizes = [1, 1], strides = [1, 1]} : vector<1x32xf32> to vector<1x1xf32>
    %mul3A_528 = vector.broadcast %slice3A_527 : vector<1x1xf32> to vector<640x128xf32>
    %mul3A_529 = arith.mulf %mul3A_528, %mul3A_526 : vector<640x128xf32>
    %add3A_530 = arith.addf %add3A_505, %mul3A_529 : vector<640x128xf32>
    %slice3A_531 = vector.extract_strided_slice %get3A_7 {offsets = [17, 0], sizes = [1, 1], strides = [1, 1]} : vector<32x3xf32> to vector<1x1xf32>
    %mul3A_532 = vector.broadcast %slice3A_531 : vector<1x1xf32> to vector<640x128xf32>
    %mul3A_533 = arith.mulf %mul3A_532, %add3A_30 : vector<640x128xf32>
    %slice3A_534 = vector.extract_strided_slice %get3A_7 {offsets = [17, 1], sizes = [1, 1], strides = [1, 1]} : vector<32x3xf32> to vector<1x1xf32>
    %mul3A_535 = vector.broadcast %slice3A_534 : vector<1x1xf32> to vector<640x128xf32>
    %mul3A_536 = arith.mulf %mul3A_535, %abs3A : vector<640x128xf32>
    %add3A_537 = arith.addf %mul3A_533, %mul3A_536 : vector<640x128xf32>
    %slice3A_538 = vector.extract_strided_slice %get3A_7 {offsets = [17, 2], sizes = [1, 1], strides = [1, 1]} : vector<32x3xf32> to vector<1x1xf32>
    %mul3A_539 = vector.broadcast %slice3A_538 : vector<1x1xf32> to vector<640x128xf32>
    %mul3A_540 = arith.mulf %mul3A_539, %add3A_58 : vector<640x128xf32>
    %add3A_541 = arith.addf %add3A_537, %mul3A_540 : vector<640x128xf32>
    %slice3A_542 = vector.extract_strided_slice %get3A_10 {offsets = [0, 17], sizes = [1, 1], strides = [1, 1]} : vector<1x32xf32> to vector<1x1xf32>
    %add3A_543 = vector.broadcast %slice3A_542 : vector<1x1xf32> to vector<640x128xf32>
    %add3A_544 = arith.addf %add3A_541, %add3A_543 : vector<640x128xf32>
    %logistic3A_545 = arith.negf %add3A_544 : vector<640x128xf32>
    %logistic3A_546 = math.exp %logistic3A_545 : vector<640x128xf32>
    %logistic3A_547 = arith.constant 1.000000e+00 : f32
    %logistic3A_548 = vector.broadcast %logistic3A_547 : f32 to vector<640x128xf32>
    %logistic3A_549 = arith.addf %logistic3A_548, %logistic3A_546 : vector<640x128xf32>
    %logistic3A_550 = arith.divf %logistic3A_548, %logistic3A_549 : vector<640x128xf32>
    %mul3A_551 = arith.mulf %add3A_544, %logistic3A_550 : vector<640x128xf32>
    %slice3A_552 = vector.extract_strided_slice %get3A_13 {offsets = [0, 17], sizes = [1, 1], strides = [1, 1]} : vector<1x32xf32> to vector<1x1xf32>
    %mul3A_553 = vector.broadcast %slice3A_552 : vector<1x1xf32> to vector<640x128xf32>
    %mul3A_554 = arith.mulf %mul3A_553, %mul3A_551 : vector<640x128xf32>
    %add3A_555 = arith.addf %add3A_530, %mul3A_554 : vector<640x128xf32>
    %slice3A_556 = vector.extract_strided_slice %get3A_7 {offsets = [18, 0], sizes = [1, 1], strides = [1, 1]} : vector<32x3xf32> to vector<1x1xf32>
    %mul3A_557 = vector.broadcast %slice3A_556 : vector<1x1xf32> to vector<640x128xf32>
    %mul3A_558 = arith.mulf %mul3A_557, %add3A_30 : vector<640x128xf32>
    %slice3A_559 = vector.extract_strided_slice %get3A_7 {offsets = [18, 1], sizes = [1, 1], strides = [1, 1]} : vector<32x3xf32> to vector<1x1xf32>
    %mul3A_560 = vector.broadcast %slice3A_559 : vector<1x1xf32> to vector<640x128xf32>
    %mul3A_561 = arith.mulf %mul3A_560, %abs3A : vector<640x128xf32>
    %add3A_562 = arith.addf %mul3A_558, %mul3A_561 : vector<640x128xf32>
    %slice3A_563 = vector.extract_strided_slice %get3A_7 {offsets = [18, 2], sizes = [1, 1], strides = [1, 1]} : vector<32x3xf32> to vector<1x1xf32>
    %mul3A_564 = vector.broadcast %slice3A_563 : vector<1x1xf32> to vector<640x128xf32>
    %mul3A_565 = arith.mulf %mul3A_564, %add3A_58 : vector<640x128xf32>
    %add3A_566 = arith.addf %add3A_562, %mul3A_565 : vector<640x128xf32>
    %slice3A_567 = vector.extract_strided_slice %get3A_10 {offsets = [0, 18], sizes = [1, 1], strides = [1, 1]} : vector<1x32xf32> to vector<1x1xf32>
    %add3A_568 = vector.broadcast %slice3A_567 : vector<1x1xf32> to vector<640x128xf32>
    %add3A_569 = arith.addf %add3A_566, %add3A_568 : vector<640x128xf32>
    %logistic3A_570 = arith.negf %add3A_569 : vector<640x128xf32>
    %logistic3A_571 = math.exp %logistic3A_570 : vector<640x128xf32>
    %logistic3A_572 = arith.constant 1.000000e+00 : f32
    %logistic3A_573 = vector.broadcast %logistic3A_572 : f32 to vector<640x128xf32>
    %logistic3A_574 = arith.addf %logistic3A_573, %logistic3A_571 : vector<640x128xf32>
    %logistic3A_575 = arith.divf %logistic3A_573, %logistic3A_574 : vector<640x128xf32>
    %mul3A_576 = arith.mulf %add3A_569, %logistic3A_575 : vector<640x128xf32>
    %slice3A_577 = vector.extract_strided_slice %get3A_13 {offsets = [0, 18], sizes = [1, 1], strides = [1, 1]} : vector<1x32xf32> to vector<1x1xf32>
    %mul3A_578 = vector.broadcast %slice3A_577 : vector<1x1xf32> to vector<640x128xf32>
    %mul3A_579 = arith.mulf %mul3A_578, %mul3A_576 : vector<640x128xf32>
    %add3A_580 = arith.addf %add3A_555, %mul3A_579 : vector<640x128xf32>
    %slice3A_581 = vector.extract_strided_slice %get3A_7 {offsets = [19, 0], sizes = [1, 1], strides = [1, 1]} : vector<32x3xf32> to vector<1x1xf32>
    %mul3A_582 = vector.broadcast %slice3A_581 : vector<1x1xf32> to vector<640x128xf32>
    %mul3A_583 = arith.mulf %mul3A_582, %add3A_30 : vector<640x128xf32>
    %slice3A_584 = vector.extract_strided_slice %get3A_7 {offsets = [19, 1], sizes = [1, 1], strides = [1, 1]} : vector<32x3xf32> to vector<1x1xf32>
    %mul3A_585 = vector.broadcast %slice3A_584 : vector<1x1xf32> to vector<640x128xf32>
    %mul3A_586 = arith.mulf %mul3A_585, %abs3A : vector<640x128xf32>
    %add3A_587 = arith.addf %mul3A_583, %mul3A_586 : vector<640x128xf32>
    %slice3A_588 = vector.extract_strided_slice %get3A_7 {offsets = [19, 2], sizes = [1, 1], strides = [1, 1]} : vector<32x3xf32> to vector<1x1xf32>
    %mul3A_589 = vector.broadcast %slice3A_588 : vector<1x1xf32> to vector<640x128xf32>
    %mul3A_590 = arith.mulf %mul3A_589, %add3A_58 : vector<640x128xf32>
    %add3A_591 = arith.addf %add3A_587, %mul3A_590 : vector<640x128xf32>
    %slice3A_592 = vector.extract_strided_slice %get3A_10 {offsets = [0, 19], sizes = [1, 1], strides = [1, 1]} : vector<1x32xf32> to vector<1x1xf32>
    %add3A_593 = vector.broadcast %slice3A_592 : vector<1x1xf32> to vector<640x128xf32>
    %add3A_594 = arith.addf %add3A_591, %add3A_593 : vector<640x128xf32>
    %logistic3A_595 = arith.negf %add3A_594 : vector<640x128xf32>
    %logistic3A_596 = math.exp %logistic3A_595 : vector<640x128xf32>
    %logistic3A_597 = arith.constant 1.000000e+00 : f32
    %logistic3A_598 = vector.broadcast %logistic3A_597 : f32 to vector<640x128xf32>
    %logistic3A_599 = arith.addf %logistic3A_598, %logistic3A_596 : vector<640x128xf32>
    %logistic3A_600 = arith.divf %logistic3A_598, %logistic3A_599 : vector<640x128xf32>
    %mul3A_601 = arith.mulf %add3A_594, %logistic3A_600 : vector<640x128xf32>
    %slice3A_602 = vector.extract_strided_slice %get3A_13 {offsets = [0, 19], sizes = [1, 1], strides = [1, 1]} : vector<1x32xf32> to vector<1x1xf32>
    %mul3A_603 = vector.broadcast %slice3A_602 : vector<1x1xf32> to vector<640x128xf32>
    %mul3A_604 = arith.mulf %mul3A_603, %mul3A_601 : vector<640x128xf32>
    %add3A_605 = arith.addf %add3A_580, %mul3A_604 : vector<640x128xf32>
    %slice3A_606 = vector.extract_strided_slice %get3A_7 {offsets = [20, 0], sizes = [1, 1], strides = [1, 1]} : vector<32x3xf32> to vector<1x1xf32>
    %mul3A_607 = vector.broadcast %slice3A_606 : vector<1x1xf32> to vector<640x128xf32>
    %mul3A_608 = arith.mulf %mul3A_607, %add3A_30 : vector<640x128xf32>
    %slice3A_609 = vector.extract_strided_slice %get3A_7 {offsets = [20, 1], sizes = [1, 1], strides = [1, 1]} : vector<32x3xf32> to vector<1x1xf32>
    %mul3A_610 = vector.broadcast %slice3A_609 : vector<1x1xf32> to vector<640x128xf32>
    %mul3A_611 = arith.mulf %mul3A_610, %abs3A : vector<640x128xf32>
    %add3A_612 = arith.addf %mul3A_608, %mul3A_611 : vector<640x128xf32>
    %slice3A_613 = vector.extract_strided_slice %get3A_7 {offsets = [20, 2], sizes = [1, 1], strides = [1, 1]} : vector<32x3xf32> to vector<1x1xf32>
    %mul3A_614 = vector.broadcast %slice3A_613 : vector<1x1xf32> to vector<640x128xf32>
    %mul3A_615 = arith.mulf %mul3A_614, %add3A_58 : vector<640x128xf32>
    %add3A_616 = arith.addf %add3A_612, %mul3A_615 : vector<640x128xf32>
    %slice3A_617 = vector.extract_strided_slice %get3A_10 {offsets = [0, 20], sizes = [1, 1], strides = [1, 1]} : vector<1x32xf32> to vector<1x1xf32>
    %add3A_618 = vector.broadcast %slice3A_617 : vector<1x1xf32> to vector<640x128xf32>
    %add3A_619 = arith.addf %add3A_616, %add3A_618 : vector<640x128xf32>
    %logistic3A_620 = arith.negf %add3A_619 : vector<640x128xf32>
    %logistic3A_621 = math.exp %logistic3A_620 : vector<640x128xf32>
    %logistic3A_622 = arith.constant 1.000000e+00 : f32
    %logistic3A_623 = vector.broadcast %logistic3A_622 : f32 to vector<640x128xf32>
    %logistic3A_624 = arith.addf %logistic3A_623, %logistic3A_621 : vector<640x128xf32>
    %logistic3A_625 = arith.divf %logistic3A_623, %logistic3A_624 : vector<640x128xf32>
    %mul3A_626 = arith.mulf %add3A_619, %logistic3A_625 : vector<640x128xf32>
    %slice3A_627 = vector.extract_strided_slice %get3A_13 {offsets = [0, 20], sizes = [1, 1], strides = [1, 1]} : vector<1x32xf32> to vector<1x1xf32>
    %mul3A_628 = vector.broadcast %slice3A_627 : vector<1x1xf32> to vector<640x128xf32>
    %mul3A_629 = arith.mulf %mul3A_628, %mul3A_626 : vector<640x128xf32>
    %add3A_630 = arith.addf %add3A_605, %mul3A_629 : vector<640x128xf32>
    %slice3A_631 = vector.extract_strided_slice %get3A_7 {offsets = [21, 0], sizes = [1, 1], strides = [1, 1]} : vector<32x3xf32> to vector<1x1xf32>
    %mul3A_632 = vector.broadcast %slice3A_631 : vector<1x1xf32> to vector<640x128xf32>
    %mul3A_633 = arith.mulf %mul3A_632, %add3A_30 : vector<640x128xf32>
    %slice3A_634 = vector.extract_strided_slice %get3A_7 {offsets = [21, 1], sizes = [1, 1], strides = [1, 1]} : vector<32x3xf32> to vector<1x1xf32>
    %mul3A_635 = vector.broadcast %slice3A_634 : vector<1x1xf32> to vector<640x128xf32>
    %mul3A_636 = arith.mulf %mul3A_635, %abs3A : vector<640x128xf32>
    %add3A_637 = arith.addf %mul3A_633, %mul3A_636 : vector<640x128xf32>
    %slice3A_638 = vector.extract_strided_slice %get3A_7 {offsets = [21, 2], sizes = [1, 1], strides = [1, 1]} : vector<32x3xf32> to vector<1x1xf32>
    %mul3A_639 = vector.broadcast %slice3A_638 : vector<1x1xf32> to vector<640x128xf32>
    %mul3A_640 = arith.mulf %mul3A_639, %add3A_58 : vector<640x128xf32>
    %add3A_641 = arith.addf %add3A_637, %mul3A_640 : vector<640x128xf32>
    %slice3A_642 = vector.extract_strided_slice %get3A_10 {offsets = [0, 21], sizes = [1, 1], strides = [1, 1]} : vector<1x32xf32> to vector<1x1xf32>
    %add3A_643 = vector.broadcast %slice3A_642 : vector<1x1xf32> to vector<640x128xf32>
    %add3A_644 = arith.addf %add3A_641, %add3A_643 : vector<640x128xf32>
    %logistic3A_645 = arith.negf %add3A_644 : vector<640x128xf32>
    %logistic3A_646 = math.exp %logistic3A_645 : vector<640x128xf32>
    %logistic3A_647 = arith.constant 1.000000e+00 : f32
    %logistic3A_648 = vector.broadcast %logistic3A_647 : f32 to vector<640x128xf32>
    %logistic3A_649 = arith.addf %logistic3A_648, %logistic3A_646 : vector<640x128xf32>
    %logistic3A_650 = arith.divf %logistic3A_648, %logistic3A_649 : vector<640x128xf32>
    %mul3A_651 = arith.mulf %add3A_644, %logistic3A_650 : vector<640x128xf32>
    %slice3A_652 = vector.extract_strided_slice %get3A_13 {offsets = [0, 21], sizes = [1, 1], strides = [1, 1]} : vector<1x32xf32> to vector<1x1xf32>
    %mul3A_653 = vector.broadcast %slice3A_652 : vector<1x1xf32> to vector<640x128xf32>
    %mul3A_654 = arith.mulf %mul3A_653, %mul3A_651 : vector<640x128xf32>
    %add3A_655 = arith.addf %add3A_630, %mul3A_654 : vector<640x128xf32>
    %slice3A_656 = vector.extract_strided_slice %get3A_7 {offsets = [22, 0], sizes = [1, 1], strides = [1, 1]} : vector<32x3xf32> to vector<1x1xf32>
    %mul3A_657 = vector.broadcast %slice3A_656 : vector<1x1xf32> to vector<640x128xf32>
    %mul3A_658 = arith.mulf %mul3A_657, %add3A_30 : vector<640x128xf32>
    %slice3A_659 = vector.extract_strided_slice %get3A_7 {offsets = [22, 1], sizes = [1, 1], strides = [1, 1]} : vector<32x3xf32> to vector<1x1xf32>
    %mul3A_660 = vector.broadcast %slice3A_659 : vector<1x1xf32> to vector<640x128xf32>
    %mul3A_661 = arith.mulf %mul3A_660, %abs3A : vector<640x128xf32>
    %add3A_662 = arith.addf %mul3A_658, %mul3A_661 : vector<640x128xf32>
    %slice3A_663 = vector.extract_strided_slice %get3A_7 {offsets = [22, 2], sizes = [1, 1], strides = [1, 1]} : vector<32x3xf32> to vector<1x1xf32>
    %mul3A_664 = vector.broadcast %slice3A_663 : vector<1x1xf32> to vector<640x128xf32>
    %mul3A_665 = arith.mulf %mul3A_664, %add3A_58 : vector<640x128xf32>
    %add3A_666 = arith.addf %add3A_662, %mul3A_665 : vector<640x128xf32>
    %slice3A_667 = vector.extract_strided_slice %get3A_10 {offsets = [0, 22], sizes = [1, 1], strides = [1, 1]} : vector<1x32xf32> to vector<1x1xf32>
    %add3A_668 = vector.broadcast %slice3A_667 : vector<1x1xf32> to vector<640x128xf32>
    %add3A_669 = arith.addf %add3A_666, %add3A_668 : vector<640x128xf32>
    %logistic3A_670 = arith.negf %add3A_669 : vector<640x128xf32>
    %logistic3A_671 = math.exp %logistic3A_670 : vector<640x128xf32>
    %logistic3A_672 = arith.constant 1.000000e+00 : f32
    %logistic3A_673 = vector.broadcast %logistic3A_672 : f32 to vector<640x128xf32>
    %logistic3A_674 = arith.addf %logistic3A_673, %logistic3A_671 : vector<640x128xf32>
    %logistic3A_675 = arith.divf %logistic3A_673, %logistic3A_674 : vector<640x128xf32>
    %mul3A_676 = arith.mulf %add3A_669, %logistic3A_675 : vector<640x128xf32>
    %slice3A_677 = vector.extract_strided_slice %get3A_13 {offsets = [0, 22], sizes = [1, 1], strides = [1, 1]} : vector<1x32xf32> to vector<1x1xf32>
    %mul3A_678 = vector.broadcast %slice3A_677 : vector<1x1xf32> to vector<640x128xf32>
    %mul3A_679 = arith.mulf %mul3A_678, %mul3A_676 : vector<640x128xf32>
    %add3A_680 = arith.addf %add3A_655, %mul3A_679 : vector<640x128xf32>
    %slice3A_681 = vector.extract_strided_slice %get3A_7 {offsets = [23, 0], sizes = [1, 1], strides = [1, 1]} : vector<32x3xf32> to vector<1x1xf32>
    %mul3A_682 = vector.broadcast %slice3A_681 : vector<1x1xf32> to vector<640x128xf32>
    %mul3A_683 = arith.mulf %mul3A_682, %add3A_30 : vector<640x128xf32>
    %slice3A_684 = vector.extract_strided_slice %get3A_7 {offsets = [23, 1], sizes = [1, 1], strides = [1, 1]} : vector<32x3xf32> to vector<1x1xf32>
    %mul3A_685 = vector.broadcast %slice3A_684 : vector<1x1xf32> to vector<640x128xf32>
    %mul3A_686 = arith.mulf %mul3A_685, %abs3A : vector<640x128xf32>
    %add3A_687 = arith.addf %mul3A_683, %mul3A_686 : vector<640x128xf32>
    %slice3A_688 = vector.extract_strided_slice %get3A_7 {offsets = [23, 2], sizes = [1, 1], strides = [1, 1]} : vector<32x3xf32> to vector<1x1xf32>
    %mul3A_689 = vector.broadcast %slice3A_688 : vector<1x1xf32> to vector<640x128xf32>
    %mul3A_690 = arith.mulf %mul3A_689, %add3A_58 : vector<640x128xf32>
    %add3A_691 = arith.addf %add3A_687, %mul3A_690 : vector<640x128xf32>
    %slice3A_692 = vector.extract_strided_slice %get3A_10 {offsets = [0, 23], sizes = [1, 1], strides = [1, 1]} : vector<1x32xf32> to vector<1x1xf32>
    %add3A_693 = vector.broadcast %slice3A_692 : vector<1x1xf32> to vector<640x128xf32>
    %add3A_694 = arith.addf %add3A_691, %add3A_693 : vector<640x128xf32>
    %logistic3A_695 = arith.negf %add3A_694 : vector<640x128xf32>
    %logistic3A_696 = math.exp %logistic3A_695 : vector<640x128xf32>
    %logistic3A_697 = arith.constant 1.000000e+00 : f32
    %logistic3A_698 = vector.broadcast %logistic3A_697 : f32 to vector<640x128xf32>
    %logistic3A_699 = arith.addf %logistic3A_698, %logistic3A_696 : vector<640x128xf32>
    %logistic3A_700 = arith.divf %logistic3A_698, %logistic3A_699 : vector<640x128xf32>
    %mul3A_701 = arith.mulf %add3A_694, %logistic3A_700 : vector<640x128xf32>
    %slice3A_702 = vector.extract_strided_slice %get3A_13 {offsets = [0, 23], sizes = [1, 1], strides = [1, 1]} : vector<1x32xf32> to vector<1x1xf32>
    %mul3A_703 = vector.broadcast %slice3A_702 : vector<1x1xf32> to vector<640x128xf32>
    %mul3A_704 = arith.mulf %mul3A_703, %mul3A_701 : vector<640x128xf32>
    %add3A_705 = arith.addf %add3A_680, %mul3A_704 : vector<640x128xf32>
    %slice3A_706 = vector.extract_strided_slice %get3A_7 {offsets = [24, 0], sizes = [1, 1], strides = [1, 1]} : vector<32x3xf32> to vector<1x1xf32>
    %mul3A_707 = vector.broadcast %slice3A_706 : vector<1x1xf32> to vector<640x128xf32>
    %mul3A_708 = arith.mulf %mul3A_707, %add3A_30 : vector<640x128xf32>
    %slice3A_709 = vector.extract_strided_slice %get3A_7 {offsets = [24, 1], sizes = [1, 1], strides = [1, 1]} : vector<32x3xf32> to vector<1x1xf32>
    %mul3A_710 = vector.broadcast %slice3A_709 : vector<1x1xf32> to vector<640x128xf32>
    %mul3A_711 = arith.mulf %mul3A_710, %abs3A : vector<640x128xf32>
    %add3A_712 = arith.addf %mul3A_708, %mul3A_711 : vector<640x128xf32>
    %slice3A_713 = vector.extract_strided_slice %get3A_7 {offsets = [24, 2], sizes = [1, 1], strides = [1, 1]} : vector<32x3xf32> to vector<1x1xf32>
    %mul3A_714 = vector.broadcast %slice3A_713 : vector<1x1xf32> to vector<640x128xf32>
    %mul3A_715 = arith.mulf %mul3A_714, %add3A_58 : vector<640x128xf32>
    %add3A_716 = arith.addf %add3A_712, %mul3A_715 : vector<640x128xf32>
    %slice3A_717 = vector.extract_strided_slice %get3A_10 {offsets = [0, 24], sizes = [1, 1], strides = [1, 1]} : vector<1x32xf32> to vector<1x1xf32>
    %add3A_718 = vector.broadcast %slice3A_717 : vector<1x1xf32> to vector<640x128xf32>
    %add3A_719 = arith.addf %add3A_716, %add3A_718 : vector<640x128xf32>
    %logistic3A_720 = arith.negf %add3A_719 : vector<640x128xf32>
    %logistic3A_721 = math.exp %logistic3A_720 : vector<640x128xf32>
    %logistic3A_722 = arith.constant 1.000000e+00 : f32
    %logistic3A_723 = vector.broadcast %logistic3A_722 : f32 to vector<640x128xf32>
    %logistic3A_724 = arith.addf %logistic3A_723, %logistic3A_721 : vector<640x128xf32>
    %logistic3A_725 = arith.divf %logistic3A_723, %logistic3A_724 : vector<640x128xf32>
    %mul3A_726 = arith.mulf %add3A_719, %logistic3A_725 : vector<640x128xf32>
    %slice3A_727 = vector.extract_strided_slice %get3A_13 {offsets = [0, 24], sizes = [1, 1], strides = [1, 1]} : vector<1x32xf32> to vector<1x1xf32>
    %mul3A_728 = vector.broadcast %slice3A_727 : vector<1x1xf32> to vector<640x128xf32>
    %mul3A_729 = arith.mulf %mul3A_728, %mul3A_726 : vector<640x128xf32>
    %add3A_730 = arith.addf %add3A_705, %mul3A_729 : vector<640x128xf32>
    %slice3A_731 = vector.extract_strided_slice %get3A_7 {offsets = [25, 0], sizes = [1, 1], strides = [1, 1]} : vector<32x3xf32> to vector<1x1xf32>
    %mul3A_732 = vector.broadcast %slice3A_731 : vector<1x1xf32> to vector<640x128xf32>
    %mul3A_733 = arith.mulf %mul3A_732, %add3A_30 : vector<640x128xf32>
    %slice3A_734 = vector.extract_strided_slice %get3A_7 {offsets = [25, 1], sizes = [1, 1], strides = [1, 1]} : vector<32x3xf32> to vector<1x1xf32>
    %mul3A_735 = vector.broadcast %slice3A_734 : vector<1x1xf32> to vector<640x128xf32>
    %mul3A_736 = arith.mulf %mul3A_735, %abs3A : vector<640x128xf32>
    %add3A_737 = arith.addf %mul3A_733, %mul3A_736 : vector<640x128xf32>
    %slice3A_738 = vector.extract_strided_slice %get3A_7 {offsets = [25, 2], sizes = [1, 1], strides = [1, 1]} : vector<32x3xf32> to vector<1x1xf32>
    %mul3A_739 = vector.broadcast %slice3A_738 : vector<1x1xf32> to vector<640x128xf32>
    %mul3A_740 = arith.mulf %mul3A_739, %add3A_58 : vector<640x128xf32>
    %add3A_741 = arith.addf %add3A_737, %mul3A_740 : vector<640x128xf32>
    %slice3A_742 = vector.extract_strided_slice %get3A_10 {offsets = [0, 25], sizes = [1, 1], strides = [1, 1]} : vector<1x32xf32> to vector<1x1xf32>
    %add3A_743 = vector.broadcast %slice3A_742 : vector<1x1xf32> to vector<640x128xf32>
    %add3A_744 = arith.addf %add3A_741, %add3A_743 : vector<640x128xf32>
    %logistic3A_745 = arith.negf %add3A_744 : vector<640x128xf32>
    %logistic3A_746 = math.exp %logistic3A_745 : vector<640x128xf32>
    %logistic3A_747 = arith.constant 1.000000e+00 : f32
    %logistic3A_748 = vector.broadcast %logistic3A_747 : f32 to vector<640x128xf32>
    %logistic3A_749 = arith.addf %logistic3A_748, %logistic3A_746 : vector<640x128xf32>
    %logistic3A_750 = arith.divf %logistic3A_748, %logistic3A_749 : vector<640x128xf32>
    %mul3A_751 = arith.mulf %add3A_744, %logistic3A_750 : vector<640x128xf32>
    %slice3A_752 = vector.extract_strided_slice %get3A_13 {offsets = [0, 25], sizes = [1, 1], strides = [1, 1]} : vector<1x32xf32> to vector<1x1xf32>
    %mul3A_753 = vector.broadcast %slice3A_752 : vector<1x1xf32> to vector<640x128xf32>
    %mul3A_754 = arith.mulf %mul3A_753, %mul3A_751 : vector<640x128xf32>
    %add3A_755 = arith.addf %add3A_730, %mul3A_754 : vector<640x128xf32>
    %slice3A_756 = vector.extract_strided_slice %get3A_7 {offsets = [26, 0], sizes = [1, 1], strides = [1, 1]} : vector<32x3xf32> to vector<1x1xf32>
    %mul3A_757 = vector.broadcast %slice3A_756 : vector<1x1xf32> to vector<640x128xf32>
    %mul3A_758 = arith.mulf %mul3A_757, %add3A_30 : vector<640x128xf32>
    %slice3A_759 = vector.extract_strided_slice %get3A_7 {offsets = [26, 1], sizes = [1, 1], strides = [1, 1]} : vector<32x3xf32> to vector<1x1xf32>
    %mul3A_760 = vector.broadcast %slice3A_759 : vector<1x1xf32> to vector<640x128xf32>
    %mul3A_761 = arith.mulf %mul3A_760, %abs3A : vector<640x128xf32>
    %add3A_762 = arith.addf %mul3A_758, %mul3A_761 : vector<640x128xf32>
    %slice3A_763 = vector.extract_strided_slice %get3A_7 {offsets = [26, 2], sizes = [1, 1], strides = [1, 1]} : vector<32x3xf32> to vector<1x1xf32>
    %mul3A_764 = vector.broadcast %slice3A_763 : vector<1x1xf32> to vector<640x128xf32>
    %mul3A_765 = arith.mulf %mul3A_764, %add3A_58 : vector<640x128xf32>
    %add3A_766 = arith.addf %add3A_762, %mul3A_765 : vector<640x128xf32>
    %slice3A_767 = vector.extract_strided_slice %get3A_10 {offsets = [0, 26], sizes = [1, 1], strides = [1, 1]} : vector<1x32xf32> to vector<1x1xf32>
    %add3A_768 = vector.broadcast %slice3A_767 : vector<1x1xf32> to vector<640x128xf32>
    %add3A_769 = arith.addf %add3A_766, %add3A_768 : vector<640x128xf32>
    %logistic3A_770 = arith.negf %add3A_769 : vector<640x128xf32>
    %logistic3A_771 = math.exp %logistic3A_770 : vector<640x128xf32>
    %logistic3A_772 = arith.constant 1.000000e+00 : f32
    %logistic3A_773 = vector.broadcast %logistic3A_772 : f32 to vector<640x128xf32>
    %logistic3A_774 = arith.addf %logistic3A_773, %logistic3A_771 : vector<640x128xf32>
    %logistic3A_775 = arith.divf %logistic3A_773, %logistic3A_774 : vector<640x128xf32>
    %mul3A_776 = arith.mulf %add3A_769, %logistic3A_775 : vector<640x128xf32>
    %slice3A_777 = vector.extract_strided_slice %get3A_13 {offsets = [0, 26], sizes = [1, 1], strides = [1, 1]} : vector<1x32xf32> to vector<1x1xf32>
    %mul3A_778 = vector.broadcast %slice3A_777 : vector<1x1xf32> to vector<640x128xf32>
    %mul3A_779 = arith.mulf %mul3A_778, %mul3A_776 : vector<640x128xf32>
    %add3A_780 = arith.addf %add3A_755, %mul3A_779 : vector<640x128xf32>
    %slice3A_781 = vector.extract_strided_slice %get3A_7 {offsets = [27, 0], sizes = [1, 1], strides = [1, 1]} : vector<32x3xf32> to vector<1x1xf32>
    %mul3A_782 = vector.broadcast %slice3A_781 : vector<1x1xf32> to vector<640x128xf32>
    %mul3A_783 = arith.mulf %mul3A_782, %add3A_30 : vector<640x128xf32>
    %slice3A_784 = vector.extract_strided_slice %get3A_7 {offsets = [27, 1], sizes = [1, 1], strides = [1, 1]} : vector<32x3xf32> to vector<1x1xf32>
    %mul3A_785 = vector.broadcast %slice3A_784 : vector<1x1xf32> to vector<640x128xf32>
    %mul3A_786 = arith.mulf %mul3A_785, %abs3A : vector<640x128xf32>
    %add3A_787 = arith.addf %mul3A_783, %mul3A_786 : vector<640x128xf32>
    %slice3A_788 = vector.extract_strided_slice %get3A_7 {offsets = [27, 2], sizes = [1, 1], strides = [1, 1]} : vector<32x3xf32> to vector<1x1xf32>
    %mul3A_789 = vector.broadcast %slice3A_788 : vector<1x1xf32> to vector<640x128xf32>
    %mul3A_790 = arith.mulf %mul3A_789, %add3A_58 : vector<640x128xf32>
    %add3A_791 = arith.addf %add3A_787, %mul3A_790 : vector<640x128xf32>
    %slice3A_792 = vector.extract_strided_slice %get3A_10 {offsets = [0, 27], sizes = [1, 1], strides = [1, 1]} : vector<1x32xf32> to vector<1x1xf32>
    %add3A_793 = vector.broadcast %slice3A_792 : vector<1x1xf32> to vector<640x128xf32>
    %add3A_794 = arith.addf %add3A_791, %add3A_793 : vector<640x128xf32>
    %logistic3A_795 = arith.negf %add3A_794 : vector<640x128xf32>
    %logistic3A_796 = math.exp %logistic3A_795 : vector<640x128xf32>
    %logistic3A_797 = arith.constant 1.000000e+00 : f32
    %logistic3A_798 = vector.broadcast %logistic3A_797 : f32 to vector<640x128xf32>
    %logistic3A_799 = arith.addf %logistic3A_798, %logistic3A_796 : vector<640x128xf32>
    %logistic3A_800 = arith.divf %logistic3A_798, %logistic3A_799 : vector<640x128xf32>
    %mul3A_801 = arith.mulf %add3A_794, %logistic3A_800 : vector<640x128xf32>
    %slice3A_802 = vector.extract_strided_slice %get3A_13 {offsets = [0, 27], sizes = [1, 1], strides = [1, 1]} : vector<1x32xf32> to vector<1x1xf32>
    %mul3A_803 = vector.broadcast %slice3A_802 : vector<1x1xf32> to vector<640x128xf32>
    %mul3A_804 = arith.mulf %mul3A_803, %mul3A_801 : vector<640x128xf32>
    %add3A_805 = arith.addf %add3A_780, %mul3A_804 : vector<640x128xf32>
    %slice3A_806 = vector.extract_strided_slice %get3A_7 {offsets = [28, 0], sizes = [1, 1], strides = [1, 1]} : vector<32x3xf32> to vector<1x1xf32>
    %mul3A_807 = vector.broadcast %slice3A_806 : vector<1x1xf32> to vector<640x128xf32>
    %mul3A_808 = arith.mulf %mul3A_807, %add3A_30 : vector<640x128xf32>
    %slice3A_809 = vector.extract_strided_slice %get3A_7 {offsets = [28, 1], sizes = [1, 1], strides = [1, 1]} : vector<32x3xf32> to vector<1x1xf32>
    %mul3A_810 = vector.broadcast %slice3A_809 : vector<1x1xf32> to vector<640x128xf32>
    %mul3A_811 = arith.mulf %mul3A_810, %abs3A : vector<640x128xf32>
    %add3A_812 = arith.addf %mul3A_808, %mul3A_811 : vector<640x128xf32>
    %slice3A_813 = vector.extract_strided_slice %get3A_7 {offsets = [28, 2], sizes = [1, 1], strides = [1, 1]} : vector<32x3xf32> to vector<1x1xf32>
    %mul3A_814 = vector.broadcast %slice3A_813 : vector<1x1xf32> to vector<640x128xf32>
    %mul3A_815 = arith.mulf %mul3A_814, %add3A_58 : vector<640x128xf32>
    %add3A_816 = arith.addf %add3A_812, %mul3A_815 : vector<640x128xf32>
    %slice3A_817 = vector.extract_strided_slice %get3A_10 {offsets = [0, 28], sizes = [1, 1], strides = [1, 1]} : vector<1x32xf32> to vector<1x1xf32>
    %add3A_818 = vector.broadcast %slice3A_817 : vector<1x1xf32> to vector<640x128xf32>
    %add3A_819 = arith.addf %add3A_816, %add3A_818 : vector<640x128xf32>
    %logistic3A_820 = arith.negf %add3A_819 : vector<640x128xf32>
    %logistic3A_821 = math.exp %logistic3A_820 : vector<640x128xf32>
    %logistic3A_822 = arith.constant 1.000000e+00 : f32
    %logistic3A_823 = vector.broadcast %logistic3A_822 : f32 to vector<640x128xf32>
    %logistic3A_824 = arith.addf %logistic3A_823, %logistic3A_821 : vector<640x128xf32>
    %logistic3A_825 = arith.divf %logistic3A_823, %logistic3A_824 : vector<640x128xf32>
    %mul3A_826 = arith.mulf %add3A_819, %logistic3A_825 : vector<640x128xf32>
    %slice3A_827 = vector.extract_strided_slice %get3A_13 {offsets = [0, 28], sizes = [1, 1], strides = [1, 1]} : vector<1x32xf32> to vector<1x1xf32>
    %mul3A_828 = vector.broadcast %slice3A_827 : vector<1x1xf32> to vector<640x128xf32>
    %mul3A_829 = arith.mulf %mul3A_828, %mul3A_826 : vector<640x128xf32>
    %add3A_830 = arith.addf %add3A_805, %mul3A_829 : vector<640x128xf32>
    %slice3A_831 = vector.extract_strided_slice %get3A_7 {offsets = [29, 0], sizes = [1, 1], strides = [1, 1]} : vector<32x3xf32> to vector<1x1xf32>
    %mul3A_832 = vector.broadcast %slice3A_831 : vector<1x1xf32> to vector<640x128xf32>
    %mul3A_833 = arith.mulf %mul3A_832, %add3A_30 : vector<640x128xf32>
    %slice3A_834 = vector.extract_strided_slice %get3A_7 {offsets = [29, 1], sizes = [1, 1], strides = [1, 1]} : vector<32x3xf32> to vector<1x1xf32>
    %mul3A_835 = vector.broadcast %slice3A_834 : vector<1x1xf32> to vector<640x128xf32>
    %mul3A_836 = arith.mulf %mul3A_835, %abs3A : vector<640x128xf32>
    %add3A_837 = arith.addf %mul3A_833, %mul3A_836 : vector<640x128xf32>
    %slice3A_838 = vector.extract_strided_slice %get3A_7 {offsets = [29, 2], sizes = [1, 1], strides = [1, 1]} : vector<32x3xf32> to vector<1x1xf32>
    %mul3A_839 = vector.broadcast %slice3A_838 : vector<1x1xf32> to vector<640x128xf32>
    %mul3A_840 = arith.mulf %mul3A_839, %add3A_58 : vector<640x128xf32>
    %add3A_841 = arith.addf %add3A_837, %mul3A_840 : vector<640x128xf32>
    %slice3A_842 = vector.extract_strided_slice %get3A_10 {offsets = [0, 29], sizes = [1, 1], strides = [1, 1]} : vector<1x32xf32> to vector<1x1xf32>
    %add3A_843 = vector.broadcast %slice3A_842 : vector<1x1xf32> to vector<640x128xf32>
    %add3A_844 = arith.addf %add3A_841, %add3A_843 : vector<640x128xf32>
    %logistic3A_845 = arith.negf %add3A_844 : vector<640x128xf32>
    %logistic3A_846 = math.exp %logistic3A_845 : vector<640x128xf32>
    %logistic3A_847 = arith.constant 1.000000e+00 : f32
    %logistic3A_848 = vector.broadcast %logistic3A_847 : f32 to vector<640x128xf32>
    %logistic3A_849 = arith.addf %logistic3A_848, %logistic3A_846 : vector<640x128xf32>
    %logistic3A_850 = arith.divf %logistic3A_848, %logistic3A_849 : vector<640x128xf32>
    %mul3A_851 = arith.mulf %add3A_844, %logistic3A_850 : vector<640x128xf32>
    %slice3A_852 = vector.extract_strided_slice %get3A_13 {offsets = [0, 29], sizes = [1, 1], strides = [1, 1]} : vector<1x32xf32> to vector<1x1xf32>
    %mul3A_853 = vector.broadcast %slice3A_852 : vector<1x1xf32> to vector<640x128xf32>
    %mul3A_854 = arith.mulf %mul3A_853, %mul3A_851 : vector<640x128xf32>
    %add3A_855 = arith.addf %add3A_830, %mul3A_854 : vector<640x128xf32>
    %slice3A_856 = vector.extract_strided_slice %get3A_7 {offsets = [30, 0], sizes = [1, 1], strides = [1, 1]} : vector<32x3xf32> to vector<1x1xf32>
    %mul3A_857 = vector.broadcast %slice3A_856 : vector<1x1xf32> to vector<640x128xf32>
    %mul3A_858 = arith.mulf %mul3A_857, %add3A_30 : vector<640x128xf32>
    %slice3A_859 = vector.extract_strided_slice %get3A_7 {offsets = [30, 1], sizes = [1, 1], strides = [1, 1]} : vector<32x3xf32> to vector<1x1xf32>
    %mul3A_860 = vector.broadcast %slice3A_859 : vector<1x1xf32> to vector<640x128xf32>
    %mul3A_861 = arith.mulf %mul3A_860, %abs3A : vector<640x128xf32>
    %add3A_862 = arith.addf %mul3A_858, %mul3A_861 : vector<640x128xf32>
    %slice3A_863 = vector.extract_strided_slice %get3A_7 {offsets = [30, 2], sizes = [1, 1], strides = [1, 1]} : vector<32x3xf32> to vector<1x1xf32>
    %mul3A_864 = vector.broadcast %slice3A_863 : vector<1x1xf32> to vector<640x128xf32>
    %mul3A_865 = arith.mulf %mul3A_864, %add3A_58 : vector<640x128xf32>
    %add3A_866 = arith.addf %add3A_862, %mul3A_865 : vector<640x128xf32>
    %slice3A_867 = vector.extract_strided_slice %get3A_10 {offsets = [0, 30], sizes = [1, 1], strides = [1, 1]} : vector<1x32xf32> to vector<1x1xf32>
    %add3A_868 = vector.broadcast %slice3A_867 : vector<1x1xf32> to vector<640x128xf32>
    %add3A_869 = arith.addf %add3A_866, %add3A_868 : vector<640x128xf32>
    %logistic3A_870 = arith.negf %add3A_869 : vector<640x128xf32>
    %logistic3A_871 = math.exp %logistic3A_870 : vector<640x128xf32>
    %logistic3A_872 = arith.constant 1.000000e+00 : f32
    %logistic3A_873 = vector.broadcast %logistic3A_872 : f32 to vector<640x128xf32>
    %logistic3A_874 = arith.addf %logistic3A_873, %logistic3A_871 : vector<640x128xf32>
    %logistic3A_875 = arith.divf %logistic3A_873, %logistic3A_874 : vector<640x128xf32>
    %mul3A_876 = arith.mulf %add3A_869, %logistic3A_875 : vector<640x128xf32>
    %slice3A_877 = vector.extract_strided_slice %get3A_13 {offsets = [0, 30], sizes = [1, 1], strides = [1, 1]} : vector<1x32xf32> to vector<1x1xf32>
    %mul3A_878 = vector.broadcast %slice3A_877 : vector<1x1xf32> to vector<640x128xf32>
    %mul3A_879 = arith.mulf %mul3A_878, %mul3A_876 : vector<640x128xf32>
    %add3A_880 = arith.addf %add3A_855, %mul3A_879 : vector<640x128xf32>
    %slice3A_881 = vector.extract_strided_slice %get3A_7 {offsets = [31, 0], sizes = [1, 1], strides = [1, 1]} : vector<32x3xf32> to vector<1x1xf32>
    %mul3A_882 = vector.broadcast %slice3A_881 : vector<1x1xf32> to vector<640x128xf32>
    %mul3A_883 = arith.mulf %mul3A_882, %add3A_30 : vector<640x128xf32>
    %slice3A_884 = vector.extract_strided_slice %get3A_7 {offsets = [31, 1], sizes = [1, 1], strides = [1, 1]} : vector<32x3xf32> to vector<1x1xf32>
    %mul3A_885 = vector.broadcast %slice3A_884 : vector<1x1xf32> to vector<640x128xf32>
    %mul3A_886 = arith.mulf %mul3A_885, %abs3A : vector<640x128xf32>
    %add3A_887 = arith.addf %mul3A_883, %mul3A_886 : vector<640x128xf32>
    %slice3A_888 = vector.extract_strided_slice %get3A_7 {offsets = [31, 2], sizes = [1, 1], strides = [1, 1]} : vector<32x3xf32> to vector<1x1xf32>
    %mul3A_889 = vector.broadcast %slice3A_888 : vector<1x1xf32> to vector<640x128xf32>
    %mul3A_890 = arith.mulf %mul3A_889, %add3A_58 : vector<640x128xf32>
    %add3A_891 = arith.addf %add3A_887, %mul3A_890 : vector<640x128xf32>
    %slice3A_892 = vector.extract_strided_slice %get3A_10 {offsets = [0, 31], sizes = [1, 1], strides = [1, 1]} : vector<1x32xf32> to vector<1x1xf32>
    %add3A_893 = vector.broadcast %slice3A_892 : vector<1x1xf32> to vector<640x128xf32>
    %add3A_894 = arith.addf %add3A_891, %add3A_893 : vector<640x128xf32>
    %logistic3A_895 = arith.negf %add3A_894 : vector<640x128xf32>
    %logistic3A_896 = math.exp %logistic3A_895 : vector<640x128xf32>
    %logistic3A_897 = arith.constant 1.000000e+00 : f32
    %logistic3A_898 = vector.broadcast %logistic3A_897 : f32 to vector<640x128xf32>
    %logistic3A_899 = arith.addf %logistic3A_898, %logistic3A_896 : vector<640x128xf32>
    %logistic3A_900 = arith.divf %logistic3A_898, %logistic3A_899 : vector<640x128xf32>
    %mul3A_901 = arith.mulf %add3A_894, %logistic3A_900 : vector<640x128xf32>
    %slice3A_902 = vector.extract_strided_slice %get3A_13 {offsets = [0, 31], sizes = [1, 1], strides = [1, 1]} : vector<1x32xf32> to vector<1x1xf32>
    %mul3A_903 = vector.broadcast %slice3A_902 : vector<1x1xf32> to vector<640x128xf32>
    %mul3A_904 = arith.mulf %mul3A_903, %mul3A_901 : vector<640x128xf32>
    %add3A_905 = arith.addf %add3A_880, %mul3A_904 : vector<640x128xf32>
    %add3A_906 = vector.broadcast %get3A_16 : vector<1x1xf32> to vector<640x128xf32>
    %add3A_907 = arith.addf %add3A_75, %add3A_906 : vector<640x128xf32>
    %slice3A_908 = vector.extract_strided_slice %get3A_7 {offsets = [0, 0], sizes = [1, 1], strides = [1, 1]} : vector<32x3xf32> to vector<1x1xf32>
    %mul3A_909 = vector.broadcast %slice3A_908 : vector<1x1xf32> to vector<640x128xf32>
    %mul3A_910 = arith.mulf %mul3A_909, %add3A_75 : vector<640x128xf32>
    %slice3A_911 = vector.extract_strided_slice %get3A_7 {offsets = [0, 1], sizes = [1, 1], strides = [1, 1]} : vector<32x3xf32> to vector<1x1xf32>
    %mul3A_912 = vector.broadcast %slice3A_911 : vector<1x1xf32> to vector<640x128xf32>
    %mul3A_913 = arith.mulf %mul3A_912, %abs3A_104 : vector<640x128xf32>
    %add3A_914 = arith.addf %mul3A_910, %mul3A_913 : vector<640x128xf32>
    %slice3A_915 = vector.extract_strided_slice %get3A_7 {offsets = [0, 2], sizes = [1, 1], strides = [1, 1]} : vector<32x3xf32> to vector<1x1xf32>
    %mul3A_916 = vector.broadcast %slice3A_915 : vector<1x1xf32> to vector<640x128xf32>
    %mul3A_917 = arith.mulf %mul3A_916, %add3A_103 : vector<640x128xf32>
    %add3A_918 = arith.addf %add3A_914, %mul3A_917 : vector<640x128xf32>
    %slice3A_919 = vector.extract_strided_slice %get3A_10 {offsets = [0, 0], sizes = [1, 1], strides = [1, 1]} : vector<1x32xf32> to vector<1x1xf32>
    %add3A_920 = vector.broadcast %slice3A_919 : vector<1x1xf32> to vector<640x128xf32>
    %add3A_921 = arith.addf %add3A_918, %add3A_920 : vector<640x128xf32>
    %logistic3A_922 = arith.negf %add3A_921 : vector<640x128xf32>
    %logistic3A_923 = math.exp %logistic3A_922 : vector<640x128xf32>
    %logistic3A_924 = arith.constant 1.000000e+00 : f32
    %logistic3A_925 = vector.broadcast %logistic3A_924 : f32 to vector<640x128xf32>
    %logistic3A_926 = arith.addf %logistic3A_925, %logistic3A_923 : vector<640x128xf32>
    %logistic3A_927 = arith.divf %logistic3A_925, %logistic3A_926 : vector<640x128xf32>
    %mul3A_928 = arith.mulf %add3A_921, %logistic3A_927 : vector<640x128xf32>
    %slice3A_929 = vector.extract_strided_slice %get3A_13 {offsets = [0, 0], sizes = [1, 1], strides = [1, 1]} : vector<1x32xf32> to vector<1x1xf32>
    %mul3A_930 = vector.broadcast %slice3A_929 : vector<1x1xf32> to vector<640x128xf32>
    %mul3A_931 = arith.mulf %mul3A_930, %mul3A_928 : vector<640x128xf32>
    %add3A_932 = arith.addf %add3A_907, %mul3A_931 : vector<640x128xf32>
    %slice3A_933 = vector.extract_strided_slice %get3A_7 {offsets = [1, 0], sizes = [1, 1], strides = [1, 1]} : vector<32x3xf32> to vector<1x1xf32>
    %mul3A_934 = vector.broadcast %slice3A_933 : vector<1x1xf32> to vector<640x128xf32>
    %mul3A_935 = arith.mulf %mul3A_934, %add3A_75 : vector<640x128xf32>
    %slice3A_936 = vector.extract_strided_slice %get3A_7 {offsets = [1, 1], sizes = [1, 1], strides = [1, 1]} : vector<32x3xf32> to vector<1x1xf32>
    %mul3A_937 = vector.broadcast %slice3A_936 : vector<1x1xf32> to vector<640x128xf32>
    %mul3A_938 = arith.mulf %mul3A_937, %abs3A_104 : vector<640x128xf32>
    %add3A_939 = arith.addf %mul3A_935, %mul3A_938 : vector<640x128xf32>
    %slice3A_940 = vector.extract_strided_slice %get3A_7 {offsets = [1, 2], sizes = [1, 1], strides = [1, 1]} : vector<32x3xf32> to vector<1x1xf32>
    %mul3A_941 = vector.broadcast %slice3A_940 : vector<1x1xf32> to vector<640x128xf32>
    %mul3A_942 = arith.mulf %mul3A_941, %add3A_103 : vector<640x128xf32>
    %add3A_943 = arith.addf %add3A_939, %mul3A_942 : vector<640x128xf32>
    %slice3A_944 = vector.extract_strided_slice %get3A_10 {offsets = [0, 1], sizes = [1, 1], strides = [1, 1]} : vector<1x32xf32> to vector<1x1xf32>
    %add3A_945 = vector.broadcast %slice3A_944 : vector<1x1xf32> to vector<640x128xf32>
    %add3A_946 = arith.addf %add3A_943, %add3A_945 : vector<640x128xf32>
    %logistic3A_947 = arith.negf %add3A_946 : vector<640x128xf32>
    %logistic3A_948 = math.exp %logistic3A_947 : vector<640x128xf32>
    %logistic3A_949 = arith.constant 1.000000e+00 : f32
    %logistic3A_950 = vector.broadcast %logistic3A_949 : f32 to vector<640x128xf32>
    %logistic3A_951 = arith.addf %logistic3A_950, %logistic3A_948 : vector<640x128xf32>
    %logistic3A_952 = arith.divf %logistic3A_950, %logistic3A_951 : vector<640x128xf32>
    %mul3A_953 = arith.mulf %add3A_946, %logistic3A_952 : vector<640x128xf32>
    %slice3A_954 = vector.extract_strided_slice %get3A_13 {offsets = [0, 1], sizes = [1, 1], strides = [1, 1]} : vector<1x32xf32> to vector<1x1xf32>
    %mul3A_955 = vector.broadcast %slice3A_954 : vector<1x1xf32> to vector<640x128xf32>
    %mul3A_956 = arith.mulf %mul3A_955, %mul3A_953 : vector<640x128xf32>
    %add3A_957 = arith.addf %add3A_932, %mul3A_956 : vector<640x128xf32>
    %slice3A_958 = vector.extract_strided_slice %get3A_7 {offsets = [2, 0], sizes = [1, 1], strides = [1, 1]} : vector<32x3xf32> to vector<1x1xf32>
    %mul3A_959 = vector.broadcast %slice3A_958 : vector<1x1xf32> to vector<640x128xf32>
    %mul3A_960 = arith.mulf %mul3A_959, %add3A_75 : vector<640x128xf32>
    %slice3A_961 = vector.extract_strided_slice %get3A_7 {offsets = [2, 1], sizes = [1, 1], strides = [1, 1]} : vector<32x3xf32> to vector<1x1xf32>
    %mul3A_962 = vector.broadcast %slice3A_961 : vector<1x1xf32> to vector<640x128xf32>
    %mul3A_963 = arith.mulf %mul3A_962, %abs3A_104 : vector<640x128xf32>
    %add3A_964 = arith.addf %mul3A_960, %mul3A_963 : vector<640x128xf32>
    %slice3A_965 = vector.extract_strided_slice %get3A_7 {offsets = [2, 2], sizes = [1, 1], strides = [1, 1]} : vector<32x3xf32> to vector<1x1xf32>
    %mul3A_966 = vector.broadcast %slice3A_965 : vector<1x1xf32> to vector<640x128xf32>
    %mul3A_967 = arith.mulf %mul3A_966, %add3A_103 : vector<640x128xf32>
    %add3A_968 = arith.addf %add3A_964, %mul3A_967 : vector<640x128xf32>
    %slice3A_969 = vector.extract_strided_slice %get3A_10 {offsets = [0, 2], sizes = [1, 1], strides = [1, 1]} : vector<1x32xf32> to vector<1x1xf32>
    %add3A_970 = vector.broadcast %slice3A_969 : vector<1x1xf32> to vector<640x128xf32>
    %add3A_971 = arith.addf %add3A_968, %add3A_970 : vector<640x128xf32>
    %logistic3A_972 = arith.negf %add3A_971 : vector<640x128xf32>
    %logistic3A_973 = math.exp %logistic3A_972 : vector<640x128xf32>
    %logistic3A_974 = arith.constant 1.000000e+00 : f32
    %logistic3A_975 = vector.broadcast %logistic3A_974 : f32 to vector<640x128xf32>
    %logistic3A_976 = arith.addf %logistic3A_975, %logistic3A_973 : vector<640x128xf32>
    %logistic3A_977 = arith.divf %logistic3A_975, %logistic3A_976 : vector<640x128xf32>
    %mul3A_978 = arith.mulf %add3A_971, %logistic3A_977 : vector<640x128xf32>
    %slice3A_979 = vector.extract_strided_slice %get3A_13 {offsets = [0, 2], sizes = [1, 1], strides = [1, 1]} : vector<1x32xf32> to vector<1x1xf32>
    %mul3A_980 = vector.broadcast %slice3A_979 : vector<1x1xf32> to vector<640x128xf32>
    %mul3A_981 = arith.mulf %mul3A_980, %mul3A_978 : vector<640x128xf32>
    %add3A_982 = arith.addf %add3A_957, %mul3A_981 : vector<640x128xf32>
    %slice3A_983 = vector.extract_strided_slice %get3A_7 {offsets = [3, 0], sizes = [1, 1], strides = [1, 1]} : vector<32x3xf32> to vector<1x1xf32>
    %mul3A_984 = vector.broadcast %slice3A_983 : vector<1x1xf32> to vector<640x128xf32>
    %mul3A_985 = arith.mulf %mul3A_984, %add3A_75 : vector<640x128xf32>
    %slice3A_986 = vector.extract_strided_slice %get3A_7 {offsets = [3, 1], sizes = [1, 1], strides = [1, 1]} : vector<32x3xf32> to vector<1x1xf32>
    %mul3A_987 = vector.broadcast %slice3A_986 : vector<1x1xf32> to vector<640x128xf32>
    %mul3A_988 = arith.mulf %mul3A_987, %abs3A_104 : vector<640x128xf32>
    %add3A_989 = arith.addf %mul3A_985, %mul3A_988 : vector<640x128xf32>
    %slice3A_990 = vector.extract_strided_slice %get3A_7 {offsets = [3, 2], sizes = [1, 1], strides = [1, 1]} : vector<32x3xf32> to vector<1x1xf32>
    %mul3A_991 = vector.broadcast %slice3A_990 : vector<1x1xf32> to vector<640x128xf32>
    %mul3A_992 = arith.mulf %mul3A_991, %add3A_103 : vector<640x128xf32>
    %add3A_993 = arith.addf %add3A_989, %mul3A_992 : vector<640x128xf32>
    %slice3A_994 = vector.extract_strided_slice %get3A_10 {offsets = [0, 3], sizes = [1, 1], strides = [1, 1]} : vector<1x32xf32> to vector<1x1xf32>
    %add3A_995 = vector.broadcast %slice3A_994 : vector<1x1xf32> to vector<640x128xf32>
    %add3A_996 = arith.addf %add3A_993, %add3A_995 : vector<640x128xf32>
    %logistic3A_997 = arith.negf %add3A_996 : vector<640x128xf32>
    %logistic3A_998 = math.exp %logistic3A_997 : vector<640x128xf32>
    %logistic3A_999 = arith.constant 1.000000e+00 : f32
    %logistic3A_1000 = vector.broadcast %logistic3A_999 : f32 to vector<640x128xf32>
    %logistic3A_1001 = arith.addf %logistic3A_1000, %logistic3A_998 : vector<640x128xf32>
    %logistic3A_1002 = arith.divf %logistic3A_1000, %logistic3A_1001 : vector<640x128xf32>
    %mul3A_1003 = arith.mulf %add3A_996, %logistic3A_1002 : vector<640x128xf32>
    %slice3A_1004 = vector.extract_strided_slice %get3A_13 {offsets = [0, 3], sizes = [1, 1], strides = [1, 1]} : vector<1x32xf32> to vector<1x1xf32>
    %mul3A_1005 = vector.broadcast %slice3A_1004 : vector<1x1xf32> to vector<640x128xf32>
    %mul3A_1006 = arith.mulf %mul3A_1005, %mul3A_1003 : vector<640x128xf32>
    %add3A_1007 = arith.addf %add3A_982, %mul3A_1006 : vector<640x128xf32>
    %slice3A_1008 = vector.extract_strided_slice %get3A_7 {offsets = [4, 0], sizes = [1, 1], strides = [1, 1]} : vector<32x3xf32> to vector<1x1xf32>
    %mul3A_1009 = vector.broadcast %slice3A_1008 : vector<1x1xf32> to vector<640x128xf32>
    %mul3A_1010 = arith.mulf %mul3A_1009, %add3A_75 : vector<640x128xf32>
    %slice3A_1011 = vector.extract_strided_slice %get3A_7 {offsets = [4, 1], sizes = [1, 1], strides = [1, 1]} : vector<32x3xf32> to vector<1x1xf32>
    %mul3A_1012 = vector.broadcast %slice3A_1011 : vector<1x1xf32> to vector<640x128xf32>
    %mul3A_1013 = arith.mulf %mul3A_1012, %abs3A_104 : vector<640x128xf32>
    %add3A_1014 = arith.addf %mul3A_1010, %mul3A_1013 : vector<640x128xf32>
    %slice3A_1015 = vector.extract_strided_slice %get3A_7 {offsets = [4, 2], sizes = [1, 1], strides = [1, 1]} : vector<32x3xf32> to vector<1x1xf32>
    %mul3A_1016 = vector.broadcast %slice3A_1015 : vector<1x1xf32> to vector<640x128xf32>
    %mul3A_1017 = arith.mulf %mul3A_1016, %add3A_103 : vector<640x128xf32>
    %add3A_1018 = arith.addf %add3A_1014, %mul3A_1017 : vector<640x128xf32>
    %slice3A_1019 = vector.extract_strided_slice %get3A_10 {offsets = [0, 4], sizes = [1, 1], strides = [1, 1]} : vector<1x32xf32> to vector<1x1xf32>
    %add3A_1020 = vector.broadcast %slice3A_1019 : vector<1x1xf32> to vector<640x128xf32>
    %add3A_1021 = arith.addf %add3A_1018, %add3A_1020 : vector<640x128xf32>
    %logistic3A_1022 = arith.negf %add3A_1021 : vector<640x128xf32>
    %logistic3A_1023 = math.exp %logistic3A_1022 : vector<640x128xf32>
    %logistic3A_1024 = arith.constant 1.000000e+00 : f32
    %logistic3A_1025 = vector.broadcast %logistic3A_1024 : f32 to vector<640x128xf32>
    %logistic3A_1026 = arith.addf %logistic3A_1025, %logistic3A_1023 : vector<640x128xf32>
    %logistic3A_1027 = arith.divf %logistic3A_1025, %logistic3A_1026 : vector<640x128xf32>
    %mul3A_1028 = arith.mulf %add3A_1021, %logistic3A_1027 : vector<640x128xf32>
    %slice3A_1029 = vector.extract_strided_slice %get3A_13 {offsets = [0, 4], sizes = [1, 1], strides = [1, 1]} : vector<1x32xf32> to vector<1x1xf32>
    %mul3A_1030 = vector.broadcast %slice3A_1029 : vector<1x1xf32> to vector<640x128xf32>
    %mul3A_1031 = arith.mulf %mul3A_1030, %mul3A_1028 : vector<640x128xf32>
    %add3A_1032 = arith.addf %add3A_1007, %mul3A_1031 : vector<640x128xf32>
    %slice3A_1033 = vector.extract_strided_slice %get3A_7 {offsets = [5, 0], sizes = [1, 1], strides = [1, 1]} : vector<32x3xf32> to vector<1x1xf32>
    %mul3A_1034 = vector.broadcast %slice3A_1033 : vector<1x1xf32> to vector<640x128xf32>
    %mul3A_1035 = arith.mulf %mul3A_1034, %add3A_75 : vector<640x128xf32>
    %slice3A_1036 = vector.extract_strided_slice %get3A_7 {offsets = [5, 1], sizes = [1, 1], strides = [1, 1]} : vector<32x3xf32> to vector<1x1xf32>
    %mul3A_1037 = vector.broadcast %slice3A_1036 : vector<1x1xf32> to vector<640x128xf32>
    %mul3A_1038 = arith.mulf %mul3A_1037, %abs3A_104 : vector<640x128xf32>
    %add3A_1039 = arith.addf %mul3A_1035, %mul3A_1038 : vector<640x128xf32>
    %slice3A_1040 = vector.extract_strided_slice %get3A_7 {offsets = [5, 2], sizes = [1, 1], strides = [1, 1]} : vector<32x3xf32> to vector<1x1xf32>
    %mul3A_1041 = vector.broadcast %slice3A_1040 : vector<1x1xf32> to vector<640x128xf32>
    %mul3A_1042 = arith.mulf %mul3A_1041, %add3A_103 : vector<640x128xf32>
    %add3A_1043 = arith.addf %add3A_1039, %mul3A_1042 : vector<640x128xf32>
    %slice3A_1044 = vector.extract_strided_slice %get3A_10 {offsets = [0, 5], sizes = [1, 1], strides = [1, 1]} : vector<1x32xf32> to vector<1x1xf32>
    %add3A_1045 = vector.broadcast %slice3A_1044 : vector<1x1xf32> to vector<640x128xf32>
    %add3A_1046 = arith.addf %add3A_1043, %add3A_1045 : vector<640x128xf32>
    %logistic3A_1047 = arith.negf %add3A_1046 : vector<640x128xf32>
    %logistic3A_1048 = math.exp %logistic3A_1047 : vector<640x128xf32>
    %logistic3A_1049 = arith.constant 1.000000e+00 : f32
    %logistic3A_1050 = vector.broadcast %logistic3A_1049 : f32 to vector<640x128xf32>
    %logistic3A_1051 = arith.addf %logistic3A_1050, %logistic3A_1048 : vector<640x128xf32>
    %logistic3A_1052 = arith.divf %logistic3A_1050, %logistic3A_1051 : vector<640x128xf32>
    %mul3A_1053 = arith.mulf %add3A_1046, %logistic3A_1052 : vector<640x128xf32>
    %slice3A_1054 = vector.extract_strided_slice %get3A_13 {offsets = [0, 5], sizes = [1, 1], strides = [1, 1]} : vector<1x32xf32> to vector<1x1xf32>
    %mul3A_1055 = vector.broadcast %slice3A_1054 : vector<1x1xf32> to vector<640x128xf32>
    %mul3A_1056 = arith.mulf %mul3A_1055, %mul3A_1053 : vector<640x128xf32>
    %add3A_1057 = arith.addf %add3A_1032, %mul3A_1056 : vector<640x128xf32>
    %slice3A_1058 = vector.extract_strided_slice %get3A_7 {offsets = [6, 0], sizes = [1, 1], strides = [1, 1]} : vector<32x3xf32> to vector<1x1xf32>
    %mul3A_1059 = vector.broadcast %slice3A_1058 : vector<1x1xf32> to vector<640x128xf32>
    %mul3A_1060 = arith.mulf %mul3A_1059, %add3A_75 : vector<640x128xf32>
    %slice3A_1061 = vector.extract_strided_slice %get3A_7 {offsets = [6, 1], sizes = [1, 1], strides = [1, 1]} : vector<32x3xf32> to vector<1x1xf32>
    %mul3A_1062 = vector.broadcast %slice3A_1061 : vector<1x1xf32> to vector<640x128xf32>
    %mul3A_1063 = arith.mulf %mul3A_1062, %abs3A_104 : vector<640x128xf32>
    %add3A_1064 = arith.addf %mul3A_1060, %mul3A_1063 : vector<640x128xf32>
    %slice3A_1065 = vector.extract_strided_slice %get3A_7 {offsets = [6, 2], sizes = [1, 1], strides = [1, 1]} : vector<32x3xf32> to vector<1x1xf32>
    %mul3A_1066 = vector.broadcast %slice3A_1065 : vector<1x1xf32> to vector<640x128xf32>
    %mul3A_1067 = arith.mulf %mul3A_1066, %add3A_103 : vector<640x128xf32>
    %add3A_1068 = arith.addf %add3A_1064, %mul3A_1067 : vector<640x128xf32>
    %slice3A_1069 = vector.extract_strided_slice %get3A_10 {offsets = [0, 6], sizes = [1, 1], strides = [1, 1]} : vector<1x32xf32> to vector<1x1xf32>
    %add3A_1070 = vector.broadcast %slice3A_1069 : vector<1x1xf32> to vector<640x128xf32>
    %add3A_1071 = arith.addf %add3A_1068, %add3A_1070 : vector<640x128xf32>
    %logistic3A_1072 = arith.negf %add3A_1071 : vector<640x128xf32>
    %logistic3A_1073 = math.exp %logistic3A_1072 : vector<640x128xf32>
    %logistic3A_1074 = arith.constant 1.000000e+00 : f32
    %logistic3A_1075 = vector.broadcast %logistic3A_1074 : f32 to vector<640x128xf32>
    %logistic3A_1076 = arith.addf %logistic3A_1075, %logistic3A_1073 : vector<640x128xf32>
    %logistic3A_1077 = arith.divf %logistic3A_1075, %logistic3A_1076 : vector<640x128xf32>
    %mul3A_1078 = arith.mulf %add3A_1071, %logistic3A_1077 : vector<640x128xf32>
    %slice3A_1079 = vector.extract_strided_slice %get3A_13 {offsets = [0, 6], sizes = [1, 1], strides = [1, 1]} : vector<1x32xf32> to vector<1x1xf32>
    %mul3A_1080 = vector.broadcast %slice3A_1079 : vector<1x1xf32> to vector<640x128xf32>
    %mul3A_1081 = arith.mulf %mul3A_1080, %mul3A_1078 : vector<640x128xf32>
    %add3A_1082 = arith.addf %add3A_1057, %mul3A_1081 : vector<640x128xf32>
    %slice3A_1083 = vector.extract_strided_slice %get3A_7 {offsets = [7, 0], sizes = [1, 1], strides = [1, 1]} : vector<32x3xf32> to vector<1x1xf32>
    %mul3A_1084 = vector.broadcast %slice3A_1083 : vector<1x1xf32> to vector<640x128xf32>
    %mul3A_1085 = arith.mulf %mul3A_1084, %add3A_75 : vector<640x128xf32>
    %slice3A_1086 = vector.extract_strided_slice %get3A_7 {offsets = [7, 1], sizes = [1, 1], strides = [1, 1]} : vector<32x3xf32> to vector<1x1xf32>
    %mul3A_1087 = vector.broadcast %slice3A_1086 : vector<1x1xf32> to vector<640x128xf32>
    %mul3A_1088 = arith.mulf %mul3A_1087, %abs3A_104 : vector<640x128xf32>
    %add3A_1089 = arith.addf %mul3A_1085, %mul3A_1088 : vector<640x128xf32>
    %slice3A_1090 = vector.extract_strided_slice %get3A_7 {offsets = [7, 2], sizes = [1, 1], strides = [1, 1]} : vector<32x3xf32> to vector<1x1xf32>
    %mul3A_1091 = vector.broadcast %slice3A_1090 : vector<1x1xf32> to vector<640x128xf32>
    %mul3A_1092 = arith.mulf %mul3A_1091, %add3A_103 : vector<640x128xf32>
    %add3A_1093 = arith.addf %add3A_1089, %mul3A_1092 : vector<640x128xf32>
    %slice3A_1094 = vector.extract_strided_slice %get3A_10 {offsets = [0, 7], sizes = [1, 1], strides = [1, 1]} : vector<1x32xf32> to vector<1x1xf32>
    %add3A_1095 = vector.broadcast %slice3A_1094 : vector<1x1xf32> to vector<640x128xf32>
    %add3A_1096 = arith.addf %add3A_1093, %add3A_1095 : vector<640x128xf32>
    %logistic3A_1097 = arith.negf %add3A_1096 : vector<640x128xf32>
    %logistic3A_1098 = math.exp %logistic3A_1097 : vector<640x128xf32>
    %logistic3A_1099 = arith.constant 1.000000e+00 : f32
    %logistic3A_1100 = vector.broadcast %logistic3A_1099 : f32 to vector<640x128xf32>
    %logistic3A_1101 = arith.addf %logistic3A_1100, %logistic3A_1098 : vector<640x128xf32>
    %logistic3A_1102 = arith.divf %logistic3A_1100, %logistic3A_1101 : vector<640x128xf32>
    %mul3A_1103 = arith.mulf %add3A_1096, %logistic3A_1102 : vector<640x128xf32>
    %slice3A_1104 = vector.extract_strided_slice %get3A_13 {offsets = [0, 7], sizes = [1, 1], strides = [1, 1]} : vector<1x32xf32> to vector<1x1xf32>
    %mul3A_1105 = vector.broadcast %slice3A_1104 : vector<1x1xf32> to vector<640x128xf32>
    %mul3A_1106 = arith.mulf %mul3A_1105, %mul3A_1103 : vector<640x128xf32>
    %add3A_1107 = arith.addf %add3A_1082, %mul3A_1106 : vector<640x128xf32>
    %slice3A_1108 = vector.extract_strided_slice %get3A_7 {offsets = [8, 0], sizes = [1, 1], strides = [1, 1]} : vector<32x3xf32> to vector<1x1xf32>
    %mul3A_1109 = vector.broadcast %slice3A_1108 : vector<1x1xf32> to vector<640x128xf32>
    %mul3A_1110 = arith.mulf %mul3A_1109, %add3A_75 : vector<640x128xf32>
    %slice3A_1111 = vector.extract_strided_slice %get3A_7 {offsets = [8, 1], sizes = [1, 1], strides = [1, 1]} : vector<32x3xf32> to vector<1x1xf32>
    %mul3A_1112 = vector.broadcast %slice3A_1111 : vector<1x1xf32> to vector<640x128xf32>
    %mul3A_1113 = arith.mulf %mul3A_1112, %abs3A_104 : vector<640x128xf32>
    %add3A_1114 = arith.addf %mul3A_1110, %mul3A_1113 : vector<640x128xf32>
    %slice3A_1115 = vector.extract_strided_slice %get3A_7 {offsets = [8, 2], sizes = [1, 1], strides = [1, 1]} : vector<32x3xf32> to vector<1x1xf32>
    %mul3A_1116 = vector.broadcast %slice3A_1115 : vector<1x1xf32> to vector<640x128xf32>
    %mul3A_1117 = arith.mulf %mul3A_1116, %add3A_103 : vector<640x128xf32>
    %add3A_1118 = arith.addf %add3A_1114, %mul3A_1117 : vector<640x128xf32>
    %slice3A_1119 = vector.extract_strided_slice %get3A_10 {offsets = [0, 8], sizes = [1, 1], strides = [1, 1]} : vector<1x32xf32> to vector<1x1xf32>
    %add3A_1120 = vector.broadcast %slice3A_1119 : vector<1x1xf32> to vector<640x128xf32>
    %add3A_1121 = arith.addf %add3A_1118, %add3A_1120 : vector<640x128xf32>
    %logistic3A_1122 = arith.negf %add3A_1121 : vector<640x128xf32>
    %logistic3A_1123 = math.exp %logistic3A_1122 : vector<640x128xf32>
    %logistic3A_1124 = arith.constant 1.000000e+00 : f32
    %logistic3A_1125 = vector.broadcast %logistic3A_1124 : f32 to vector<640x128xf32>
    %logistic3A_1126 = arith.addf %logistic3A_1125, %logistic3A_1123 : vector<640x128xf32>
    %logistic3A_1127 = arith.divf %logistic3A_1125, %logistic3A_1126 : vector<640x128xf32>
    %mul3A_1128 = arith.mulf %add3A_1121, %logistic3A_1127 : vector<640x128xf32>
    %slice3A_1129 = vector.extract_strided_slice %get3A_13 {offsets = [0, 8], sizes = [1, 1], strides = [1, 1]} : vector<1x32xf32> to vector<1x1xf32>
    %mul3A_1130 = vector.broadcast %slice3A_1129 : vector<1x1xf32> to vector<640x128xf32>
    %mul3A_1131 = arith.mulf %mul3A_1130, %mul3A_1128 : vector<640x128xf32>
    %add3A_1132 = arith.addf %add3A_1107, %mul3A_1131 : vector<640x128xf32>
    %slice3A_1133 = vector.extract_strided_slice %get3A_7 {offsets = [9, 0], sizes = [1, 1], strides = [1, 1]} : vector<32x3xf32> to vector<1x1xf32>
    %mul3A_1134 = vector.broadcast %slice3A_1133 : vector<1x1xf32> to vector<640x128xf32>
    %mul3A_1135 = arith.mulf %mul3A_1134, %add3A_75 : vector<640x128xf32>
    %slice3A_1136 = vector.extract_strided_slice %get3A_7 {offsets = [9, 1], sizes = [1, 1], strides = [1, 1]} : vector<32x3xf32> to vector<1x1xf32>
    %mul3A_1137 = vector.broadcast %slice3A_1136 : vector<1x1xf32> to vector<640x128xf32>
    %mul3A_1138 = arith.mulf %mul3A_1137, %abs3A_104 : vector<640x128xf32>
    %add3A_1139 = arith.addf %mul3A_1135, %mul3A_1138 : vector<640x128xf32>
    %slice3A_1140 = vector.extract_strided_slice %get3A_7 {offsets = [9, 2], sizes = [1, 1], strides = [1, 1]} : vector<32x3xf32> to vector<1x1xf32>
    %mul3A_1141 = vector.broadcast %slice3A_1140 : vector<1x1xf32> to vector<640x128xf32>
    %mul3A_1142 = arith.mulf %mul3A_1141, %add3A_103 : vector<640x128xf32>
    %add3A_1143 = arith.addf %add3A_1139, %mul3A_1142 : vector<640x128xf32>
    %slice3A_1144 = vector.extract_strided_slice %get3A_10 {offsets = [0, 9], sizes = [1, 1], strides = [1, 1]} : vector<1x32xf32> to vector<1x1xf32>
    %add3A_1145 = vector.broadcast %slice3A_1144 : vector<1x1xf32> to vector<640x128xf32>
    %add3A_1146 = arith.addf %add3A_1143, %add3A_1145 : vector<640x128xf32>
    %logistic3A_1147 = arith.negf %add3A_1146 : vector<640x128xf32>
    %logistic3A_1148 = math.exp %logistic3A_1147 : vector<640x128xf32>
    %logistic3A_1149 = arith.constant 1.000000e+00 : f32
    %logistic3A_1150 = vector.broadcast %logistic3A_1149 : f32 to vector<640x128xf32>
    %logistic3A_1151 = arith.addf %logistic3A_1150, %logistic3A_1148 : vector<640x128xf32>
    %logistic3A_1152 = arith.divf %logistic3A_1150, %logistic3A_1151 : vector<640x128xf32>
    %mul3A_1153 = arith.mulf %add3A_1146, %logistic3A_1152 : vector<640x128xf32>
    %slice3A_1154 = vector.extract_strided_slice %get3A_13 {offsets = [0, 9], sizes = [1, 1], strides = [1, 1]} : vector<1x32xf32> to vector<1x1xf32>
    %mul3A_1155 = vector.broadcast %slice3A_1154 : vector<1x1xf32> to vector<640x128xf32>
    %mul3A_1156 = arith.mulf %mul3A_1155, %mul3A_1153 : vector<640x128xf32>
    %add3A_1157 = arith.addf %add3A_1132, %mul3A_1156 : vector<640x128xf32>
    %slice3A_1158 = vector.extract_strided_slice %get3A_7 {offsets = [10, 0], sizes = [1, 1], strides = [1, 1]} : vector<32x3xf32> to vector<1x1xf32>
    %mul3A_1159 = vector.broadcast %slice3A_1158 : vector<1x1xf32> to vector<640x128xf32>
    %mul3A_1160 = arith.mulf %mul3A_1159, %add3A_75 : vector<640x128xf32>
    %slice3A_1161 = vector.extract_strided_slice %get3A_7 {offsets = [10, 1], sizes = [1, 1], strides = [1, 1]} : vector<32x3xf32> to vector<1x1xf32>
    %mul3A_1162 = vector.broadcast %slice3A_1161 : vector<1x1xf32> to vector<640x128xf32>
    %mul3A_1163 = arith.mulf %mul3A_1162, %abs3A_104 : vector<640x128xf32>
    %add3A_1164 = arith.addf %mul3A_1160, %mul3A_1163 : vector<640x128xf32>
    %slice3A_1165 = vector.extract_strided_slice %get3A_7 {offsets = [10, 2], sizes = [1, 1], strides = [1, 1]} : vector<32x3xf32> to vector<1x1xf32>
    %mul3A_1166 = vector.broadcast %slice3A_1165 : vector<1x1xf32> to vector<640x128xf32>
    %mul3A_1167 = arith.mulf %mul3A_1166, %add3A_103 : vector<640x128xf32>
    %add3A_1168 = arith.addf %add3A_1164, %mul3A_1167 : vector<640x128xf32>
    %slice3A_1169 = vector.extract_strided_slice %get3A_10 {offsets = [0, 10], sizes = [1, 1], strides = [1, 1]} : vector<1x32xf32> to vector<1x1xf32>
    %add3A_1170 = vector.broadcast %slice3A_1169 : vector<1x1xf32> to vector<640x128xf32>
    %add3A_1171 = arith.addf %add3A_1168, %add3A_1170 : vector<640x128xf32>
    %logistic3A_1172 = arith.negf %add3A_1171 : vector<640x128xf32>
    %logistic3A_1173 = math.exp %logistic3A_1172 : vector<640x128xf32>
    %logistic3A_1174 = arith.constant 1.000000e+00 : f32
    %logistic3A_1175 = vector.broadcast %logistic3A_1174 : f32 to vector<640x128xf32>
    %logistic3A_1176 = arith.addf %logistic3A_1175, %logistic3A_1173 : vector<640x128xf32>
    %logistic3A_1177 = arith.divf %logistic3A_1175, %logistic3A_1176 : vector<640x128xf32>
    %mul3A_1178 = arith.mulf %add3A_1171, %logistic3A_1177 : vector<640x128xf32>
    %slice3A_1179 = vector.extract_strided_slice %get3A_13 {offsets = [0, 10], sizes = [1, 1], strides = [1, 1]} : vector<1x32xf32> to vector<1x1xf32>
    %mul3A_1180 = vector.broadcast %slice3A_1179 : vector<1x1xf32> to vector<640x128xf32>
    %mul3A_1181 = arith.mulf %mul3A_1180, %mul3A_1178 : vector<640x128xf32>
    %add3A_1182 = arith.addf %add3A_1157, %mul3A_1181 : vector<640x128xf32>
    %slice3A_1183 = vector.extract_strided_slice %get3A_7 {offsets = [11, 0], sizes = [1, 1], strides = [1, 1]} : vector<32x3xf32> to vector<1x1xf32>
    %mul3A_1184 = vector.broadcast %slice3A_1183 : vector<1x1xf32> to vector<640x128xf32>
    %mul3A_1185 = arith.mulf %mul3A_1184, %add3A_75 : vector<640x128xf32>
    %slice3A_1186 = vector.extract_strided_slice %get3A_7 {offsets = [11, 1], sizes = [1, 1], strides = [1, 1]} : vector<32x3xf32> to vector<1x1xf32>
    %mul3A_1187 = vector.broadcast %slice3A_1186 : vector<1x1xf32> to vector<640x128xf32>
    %mul3A_1188 = arith.mulf %mul3A_1187, %abs3A_104 : vector<640x128xf32>
    %add3A_1189 = arith.addf %mul3A_1185, %mul3A_1188 : vector<640x128xf32>
    %slice3A_1190 = vector.extract_strided_slice %get3A_7 {offsets = [11, 2], sizes = [1, 1], strides = [1, 1]} : vector<32x3xf32> to vector<1x1xf32>
    %mul3A_1191 = vector.broadcast %slice3A_1190 : vector<1x1xf32> to vector<640x128xf32>
    %mul3A_1192 = arith.mulf %mul3A_1191, %add3A_103 : vector<640x128xf32>
    %add3A_1193 = arith.addf %add3A_1189, %mul3A_1192 : vector<640x128xf32>
    %slice3A_1194 = vector.extract_strided_slice %get3A_10 {offsets = [0, 11], sizes = [1, 1], strides = [1, 1]} : vector<1x32xf32> to vector<1x1xf32>
    %add3A_1195 = vector.broadcast %slice3A_1194 : vector<1x1xf32> to vector<640x128xf32>
    %add3A_1196 = arith.addf %add3A_1193, %add3A_1195 : vector<640x128xf32>
    %logistic3A_1197 = arith.negf %add3A_1196 : vector<640x128xf32>
    %logistic3A_1198 = math.exp %logistic3A_1197 : vector<640x128xf32>
    %logistic3A_1199 = arith.constant 1.000000e+00 : f32
    %logistic3A_1200 = vector.broadcast %logistic3A_1199 : f32 to vector<640x128xf32>
    %logistic3A_1201 = arith.addf %logistic3A_1200, %logistic3A_1198 : vector<640x128xf32>
    %logistic3A_1202 = arith.divf %logistic3A_1200, %logistic3A_1201 : vector<640x128xf32>
    %mul3A_1203 = arith.mulf %add3A_1196, %logistic3A_1202 : vector<640x128xf32>
    %slice3A_1204 = vector.extract_strided_slice %get3A_13 {offsets = [0, 11], sizes = [1, 1], strides = [1, 1]} : vector<1x32xf32> to vector<1x1xf32>
    %mul3A_1205 = vector.broadcast %slice3A_1204 : vector<1x1xf32> to vector<640x128xf32>
    %mul3A_1206 = arith.mulf %mul3A_1205, %mul3A_1203 : vector<640x128xf32>
    %add3A_1207 = arith.addf %add3A_1182, %mul3A_1206 : vector<640x128xf32>
    %slice3A_1208 = vector.extract_strided_slice %get3A_7 {offsets = [12, 0], sizes = [1, 1], strides = [1, 1]} : vector<32x3xf32> to vector<1x1xf32>
    %mul3A_1209 = vector.broadcast %slice3A_1208 : vector<1x1xf32> to vector<640x128xf32>
    %mul3A_1210 = arith.mulf %mul3A_1209, %add3A_75 : vector<640x128xf32>
    %slice3A_1211 = vector.extract_strided_slice %get3A_7 {offsets = [12, 1], sizes = [1, 1], strides = [1, 1]} : vector<32x3xf32> to vector<1x1xf32>
    %mul3A_1212 = vector.broadcast %slice3A_1211 : vector<1x1xf32> to vector<640x128xf32>
    %mul3A_1213 = arith.mulf %mul3A_1212, %abs3A_104 : vector<640x128xf32>
    %add3A_1214 = arith.addf %mul3A_1210, %mul3A_1213 : vector<640x128xf32>
    %slice3A_1215 = vector.extract_strided_slice %get3A_7 {offsets = [12, 2], sizes = [1, 1], strides = [1, 1]} : vector<32x3xf32> to vector<1x1xf32>
    %mul3A_1216 = vector.broadcast %slice3A_1215 : vector<1x1xf32> to vector<640x128xf32>
    %mul3A_1217 = arith.mulf %mul3A_1216, %add3A_103 : vector<640x128xf32>
    %add3A_1218 = arith.addf %add3A_1214, %mul3A_1217 : vector<640x128xf32>
    %slice3A_1219 = vector.extract_strided_slice %get3A_10 {offsets = [0, 12], sizes = [1, 1], strides = [1, 1]} : vector<1x32xf32> to vector<1x1xf32>
    %add3A_1220 = vector.broadcast %slice3A_1219 : vector<1x1xf32> to vector<640x128xf32>
    %add3A_1221 = arith.addf %add3A_1218, %add3A_1220 : vector<640x128xf32>
    %logistic3A_1222 = arith.negf %add3A_1221 : vector<640x128xf32>
    %logistic3A_1223 = math.exp %logistic3A_1222 : vector<640x128xf32>
    %logistic3A_1224 = arith.constant 1.000000e+00 : f32
    %logistic3A_1225 = vector.broadcast %logistic3A_1224 : f32 to vector<640x128xf32>
    %logistic3A_1226 = arith.addf %logistic3A_1225, %logistic3A_1223 : vector<640x128xf32>
    %logistic3A_1227 = arith.divf %logistic3A_1225, %logistic3A_1226 : vector<640x128xf32>
    %mul3A_1228 = arith.mulf %add3A_1221, %logistic3A_1227 : vector<640x128xf32>
    %slice3A_1229 = vector.extract_strided_slice %get3A_13 {offsets = [0, 12], sizes = [1, 1], strides = [1, 1]} : vector<1x32xf32> to vector<1x1xf32>
    %mul3A_1230 = vector.broadcast %slice3A_1229 : vector<1x1xf32> to vector<640x128xf32>
    %mul3A_1231 = arith.mulf %mul3A_1230, %mul3A_1228 : vector<640x128xf32>
    %add3A_1232 = arith.addf %add3A_1207, %mul3A_1231 : vector<640x128xf32>
    %slice3A_1233 = vector.extract_strided_slice %get3A_7 {offsets = [13, 0], sizes = [1, 1], strides = [1, 1]} : vector<32x3xf32> to vector<1x1xf32>
    %mul3A_1234 = vector.broadcast %slice3A_1233 : vector<1x1xf32> to vector<640x128xf32>
    %mul3A_1235 = arith.mulf %mul3A_1234, %add3A_75 : vector<640x128xf32>
    %slice3A_1236 = vector.extract_strided_slice %get3A_7 {offsets = [13, 1], sizes = [1, 1], strides = [1, 1]} : vector<32x3xf32> to vector<1x1xf32>
    %mul3A_1237 = vector.broadcast %slice3A_1236 : vector<1x1xf32> to vector<640x128xf32>
    %mul3A_1238 = arith.mulf %mul3A_1237, %abs3A_104 : vector<640x128xf32>
    %add3A_1239 = arith.addf %mul3A_1235, %mul3A_1238 : vector<640x128xf32>
    %slice3A_1240 = vector.extract_strided_slice %get3A_7 {offsets = [13, 2], sizes = [1, 1], strides = [1, 1]} : vector<32x3xf32> to vector<1x1xf32>
    %mul3A_1241 = vector.broadcast %slice3A_1240 : vector<1x1xf32> to vector<640x128xf32>
    %mul3A_1242 = arith.mulf %mul3A_1241, %add3A_103 : vector<640x128xf32>
    %add3A_1243 = arith.addf %add3A_1239, %mul3A_1242 : vector<640x128xf32>
    %slice3A_1244 = vector.extract_strided_slice %get3A_10 {offsets = [0, 13], sizes = [1, 1], strides = [1, 1]} : vector<1x32xf32> to vector<1x1xf32>
    %add3A_1245 = vector.broadcast %slice3A_1244 : vector<1x1xf32> to vector<640x128xf32>
    %add3A_1246 = arith.addf %add3A_1243, %add3A_1245 : vector<640x128xf32>
    %logistic3A_1247 = arith.negf %add3A_1246 : vector<640x128xf32>
    %logistic3A_1248 = math.exp %logistic3A_1247 : vector<640x128xf32>
    %logistic3A_1249 = arith.constant 1.000000e+00 : f32
    %logistic3A_1250 = vector.broadcast %logistic3A_1249 : f32 to vector<640x128xf32>
    %logistic3A_1251 = arith.addf %logistic3A_1250, %logistic3A_1248 : vector<640x128xf32>
    %logistic3A_1252 = arith.divf %logistic3A_1250, %logistic3A_1251 : vector<640x128xf32>
    %mul3A_1253 = arith.mulf %add3A_1246, %logistic3A_1252 : vector<640x128xf32>
    %slice3A_1254 = vector.extract_strided_slice %get3A_13 {offsets = [0, 13], sizes = [1, 1], strides = [1, 1]} : vector<1x32xf32> to vector<1x1xf32>
    %mul3A_1255 = vector.broadcast %slice3A_1254 : vector<1x1xf32> to vector<640x128xf32>
    %mul3A_1256 = arith.mulf %mul3A_1255, %mul3A_1253 : vector<640x128xf32>
    %add3A_1257 = arith.addf %add3A_1232, %mul3A_1256 : vector<640x128xf32>
    %slice3A_1258 = vector.extract_strided_slice %get3A_7 {offsets = [14, 0], sizes = [1, 1], strides = [1, 1]} : vector<32x3xf32> to vector<1x1xf32>
    %mul3A_1259 = vector.broadcast %slice3A_1258 : vector<1x1xf32> to vector<640x128xf32>
    %mul3A_1260 = arith.mulf %mul3A_1259, %add3A_75 : vector<640x128xf32>
    %slice3A_1261 = vector.extract_strided_slice %get3A_7 {offsets = [14, 1], sizes = [1, 1], strides = [1, 1]} : vector<32x3xf32> to vector<1x1xf32>
    %mul3A_1262 = vector.broadcast %slice3A_1261 : vector<1x1xf32> to vector<640x128xf32>
    %mul3A_1263 = arith.mulf %mul3A_1262, %abs3A_104 : vector<640x128xf32>
    %add3A_1264 = arith.addf %mul3A_1260, %mul3A_1263 : vector<640x128xf32>
    %slice3A_1265 = vector.extract_strided_slice %get3A_7 {offsets = [14, 2], sizes = [1, 1], strides = [1, 1]} : vector<32x3xf32> to vector<1x1xf32>
    %mul3A_1266 = vector.broadcast %slice3A_1265 : vector<1x1xf32> to vector<640x128xf32>
    %mul3A_1267 = arith.mulf %mul3A_1266, %add3A_103 : vector<640x128xf32>
    %add3A_1268 = arith.addf %add3A_1264, %mul3A_1267 : vector<640x128xf32>
    %slice3A_1269 = vector.extract_strided_slice %get3A_10 {offsets = [0, 14], sizes = [1, 1], strides = [1, 1]} : vector<1x32xf32> to vector<1x1xf32>
    %add3A_1270 = vector.broadcast %slice3A_1269 : vector<1x1xf32> to vector<640x128xf32>
    %add3A_1271 = arith.addf %add3A_1268, %add3A_1270 : vector<640x128xf32>
    %logistic3A_1272 = arith.negf %add3A_1271 : vector<640x128xf32>
    %logistic3A_1273 = math.exp %logistic3A_1272 : vector<640x128xf32>
    %logistic3A_1274 = arith.constant 1.000000e+00 : f32
    %logistic3A_1275 = vector.broadcast %logistic3A_1274 : f32 to vector<640x128xf32>
    %logistic3A_1276 = arith.addf %logistic3A_1275, %logistic3A_1273 : vector<640x128xf32>
    %logistic3A_1277 = arith.divf %logistic3A_1275, %logistic3A_1276 : vector<640x128xf32>
    %mul3A_1278 = arith.mulf %add3A_1271, %logistic3A_1277 : vector<640x128xf32>
    %slice3A_1279 = vector.extract_strided_slice %get3A_13 {offsets = [0, 14], sizes = [1, 1], strides = [1, 1]} : vector<1x32xf32> to vector<1x1xf32>
    %mul3A_1280 = vector.broadcast %slice3A_1279 : vector<1x1xf32> to vector<640x128xf32>
    %mul3A_1281 = arith.mulf %mul3A_1280, %mul3A_1278 : vector<640x128xf32>
    %add3A_1282 = arith.addf %add3A_1257, %mul3A_1281 : vector<640x128xf32>
    %slice3A_1283 = vector.extract_strided_slice %get3A_7 {offsets = [15, 0], sizes = [1, 1], strides = [1, 1]} : vector<32x3xf32> to vector<1x1xf32>
    %mul3A_1284 = vector.broadcast %slice3A_1283 : vector<1x1xf32> to vector<640x128xf32>
    %mul3A_1285 = arith.mulf %mul3A_1284, %add3A_75 : vector<640x128xf32>
    %slice3A_1286 = vector.extract_strided_slice %get3A_7 {offsets = [15, 1], sizes = [1, 1], strides = [1, 1]} : vector<32x3xf32> to vector<1x1xf32>
    %mul3A_1287 = vector.broadcast %slice3A_1286 : vector<1x1xf32> to vector<640x128xf32>
    %mul3A_1288 = arith.mulf %mul3A_1287, %abs3A_104 : vector<640x128xf32>
    %add3A_1289 = arith.addf %mul3A_1285, %mul3A_1288 : vector<640x128xf32>
    %slice3A_1290 = vector.extract_strided_slice %get3A_7 {offsets = [15, 2], sizes = [1, 1], strides = [1, 1]} : vector<32x3xf32> to vector<1x1xf32>
    %mul3A_1291 = vector.broadcast %slice3A_1290 : vector<1x1xf32> to vector<640x128xf32>
    %mul3A_1292 = arith.mulf %mul3A_1291, %add3A_103 : vector<640x128xf32>
    %add3A_1293 = arith.addf %add3A_1289, %mul3A_1292 : vector<640x128xf32>
    %slice3A_1294 = vector.extract_strided_slice %get3A_10 {offsets = [0, 15], sizes = [1, 1], strides = [1, 1]} : vector<1x32xf32> to vector<1x1xf32>
    %add3A_1295 = vector.broadcast %slice3A_1294 : vector<1x1xf32> to vector<640x128xf32>
    %add3A_1296 = arith.addf %add3A_1293, %add3A_1295 : vector<640x128xf32>
    %logistic3A_1297 = arith.negf %add3A_1296 : vector<640x128xf32>
    %logistic3A_1298 = math.exp %logistic3A_1297 : vector<640x128xf32>
    %logistic3A_1299 = arith.constant 1.000000e+00 : f32
    %logistic3A_1300 = vector.broadcast %logistic3A_1299 : f32 to vector<640x128xf32>
    %logistic3A_1301 = arith.addf %logistic3A_1300, %logistic3A_1298 : vector<640x128xf32>
    %logistic3A_1302 = arith.divf %logistic3A_1300, %logistic3A_1301 : vector<640x128xf32>
    %mul3A_1303 = arith.mulf %add3A_1296, %logistic3A_1302 : vector<640x128xf32>
    %slice3A_1304 = vector.extract_strided_slice %get3A_13 {offsets = [0, 15], sizes = [1, 1], strides = [1, 1]} : vector<1x32xf32> to vector<1x1xf32>
    %mul3A_1305 = vector.broadcast %slice3A_1304 : vector<1x1xf32> to vector<640x128xf32>
    %mul3A_1306 = arith.mulf %mul3A_1305, %mul3A_1303 : vector<640x128xf32>
    %add3A_1307 = arith.addf %add3A_1282, %mul3A_1306 : vector<640x128xf32>
    %slice3A_1308 = vector.extract_strided_slice %get3A_7 {offsets = [16, 0], sizes = [1, 1], strides = [1, 1]} : vector<32x3xf32> to vector<1x1xf32>
    %mul3A_1309 = vector.broadcast %slice3A_1308 : vector<1x1xf32> to vector<640x128xf32>
    %mul3A_1310 = arith.mulf %mul3A_1309, %add3A_75 : vector<640x128xf32>
    %slice3A_1311 = vector.extract_strided_slice %get3A_7 {offsets = [16, 1], sizes = [1, 1], strides = [1, 1]} : vector<32x3xf32> to vector<1x1xf32>
    %mul3A_1312 = vector.broadcast %slice3A_1311 : vector<1x1xf32> to vector<640x128xf32>
    %mul3A_1313 = arith.mulf %mul3A_1312, %abs3A_104 : vector<640x128xf32>
    %add3A_1314 = arith.addf %mul3A_1310, %mul3A_1313 : vector<640x128xf32>
    %slice3A_1315 = vector.extract_strided_slice %get3A_7 {offsets = [16, 2], sizes = [1, 1], strides = [1, 1]} : vector<32x3xf32> to vector<1x1xf32>
    %mul3A_1316 = vector.broadcast %slice3A_1315 : vector<1x1xf32> to vector<640x128xf32>
    %mul3A_1317 = arith.mulf %mul3A_1316, %add3A_103 : vector<640x128xf32>
    %add3A_1318 = arith.addf %add3A_1314, %mul3A_1317 : vector<640x128xf32>
    %slice3A_1319 = vector.extract_strided_slice %get3A_10 {offsets = [0, 16], sizes = [1, 1], strides = [1, 1]} : vector<1x32xf32> to vector<1x1xf32>
    %add3A_1320 = vector.broadcast %slice3A_1319 : vector<1x1xf32> to vector<640x128xf32>
    %add3A_1321 = arith.addf %add3A_1318, %add3A_1320 : vector<640x128xf32>
    %logistic3A_1322 = arith.negf %add3A_1321 : vector<640x128xf32>
    %logistic3A_1323 = math.exp %logistic3A_1322 : vector<640x128xf32>
    %logistic3A_1324 = arith.constant 1.000000e+00 : f32
    %logistic3A_1325 = vector.broadcast %logistic3A_1324 : f32 to vector<640x128xf32>
    %logistic3A_1326 = arith.addf %logistic3A_1325, %logistic3A_1323 : vector<640x128xf32>
    %logistic3A_1327 = arith.divf %logistic3A_1325, %logistic3A_1326 : vector<640x128xf32>
    %mul3A_1328 = arith.mulf %add3A_1321, %logistic3A_1327 : vector<640x128xf32>
    %slice3A_1329 = vector.extract_strided_slice %get3A_13 {offsets = [0, 16], sizes = [1, 1], strides = [1, 1]} : vector<1x32xf32> to vector<1x1xf32>
    %mul3A_1330 = vector.broadcast %slice3A_1329 : vector<1x1xf32> to vector<640x128xf32>
    %mul3A_1331 = arith.mulf %mul3A_1330, %mul3A_1328 : vector<640x128xf32>
    %add3A_1332 = arith.addf %add3A_1307, %mul3A_1331 : vector<640x128xf32>
    %slice3A_1333 = vector.extract_strided_slice %get3A_7 {offsets = [17, 0], sizes = [1, 1], strides = [1, 1]} : vector<32x3xf32> to vector<1x1xf32>
    %mul3A_1334 = vector.broadcast %slice3A_1333 : vector<1x1xf32> to vector<640x128xf32>
    %mul3A_1335 = arith.mulf %mul3A_1334, %add3A_75 : vector<640x128xf32>
    %slice3A_1336 = vector.extract_strided_slice %get3A_7 {offsets = [17, 1], sizes = [1, 1], strides = [1, 1]} : vector<32x3xf32> to vector<1x1xf32>
    %mul3A_1337 = vector.broadcast %slice3A_1336 : vector<1x1xf32> to vector<640x128xf32>
    %mul3A_1338 = arith.mulf %mul3A_1337, %abs3A_104 : vector<640x128xf32>
    %add3A_1339 = arith.addf %mul3A_1335, %mul3A_1338 : vector<640x128xf32>
    %slice3A_1340 = vector.extract_strided_slice %get3A_7 {offsets = [17, 2], sizes = [1, 1], strides = [1, 1]} : vector<32x3xf32> to vector<1x1xf32>
    %mul3A_1341 = vector.broadcast %slice3A_1340 : vector<1x1xf32> to vector<640x128xf32>
    %mul3A_1342 = arith.mulf %mul3A_1341, %add3A_103 : vector<640x128xf32>
    %add3A_1343 = arith.addf %add3A_1339, %mul3A_1342 : vector<640x128xf32>
    %slice3A_1344 = vector.extract_strided_slice %get3A_10 {offsets = [0, 17], sizes = [1, 1], strides = [1, 1]} : vector<1x32xf32> to vector<1x1xf32>
    %add3A_1345 = vector.broadcast %slice3A_1344 : vector<1x1xf32> to vector<640x128xf32>
    %add3A_1346 = arith.addf %add3A_1343, %add3A_1345 : vector<640x128xf32>
    %logistic3A_1347 = arith.negf %add3A_1346 : vector<640x128xf32>
    %logistic3A_1348 = math.exp %logistic3A_1347 : vector<640x128xf32>
    %logistic3A_1349 = arith.constant 1.000000e+00 : f32
    %logistic3A_1350 = vector.broadcast %logistic3A_1349 : f32 to vector<640x128xf32>
    %logistic3A_1351 = arith.addf %logistic3A_1350, %logistic3A_1348 : vector<640x128xf32>
    %logistic3A_1352 = arith.divf %logistic3A_1350, %logistic3A_1351 : vector<640x128xf32>
    %mul3A_1353 = arith.mulf %add3A_1346, %logistic3A_1352 : vector<640x128xf32>
    %slice3A_1354 = vector.extract_strided_slice %get3A_13 {offsets = [0, 17], sizes = [1, 1], strides = [1, 1]} : vector<1x32xf32> to vector<1x1xf32>
    %mul3A_1355 = vector.broadcast %slice3A_1354 : vector<1x1xf32> to vector<640x128xf32>
    %mul3A_1356 = arith.mulf %mul3A_1355, %mul3A_1353 : vector<640x128xf32>
    %add3A_1357 = arith.addf %add3A_1332, %mul3A_1356 : vector<640x128xf32>
    %slice3A_1358 = vector.extract_strided_slice %get3A_7 {offsets = [18, 0], sizes = [1, 1], strides = [1, 1]} : vector<32x3xf32> to vector<1x1xf32>
    %mul3A_1359 = vector.broadcast %slice3A_1358 : vector<1x1xf32> to vector<640x128xf32>
    %mul3A_1360 = arith.mulf %mul3A_1359, %add3A_75 : vector<640x128xf32>
    %slice3A_1361 = vector.extract_strided_slice %get3A_7 {offsets = [18, 1], sizes = [1, 1], strides = [1, 1]} : vector<32x3xf32> to vector<1x1xf32>
    %mul3A_1362 = vector.broadcast %slice3A_1361 : vector<1x1xf32> to vector<640x128xf32>
    %mul3A_1363 = arith.mulf %mul3A_1362, %abs3A_104 : vector<640x128xf32>
    %add3A_1364 = arith.addf %mul3A_1360, %mul3A_1363 : vector<640x128xf32>
    %slice3A_1365 = vector.extract_strided_slice %get3A_7 {offsets = [18, 2], sizes = [1, 1], strides = [1, 1]} : vector<32x3xf32> to vector<1x1xf32>
    %mul3A_1366 = vector.broadcast %slice3A_1365 : vector<1x1xf32> to vector<640x128xf32>
    %mul3A_1367 = arith.mulf %mul3A_1366, %add3A_103 : vector<640x128xf32>
    %add3A_1368 = arith.addf %add3A_1364, %mul3A_1367 : vector<640x128xf32>
    %slice3A_1369 = vector.extract_strided_slice %get3A_10 {offsets = [0, 18], sizes = [1, 1], strides = [1, 1]} : vector<1x32xf32> to vector<1x1xf32>
    %add3A_1370 = vector.broadcast %slice3A_1369 : vector<1x1xf32> to vector<640x128xf32>
    %add3A_1371 = arith.addf %add3A_1368, %add3A_1370 : vector<640x128xf32>
    %logistic3A_1372 = arith.negf %add3A_1371 : vector<640x128xf32>
    %logistic3A_1373 = math.exp %logistic3A_1372 : vector<640x128xf32>
    %logistic3A_1374 = arith.constant 1.000000e+00 : f32
    %logistic3A_1375 = vector.broadcast %logistic3A_1374 : f32 to vector<640x128xf32>
    %logistic3A_1376 = arith.addf %logistic3A_1375, %logistic3A_1373 : vector<640x128xf32>
    %logistic3A_1377 = arith.divf %logistic3A_1375, %logistic3A_1376 : vector<640x128xf32>
    %mul3A_1378 = arith.mulf %add3A_1371, %logistic3A_1377 : vector<640x128xf32>
    %slice3A_1379 = vector.extract_strided_slice %get3A_13 {offsets = [0, 18], sizes = [1, 1], strides = [1, 1]} : vector<1x32xf32> to vector<1x1xf32>
    %mul3A_1380 = vector.broadcast %slice3A_1379 : vector<1x1xf32> to vector<640x128xf32>
    %mul3A_1381 = arith.mulf %mul3A_1380, %mul3A_1378 : vector<640x128xf32>
    %add3A_1382 = arith.addf %add3A_1357, %mul3A_1381 : vector<640x128xf32>
    %slice3A_1383 = vector.extract_strided_slice %get3A_7 {offsets = [19, 0], sizes = [1, 1], strides = [1, 1]} : vector<32x3xf32> to vector<1x1xf32>
    %mul3A_1384 = vector.broadcast %slice3A_1383 : vector<1x1xf32> to vector<640x128xf32>
    %mul3A_1385 = arith.mulf %mul3A_1384, %add3A_75 : vector<640x128xf32>
    %slice3A_1386 = vector.extract_strided_slice %get3A_7 {offsets = [19, 1], sizes = [1, 1], strides = [1, 1]} : vector<32x3xf32> to vector<1x1xf32>
    %mul3A_1387 = vector.broadcast %slice3A_1386 : vector<1x1xf32> to vector<640x128xf32>
    %mul3A_1388 = arith.mulf %mul3A_1387, %abs3A_104 : vector<640x128xf32>
    %add3A_1389 = arith.addf %mul3A_1385, %mul3A_1388 : vector<640x128xf32>
    %slice3A_1390 = vector.extract_strided_slice %get3A_7 {offsets = [19, 2], sizes = [1, 1], strides = [1, 1]} : vector<32x3xf32> to vector<1x1xf32>
    %mul3A_1391 = vector.broadcast %slice3A_1390 : vector<1x1xf32> to vector<640x128xf32>
    %mul3A_1392 = arith.mulf %mul3A_1391, %add3A_103 : vector<640x128xf32>
    %add3A_1393 = arith.addf %add3A_1389, %mul3A_1392 : vector<640x128xf32>
    %slice3A_1394 = vector.extract_strided_slice %get3A_10 {offsets = [0, 19], sizes = [1, 1], strides = [1, 1]} : vector<1x32xf32> to vector<1x1xf32>
    %add3A_1395 = vector.broadcast %slice3A_1394 : vector<1x1xf32> to vector<640x128xf32>
    %add3A_1396 = arith.addf %add3A_1393, %add3A_1395 : vector<640x128xf32>
    %logistic3A_1397 = arith.negf %add3A_1396 : vector<640x128xf32>
    %logistic3A_1398 = math.exp %logistic3A_1397 : vector<640x128xf32>
    %logistic3A_1399 = arith.constant 1.000000e+00 : f32
    %logistic3A_1400 = vector.broadcast %logistic3A_1399 : f32 to vector<640x128xf32>
    %logistic3A_1401 = arith.addf %logistic3A_1400, %logistic3A_1398 : vector<640x128xf32>
    %logistic3A_1402 = arith.divf %logistic3A_1400, %logistic3A_1401 : vector<640x128xf32>
    %mul3A_1403 = arith.mulf %add3A_1396, %logistic3A_1402 : vector<640x128xf32>
    %slice3A_1404 = vector.extract_strided_slice %get3A_13 {offsets = [0, 19], sizes = [1, 1], strides = [1, 1]} : vector<1x32xf32> to vector<1x1xf32>
    %mul3A_1405 = vector.broadcast %slice3A_1404 : vector<1x1xf32> to vector<640x128xf32>
    %mul3A_1406 = arith.mulf %mul3A_1405, %mul3A_1403 : vector<640x128xf32>
    %add3A_1407 = arith.addf %add3A_1382, %mul3A_1406 : vector<640x128xf32>
    %slice3A_1408 = vector.extract_strided_slice %get3A_7 {offsets = [20, 0], sizes = [1, 1], strides = [1, 1]} : vector<32x3xf32> to vector<1x1xf32>
    %mul3A_1409 = vector.broadcast %slice3A_1408 : vector<1x1xf32> to vector<640x128xf32>
    %mul3A_1410 = arith.mulf %mul3A_1409, %add3A_75 : vector<640x128xf32>
    %slice3A_1411 = vector.extract_strided_slice %get3A_7 {offsets = [20, 1], sizes = [1, 1], strides = [1, 1]} : vector<32x3xf32> to vector<1x1xf32>
    %mul3A_1412 = vector.broadcast %slice3A_1411 : vector<1x1xf32> to vector<640x128xf32>
    %mul3A_1413 = arith.mulf %mul3A_1412, %abs3A_104 : vector<640x128xf32>
    %add3A_1414 = arith.addf %mul3A_1410, %mul3A_1413 : vector<640x128xf32>
    %slice3A_1415 = vector.extract_strided_slice %get3A_7 {offsets = [20, 2], sizes = [1, 1], strides = [1, 1]} : vector<32x3xf32> to vector<1x1xf32>
    %mul3A_1416 = vector.broadcast %slice3A_1415 : vector<1x1xf32> to vector<640x128xf32>
    %mul3A_1417 = arith.mulf %mul3A_1416, %add3A_103 : vector<640x128xf32>
    %add3A_1418 = arith.addf %add3A_1414, %mul3A_1417 : vector<640x128xf32>
    %slice3A_1419 = vector.extract_strided_slice %get3A_10 {offsets = [0, 20], sizes = [1, 1], strides = [1, 1]} : vector<1x32xf32> to vector<1x1xf32>
    %add3A_1420 = vector.broadcast %slice3A_1419 : vector<1x1xf32> to vector<640x128xf32>
    %add3A_1421 = arith.addf %add3A_1418, %add3A_1420 : vector<640x128xf32>
    %logistic3A_1422 = arith.negf %add3A_1421 : vector<640x128xf32>
    %logistic3A_1423 = math.exp %logistic3A_1422 : vector<640x128xf32>
    %logistic3A_1424 = arith.constant 1.000000e+00 : f32
    %logistic3A_1425 = vector.broadcast %logistic3A_1424 : f32 to vector<640x128xf32>
    %logistic3A_1426 = arith.addf %logistic3A_1425, %logistic3A_1423 : vector<640x128xf32>
    %logistic3A_1427 = arith.divf %logistic3A_1425, %logistic3A_1426 : vector<640x128xf32>
    %mul3A_1428 = arith.mulf %add3A_1421, %logistic3A_1427 : vector<640x128xf32>
    %slice3A_1429 = vector.extract_strided_slice %get3A_13 {offsets = [0, 20], sizes = [1, 1], strides = [1, 1]} : vector<1x32xf32> to vector<1x1xf32>
    %mul3A_1430 = vector.broadcast %slice3A_1429 : vector<1x1xf32> to vector<640x128xf32>
    %mul3A_1431 = arith.mulf %mul3A_1430, %mul3A_1428 : vector<640x128xf32>
    %add3A_1432 = arith.addf %add3A_1407, %mul3A_1431 : vector<640x128xf32>
    %slice3A_1433 = vector.extract_strided_slice %get3A_7 {offsets = [21, 0], sizes = [1, 1], strides = [1, 1]} : vector<32x3xf32> to vector<1x1xf32>
    %mul3A_1434 = vector.broadcast %slice3A_1433 : vector<1x1xf32> to vector<640x128xf32>
    %mul3A_1435 = arith.mulf %mul3A_1434, %add3A_75 : vector<640x128xf32>
    %slice3A_1436 = vector.extract_strided_slice %get3A_7 {offsets = [21, 1], sizes = [1, 1], strides = [1, 1]} : vector<32x3xf32> to vector<1x1xf32>
    %mul3A_1437 = vector.broadcast %slice3A_1436 : vector<1x1xf32> to vector<640x128xf32>
    %mul3A_1438 = arith.mulf %mul3A_1437, %abs3A_104 : vector<640x128xf32>
    %add3A_1439 = arith.addf %mul3A_1435, %mul3A_1438 : vector<640x128xf32>
    %slice3A_1440 = vector.extract_strided_slice %get3A_7 {offsets = [21, 2], sizes = [1, 1], strides = [1, 1]} : vector<32x3xf32> to vector<1x1xf32>
    %mul3A_1441 = vector.broadcast %slice3A_1440 : vector<1x1xf32> to vector<640x128xf32>
    %mul3A_1442 = arith.mulf %mul3A_1441, %add3A_103 : vector<640x128xf32>
    %add3A_1443 = arith.addf %add3A_1439, %mul3A_1442 : vector<640x128xf32>
    %slice3A_1444 = vector.extract_strided_slice %get3A_10 {offsets = [0, 21], sizes = [1, 1], strides = [1, 1]} : vector<1x32xf32> to vector<1x1xf32>
    %add3A_1445 = vector.broadcast %slice3A_1444 : vector<1x1xf32> to vector<640x128xf32>
    %add3A_1446 = arith.addf %add3A_1443, %add3A_1445 : vector<640x128xf32>
    %logistic3A_1447 = arith.negf %add3A_1446 : vector<640x128xf32>
    %logistic3A_1448 = math.exp %logistic3A_1447 : vector<640x128xf32>
    %logistic3A_1449 = arith.constant 1.000000e+00 : f32
    %logistic3A_1450 = vector.broadcast %logistic3A_1449 : f32 to vector<640x128xf32>
    %logistic3A_1451 = arith.addf %logistic3A_1450, %logistic3A_1448 : vector<640x128xf32>
    %logistic3A_1452 = arith.divf %logistic3A_1450, %logistic3A_1451 : vector<640x128xf32>
    %mul3A_1453 = arith.mulf %add3A_1446, %logistic3A_1452 : vector<640x128xf32>
    %slice3A_1454 = vector.extract_strided_slice %get3A_13 {offsets = [0, 21], sizes = [1, 1], strides = [1, 1]} : vector<1x32xf32> to vector<1x1xf32>
    %mul3A_1455 = vector.broadcast %slice3A_1454 : vector<1x1xf32> to vector<640x128xf32>
    %mul3A_1456 = arith.mulf %mul3A_1455, %mul3A_1453 : vector<640x128xf32>
    %add3A_1457 = arith.addf %add3A_1432, %mul3A_1456 : vector<640x128xf32>
    %slice3A_1458 = vector.extract_strided_slice %get3A_7 {offsets = [22, 0], sizes = [1, 1], strides = [1, 1]} : vector<32x3xf32> to vector<1x1xf32>
    %mul3A_1459 = vector.broadcast %slice3A_1458 : vector<1x1xf32> to vector<640x128xf32>
    %mul3A_1460 = arith.mulf %mul3A_1459, %add3A_75 : vector<640x128xf32>
    %slice3A_1461 = vector.extract_strided_slice %get3A_7 {offsets = [22, 1], sizes = [1, 1], strides = [1, 1]} : vector<32x3xf32> to vector<1x1xf32>
    %mul3A_1462 = vector.broadcast %slice3A_1461 : vector<1x1xf32> to vector<640x128xf32>
    %mul3A_1463 = arith.mulf %mul3A_1462, %abs3A_104 : vector<640x128xf32>
    %add3A_1464 = arith.addf %mul3A_1460, %mul3A_1463 : vector<640x128xf32>
    %slice3A_1465 = vector.extract_strided_slice %get3A_7 {offsets = [22, 2], sizes = [1, 1], strides = [1, 1]} : vector<32x3xf32> to vector<1x1xf32>
    %mul3A_1466 = vector.broadcast %slice3A_1465 : vector<1x1xf32> to vector<640x128xf32>
    %mul3A_1467 = arith.mulf %mul3A_1466, %add3A_103 : vector<640x128xf32>
    %add3A_1468 = arith.addf %add3A_1464, %mul3A_1467 : vector<640x128xf32>
    %slice3A_1469 = vector.extract_strided_slice %get3A_10 {offsets = [0, 22], sizes = [1, 1], strides = [1, 1]} : vector<1x32xf32> to vector<1x1xf32>
    %add3A_1470 = vector.broadcast %slice3A_1469 : vector<1x1xf32> to vector<640x128xf32>
    %add3A_1471 = arith.addf %add3A_1468, %add3A_1470 : vector<640x128xf32>
    %logistic3A_1472 = arith.negf %add3A_1471 : vector<640x128xf32>
    %logistic3A_1473 = math.exp %logistic3A_1472 : vector<640x128xf32>
    %logistic3A_1474 = arith.constant 1.000000e+00 : f32
    %logistic3A_1475 = vector.broadcast %logistic3A_1474 : f32 to vector<640x128xf32>
    %logistic3A_1476 = arith.addf %logistic3A_1475, %logistic3A_1473 : vector<640x128xf32>
    %logistic3A_1477 = arith.divf %logistic3A_1475, %logistic3A_1476 : vector<640x128xf32>
    %mul3A_1478 = arith.mulf %add3A_1471, %logistic3A_1477 : vector<640x128xf32>
    %slice3A_1479 = vector.extract_strided_slice %get3A_13 {offsets = [0, 22], sizes = [1, 1], strides = [1, 1]} : vector<1x32xf32> to vector<1x1xf32>
    %mul3A_1480 = vector.broadcast %slice3A_1479 : vector<1x1xf32> to vector<640x128xf32>
    %mul3A_1481 = arith.mulf %mul3A_1480, %mul3A_1478 : vector<640x128xf32>
    %add3A_1482 = arith.addf %add3A_1457, %mul3A_1481 : vector<640x128xf32>
    %slice3A_1483 = vector.extract_strided_slice %get3A_7 {offsets = [23, 0], sizes = [1, 1], strides = [1, 1]} : vector<32x3xf32> to vector<1x1xf32>
    %mul3A_1484 = vector.broadcast %slice3A_1483 : vector<1x1xf32> to vector<640x128xf32>
    %mul3A_1485 = arith.mulf %mul3A_1484, %add3A_75 : vector<640x128xf32>
    %slice3A_1486 = vector.extract_strided_slice %get3A_7 {offsets = [23, 1], sizes = [1, 1], strides = [1, 1]} : vector<32x3xf32> to vector<1x1xf32>
    %mul3A_1487 = vector.broadcast %slice3A_1486 : vector<1x1xf32> to vector<640x128xf32>
    %mul3A_1488 = arith.mulf %mul3A_1487, %abs3A_104 : vector<640x128xf32>
    %add3A_1489 = arith.addf %mul3A_1485, %mul3A_1488 : vector<640x128xf32>
    %slice3A_1490 = vector.extract_strided_slice %get3A_7 {offsets = [23, 2], sizes = [1, 1], strides = [1, 1]} : vector<32x3xf32> to vector<1x1xf32>
    %mul3A_1491 = vector.broadcast %slice3A_1490 : vector<1x1xf32> to vector<640x128xf32>
    %mul3A_1492 = arith.mulf %mul3A_1491, %add3A_103 : vector<640x128xf32>
    %add3A_1493 = arith.addf %add3A_1489, %mul3A_1492 : vector<640x128xf32>
    %slice3A_1494 = vector.extract_strided_slice %get3A_10 {offsets = [0, 23], sizes = [1, 1], strides = [1, 1]} : vector<1x32xf32> to vector<1x1xf32>
    %add3A_1495 = vector.broadcast %slice3A_1494 : vector<1x1xf32> to vector<640x128xf32>
    %add3A_1496 = arith.addf %add3A_1493, %add3A_1495 : vector<640x128xf32>
    %logistic3A_1497 = arith.negf %add3A_1496 : vector<640x128xf32>
    %logistic3A_1498 = math.exp %logistic3A_1497 : vector<640x128xf32>
    %logistic3A_1499 = arith.constant 1.000000e+00 : f32
    %logistic3A_1500 = vector.broadcast %logistic3A_1499 : f32 to vector<640x128xf32>
    %logistic3A_1501 = arith.addf %logistic3A_1500, %logistic3A_1498 : vector<640x128xf32>
    %logistic3A_1502 = arith.divf %logistic3A_1500, %logistic3A_1501 : vector<640x128xf32>
    %mul3A_1503 = arith.mulf %add3A_1496, %logistic3A_1502 : vector<640x128xf32>
    %slice3A_1504 = vector.extract_strided_slice %get3A_13 {offsets = [0, 23], sizes = [1, 1], strides = [1, 1]} : vector<1x32xf32> to vector<1x1xf32>
    %mul3A_1505 = vector.broadcast %slice3A_1504 : vector<1x1xf32> to vector<640x128xf32>
    %mul3A_1506 = arith.mulf %mul3A_1505, %mul3A_1503 : vector<640x128xf32>
    %add3A_1507 = arith.addf %add3A_1482, %mul3A_1506 : vector<640x128xf32>
    %slice3A_1508 = vector.extract_strided_slice %get3A_7 {offsets = [24, 0], sizes = [1, 1], strides = [1, 1]} : vector<32x3xf32> to vector<1x1xf32>
    %mul3A_1509 = vector.broadcast %slice3A_1508 : vector<1x1xf32> to vector<640x128xf32>
    %mul3A_1510 = arith.mulf %mul3A_1509, %add3A_75 : vector<640x128xf32>
    %slice3A_1511 = vector.extract_strided_slice %get3A_7 {offsets = [24, 1], sizes = [1, 1], strides = [1, 1]} : vector<32x3xf32> to vector<1x1xf32>
    %mul3A_1512 = vector.broadcast %slice3A_1511 : vector<1x1xf32> to vector<640x128xf32>
    %mul3A_1513 = arith.mulf %mul3A_1512, %abs3A_104 : vector<640x128xf32>
    %add3A_1514 = arith.addf %mul3A_1510, %mul3A_1513 : vector<640x128xf32>
    %slice3A_1515 = vector.extract_strided_slice %get3A_7 {offsets = [24, 2], sizes = [1, 1], strides = [1, 1]} : vector<32x3xf32> to vector<1x1xf32>
    %mul3A_1516 = vector.broadcast %slice3A_1515 : vector<1x1xf32> to vector<640x128xf32>
    %mul3A_1517 = arith.mulf %mul3A_1516, %add3A_103 : vector<640x128xf32>
    %add3A_1518 = arith.addf %add3A_1514, %mul3A_1517 : vector<640x128xf32>
    %slice3A_1519 = vector.extract_strided_slice %get3A_10 {offsets = [0, 24], sizes = [1, 1], strides = [1, 1]} : vector<1x32xf32> to vector<1x1xf32>
    %add3A_1520 = vector.broadcast %slice3A_1519 : vector<1x1xf32> to vector<640x128xf32>
    %add3A_1521 = arith.addf %add3A_1518, %add3A_1520 : vector<640x128xf32>
    %logistic3A_1522 = arith.negf %add3A_1521 : vector<640x128xf32>
    %logistic3A_1523 = math.exp %logistic3A_1522 : vector<640x128xf32>
    %logistic3A_1524 = arith.constant 1.000000e+00 : f32
    %logistic3A_1525 = vector.broadcast %logistic3A_1524 : f32 to vector<640x128xf32>
    %logistic3A_1526 = arith.addf %logistic3A_1525, %logistic3A_1523 : vector<640x128xf32>
    %logistic3A_1527 = arith.divf %logistic3A_1525, %logistic3A_1526 : vector<640x128xf32>
    %mul3A_1528 = arith.mulf %add3A_1521, %logistic3A_1527 : vector<640x128xf32>
    %slice3A_1529 = vector.extract_strided_slice %get3A_13 {offsets = [0, 24], sizes = [1, 1], strides = [1, 1]} : vector<1x32xf32> to vector<1x1xf32>
    %mul3A_1530 = vector.broadcast %slice3A_1529 : vector<1x1xf32> to vector<640x128xf32>
    %mul3A_1531 = arith.mulf %mul3A_1530, %mul3A_1528 : vector<640x128xf32>
    %add3A_1532 = arith.addf %add3A_1507, %mul3A_1531 : vector<640x128xf32>
    %slice3A_1533 = vector.extract_strided_slice %get3A_7 {offsets = [25, 0], sizes = [1, 1], strides = [1, 1]} : vector<32x3xf32> to vector<1x1xf32>
    %mul3A_1534 = vector.broadcast %slice3A_1533 : vector<1x1xf32> to vector<640x128xf32>
    %mul3A_1535 = arith.mulf %mul3A_1534, %add3A_75 : vector<640x128xf32>
    %slice3A_1536 = vector.extract_strided_slice %get3A_7 {offsets = [25, 1], sizes = [1, 1], strides = [1, 1]} : vector<32x3xf32> to vector<1x1xf32>
    %mul3A_1537 = vector.broadcast %slice3A_1536 : vector<1x1xf32> to vector<640x128xf32>
    %mul3A_1538 = arith.mulf %mul3A_1537, %abs3A_104 : vector<640x128xf32>
    %add3A_1539 = arith.addf %mul3A_1535, %mul3A_1538 : vector<640x128xf32>
    %slice3A_1540 = vector.extract_strided_slice %get3A_7 {offsets = [25, 2], sizes = [1, 1], strides = [1, 1]} : vector<32x3xf32> to vector<1x1xf32>
    %mul3A_1541 = vector.broadcast %slice3A_1540 : vector<1x1xf32> to vector<640x128xf32>
    %mul3A_1542 = arith.mulf %mul3A_1541, %add3A_103 : vector<640x128xf32>
    %add3A_1543 = arith.addf %add3A_1539, %mul3A_1542 : vector<640x128xf32>
    %slice3A_1544 = vector.extract_strided_slice %get3A_10 {offsets = [0, 25], sizes = [1, 1], strides = [1, 1]} : vector<1x32xf32> to vector<1x1xf32>
    %add3A_1545 = vector.broadcast %slice3A_1544 : vector<1x1xf32> to vector<640x128xf32>
    %add3A_1546 = arith.addf %add3A_1543, %add3A_1545 : vector<640x128xf32>
    %logistic3A_1547 = arith.negf %add3A_1546 : vector<640x128xf32>
    %logistic3A_1548 = math.exp %logistic3A_1547 : vector<640x128xf32>
    %logistic3A_1549 = arith.constant 1.000000e+00 : f32
    %logistic3A_1550 = vector.broadcast %logistic3A_1549 : f32 to vector<640x128xf32>
    %logistic3A_1551 = arith.addf %logistic3A_1550, %logistic3A_1548 : vector<640x128xf32>
    %logistic3A_1552 = arith.divf %logistic3A_1550, %logistic3A_1551 : vector<640x128xf32>
    %mul3A_1553 = arith.mulf %add3A_1546, %logistic3A_1552 : vector<640x128xf32>
    %slice3A_1554 = vector.extract_strided_slice %get3A_13 {offsets = [0, 25], sizes = [1, 1], strides = [1, 1]} : vector<1x32xf32> to vector<1x1xf32>
    %mul3A_1555 = vector.broadcast %slice3A_1554 : vector<1x1xf32> to vector<640x128xf32>
    %mul3A_1556 = arith.mulf %mul3A_1555, %mul3A_1553 : vector<640x128xf32>
    %add3A_1557 = arith.addf %add3A_1532, %mul3A_1556 : vector<640x128xf32>
    %slice3A_1558 = vector.extract_strided_slice %get3A_7 {offsets = [26, 0], sizes = [1, 1], strides = [1, 1]} : vector<32x3xf32> to vector<1x1xf32>
    %mul3A_1559 = vector.broadcast %slice3A_1558 : vector<1x1xf32> to vector<640x128xf32>
    %mul3A_1560 = arith.mulf %mul3A_1559, %add3A_75 : vector<640x128xf32>
    %slice3A_1561 = vector.extract_strided_slice %get3A_7 {offsets = [26, 1], sizes = [1, 1], strides = [1, 1]} : vector<32x3xf32> to vector<1x1xf32>
    %mul3A_1562 = vector.broadcast %slice3A_1561 : vector<1x1xf32> to vector<640x128xf32>
    %mul3A_1563 = arith.mulf %mul3A_1562, %abs3A_104 : vector<640x128xf32>
    %add3A_1564 = arith.addf %mul3A_1560, %mul3A_1563 : vector<640x128xf32>
    %slice3A_1565 = vector.extract_strided_slice %get3A_7 {offsets = [26, 2], sizes = [1, 1], strides = [1, 1]} : vector<32x3xf32> to vector<1x1xf32>
    %mul3A_1566 = vector.broadcast %slice3A_1565 : vector<1x1xf32> to vector<640x128xf32>
    %mul3A_1567 = arith.mulf %mul3A_1566, %add3A_103 : vector<640x128xf32>
    %add3A_1568 = arith.addf %add3A_1564, %mul3A_1567 : vector<640x128xf32>
    %slice3A_1569 = vector.extract_strided_slice %get3A_10 {offsets = [0, 26], sizes = [1, 1], strides = [1, 1]} : vector<1x32xf32> to vector<1x1xf32>
    %add3A_1570 = vector.broadcast %slice3A_1569 : vector<1x1xf32> to vector<640x128xf32>
    %add3A_1571 = arith.addf %add3A_1568, %add3A_1570 : vector<640x128xf32>
    %logistic3A_1572 = arith.negf %add3A_1571 : vector<640x128xf32>
    %logistic3A_1573 = math.exp %logistic3A_1572 : vector<640x128xf32>
    %logistic3A_1574 = arith.constant 1.000000e+00 : f32
    %logistic3A_1575 = vector.broadcast %logistic3A_1574 : f32 to vector<640x128xf32>
    %logistic3A_1576 = arith.addf %logistic3A_1575, %logistic3A_1573 : vector<640x128xf32>
    %logistic3A_1577 = arith.divf %logistic3A_1575, %logistic3A_1576 : vector<640x128xf32>
    %mul3A_1578 = arith.mulf %add3A_1571, %logistic3A_1577 : vector<640x128xf32>
    %slice3A_1579 = vector.extract_strided_slice %get3A_13 {offsets = [0, 26], sizes = [1, 1], strides = [1, 1]} : vector<1x32xf32> to vector<1x1xf32>
    %mul3A_1580 = vector.broadcast %slice3A_1579 : vector<1x1xf32> to vector<640x128xf32>
    %mul3A_1581 = arith.mulf %mul3A_1580, %mul3A_1578 : vector<640x128xf32>
    %add3A_1582 = arith.addf %add3A_1557, %mul3A_1581 : vector<640x128xf32>
    %slice3A_1583 = vector.extract_strided_slice %get3A_7 {offsets = [27, 0], sizes = [1, 1], strides = [1, 1]} : vector<32x3xf32> to vector<1x1xf32>
    %mul3A_1584 = vector.broadcast %slice3A_1583 : vector<1x1xf32> to vector<640x128xf32>
    %mul3A_1585 = arith.mulf %mul3A_1584, %add3A_75 : vector<640x128xf32>
    %slice3A_1586 = vector.extract_strided_slice %get3A_7 {offsets = [27, 1], sizes = [1, 1], strides = [1, 1]} : vector<32x3xf32> to vector<1x1xf32>
    %mul3A_1587 = vector.broadcast %slice3A_1586 : vector<1x1xf32> to vector<640x128xf32>
    %mul3A_1588 = arith.mulf %mul3A_1587, %abs3A_104 : vector<640x128xf32>
    %add3A_1589 = arith.addf %mul3A_1585, %mul3A_1588 : vector<640x128xf32>
    %slice3A_1590 = vector.extract_strided_slice %get3A_7 {offsets = [27, 2], sizes = [1, 1], strides = [1, 1]} : vector<32x3xf32> to vector<1x1xf32>
    %mul3A_1591 = vector.broadcast %slice3A_1590 : vector<1x1xf32> to vector<640x128xf32>
    %mul3A_1592 = arith.mulf %mul3A_1591, %add3A_103 : vector<640x128xf32>
    %add3A_1593 = arith.addf %add3A_1589, %mul3A_1592 : vector<640x128xf32>
    %slice3A_1594 = vector.extract_strided_slice %get3A_10 {offsets = [0, 27], sizes = [1, 1], strides = [1, 1]} : vector<1x32xf32> to vector<1x1xf32>
    %add3A_1595 = vector.broadcast %slice3A_1594 : vector<1x1xf32> to vector<640x128xf32>
    %add3A_1596 = arith.addf %add3A_1593, %add3A_1595 : vector<640x128xf32>
    %logistic3A_1597 = arith.negf %add3A_1596 : vector<640x128xf32>
    %logistic3A_1598 = math.exp %logistic3A_1597 : vector<640x128xf32>
    %logistic3A_1599 = arith.constant 1.000000e+00 : f32
    %logistic3A_1600 = vector.broadcast %logistic3A_1599 : f32 to vector<640x128xf32>
    %logistic3A_1601 = arith.addf %logistic3A_1600, %logistic3A_1598 : vector<640x128xf32>
    %logistic3A_1602 = arith.divf %logistic3A_1600, %logistic3A_1601 : vector<640x128xf32>
    %mul3A_1603 = arith.mulf %add3A_1596, %logistic3A_1602 : vector<640x128xf32>
    %slice3A_1604 = vector.extract_strided_slice %get3A_13 {offsets = [0, 27], sizes = [1, 1], strides = [1, 1]} : vector<1x32xf32> to vector<1x1xf32>
    %mul3A_1605 = vector.broadcast %slice3A_1604 : vector<1x1xf32> to vector<640x128xf32>
    %mul3A_1606 = arith.mulf %mul3A_1605, %mul3A_1603 : vector<640x128xf32>
    %add3A_1607 = arith.addf %add3A_1582, %mul3A_1606 : vector<640x128xf32>
    %slice3A_1608 = vector.extract_strided_slice %get3A_7 {offsets = [28, 0], sizes = [1, 1], strides = [1, 1]} : vector<32x3xf32> to vector<1x1xf32>
    %mul3A_1609 = vector.broadcast %slice3A_1608 : vector<1x1xf32> to vector<640x128xf32>
    %mul3A_1610 = arith.mulf %mul3A_1609, %add3A_75 : vector<640x128xf32>
    %slice3A_1611 = vector.extract_strided_slice %get3A_7 {offsets = [28, 1], sizes = [1, 1], strides = [1, 1]} : vector<32x3xf32> to vector<1x1xf32>
    %mul3A_1612 = vector.broadcast %slice3A_1611 : vector<1x1xf32> to vector<640x128xf32>
    %mul3A_1613 = arith.mulf %mul3A_1612, %abs3A_104 : vector<640x128xf32>
    %add3A_1614 = arith.addf %mul3A_1610, %mul3A_1613 : vector<640x128xf32>
    %slice3A_1615 = vector.extract_strided_slice %get3A_7 {offsets = [28, 2], sizes = [1, 1], strides = [1, 1]} : vector<32x3xf32> to vector<1x1xf32>
    %mul3A_1616 = vector.broadcast %slice3A_1615 : vector<1x1xf32> to vector<640x128xf32>
    %mul3A_1617 = arith.mulf %mul3A_1616, %add3A_103 : vector<640x128xf32>
    %add3A_1618 = arith.addf %add3A_1614, %mul3A_1617 : vector<640x128xf32>
    %slice3A_1619 = vector.extract_strided_slice %get3A_10 {offsets = [0, 28], sizes = [1, 1], strides = [1, 1]} : vector<1x32xf32> to vector<1x1xf32>
    %add3A_1620 = vector.broadcast %slice3A_1619 : vector<1x1xf32> to vector<640x128xf32>
    %add3A_1621 = arith.addf %add3A_1618, %add3A_1620 : vector<640x128xf32>
    %logistic3A_1622 = arith.negf %add3A_1621 : vector<640x128xf32>
    %logistic3A_1623 = math.exp %logistic3A_1622 : vector<640x128xf32>
    %logistic3A_1624 = arith.constant 1.000000e+00 : f32
    %logistic3A_1625 = vector.broadcast %logistic3A_1624 : f32 to vector<640x128xf32>
    %logistic3A_1626 = arith.addf %logistic3A_1625, %logistic3A_1623 : vector<640x128xf32>
    %logistic3A_1627 = arith.divf %logistic3A_1625, %logistic3A_1626 : vector<640x128xf32>
    %mul3A_1628 = arith.mulf %add3A_1621, %logistic3A_1627 : vector<640x128xf32>
    %slice3A_1629 = vector.extract_strided_slice %get3A_13 {offsets = [0, 28], sizes = [1, 1], strides = [1, 1]} : vector<1x32xf32> to vector<1x1xf32>
    %mul3A_1630 = vector.broadcast %slice3A_1629 : vector<1x1xf32> to vector<640x128xf32>
    %mul3A_1631 = arith.mulf %mul3A_1630, %mul3A_1628 : vector<640x128xf32>
    %add3A_1632 = arith.addf %add3A_1607, %mul3A_1631 : vector<640x128xf32>
    %slice3A_1633 = vector.extract_strided_slice %get3A_7 {offsets = [29, 0], sizes = [1, 1], strides = [1, 1]} : vector<32x3xf32> to vector<1x1xf32>
    %mul3A_1634 = vector.broadcast %slice3A_1633 : vector<1x1xf32> to vector<640x128xf32>
    %mul3A_1635 = arith.mulf %mul3A_1634, %add3A_75 : vector<640x128xf32>
    %slice3A_1636 = vector.extract_strided_slice %get3A_7 {offsets = [29, 1], sizes = [1, 1], strides = [1, 1]} : vector<32x3xf32> to vector<1x1xf32>
    %mul3A_1637 = vector.broadcast %slice3A_1636 : vector<1x1xf32> to vector<640x128xf32>
    %mul3A_1638 = arith.mulf %mul3A_1637, %abs3A_104 : vector<640x128xf32>
    %add3A_1639 = arith.addf %mul3A_1635, %mul3A_1638 : vector<640x128xf32>
    %slice3A_1640 = vector.extract_strided_slice %get3A_7 {offsets = [29, 2], sizes = [1, 1], strides = [1, 1]} : vector<32x3xf32> to vector<1x1xf32>
    %mul3A_1641 = vector.broadcast %slice3A_1640 : vector<1x1xf32> to vector<640x128xf32>
    %mul3A_1642 = arith.mulf %mul3A_1641, %add3A_103 : vector<640x128xf32>
    %add3A_1643 = arith.addf %add3A_1639, %mul3A_1642 : vector<640x128xf32>
    %slice3A_1644 = vector.extract_strided_slice %get3A_10 {offsets = [0, 29], sizes = [1, 1], strides = [1, 1]} : vector<1x32xf32> to vector<1x1xf32>
    %add3A_1645 = vector.broadcast %slice3A_1644 : vector<1x1xf32> to vector<640x128xf32>
    %add3A_1646 = arith.addf %add3A_1643, %add3A_1645 : vector<640x128xf32>
    %logistic3A_1647 = arith.negf %add3A_1646 : vector<640x128xf32>
    %logistic3A_1648 = math.exp %logistic3A_1647 : vector<640x128xf32>
    %logistic3A_1649 = arith.constant 1.000000e+00 : f32
    %logistic3A_1650 = vector.broadcast %logistic3A_1649 : f32 to vector<640x128xf32>
    %logistic3A_1651 = arith.addf %logistic3A_1650, %logistic3A_1648 : vector<640x128xf32>
    %logistic3A_1652 = arith.divf %logistic3A_1650, %logistic3A_1651 : vector<640x128xf32>
    %mul3A_1653 = arith.mulf %add3A_1646, %logistic3A_1652 : vector<640x128xf32>
    %slice3A_1654 = vector.extract_strided_slice %get3A_13 {offsets = [0, 29], sizes = [1, 1], strides = [1, 1]} : vector<1x32xf32> to vector<1x1xf32>
    %mul3A_1655 = vector.broadcast %slice3A_1654 : vector<1x1xf32> to vector<640x128xf32>
    %mul3A_1656 = arith.mulf %mul3A_1655, %mul3A_1653 : vector<640x128xf32>
    %add3A_1657 = arith.addf %add3A_1632, %mul3A_1656 : vector<640x128xf32>
    %slice3A_1658 = vector.extract_strided_slice %get3A_7 {offsets = [30, 0], sizes = [1, 1], strides = [1, 1]} : vector<32x3xf32> to vector<1x1xf32>
    %mul3A_1659 = vector.broadcast %slice3A_1658 : vector<1x1xf32> to vector<640x128xf32>
    %mul3A_1660 = arith.mulf %mul3A_1659, %add3A_75 : vector<640x128xf32>
    %slice3A_1661 = vector.extract_strided_slice %get3A_7 {offsets = [30, 1], sizes = [1, 1], strides = [1, 1]} : vector<32x3xf32> to vector<1x1xf32>
    %mul3A_1662 = vector.broadcast %slice3A_1661 : vector<1x1xf32> to vector<640x128xf32>
    %mul3A_1663 = arith.mulf %mul3A_1662, %abs3A_104 : vector<640x128xf32>
    %add3A_1664 = arith.addf %mul3A_1660, %mul3A_1663 : vector<640x128xf32>
    %slice3A_1665 = vector.extract_strided_slice %get3A_7 {offsets = [30, 2], sizes = [1, 1], strides = [1, 1]} : vector<32x3xf32> to vector<1x1xf32>
    %mul3A_1666 = vector.broadcast %slice3A_1665 : vector<1x1xf32> to vector<640x128xf32>
    %mul3A_1667 = arith.mulf %mul3A_1666, %add3A_103 : vector<640x128xf32>
    %add3A_1668 = arith.addf %add3A_1664, %mul3A_1667 : vector<640x128xf32>
    %slice3A_1669 = vector.extract_strided_slice %get3A_10 {offsets = [0, 30], sizes = [1, 1], strides = [1, 1]} : vector<1x32xf32> to vector<1x1xf32>
    %add3A_1670 = vector.broadcast %slice3A_1669 : vector<1x1xf32> to vector<640x128xf32>
    %add3A_1671 = arith.addf %add3A_1668, %add3A_1670 : vector<640x128xf32>
    %logistic3A_1672 = arith.negf %add3A_1671 : vector<640x128xf32>
    %logistic3A_1673 = math.exp %logistic3A_1672 : vector<640x128xf32>
    %logistic3A_1674 = arith.constant 1.000000e+00 : f32
    %logistic3A_1675 = vector.broadcast %logistic3A_1674 : f32 to vector<640x128xf32>
    %logistic3A_1676 = arith.addf %logistic3A_1675, %logistic3A_1673 : vector<640x128xf32>
    %logistic3A_1677 = arith.divf %logistic3A_1675, %logistic3A_1676 : vector<640x128xf32>
    %mul3A_1678 = arith.mulf %add3A_1671, %logistic3A_1677 : vector<640x128xf32>
    %slice3A_1679 = vector.extract_strided_slice %get3A_13 {offsets = [0, 30], sizes = [1, 1], strides = [1, 1]} : vector<1x32xf32> to vector<1x1xf32>
    %mul3A_1680 = vector.broadcast %slice3A_1679 : vector<1x1xf32> to vector<640x128xf32>
    %mul3A_1681 = arith.mulf %mul3A_1680, %mul3A_1678 : vector<640x128xf32>
    %add3A_1682 = arith.addf %add3A_1657, %mul3A_1681 : vector<640x128xf32>
    %slice3A_1683 = vector.extract_strided_slice %get3A_7 {offsets = [31, 0], sizes = [1, 1], strides = [1, 1]} : vector<32x3xf32> to vector<1x1xf32>
    %mul3A_1684 = vector.broadcast %slice3A_1683 : vector<1x1xf32> to vector<640x128xf32>
    %mul3A_1685 = arith.mulf %mul3A_1684, %add3A_75 : vector<640x128xf32>
    %slice3A_1686 = vector.extract_strided_slice %get3A_7 {offsets = [31, 1], sizes = [1, 1], strides = [1, 1]} : vector<32x3xf32> to vector<1x1xf32>
    %mul3A_1687 = vector.broadcast %slice3A_1686 : vector<1x1xf32> to vector<640x128xf32>
    %mul3A_1688 = arith.mulf %mul3A_1687, %abs3A_104 : vector<640x128xf32>
    %add3A_1689 = arith.addf %mul3A_1685, %mul3A_1688 : vector<640x128xf32>
    %slice3A_1690 = vector.extract_strided_slice %get3A_7 {offsets = [31, 2], sizes = [1, 1], strides = [1, 1]} : vector<32x3xf32> to vector<1x1xf32>
    %mul3A_1691 = vector.broadcast %slice3A_1690 : vector<1x1xf32> to vector<640x128xf32>
    %mul3A_1692 = arith.mulf %mul3A_1691, %add3A_103 : vector<640x128xf32>
    %add3A_1693 = arith.addf %add3A_1689, %mul3A_1692 : vector<640x128xf32>
    %slice3A_1694 = vector.extract_strided_slice %get3A_10 {offsets = [0, 31], sizes = [1, 1], strides = [1, 1]} : vector<1x32xf32> to vector<1x1xf32>
    %add3A_1695 = vector.broadcast %slice3A_1694 : vector<1x1xf32> to vector<640x128xf32>
    %add3A_1696 = arith.addf %add3A_1693, %add3A_1695 : vector<640x128xf32>
    %logistic3A_1697 = arith.negf %add3A_1696 : vector<640x128xf32>
    %logistic3A_1698 = math.exp %logistic3A_1697 : vector<640x128xf32>
    %logistic3A_1699 = arith.constant 1.000000e+00 : f32
    %logistic3A_1700 = vector.broadcast %logistic3A_1699 : f32 to vector<640x128xf32>
    %logistic3A_1701 = arith.addf %logistic3A_1700, %logistic3A_1698 : vector<640x128xf32>
    %logistic3A_1702 = arith.divf %logistic3A_1700, %logistic3A_1701 : vector<640x128xf32>
    %mul3A_1703 = arith.mulf %add3A_1696, %logistic3A_1702 : vector<640x128xf32>
    %slice3A_1704 = vector.extract_strided_slice %get3A_13 {offsets = [0, 31], sizes = [1, 1], strides = [1, 1]} : vector<1x32xf32> to vector<1x1xf32>
    %mul3A_1705 = vector.broadcast %slice3A_1704 : vector<1x1xf32> to vector<640x128xf32>
    %mul3A_1706 = arith.mulf %mul3A_1705, %mul3A_1703 : vector<640x128xf32>
    %add3A_1707 = arith.addf %add3A_1682, %mul3A_1706 : vector<640x128xf32>
    %mul3A_1708 = vector.broadcast %get3A_4 : vector<640x1xf32> to vector<640x128xf32>
    %mul3A_1709 = arith.mulf %add3A_905, %mul3A_1708 : vector<640x128xf32>
    %mul3A_1710 = vector.broadcast %get3A_4 : vector<640x1xf32> to vector<640x128xf32>
    %mul3A_1711 = arith.mulf %add3A_1707, %mul3A_1710 : vector<640x128xf32>
    %get3A_1712 = arith.constant 0 : index
    %get3A_1713 = arith.constant 0 : index
    %get3A_1714 = vector.load %arg4[%get3A_1712, %get3A_1713] : memref<640x128xf32, #tpu.memory_space<vmem>>, vector<640x128xf32>
    %get3A_1715 = arith.constant 0 : index
    %get3A_1716 = arith.constant 0 : index
    %get3A_1717 = vector.load %arg5[%get3A_1715, %get3A_1716] : memref<640x96xf32, #tpu.memory_space<vmem>>, vector<640x96xf32>
    %concatenate3A = tpu.concatenate %mul3A_1709, %mul3A_1711, %get3A_1714, %get3A_1717 in 1 : vector<640x128xf32>, vector<640x128xf32>, vector<640x128xf32>, vector<640x96xf32> -> vector<640x480xf32>
    %swap3A = arith.constant 0 : index
    %swap3A_1718 = arith.constant 0 : index
    %swap3A_1719 = vector.load %arg11[%swap3A, %swap3A_1718] : memref<640x480xf32, #tpu.memory_space<vmem>>, vector<640x480xf32>
    tpu.vector_store %arg11[%swap3A, %swap3A_1718], %concatenate3A {strides = array<i32>} : memref<640x480xf32, #tpu.memory_space<vmem>>, vector<640x480xf32>,
    return
  }
  func.func @transform_0(%arg0: i32) -> (i32, i32) {
    %c0_i32 = arith.constant 0 : i32
    %c0_i32_0 = arith.constant 0 : i32
    return %arg0, %c0_i32 : i32, i32
  }
  func.func @transform_1(%arg0: i32) -> (i32, i32) {
    %c0_i32 = arith.constant 0 : i32
    %c0_i32_0 = arith.constant 0 : i32
    return %arg0, %c0_i32 : i32, i32
  }
  func.func @transform_2(%arg0: i32) -> (i32, i32) {
    %c0_i32 = arith.constant 0 : i32
    %c0_i32_0 = arith.constant 0 : i32
    return %arg0, %c0_i32 : i32, i32
  }
  func.func @transform_3(%arg0: i32) -> (i32, i32) {
    %c0_i32 = arith.constant 0 : i32
    %c0_i32_0 = arith.constant 0 : i32
    return %arg0, %c0_i32 : i32, i32
  }
  func.func @transform_4(%arg0: i32) -> (i32, i32) {
    %c0_i32 = arith.constant 0 : i32
    %c0_i32_0 = arith.constant 0 : i32
    return %arg0, %c0_i32 : i32, i32
  }
  func.func @transform_5(%arg0: i32) -> (i32, i32) {
    %c0_i32 = arith.constant 0 : i32
    %c0_i32_0 = arith.constant 0 : i32
    return %arg0, %c0_i32 : i32, i32
  }
  func.func @transform_6(%arg0: i32) -> (i32, i32) {
    %c0_i32 = arith.constant 0 : i32
    %c0_i32_0 = arith.constant 0 : i32
    %c0_i32_1 = arith.constant 0 : i32
    return %c0_i32, %c0_i32_0 : i32, i32
  }
  func.func @transform_7(%arg0: i32) -> (i32, i32) {
    %c0_i32 = arith.constant 0 : i32
    %c0_i32_0 = arith.constant 0 : i32
    %c0_i32_1 = arith.constant 0 : i32
    return %c0_i32, %c0_i32_0 : i32, i32
  }
  func.func @transform_8(%arg0: i32) -> (i32, i32) {
    %c0_i32 = arith.constant 0 : i32
    %c0_i32_0 = arith.constant 0 : i32
    %c0_i32_1 = arith.constant 0 : i32
    return %c0_i32, %c0_i32_0 : i32, i32
  }
  func.func @transform_9(%arg0: i32) -> (i32, i32) {
    %c0_i32 = arith.constant 0 : i32
    %c0_i32_0 = arith.constant 0 : i32
    %c0_i32_1 = arith.constant 0 : i32
    return %c0_i32, %c0_i32_0 : i32, i32
  }
  func.func @transform_10(%arg0: i32) -> (i32, i32) {
    %c0_i32 = arith.constant 0 : i32
    %c0_i32_0 = arith.constant 0 : i32
    return %arg0, %c0_i32 : i32, i32
  }
}

module attributes {stable_mosaic.version = 14 : i64} {
  func.func @body(%arg0: i32, %arg1: memref<640x480xf32, #tpu.memory_space<vmem>>, %arg2: memref<640x96xf32, #tpu.memory_space<vmem>>, %arg3: memref<640x384xf32, #tpu.memory_space<vmem>>, %arg4: memref<640x3xf32, #tpu.memory_space<vmem>>, %arg5: memref<480x384xf32, #tpu.memory_space<vmem>>, %arg6: memref<1x384xf32, #tpu.memory_space<vmem>>, %arg7: memref<384x384xf32, #tpu.memory_space<vmem>>, %arg8: memref<1x384xf32, #tpu.memory_space<vmem>>, %arg9: memref<96x384xf32, #tpu.memory_space<vmem>>, %arg10: memref<1x384xf32, #tpu.memory_space<vmem>>, %arg11: memref<640x128xf32, #tpu.memory_space<vmem>>, %arg12: memref<640x384xf32, #tpu.memory_space<vmem>>) attributes {dimension_semantics = [#tpu.dimension_semantics<arbitrary>], iteration_bounds = array<i64: 250>, scalar_prefetch = 0 : i64, scratch_operands = 0 : i64, tpu.core_type = #tpu.core_type<tc>, window_params = [{transform_indices = @transform_0, window_bounds = array<i64: 640, 480>}, {transform_indices = @transform_1, window_bounds = array<i64: 640, 96>}, {transform_indices = @transform_2, window_bounds = array<i64: 640, 384>}, {transform_indices = @transform_3, window_bounds = array<i64: 640, 3>}, {pipeline_mode = #tpu.pipeline_mode<synchronous>, transform_indices = @transform_4, window_bounds = array<i64: 480, 384>}, {pipeline_mode = #tpu.pipeline_mode<synchronous>, transform_indices = @transform_5, window_bounds = array<i64: 1, 384>}, {pipeline_mode = #tpu.pipeline_mode<synchronous>, transform_indices = @transform_6, window_bounds = array<i64: 384, 384>}, {pipeline_mode = #tpu.pipeline_mode<synchronous>, transform_indices = @transform_7, window_bounds = array<i64: 1, 384>}, {pipeline_mode = #tpu.pipeline_mode<synchronous>, transform_indices = @transform_8, window_bounds = array<i64: 96, 384>}, {pipeline_mode = #tpu.pipeline_mode<synchronous>, transform_indices = @transform_9, window_bounds = array<i64: 1, 384>}, {transform_indices = @transform_10, window_bounds = array<i64: 640, 128>}, {transform_indices = @transform_11, window_bounds = array<i64: 640, 384>}]} {
    %get3A = arith.constant 0 : index
    %get3A_0 = arith.constant 0 : index
    %get3A_1 = vector.load %arg1[%get3A, %get3A_0] : memref<640x480xf32, #tpu.memory_space<vmem>>, vector<640x480xf32>
    %get3A_2 = arith.constant 0 : index
    %get3A_3 = arith.constant 0 : index
    %get3A_4 = vector.load %arg5[%get3A_2, %get3A_3] : memref<480x384xf32, #tpu.memory_space<vmem>>, vector<480x384xf32>
    %dot_general3A = arith.constant dense<0.000000e+00> : vector<640x384xf32>
    %dot_general3A_5 = tpu.matmul %get3A_1, %get3A_4, %dot_general3A {dimension_numbers = #tpu.dot_dimension_numbers<[1], [0], [0], [1], [0, 0, 1, 1], [], []>, transpose_lhs_hint = false} : vector<640x480xf32>, vector<480x384xf32>, vector<640x384xf32> -> vector<640x384xf32>
    %get3A_6 = arith.constant 0 : index
    %get3A_7 = arith.constant 0 : index
    %get3A_8 = vector.load %arg6[%get3A_6, %get3A_7] : memref<1x384xf32, #tpu.memory_space<vmem>>, vector<1x384xf32>
    %add3A = vector.broadcast %get3A_8 : vector<1x384xf32> to vector<640x384xf32>
    %add3A_9 = arith.addf %dot_general3A_5, %add3A : vector<640x384xf32>
    %logistic3A = arith.negf %add3A_9 : vector<640x384xf32>
    %logistic3A_10 = math.exp %logistic3A : vector<640x384xf32>
    %logistic3A_11 = arith.constant 1.000000e+00 : f32
    %logistic3A_12 = vector.broadcast %logistic3A_11 : f32 to vector<640x384xf32>
    %logistic3A_13 = arith.addf %logistic3A_12, %logistic3A_10 : vector<640x384xf32>
    %logistic3A_14 = arith.divf %logistic3A_12, %logistic3A_13 : vector<640x384xf32>
    %mul3A = arith.mulf %add3A_9, %logistic3A_14 : vector<640x384xf32>
    %get3A_15 = arith.constant 0 : index
    %get3A_16 = arith.constant 0 : index
    %get3A_17 = vector.load %arg7[%get3A_15, %get3A_16] : memref<384x384xf32, #tpu.memory_space<vmem>>, vector<384x384xf32>
    %dot_general3A_18 = arith.constant dense<0.000000e+00> : vector<640x384xf32>
    %dot_general3A_19 = tpu.matmul %mul3A, %get3A_17, %dot_general3A_18 {dimension_numbers = #tpu.dot_dimension_numbers<[1], [0], [0], [1], [0, 0, 1, 1], [], []>, transpose_lhs_hint = false} : vector<640x384xf32>, vector<384x384xf32>, vector<640x384xf32> -> vector<640x384xf32>
    %get3A_20 = arith.constant 0 : index
    %get3A_21 = arith.constant 0 : index
    %get3A_22 = vector.load %arg8[%get3A_20, %get3A_21] : memref<1x384xf32, #tpu.memory_space<vmem>>, vector<1x384xf32>
    %add3A_23 = vector.broadcast %get3A_22 : vector<1x384xf32> to vector<640x384xf32>
    %add3A_24 = arith.addf %dot_general3A_19, %add3A_23 : vector<640x384xf32>
    %get3A_25 = arith.constant 0 : index
    %get3A_26 = arith.constant 0 : index
    %get3A_27 = vector.load %arg2[%get3A_25, %get3A_26] : memref<640x96xf32, #tpu.memory_space<vmem>>, vector<640x96xf32>
    %get3A_28 = arith.constant 0 : index
    %get3A_29 = arith.constant 0 : index
    %get3A_30 = vector.load %arg9[%get3A_28, %get3A_29] : memref<96x384xf32, #tpu.memory_space<vmem>>, vector<96x384xf32>
    %dot_general3A_31 = arith.constant dense<0.000000e+00> : vector<640x384xf32>
    %dot_general3A_32 = tpu.matmul %get3A_27, %get3A_30, %dot_general3A_31 {dimension_numbers = #tpu.dot_dimension_numbers<[1], [0], [0], [1], [0, 0, 1, 1], [], []>, transpose_lhs_hint = false} : vector<640x96xf32>, vector<96x384xf32>, vector<640x384xf32> -> vector<640x384xf32>
    %get3A_33 = arith.constant 0 : index
    %get3A_34 = arith.constant 0 : index
    %get3A_35 = vector.load %arg10[%get3A_33, %get3A_34] : memref<1x384xf32, #tpu.memory_space<vmem>>, vector<1x384xf32>
    %add3A_36 = vector.broadcast %get3A_35 : vector<1x384xf32> to vector<640x384xf32>
    %add3A_37 = arith.addf %dot_general3A_32, %add3A_36 : vector<640x384xf32>
    %get3A_38 = arith.constant 0 : index
    %get3A_39 = arith.constant 0 : index
    %get3A_40 = vector.load %arg3[%get3A_38, %get3A_39] : memref<640x384xf32, #tpu.memory_space<vmem>>, vector<640x384xf32>
    %mul3A_41 = arith.mulf %add3A_37, %add3A_24 : vector<640x384xf32>
    %mul3A_42 = arith.mulf %get3A_40, %mul3A_41 : vector<640x384xf32>
    %slice3A = vector.extract_strided_slice %mul3A_42 {offsets = [0, 256], sizes = [640, 128], strides = [1, 1]} : vector<640x384xf32> to vector<640x128xf32>
    %get3A_43 = arith.constant 0 : index
    %get3A_44 = arith.constant 0 : index
    %get3A_45 = vector.load %arg4[%get3A_43, %get3A_44] : memref<640x3xf32, #tpu.memory_space<vmem>>, vector<640x3xf32>
    %slice3A_46 = vector.extract_strided_slice %get3A_45 {offsets = [0, 0], sizes = [640, 1], strides = [1, 1]} : vector<640x3xf32> to vector<640x1xf32>
    %mul3A_47 = vector.broadcast %slice3A_46 : vector<640x1xf32> to vector<640x128xf32>
    %mul3A_48 = arith.mulf %slice3A, %mul3A_47 : vector<640x128xf32>
    %mul3A_49 = arith.constant 0.0883883461 : f32
    %mul3A_50 = vector.broadcast %mul3A_49 : f32 to vector<640x128xf32>
    %mul3A_51 = arith.mulf %mul3A_48, %mul3A_50 : vector<640x128xf32>
    %slice3A_52 = vector.extract_strided_slice %get3A_45 {offsets = [0, 1], sizes = [640, 1], strides = [1, 1]} : vector<640x3xf32> to vector<640x1xf32>
    %mul3A_53 = vector.broadcast %slice3A_52 : vector<640x1xf32> to vector<640x128xf32>
    %mul3A_54 = arith.mulf %slice3A, %mul3A_53 : vector<640x128xf32>
    %mul3A_55 = arith.constant 0.0883883461 : f32
    %mul3A_56 = vector.broadcast %mul3A_55 : f32 to vector<640x128xf32>
    %mul3A_57 = arith.mulf %mul3A_54, %mul3A_56 : vector<640x128xf32>
    %slice3A_58 = vector.extract_strided_slice %get3A_45 {offsets = [0, 2], sizes = [640, 1], strides = [1, 1]} : vector<640x3xf32> to vector<640x1xf32>
    %mul3A_59 = vector.broadcast %slice3A_58 : vector<640x1xf32> to vector<640x128xf32>
    %mul3A_60 = arith.mulf %slice3A, %mul3A_59 : vector<640x128xf32>
    %mul3A_61 = arith.constant 0.0883883461 : f32
    %mul3A_62 = vector.broadcast %mul3A_61 : f32 to vector<640x128xf32>
    %mul3A_63 = arith.mulf %mul3A_60, %mul3A_62 : vector<640x128xf32>
    %slice3A_64 = vector.extract_strided_slice %mul3A_42 {offsets = [0, 0], sizes = [640, 128], strides = [1, 1]} : vector<640x384xf32> to vector<640x128xf32>
    %swap3A = arith.constant 0 : index
    %swap3A_65 = arith.constant 0 : index
    %swap3A_66 = vector.load %arg11[%swap3A, %swap3A_65] : memref<640x128xf32, #tpu.memory_space<vmem>>, vector<640x128xf32>
    tpu.vector_store %arg11[%swap3A, %swap3A_65], %slice3A_64 {strides = array<i32>} : memref<640x128xf32, #tpu.memory_space<vmem>>, vector<640x128xf32>,
    %concatenate3A = tpu.concatenate %mul3A_51, %mul3A_57, %mul3A_63 in 1 : vector<640x128xf32>, vector<640x128xf32>, vector<640x128xf32> -> vector<640x384xf32>
    %swap3A_67 = arith.constant 0 : index
    %swap3A_68 = arith.constant 0 : index
    %swap3A_69 = vector.load %arg12[%swap3A_67, %swap3A_68] : memref<640x384xf32, #tpu.memory_space<vmem>>, vector<640x384xf32>
    tpu.vector_store %arg12[%swap3A_67, %swap3A_68], %concatenate3A {strides = array<i32>} : memref<640x384xf32, #tpu.memory_space<vmem>>, vector<640x384xf32>,
    return
  }
  func.func @transform_0(%arg0: i32) -> (i32, i32) {
    %c0_i32 = arith.constant 0 : i32
    %c0_i32_0 = arith.constant 0 : i32
    return %arg0, %c0_i32 : i32, i32
  }
  func.func @transform_1(%arg0: i32) -> (i32, i32) {
    %c0_i32 = arith.constant 0 : i32
    %c0_i32_0 = arith.constant 0 : i32
    return %arg0, %c0_i32 : i32, i32
  }
  func.func @transform_2(%arg0: i32) -> (i32, i32) {
    %c0_i32 = arith.constant 0 : i32
    %c0_i32_0 = arith.constant 0 : i32
    return %arg0, %c0_i32 : i32, i32
  }
  func.func @transform_3(%arg0: i32) -> (i32, i32) {
    %c0_i32 = arith.constant 0 : i32
    %c0_i32_0 = arith.constant 0 : i32
    return %arg0, %c0_i32 : i32, i32
  }
  func.func @transform_4(%arg0: i32) -> (i32, i32) {
    %c0_i32 = arith.constant 0 : i32
    %c0_i32_0 = arith.constant 0 : i32
    %c0_i32_1 = arith.constant 0 : i32
    return %c0_i32, %c0_i32_0 : i32, i32
  }
  func.func @transform_5(%arg0: i32) -> (i32, i32) {
    %c0_i32 = arith.constant 0 : i32
    %c0_i32_0 = arith.constant 0 : i32
    %c0_i32_1 = arith.constant 0 : i32
    return %c0_i32, %c0_i32_0 : i32, i32
  }
  func.func @transform_6(%arg0: i32) -> (i32, i32) {
    %c0_i32 = arith.constant 0 : i32
    %c0_i32_0 = arith.constant 0 : i32
    %c0_i32_1 = arith.constant 0 : i32
    return %c0_i32, %c0_i32_0 : i32, i32
  }
  func.func @transform_7(%arg0: i32) -> (i32, i32) {
    %c0_i32 = arith.constant 0 : i32
    %c0_i32_0 = arith.constant 0 : i32
    %c0_i32_1 = arith.constant 0 : i32
    return %c0_i32, %c0_i32_0 : i32, i32
  }
  func.func @transform_8(%arg0: i32) -> (i32, i32) {
    %c0_i32 = arith.constant 0 : i32
    %c0_i32_0 = arith.constant 0 : i32
    %c0_i32_1 = arith.constant 0 : i32
    return %c0_i32, %c0_i32_0 : i32, i32
  }
  func.func @transform_9(%arg0: i32) -> (i32, i32) {
    %c0_i32 = arith.constant 0 : i32
    %c0_i32_0 = arith.constant 0 : i32
    %c0_i32_1 = arith.constant 0 : i32
    return %c0_i32, %c0_i32_0 : i32, i32
  }
  func.func @transform_10(%arg0: i32) -> (i32, i32) {
    %c0_i32 = arith.constant 0 : i32
    %c0_i32_0 = arith.constant 0 : i32
    return %arg0, %c0_i32 : i32, i32
  }
  func.func @transform_11(%arg0: i32) -> (i32, i32) {
    %c0_i32 = arith.constant 0 : i32
    %c0_i32_0 = arith.constant 0 : i32
    return %arg0, %c0_i32 : i32, i32
  }
}

module attributes {stable_mosaic.version = 14 : i64} {
  func.func @_fte_body(%arg0: i32, %arg1: memref<1000x128xf32, #tpu.memory_space<vmem>>, %arg2: memref<1000x128xf32, #tpu.memory_space<vmem>>, %arg3: memref<1000x384xf32, #tpu.memory_space<vmem>>, %arg4: memref<1000x384xf32, #tpu.memory_space<vmem>>, %arg5: memref<128x256xf32, #tpu.memory_space<vmem>>, %arg6: memref<256x128xf32, #tpu.memory_space<vmem>>, %arg7: memref<1x128xf32, #tpu.memory_space<vmem>>, %arg8: memref<128x384xf32, #tpu.memory_space<vmem>>, %arg9: memref<1x384xf32, #tpu.memory_space<vmem>>, %arg10: memref<1000x128xf32, #tpu.memory_space<vmem>>, %arg11: memref<1000x384xf32, #tpu.memory_space<vmem>>) attributes {dimension_semantics = [#tpu.dimension_semantics<arbitrary>], iteration_bounds = array<i64: 10>, scalar_prefetch = 0 : i64, scratch_operands = 0 : i64, tpu.core_type = #tpu.core_type<tc>, window_params = [{transform_indices = @transform_0, window_bounds = array<i64: 1000, 128>}, {transform_indices = @transform_1, window_bounds = array<i64: 1000, 128>}, {transform_indices = @transform_2, window_bounds = array<i64: 1000, 384>}, {transform_indices = @transform_3, window_bounds = array<i64: 1000, 384>}, {pipeline_mode = #tpu.pipeline_mode<synchronous>, transform_indices = @transform_4, window_bounds = array<i64: 128, 256>}, {pipeline_mode = #tpu.pipeline_mode<synchronous>, transform_indices = @transform_5, window_bounds = array<i64: 256, 128>}, {pipeline_mode = #tpu.pipeline_mode<synchronous>, transform_indices = @transform_6, window_bounds = array<i64: 1, 128>}, {pipeline_mode = #tpu.pipeline_mode<synchronous>, transform_indices = @transform_7, window_bounds = array<i64: 128, 384>}, {pipeline_mode = #tpu.pipeline_mode<synchronous>, transform_indices = @transform_8, window_bounds = array<i64: 1, 384>}, {transform_indices = @transform_9, window_bounds = array<i64: 1000, 128>}, {transform_indices = @transform_10, window_bounds = array<i64: 1000, 384>}]} {
    %get3A = arith.constant 0 : index
    %get3A_0 = arith.constant 0 : index
    %get3A_1 = vector.load %arg1[%get3A, %get3A_0] : memref<1000x128xf32, #tpu.memory_space<vmem>>, vector<1000x128xf32>
    %get3A_2 = arith.constant 0 : index
    %get3A_3 = arith.constant 0 : index
    %get3A_4 = vector.load %arg2[%get3A_2, %get3A_3] : memref<1000x128xf32, #tpu.memory_space<vmem>>, vector<1000x128xf32>
    %add3A = arith.addf %get3A_1, %get3A_4 : vector<1000x128xf32>
    %get3A_5 = arith.constant 0 : index
    %get3A_6 = arith.constant 0 : index
    %get3A_7 = vector.load %arg3[%get3A_5, %get3A_6] : memref<1000x384xf32, #tpu.memory_space<vmem>>, vector<1000x384xf32>
    %get3A_8 = arith.constant 0 : index
    %get3A_9 = arith.constant 0 : index
    %get3A_10 = vector.load %arg4[%get3A_8, %get3A_9] : memref<1000x384xf32, #tpu.memory_space<vmem>>, vector<1000x384xf32>
    %add3A_11 = arith.addf %get3A_7, %get3A_10 : vector<1000x384xf32>
    %get3A_12 = arith.constant 0 : index
    %get3A_13 = arith.constant 0 : index
    %get3A_14 = vector.load %arg5[%get3A_12, %get3A_13] : memref<128x256xf32, #tpu.memory_space<vmem>>, vector<128x256xf32>
    %slice3A = vector.extract_strided_slice %add3A_11 {offsets = [0, 0], sizes = [1000, 128], strides = [1, 1]} : vector<1000x384xf32> to vector<1000x128xf32>
    %dot_general3A = arith.constant dense<0.000000e+00> : vector<1000x256xf32>
    %dot_general3A_15 = tpu.matmul %slice3A, %get3A_14, %dot_general3A {dimension_numbers = #tpu.dot_dimension_numbers<[1], [0], [0], [1], [0, 0, 1, 1], [], []>, transpose_lhs_hint = false} : vector<1000x128xf32>, vector<128x256xf32>, vector<1000x256xf32> -> vector<1000x256xf32>
    %slice3A_16 = vector.extract_strided_slice %dot_general3A_15 {offsets = [0, 0], sizes = [1000, 128], strides = [1, 1]} : vector<1000x256xf32> to vector<1000x128xf32>
    %slice3A_17 = vector.extract_strided_slice %dot_general3A_15 {offsets = [0, 128], sizes = [1000, 128], strides = [1, 1]} : vector<1000x256xf32> to vector<1000x128xf32>
    %slice3A_18 = vector.extract_strided_slice %add3A_11 {offsets = [0, 128], sizes = [1000, 128], strides = [1, 1]} : vector<1000x384xf32> to vector<1000x128xf32>
    %dot_general3A_19 = arith.constant dense<0.000000e+00> : vector<1000x256xf32>
    %dot_general3A_20 = tpu.matmul %slice3A_18, %get3A_14, %dot_general3A_19 {dimension_numbers = #tpu.dot_dimension_numbers<[1], [0], [0], [1], [0, 0, 1, 1], [], []>, transpose_lhs_hint = false} : vector<1000x128xf32>, vector<128x256xf32>, vector<1000x256xf32> -> vector<1000x256xf32>
    %slice3A_21 = vector.extract_strided_slice %dot_general3A_20 {offsets = [0, 0], sizes = [1000, 128], strides = [1, 1]} : vector<1000x256xf32> to vector<1000x128xf32>
    %slice3A_22 = vector.extract_strided_slice %dot_general3A_20 {offsets = [0, 128], sizes = [1000, 128], strides = [1, 1]} : vector<1000x256xf32> to vector<1000x128xf32>
    %slice3A_23 = vector.extract_strided_slice %add3A_11 {offsets = [0, 256], sizes = [1000, 128], strides = [1, 1]} : vector<1000x384xf32> to vector<1000x128xf32>
    %dot_general3A_24 = arith.constant dense<0.000000e+00> : vector<1000x256xf32>
    %dot_general3A_25 = tpu.matmul %slice3A_23, %get3A_14, %dot_general3A_24 {dimension_numbers = #tpu.dot_dimension_numbers<[1], [0], [0], [1], [0, 0, 1, 1], [], []>, transpose_lhs_hint = false} : vector<1000x128xf32>, vector<128x256xf32>, vector<1000x256xf32> -> vector<1000x256xf32>
    %slice3A_26 = vector.extract_strided_slice %dot_general3A_25 {offsets = [0, 0], sizes = [1000, 128], strides = [1, 1]} : vector<1000x256xf32> to vector<1000x128xf32>
    %slice3A_27 = vector.extract_strided_slice %dot_general3A_25 {offsets = [0, 128], sizes = [1000, 128], strides = [1, 1]} : vector<1000x256xf32> to vector<1000x128xf32>
    %mul3A = arith.mulf %slice3A_16, %slice3A_16 : vector<1000x128xf32>
    %mul3A_28 = arith.mulf %slice3A_21, %slice3A_21 : vector<1000x128xf32>
    %add3A_29 = arith.addf %mul3A, %mul3A_28 : vector<1000x128xf32>
    %mul3A_30 = arith.mulf %slice3A_26, %slice3A_26 : vector<1000x128xf32>
    %add3A_31 = arith.addf %add3A_29, %mul3A_30 : vector<1000x128xf32>
    %add3A_32 = arith.constant 1.000000e-10 : f32
    %add3A_33 = vector.broadcast %add3A_32 : f32 to vector<1000x128xf32>
    %add3A_34 = arith.addf %add3A_31, %add3A_33 : vector<1000x128xf32>
    %sqrt3A = math.sqrt %add3A_34 : vector<1000x128xf32>
    %mul3A_35 = arith.mulf %slice3A_16, %slice3A_17 : vector<1000x128xf32>
    %mul3A_36 = arith.mulf %slice3A_21, %slice3A_22 : vector<1000x128xf32>
    %add3A_37 = arith.addf %mul3A_35, %mul3A_36 : vector<1000x128xf32>
    %mul3A_38 = arith.mulf %slice3A_26, %slice3A_27 : vector<1000x128xf32>
    %add3A_39 = arith.addf %add3A_37, %mul3A_38 : vector<1000x128xf32>
    %mul3A_40 = arith.constant 0.0883883461 : f32
    %mul3A_41 = vector.broadcast %mul3A_40 : f32 to vector<1000x128xf32>
    %mul3A_42 = arith.mulf %add3A_39, %mul3A_41 : vector<1000x128xf32>
    %concatenate3A = tpu.concatenate %add3A, %sqrt3A in 1 : vector<1000x128xf32>, vector<1000x128xf32> -> vector<1000x256xf32>
    %get3A_43 = arith.constant 0 : index
    %get3A_44 = arith.constant 0 : index
    %get3A_45 = vector.load %arg6[%get3A_43, %get3A_44] : memref<256x128xf32, #tpu.memory_space<vmem>>, vector<256x128xf32>
    %dot_general3A_46 = arith.constant dense<0.000000e+00> : vector<1000x128xf32>
    %dot_general3A_47 = tpu.matmul %concatenate3A, %get3A_45, %dot_general3A_46 {dimension_numbers = #tpu.dot_dimension_numbers<[1], [0], [0], [1], [0, 0, 1, 1], [], []>, transpose_lhs_hint = false} : vector<1000x256xf32>, vector<256x128xf32>, vector<1000x128xf32> -> vector<1000x128xf32>
    %get3A_48 = arith.constant 0 : index
    %get3A_49 = arith.constant 0 : index
    %get3A_50 = vector.load %arg7[%get3A_48, %get3A_49] : memref<1x128xf32, #tpu.memory_space<vmem>>, vector<1x128xf32>
    %add3A_51 = vector.broadcast %get3A_50 : vector<1x128xf32> to vector<1000x128xf32>
    %add3A_52 = arith.addf %dot_general3A_47, %add3A_51 : vector<1000x128xf32>
    %logistic3A = arith.negf %add3A_52 : vector<1000x128xf32>
    %logistic3A_53 = math.exp %logistic3A : vector<1000x128xf32>
    %logistic3A_54 = arith.constant 1.000000e+00 : f32
    %logistic3A_55 = vector.broadcast %logistic3A_54 : f32 to vector<1000x128xf32>
    %logistic3A_56 = arith.addf %logistic3A_55, %logistic3A_53 : vector<1000x128xf32>
    %logistic3A_57 = arith.divf %logistic3A_55, %logistic3A_56 : vector<1000x128xf32>
    %mul3A_58 = arith.mulf %add3A_52, %logistic3A_57 : vector<1000x128xf32>
    %get3A_59 = arith.constant 0 : index
    %get3A_60 = arith.constant 0 : index
    %get3A_61 = vector.load %arg8[%get3A_59, %get3A_60] : memref<128x384xf32, #tpu.memory_space<vmem>>, vector<128x384xf32>
    %dot_general3A_62 = arith.constant dense<0.000000e+00> : vector<1000x384xf32>
    %dot_general3A_63 = tpu.matmul %mul3A_58, %get3A_61, %dot_general3A_62 {dimension_numbers = #tpu.dot_dimension_numbers<[1], [0], [0], [1], [0, 0, 1, 1], [], []>, transpose_lhs_hint = false} : vector<1000x128xf32>, vector<128x384xf32>, vector<1000x384xf32> -> vector<1000x384xf32>
    %get3A_64 = arith.constant 0 : index
    %get3A_65 = arith.constant 0 : index
    %get3A_66 = vector.load %arg9[%get3A_64, %get3A_65] : memref<1x384xf32, #tpu.memory_space<vmem>>, vector<1x384xf32>
    %add3A_67 = vector.broadcast %get3A_66 : vector<1x384xf32> to vector<1000x384xf32>
    %add3A_68 = arith.addf %dot_general3A_63, %add3A_67 : vector<1000x384xf32>
    %slice3A_69 = vector.extract_strided_slice %add3A_68 {offsets = [0, 0], sizes = [1000, 128], strides = [1, 1]} : vector<1000x384xf32> to vector<1000x128xf32>
    %slice3A_70 = vector.extract_strided_slice %add3A_68 {offsets = [0, 128], sizes = [1000, 128], strides = [1, 1]} : vector<1000x384xf32> to vector<1000x128xf32>
    %slice3A_71 = vector.extract_strided_slice %add3A_68 {offsets = [0, 256], sizes = [1000, 128], strides = [1, 1]} : vector<1000x384xf32> to vector<1000x128xf32>
    %add3A_72 = arith.addf %slice3A_69, %slice3A_70 : vector<1000x128xf32>
    %add3A_73 = arith.addf %add3A_72, %mul3A_42 : vector<1000x128xf32>
    %mul3A_74 = arith.constant 0.707106769 : f32
    %mul3A_75 = vector.broadcast %mul3A_74 : f32 to vector<1000x128xf32>
    %mul3A_76 = arith.mulf %add3A_73, %mul3A_75 : vector<1000x128xf32>
    %add3A_77 = arith.addf %add3A, %mul3A_76 : vector<1000x128xf32>
    %swap3A = arith.constant 0 : index
    %swap3A_78 = arith.constant 0 : index
    %swap3A_79 = vector.load %arg10[%swap3A, %swap3A_78] : memref<1000x128xf32, #tpu.memory_space<vmem>>, vector<1000x128xf32>
    tpu.vector_store %arg10[%swap3A, %swap3A_78], %add3A_77 {strides = array<i32>} : memref<1000x128xf32, #tpu.memory_space<vmem>>, vector<1000x128xf32>,
    %slice3A_80 = vector.extract_strided_slice %add3A_11 {offsets = [0, 0], sizes = [1000, 128], strides = [1, 1]} : vector<1000x384xf32> to vector<1000x128xf32>
    %mul3A_81 = arith.mulf %slice3A_71, %slice3A_17 : vector<1000x128xf32>
    %add3A_82 = arith.addf %slice3A_80, %mul3A_81 : vector<1000x128xf32>
    %slice3A_83 = vector.extract_strided_slice %add3A_11 {offsets = [0, 128], sizes = [1000, 128], strides = [1, 1]} : vector<1000x384xf32> to vector<1000x128xf32>
    %mul3A_84 = arith.mulf %slice3A_71, %slice3A_22 : vector<1000x128xf32>
    %add3A_85 = arith.addf %slice3A_83, %mul3A_84 : vector<1000x128xf32>
    %slice3A_86 = vector.extract_strided_slice %add3A_11 {offsets = [0, 256], sizes = [1000, 128], strides = [1, 1]} : vector<1000x384xf32> to vector<1000x128xf32>
    %mul3A_87 = arith.mulf %slice3A_71, %slice3A_27 : vector<1000x128xf32>
    %add3A_88 = arith.addf %slice3A_86, %mul3A_87 : vector<1000x128xf32>
    %concatenate3A_89 = tpu.concatenate %add3A_82, %add3A_85, %add3A_88 in 1 : vector<1000x128xf32>, vector<1000x128xf32>, vector<1000x128xf32> -> vector<1000x384xf32>
    %swap3A_90 = arith.constant 0 : index
    %swap3A_91 = arith.constant 0 : index
    %swap3A_92 = vector.load %arg11[%swap3A_90, %swap3A_91] : memref<1000x384xf32, #tpu.memory_space<vmem>>, vector<1000x384xf32>
    tpu.vector_store %arg11[%swap3A_90, %swap3A_91], %concatenate3A_89 {strides = array<i32>} : memref<1000x384xf32, #tpu.memory_space<vmem>>, vector<1000x384xf32>,
    return
  }
  func.func @transform_0(%arg0: i32) -> (i32, i32) {
    %c0_i32 = arith.constant 0 : i32
    %c0_i32_0 = arith.constant 0 : i32
    return %arg0, %c0_i32 : i32, i32
  }
  func.func @transform_1(%arg0: i32) -> (i32, i32) {
    %c0_i32 = arith.constant 0 : i32
    %c0_i32_0 = arith.constant 0 : i32
    return %arg0, %c0_i32 : i32, i32
  }
  func.func @transform_2(%arg0: i32) -> (i32, i32) {
    %c0_i32 = arith.constant 0 : i32
    %c0_i32_0 = arith.constant 0 : i32
    return %arg0, %c0_i32 : i32, i32
  }
  func.func @transform_3(%arg0: i32) -> (i32, i32) {
    %c0_i32 = arith.constant 0 : i32
    %c0_i32_0 = arith.constant 0 : i32
    return %arg0, %c0_i32 : i32, i32
  }
  func.func @transform_4(%arg0: i32) -> (i32, i32) {
    %c0_i32 = arith.constant 0 : i32
    %c0_i32_0 = arith.constant 0 : i32
    %c0_i32_1 = arith.constant 0 : i32
    return %c0_i32, %c0_i32_0 : i32, i32
  }
  func.func @transform_5(%arg0: i32) -> (i32, i32) {
    %c0_i32 = arith.constant 0 : i32
    %c0_i32_0 = arith.constant 0 : i32
    %c0_i32_1 = arith.constant 0 : i32
    return %c0_i32, %c0_i32_0 : i32, i32
  }
  func.func @transform_6(%arg0: i32) -> (i32, i32) {
    %c0_i32 = arith.constant 0 : i32
    %c0_i32_0 = arith.constant 0 : i32
    %c0_i32_1 = arith.constant 0 : i32
    return %c0_i32, %c0_i32_0 : i32, i32
  }
  func.func @transform_7(%arg0: i32) -> (i32, i32) {
    %c0_i32 = arith.constant 0 : i32
    %c0_i32_0 = arith.constant 0 : i32
    %c0_i32_1 = arith.constant 0 : i32
    return %c0_i32, %c0_i32_0 : i32, i32
  }
  func.func @transform_8(%arg0: i32) -> (i32, i32) {
    %c0_i32 = arith.constant 0 : i32
    %c0_i32_0 = arith.constant 0 : i32
    %c0_i32_1 = arith.constant 0 : i32
    return %c0_i32, %c0_i32_0 : i32, i32
  }
  func.func @transform_9(%arg0: i32) -> (i32, i32) {
    %c0_i32 = arith.constant 0 : i32
    %c0_i32_0 = arith.constant 0 : i32
    return %arg0, %c0_i32 : i32, i32
  }
  func.func @transform_10(%arg0: i32) -> (i32, i32) {
    %c0_i32 = arith.constant 0 : i32
    %c0_i32_0 = arith.constant 0 : i32
    return %arg0, %c0_i32 : i32, i32
  }
}

module attributes {stable_mosaic.version = 14 : i64} {
  func.func @body(%arg0: i32, %arg1: memref<640x480xf32, #tpu.memory_space<vmem>>, %arg2: memref<640x96xf32, #tpu.memory_space<vmem>>, %arg3: memref<640x384xf32, #tpu.memory_space<vmem>>, %arg4: memref<640x384xf32, #tpu.memory_space<vmem>>, %arg5: memref<640x3xf32, #tpu.memory_space<vmem>>, %arg6: memref<480x384xf32, #tpu.memory_space<vmem>>, %arg7: memref<1x384xf32, #tpu.memory_space<vmem>>, %arg8: memref<384x384xf32, #tpu.memory_space<vmem>>, %arg9: memref<1x384xf32, #tpu.memory_space<vmem>>, %arg10: memref<96x384xf32, #tpu.memory_space<vmem>>, %arg11: memref<1x384xf32, #tpu.memory_space<vmem>>, %arg12: memref<640x128xf32, #tpu.memory_space<vmem>>, %arg13: memref<640x384xf32, #tpu.memory_space<vmem>>) attributes {dimension_semantics = [#tpu.dimension_semantics<arbitrary>], iteration_bounds = array<i64: 250>, scalar_prefetch = 0 : i64, scratch_operands = 0 : i64, tpu.core_type = #tpu.core_type<tc>, window_params = [{transform_indices = @transform_0, window_bounds = array<i64: 640, 480>}, {transform_indices = @transform_1, window_bounds = array<i64: 640, 96>}, {transform_indices = @transform_2, window_bounds = array<i64: 640, 384>}, {transform_indices = @transform_3, window_bounds = array<i64: 640, 384>}, {transform_indices = @transform_4, window_bounds = array<i64: 640, 3>}, {pipeline_mode = #tpu.pipeline_mode<synchronous>, transform_indices = @transform_5, window_bounds = array<i64: 480, 384>}, {pipeline_mode = #tpu.pipeline_mode<synchronous>, transform_indices = @transform_6, window_bounds = array<i64: 1, 384>}, {pipeline_mode = #tpu.pipeline_mode<synchronous>, transform_indices = @transform_7, window_bounds = array<i64: 384, 384>}, {pipeline_mode = #tpu.pipeline_mode<synchronous>, transform_indices = @transform_8, window_bounds = array<i64: 1, 384>}, {pipeline_mode = #tpu.pipeline_mode<synchronous>, transform_indices = @transform_9, window_bounds = array<i64: 96, 384>}, {pipeline_mode = #tpu.pipeline_mode<synchronous>, transform_indices = @transform_10, window_bounds = array<i64: 1, 384>}, {transform_indices = @transform_11, window_bounds = array<i64: 640, 128>}, {transform_indices = @transform_12, window_bounds = array<i64: 640, 384>}]} {
    %get3A = arith.constant 0 : index
    %get3A_0 = arith.constant 0 : index
    %get3A_1 = vector.load %arg1[%get3A, %get3A_0] : memref<640x480xf32, #tpu.memory_space<vmem>>, vector<640x480xf32>
    %get3A_2 = arith.constant 0 : index
    %get3A_3 = arith.constant 0 : index
    %get3A_4 = vector.load %arg6[%get3A_2, %get3A_3] : memref<480x384xf32, #tpu.memory_space<vmem>>, vector<480x384xf32>
    %dot_general3A = arith.constant dense<0.000000e+00> : vector<640x384xf32>
    %dot_general3A_5 = tpu.matmul %get3A_1, %get3A_4, %dot_general3A {dimension_numbers = #tpu.dot_dimension_numbers<[1], [0], [0], [1], [0, 0, 1, 1], [], []>, transpose_lhs_hint = false} : vector<640x480xf32>, vector<480x384xf32>, vector<640x384xf32> -> vector<640x384xf32>
    %get3A_6 = arith.constant 0 : index
    %get3A_7 = arith.constant 0 : index
    %get3A_8 = vector.load %arg7[%get3A_6, %get3A_7] : memref<1x384xf32, #tpu.memory_space<vmem>>, vector<1x384xf32>
    %add3A = vector.broadcast %get3A_8 : vector<1x384xf32> to vector<640x384xf32>
    %add3A_9 = arith.addf %dot_general3A_5, %add3A : vector<640x384xf32>
    %logistic3A = arith.negf %add3A_9 : vector<640x384xf32>
    %logistic3A_10 = math.exp %logistic3A : vector<640x384xf32>
    %logistic3A_11 = arith.constant 1.000000e+00 : f32
    %logistic3A_12 = vector.broadcast %logistic3A_11 : f32 to vector<640x384xf32>
    %logistic3A_13 = arith.addf %logistic3A_12, %logistic3A_10 : vector<640x384xf32>
    %logistic3A_14 = arith.divf %logistic3A_12, %logistic3A_13 : vector<640x384xf32>
    %mul3A = arith.mulf %add3A_9, %logistic3A_14 : vector<640x384xf32>
    %get3A_15 = arith.constant 0 : index
    %get3A_16 = arith.constant 0 : index
    %get3A_17 = vector.load %arg8[%get3A_15, %get3A_16] : memref<384x384xf32, #tpu.memory_space<vmem>>, vector<384x384xf32>
    %dot_general3A_18 = arith.constant dense<0.000000e+00> : vector<640x384xf32>
    %dot_general3A_19 = tpu.matmul %mul3A, %get3A_17, %dot_general3A_18 {dimension_numbers = #tpu.dot_dimension_numbers<[1], [0], [0], [1], [0, 0, 1, 1], [], []>, transpose_lhs_hint = false} : vector<640x384xf32>, vector<384x384xf32>, vector<640x384xf32> -> vector<640x384xf32>
    %get3A_20 = arith.constant 0 : index
    %get3A_21 = arith.constant 0 : index
    %get3A_22 = vector.load %arg9[%get3A_20, %get3A_21] : memref<1x384xf32, #tpu.memory_space<vmem>>, vector<1x384xf32>
    %add3A_23 = vector.broadcast %get3A_22 : vector<1x384xf32> to vector<640x384xf32>
    %add3A_24 = arith.addf %dot_general3A_19, %add3A_23 : vector<640x384xf32>
    %get3A_25 = arith.constant 0 : index
    %get3A_26 = arith.constant 0 : index
    %get3A_27 = vector.load %arg2[%get3A_25, %get3A_26] : memref<640x96xf32, #tpu.memory_space<vmem>>, vector<640x96xf32>
    %get3A_28 = arith.constant 0 : index
    %get3A_29 = arith.constant 0 : index
    %get3A_30 = vector.load %arg10[%get3A_28, %get3A_29] : memref<96x384xf32, #tpu.memory_space<vmem>>, vector<96x384xf32>
    %dot_general3A_31 = arith.constant dense<0.000000e+00> : vector<640x384xf32>
    %dot_general3A_32 = tpu.matmul %get3A_27, %get3A_30, %dot_general3A_31 {dimension_numbers = #tpu.dot_dimension_numbers<[1], [0], [0], [1], [0, 0, 1, 1], [], []>, transpose_lhs_hint = false} : vector<640x96xf32>, vector<96x384xf32>, vector<640x384xf32> -> vector<640x384xf32>
    %get3A_33 = arith.constant 0 : index
    %get3A_34 = arith.constant 0 : index
    %get3A_35 = vector.load %arg11[%get3A_33, %get3A_34] : memref<1x384xf32, #tpu.memory_space<vmem>>, vector<1x384xf32>
    %add3A_36 = vector.broadcast %get3A_35 : vector<1x384xf32> to vector<640x384xf32>
    %add3A_37 = arith.addf %dot_general3A_32, %add3A_36 : vector<640x384xf32>
    %get3A_38 = arith.constant 0 : index
    %get3A_39 = arith.constant 0 : index
    %get3A_40 = vector.load %arg3[%get3A_38, %get3A_39] : memref<640x384xf32, #tpu.memory_space<vmem>>, vector<640x384xf32>
    %mul3A_41 = arith.mulf %add3A_37, %add3A_24 : vector<640x384xf32>
    %mul3A_42 = arith.mulf %get3A_40, %mul3A_41 : vector<640x384xf32>
    %slice3A = vector.extract_strided_slice %mul3A_42 {offsets = [0, 128], sizes = [640, 128], strides = [1, 1]} : vector<640x384xf32> to vector<640x128xf32>
    %mul3A_43 = arith.constant 0.577350259 : f32
    %mul3A_44 = vector.broadcast %mul3A_43 : f32 to vector<640x128xf32>
    %mul3A_45 = arith.mulf %slice3A, %mul3A_44 : vector<640x128xf32>
    %slice3A_46 = vector.extract_strided_slice %mul3A_42 {offsets = [0, 256], sizes = [640, 128], strides = [1, 1]} : vector<640x384xf32> to vector<640x128xf32>
    %get3A_47 = arith.constant 0 : index
    %get3A_48 = arith.constant 0 : index
    %get3A_49 = vector.load %arg5[%get3A_47, %get3A_48] : memref<640x3xf32, #tpu.memory_space<vmem>>, vector<640x3xf32>
    %slice3A_50 = vector.extract_strided_slice %get3A_49 {offsets = [0, 0], sizes = [640, 1], strides = [1, 1]} : vector<640x3xf32> to vector<640x1xf32>
    %mul3A_51 = vector.broadcast %slice3A_50 : vector<640x1xf32> to vector<640x128xf32>
    %mul3A_52 = arith.mulf %slice3A_46, %mul3A_51 : vector<640x128xf32>
    %get3A_53 = arith.constant 0 : index
    %get3A_54 = arith.constant 0 : index
    %get3A_55 = vector.load %arg4[%get3A_53, %get3A_54] : memref<640x384xf32, #tpu.memory_space<vmem>>, vector<640x384xf32>
    %slice3A_56 = vector.extract_strided_slice %get3A_55 {offsets = [0, 0], sizes = [640, 128], strides = [1, 1]} : vector<640x384xf32> to vector<640x128xf32>
    %mul3A_57 = arith.mulf %slice3A_56, %mul3A_45 : vector<640x128xf32>
    %add3A_58 = arith.addf %mul3A_52, %mul3A_57 : vector<640x128xf32>
    %mul3A_59 = arith.constant 0.0883883461 : f32
    %mul3A_60 = vector.broadcast %mul3A_59 : f32 to vector<640x128xf32>
    %mul3A_61 = arith.mulf %add3A_58, %mul3A_60 : vector<640x128xf32>
    %slice3A_62 = vector.extract_strided_slice %get3A_49 {offsets = [0, 1], sizes = [640, 1], strides = [1, 1]} : vector<640x3xf32> to vector<640x1xf32>
    %mul3A_63 = vector.broadcast %slice3A_62 : vector<640x1xf32> to vector<640x128xf32>
    %mul3A_64 = arith.mulf %slice3A_46, %mul3A_63 : vector<640x128xf32>
    %get3A_65 = arith.constant 0 : index
    %get3A_66 = arith.constant 0 : index
    %get3A_67 = vector.load %arg4[%get3A_65, %get3A_66] : memref<640x384xf32, #tpu.memory_space<vmem>>, vector<640x384xf32>
    %slice3A_68 = vector.extract_strided_slice %get3A_67 {offsets = [0, 128], sizes = [640, 128], strides = [1, 1]} : vector<640x384xf32> to vector<640x128xf32>
    %mul3A_69 = arith.mulf %slice3A_68, %mul3A_45 : vector<640x128xf32>
    %add3A_70 = arith.addf %mul3A_64, %mul3A_69 : vector<640x128xf32>
    %mul3A_71 = arith.constant 0.0883883461 : f32
    %mul3A_72 = vector.broadcast %mul3A_71 : f32 to vector<640x128xf32>
    %mul3A_73 = arith.mulf %add3A_70, %mul3A_72 : vector<640x128xf32>
    %slice3A_74 = vector.extract_strided_slice %get3A_49 {offsets = [0, 2], sizes = [640, 1], strides = [1, 1]} : vector<640x3xf32> to vector<640x1xf32>
    %mul3A_75 = vector.broadcast %slice3A_74 : vector<640x1xf32> to vector<640x128xf32>
    %mul3A_76 = arith.mulf %slice3A_46, %mul3A_75 : vector<640x128xf32>
    %get3A_77 = arith.constant 0 : index
    %get3A_78 = arith.constant 0 : index
    %get3A_79 = vector.load %arg4[%get3A_77, %get3A_78] : memref<640x384xf32, #tpu.memory_space<vmem>>, vector<640x384xf32>
    %slice3A_80 = vector.extract_strided_slice %get3A_79 {offsets = [0, 256], sizes = [640, 128], strides = [1, 1]} : vector<640x384xf32> to vector<640x128xf32>
    %mul3A_81 = arith.mulf %slice3A_80, %mul3A_45 : vector<640x128xf32>
    %add3A_82 = arith.addf %mul3A_76, %mul3A_81 : vector<640x128xf32>
    %mul3A_83 = arith.constant 0.0883883461 : f32
    %mul3A_84 = vector.broadcast %mul3A_83 : f32 to vector<640x128xf32>
    %mul3A_85 = arith.mulf %add3A_82, %mul3A_84 : vector<640x128xf32>
    %slice3A_86 = vector.extract_strided_slice %mul3A_42 {offsets = [0, 0], sizes = [640, 128], strides = [1, 1]} : vector<640x384xf32> to vector<640x128xf32>
    %swap3A = arith.constant 0 : index
    %swap3A_87 = arith.constant 0 : index
    %swap3A_88 = vector.load %arg12[%swap3A, %swap3A_87] : memref<640x128xf32, #tpu.memory_space<vmem>>, vector<640x128xf32>
    tpu.vector_store %arg12[%swap3A, %swap3A_87], %slice3A_86 {strides = array<i32>} : memref<640x128xf32, #tpu.memory_space<vmem>>, vector<640x128xf32>,
    %concatenate3A = tpu.concatenate %mul3A_61, %mul3A_73, %mul3A_85 in 1 : vector<640x128xf32>, vector<640x128xf32>, vector<640x128xf32> -> vector<640x384xf32>
    %swap3A_89 = arith.constant 0 : index
    %swap3A_90 = arith.constant 0 : index
    %swap3A_91 = vector.load %arg13[%swap3A_89, %swap3A_90] : memref<640x384xf32, #tpu.memory_space<vmem>>, vector<640x384xf32>
    tpu.vector_store %arg13[%swap3A_89, %swap3A_90], %concatenate3A {strides = array<i32>} : memref<640x384xf32, #tpu.memory_space<vmem>>, vector<640x384xf32>,
    return
  }
  func.func @transform_0(%arg0: i32) -> (i32, i32) {
    %c0_i32 = arith.constant 0 : i32
    %c0_i32_0 = arith.constant 0 : i32
    return %arg0, %c0_i32 : i32, i32
  }
  func.func @transform_1(%arg0: i32) -> (i32, i32) {
    %c0_i32 = arith.constant 0 : i32
    %c0_i32_0 = arith.constant 0 : i32
    return %arg0, %c0_i32 : i32, i32
  }
  func.func @transform_2(%arg0: i32) -> (i32, i32) {
    %c0_i32 = arith.constant 0 : i32
    %c0_i32_0 = arith.constant 0 : i32
    return %arg0, %c0_i32 : i32, i32
  }
  func.func @transform_3(%arg0: i32) -> (i32, i32) {
    %c0_i32 = arith.constant 0 : i32
    %c0_i32_0 = arith.constant 0 : i32
    return %arg0, %c0_i32 : i32, i32
  }
  func.func @transform_4(%arg0: i32) -> (i32, i32) {
    %c0_i32 = arith.constant 0 : i32
    %c0_i32_0 = arith.constant 0 : i32
    return %arg0, %c0_i32 : i32, i32
  }
  func.func @transform_5(%arg0: i32) -> (i32, i32) {
    %c0_i32 = arith.constant 0 : i32
    %c0_i32_0 = arith.constant 0 : i32
    %c0_i32_1 = arith.constant 0 : i32
    return %c0_i32, %c0_i32_0 : i32, i32
  }
  func.func @transform_6(%arg0: i32) -> (i32, i32) {
    %c0_i32 = arith.constant 0 : i32
    %c0_i32_0 = arith.constant 0 : i32
    %c0_i32_1 = arith.constant 0 : i32
    return %c0_i32, %c0_i32_0 : i32, i32
  }
  func.func @transform_7(%arg0: i32) -> (i32, i32) {
    %c0_i32 = arith.constant 0 : i32
    %c0_i32_0 = arith.constant 0 : i32
    %c0_i32_1 = arith.constant 0 : i32
    return %c0_i32, %c0_i32_0 : i32, i32
  }
  func.func @transform_8(%arg0: i32) -> (i32, i32) {
    %c0_i32 = arith.constant 0 : i32
    %c0_i32_0 = arith.constant 0 : i32
    %c0_i32_1 = arith.constant 0 : i32
    return %c0_i32, %c0_i32_0 : i32, i32
  }
  func.func @transform_9(%arg0: i32) -> (i32, i32) {
    %c0_i32 = arith.constant 0 : i32
    %c0_i32_0 = arith.constant 0 : i32
    %c0_i32_1 = arith.constant 0 : i32
    return %c0_i32, %c0_i32_0 : i32, i32
  }
  func.func @transform_10(%arg0: i32) -> (i32, i32) {
    %c0_i32 = arith.constant 0 : i32
    %c0_i32_0 = arith.constant 0 : i32
    %c0_i32_1 = arith.constant 0 : i32
    return %c0_i32, %c0_i32_0 : i32, i32
  }
  func.func @transform_11(%arg0: i32) -> (i32, i32) {
    %c0_i32 = arith.constant 0 : i32
    %c0_i32_0 = arith.constant 0 : i32
    return %arg0, %c0_i32 : i32, i32
  }
  func.func @transform_12(%arg0: i32) -> (i32, i32) {
    %c0_i32 = arith.constant 0 : i32
    %c0_i32_0 = arith.constant 0 : i32
    return %arg0, %c0_i32 : i32, i32
  }
}

</mosaic_0001>

<sc_bundles>
// kernel: kernel.18.cloned.1.call-start
scs
__scs_entry_jumppad:
0x0: {  	(pc) =	sbr.rel $0x88, $3  }
0x1: {  	(tag) =	ssettag $0x0;
	lr =	simm.s32 $0x1  }
0x2: {  	[smem:$0x3F71] =	sst lr;
	_ =	strace $0xD0000000  }
0x3: {  	_ = 	snop  }
0x4: {  	_ = 	snop  }
0x5: {  	_ = 	snop  }
0x6: {  	_ = 	snop  }
0x7: {  	_ = 	snop  }
__scs_overlays_trampoline_lowered:
0x8: {  	[smem:$0x3F80] =	sst s0  }
0x9: {  	[smem:$0x3F81] =	sst s1  }
0xa: {  	[smem:$0x3F82] =	sst s2  }
0xb: {  	[smem:$0x3F83] =	sst s3  }
0xc: {  	[smem:$0x3F84] =	sst s4  }
0xd: {  	[smem:$0x3F85] =	sst s5  }
0xe: {  	[smem:$0x3F86] =	sst s6  }
0xf: {  	[smem:$0x3F87] =	sst s7  }
0x10: {  	[smem:$0x3F88] =	sst s8  }
0x11: {  	[smem:$0x3F89] =	sst s9;
	s0 =	simm.s32 @!p0 $0x0  }
0x12: {  	s1 =	sld [smem:$0x3F6F];
	s0 =	simm.s32 @p0 $0x1  }
0x13: {  	[smem:$0x3F8A] =	sst s0;
	s0 =	simm.s32 @!p1 $0x0  }
0x14: {  	s2 =	sld [smem:$0x3F6E];
	s0 =	simm.s32 @p1 $0x1  }
0x15: {  	[smem:$0x3F8B] =	sst s0;
	s0 =	simm.s32 @!p2 $0x0  }
0x16: {  	s3 =	sld [smem:$0x3FDB];
	s0 =	simm.s32 @p2 $0x1  }
0x17: {  	s4 =	simm.s32 $0x1BF5;
	[smem:$0x3F8D] =	sst s0  }
0x18: {  	s0 =	sld [smem:$0x3F70];
	_ =	swait.ge [sflag:s4], $0x0  }
0x19: {  	s7 =	sld [smem:$0x3F71]  }
0x1a: {  	s8 =	sadd.s32 $0xFFFFE003, lr  }
0x1b: {  	s9 =	sadd.s32 $0xFFFFFEF7, lr;
	s5 =	simm.s32 $0xFFFFFFFF;
	p2 =	slt.u32 s8, $0xFFFFF086  }
0x1c: {  	p1 =	slt.u32 s9, $0xF7A;
	s5 =	simm.s32 @!p2 $0x0  }
0x1d: {  	s5 =	simm.s32 @p1 $0x1;
	p0 =	seq.s32 s7, s2  }
0x1e: {  	s7 =	smul.u32 @!p0 $0xF7A, s2;
	p2 =	seq.s32 @!p0 s5, $0x0  }
0x1f: {  	s9 =	smul.u32 $0xF7A, s1;
	s8 =	simm.s32 @!p0 $0x1BF5;
	p2 =	por !p2, p0  }
0x20: {  	[sflag:s8] =	ssyncset.s32 @!p0 $0xFFFFF086;
	s6 =	sadd.s32 @!p0 s3, s7;
	s7 =	simm.s32 @!p0 $0x108  }
0x21: {  	s3 =	sadd.s32 s3, s9;
	s6 =	sadd.s32 @!p0 $0x88, s6;
	s7 =	simm.s32 @p2 $0x1082  }
0x22: {  	[simem:s7], [sflag:s8] =	dma.local @!p0 [hbm:s6], $0xF7A  }
0x23: {  	s9 =	sor.u32 $0xD0000000, s2;
	s6 =	simm.s32 $0x108;
	_ =	swait.ge @!p0 [sflag:s8], $0x0  }
0x24: {  	s3 =	sadd.s32 $0x88, s3;
	s6 =	simm.s32 @!p1 $0x1082;
	[sflag:s4] =	ssyncset.s32 $0xFFFFF086  }
0x25: {  	[simem:s6], [sflag:s4] =	dma.local [hbm:s3], $0xF7A  }
0x26: {  	[smem:$0x3F71] =	sst s1;
	(tag) =	ssettag s2;
	_ =	strace s9  }
0x27: {  	s1 =	sld [smem:$0x3F81]  }
0x28: {  	s2 =	sld [smem:$0x3F82]  }
0x29: {  	s4 =	sld [smem:$0x3F84]  }
0x2a: {  	p0 =	seq.s32 s5, $0x0;
	s5 =	sld [smem:$0x3F85]  }
0x2b: {  	s6 =	sld [smem:$0x3F86]  }
0x2c: {  	s7 =	sld [smem:$0x3F87]  }
0x2d: {  	s3 =	simm.s32 $0x108;
	s8 =	sld [smem:$0x3F88]  }
0x2e: {  	s3 =	simm.s32 @!p0 $0x1082;
	s9 =	sld [smem:$0x3F89]  }
0x2f: {  	lr =	sadd.s32 s0, s3;
	s0 =	sld [smem:$0x3F80]  }
0x30: {  	s3 =	sld [smem:$0x3F83]  }
0x31: {  	[smem:$0x3F8C] =	sst s10  }
0x32: {  	s10 =	sld [smem:$0x3F8A];
	_ =	sdelay $0x3  }
0x33: {  	p0 =	seq.s32 s10, $0x1;
	s10 =	sld [smem:$0x3F8C];
	_ =	sdelay $0x3  }
0x34: {  	[smem:$0x3F8C] =	sst s10  }
0x35: {  	s10 =	sld [smem:$0x3F8B];
	_ =	sdelay $0x3  }
0x36: {  	p1 =	seq.s32 s10, $0x1;
	s10 =	sld [smem:$0x3F8C];
	_ =	sdelay $0x3  }
0x37: {  	[smem:$0x3F8C] =	sst s10  }
0x38: {  	s10 =	sld [smem:$0x3F8D]  }
0x39: {  	_ = 	snop;
	(pc) =	sbr.ind lr, $3  }
0x3a: {  	_ = 	snop  }
0x3b: {  	_ = 	snop  }
0x3c: {  	p2 =	seq.s32 s10, $0x1;
	s10 =	sld [smem:$0x3F8C]  }
0x3d: {  	_ =	shalt  }
0x3e: {  	_ =	shalt  }
0x3f: {  	_ =	shalt  }
0x40: {  	_ =	shalt  }
0x41: {  	_ =	shalt  }
0x42: {  	_ =	shalt  }
0x43: {  	_ =	shalt  }
0x44: {  	_ =	shalt  }
0x45: {  	_ =	shalt  }
0x46: {  	_ =	shalt  }
0x47: {  	_ =	shalt  }
0x48: {  	_ =	shalt  }
0x49: {  	_ =	shalt  }
0x4a: {  	_ =	shalt  }
0x4b: {  	_ =	shalt  }
0x4c: {  	_ =	shalt  }
0x4d: {  	_ =	shalt  }
0x4e: {  	_ =	shalt  }
0x4f: {  	_ =	shalt  }
0x50: {  	_ =	shalt  }
0x51: {  	_ =	shalt  }
0x52: {  	_ =	shalt  }
0x53: {  	_ =	shalt  }
0x54: {  	_ =	shalt  }
0x55: {  	_ =	shalt  }
0x56: {  	_ =	shalt  }
0x57: {  	_ =	shalt  }
0x58: {  	_ =	shalt  }
0x59: {  	_ =	shalt  }
0x5a: {  	_ =	shalt  }
0x5b: {  	_ =	shalt  }
0x5c: {  	_ =	shalt  }
0x5d: {  	_ =	shalt  }
0x5e: {  	_ =	shalt  }
0x5f: {  	_ =	shalt  }
0x60: {  	_ =	shalt  }
0x61: {  	_ =	shalt  }
0x62: {  	_ =	shalt  }
0x63: {  	_ =	shalt  }
0x64: {  	_ =	shalt  }
0x65: {  	_ =	shalt  }
0x66: {  	_ =	shalt  }
0x67: {  	_ =	shalt  }
0x68: {  	_ =	shalt  }
0x69: {  	_ =	shalt  }
0x6a: {  	_ =	shalt  }
0x6b: {  	_ =	shalt  }
0x6c: {  	_ =	shalt  }
0x6d: {  	_ =	shalt  }
0x6e: {  	_ =	shalt  }
0x6f: {  	_ =	shalt  }
0x70: {  	_ =	shalt  }
0x71: {  	_ =	shalt  }
0x72: {  	_ =	shalt  }
0x73: {  	_ =	shalt  }
0x74: {  	_ =	shalt  }
0x75: {  	_ =	shalt  }
0x76: {  	_ =	shalt  }
0x77: {  	_ =	shalt  }
0x78: {  	_ =	shalt  }
0x79: {  	_ =	shalt  }
0x7a: {  	_ =	shalt  }
0x7b: {  	_ =	shalt  }
0x7c: {  	_ =	shalt  }
0x7d: {  	_ =	shalt  }
0x7e: {  	_ =	shalt  }
0x7f: {  	_ =	shalt  }
0x80: {  	_ =	shalt  }
0x81: {  	_ =	shalt  }
0x82: {  	_ =	shalt  }
0x83: {  	_ =	shalt  }
0x84: {  	_ =	shalt  }
0x85: {  	_ =	shalt  }
0x86: {  	_ =	shalt  }
0x87: {  	_ =	shalt  }
.Lfunc_end0:
.L_simem_size_0:
called_computation.1_lowered:
.L_overlay_start_0:
0x88: {  	s2 =	sld [smem:$0x3FD9]  }
0x89: {  	s3 =	sld [smem:$0x3FFE];
	_ =	sdelay $0x1  }
0x8a: {  	s1 =	srdreg.scid  }
0x8b: {  	s0 =	sand.u32 $0x1, s1  }
0x8c: {  	s16 =	sshll.u32 s0, $0xA;
	s2 =	sadd.s32 s3, s2  }
0x8d: {  	s2 =	sadd.s32 s2, s16  }
0x8e: {  	[smem:$0x3F98] =	sst s2  }
0x8f: {  	_ = 	snop  }
0x90: {  	(tm) =	ssettm $0x1  }
0x91: {  	s17 =	sld [smem:$0x3FFB];
	_ =	sdelay $0x3  }
0x92: {  	_ =	strace s17  }
0x93: {  	s2 =	sld [smem:$0x3FFC];
	_ =	sdelay $0x3  }
0x94: {  	_ =	strace s2  }
0x95: {  	s2 =	sld [smem:$0x3FFD];
	_ =	sdelay $0x3  }
0x96: {  	_ =	strace s2  }
0x97: {  	_ =	strace $0x8FFFFFFF  }
0x98: {  	s18 =	sld [smem:$0x3FDB];
	_ =	sdelay $0x1  }
0x99: {  	s19 =	simm.s32 $_scs_section_size  }
0x9a: {  	s4 =	simm.s32 $_size__tile_overlayer_lowered;
	s5 =	simm.s32 $_tile_overlayer_lowered  }
0x9b: {  	s22 =	simm.s32 $0x1BFF;
	s21 =	sshll.u32 s5, $0x1;
	s2 =	sadd.s32 s19, s18  }
0x9c: {  	s6 =	simm.s32 $0x0;
	s20 =	sshll.u32 s4, $0x1;
	s4 =	sadd.s32 s21, s2  }
0x9d: {  	[timem:s6], [sflag:s22] =	dma.local [hbm:s4], s20  }
0x9e: {  	_ =	swait.ge [sflag:s22], s20  }
0x9f: {  	s3 =	ssub.s32 $0x0, s20;
	[sflag:s22] =	ssyncset.done $0x0  }
0xa0: {  	[sflag:s22] =	ssyncadd.s32 s3;
	_ =	sdelay $0x1  }
0xa1: {  	s23 =	simm.s32 $0x1B8B  }
0xa2: {  	_ =	swait.ge [sflag:s23], $0x1  }
0xa3: {  	[sflag:s23] =	ssyncset.done $0x0  }
0xa4: {  	s25 =	simm.s32 $0x1B8E;
	s24 =	sld [smem:$0x3FFE];
	[sflag:s23] =	ssyncadd.s32 $0xFFFFFFFF  }
0xa5: {  	s26 =	simm.s32 $execute0_lowered;
	[smem:$0x3FD2] =	sst s25  }
0xa6: {  	s4 =	sshll.u32 s26, $0x1;
	_ =	strace $0x80000046;
	[dreg:$0x1] =	wrdreg $0xFFFFFFFF  }
0xa7: {  	s28 =	simm.s32 $_size_execute0_lowered;
	s2 =	sadd.s32 s2, s4;
	[dreg:$0x0] =	wrdreg $0x0  }
0xa8: {  	s4 =	sshll.u32 s28, $0x1;
	[dreg:$0x2] =	wrdreg s2  }
0xa9: {  	[dreg:$0x3] =	wrdreg s4  }
0xaa: {  	[dreg:$0x4] =	wrdreg $0xC0  }
0xab: {  	_ =	task [dreg:s6], $0x5FFFF  }
0xac: {  	[dreg:$0x1] =	wrdreg $0xFFFFFFFF  }
0xad: {  	[dreg:$0x0] =	wrdreg $0x60  }
0xae: {  	[dreg:$0x2] =	wrdreg s24  }
0xaf: {  	[dreg:$0x3] =	wrdreg $0x68000  }
0xb0: {  	[dreg:$0x4] =	wrdreg $0x9  }
0xb1: {  	_ =	task.clear_ibuf [dreg:s6], $0x5FFFF;
	_ =	strace $0x90000046  }
0xb2: {  	s29 =	simm.s32 $0x9;
	_ =	strace $0x80000048  }
0xb3: {  	_ =	swait.ge [sflag:s29], $0x1  }
0xb4: {  	[sflag:s29] =	ssyncadd.s32 $0xFFFFFFFF  }
0xb5: {  	_ =	strace $0x90000048  }
0xb6: {  	_ =	sfence  }
0xb7: {  	s30 =	sld [smem:$0x0];
	_ =	sdelay $0x2  }
0xb8: {  	s31 =	sshll.u32 s1, $0xD;
	s1 =	sshrl.u32 s1, $0x2  }
0xb9: {  	s3 =	sand.u32 $0x4000, s31;
	s1 =	sadd.s32 s1, s30  }
0xba: {  	s0 =	sor.u32 s3, s0;
	s1 =	sshll.u32 s1, $0x11  }
0xbb: {  	s0 =	sor.u32 s1, s0  }
0xbc: {  	s0 =	sadd.s32 $0x8F2B, s0  }
0xbd: {  	[sflag:s0] =	ssyncadd.remote.s32 $0x1  }
0xbe: {  	_ =	sfence.sel $0xFFFF  }
0xbf: {  	[dreg:$0x0] =	wrdreg $0xFFFFFFFF;
	(pc) =	sbr.abs _section_cstart, $3  }
0xc0: {  	[dreg:$0x1] =	wrdreg $0xFFFFFFFF  }
0xc1: {  	_ =	task.clear_ibuf [dreg:s6], $0x2FFFF;
	_ =	strace $0x9FFFFFFF  }
0xc2: {  	(tm) =	ssettm $0x7FFFFFFF  }
0xc3: {  	_ =	shalt  }
tec
execute0_lowered:
.L_overlay_start_1:
0x0: {  	(tag) =	ssettag $0x1  }
0x1: {  	s5 =	rddreg [dreg:$0x0]  }
0x2: {  	s2 =	rddreg [dreg:$0x1]  }
0x3: {  	s0 =	rddreg [dreg:$0x2];
	s3 =	simm.s32 $0x0;
	s1 =	stileid.u32  }
0x4: {  	s6 =	srdreg.scid;
	s13 =	simm.s32 $0x50;
	s14 =	simm.s32 $0x0  }
0x5: {  	[smem:$0x7FF] =	sst s3;
	s4 =	smul.u32 $0x27100, s1;
	s12 =	sand.u32 $0x1, s6  }
0x6: {  	s31 =	sshll.u32 s1, $0xB;
	_ =	strace $0x80000047;
	s6 =	ssub.s32 $0x2, s12  }
0x7: {  	s7 =	sadd.s32 s31, s5;
	s10 =	sor.u32 s1, s12;
	p1 =	sne.s32 s12, $0x0  }
.Ltmp0:
0x8: {  	s12 =	simm.s32 $0x4000;
	s8 =	sadd.s32 s4, s5;
	(pc) =	sbr.rel .LBB2_1-.Ltmp0, $4  }
0x9: {  	s4 =	sadd.s32 $0x20A00, s5;
	s9 =	sshrl.u32 s6, $0x1;
	s5 =	sadd.s32 $0x47C00, s5  }
0xa: {  	p0 =	sne.s32 s10, $0x0;
	s9 =	ssub.s32 s6, s9;
	s6 =	sadd.s32 $0x13400, s7  }
0xb: {  	s8 =	sadd.s32 $0x79AC00, s8;
	s10 =	sshll.u32 @!p0 s1, $0x6;
	s11 =	sshrl.u32 @!p0 s2, $0x3  }
0xc: {  	s7 =	smax.u32 s9, $0x1;
	s9 =	simm.s32 $0x1;
	s10 =	sor.u32 @!p0 $0x1C01, s10  }
.LBB2_4:
0xd: {  	[sflag:s9] =	ssyncadd.s32 $0xFFFFD800  }
.LBB2_5:
0xe: {  	s14 =	sadd.s32 $0x1, s14  }
0xf: {  	p2 =	sne.s32 s14, s7  }
.Ltmp1:
0x10: {  	[bflag:$0x0] =	sbarrier.arrive $0xFFFF;
	(pc) =	sbr.rel @!p2 .LBB2_6-.Ltmp1, $4  }
0x11: {  	[hbm:s5], [sflag:s10] =	dma.local @!p0 [spmem:s11], $0x27100  }
0x12: {  	_ =	swait.ge @!p0 [sflag:s15], $0x27100  }
0x13: {  	[sflag:s15] =	ssyncset.done @!p0 $0x0  }
0x14: {  	[sflag:s15] =	ssyncadd.s32 @!p0 $0xFFFD8F00  }
.LBB2_1:
0x15: {  	[tilespmem:s3], [sflag:$0x1] =	stream.linear.gather [hbm4b:s6+s3], $0x3E80, $0x38;
	[tilespmem:$0x1A080] =	vst v63  }
0x16: {  	_ =	swait.ge [sflag:s9], $0x3E80  }
0x17: {  	[sflag:s9] =	ssyncset.done $0x0  }
0x18: {  	s15 =	simm.s32 @!p0 $0x1;
	[sflag:s9] =	ssyncadd.s32 $0xFFFFC180  }
0x19: {  	[spmem:s11], [sflag:s10] =	dma.local @!p0 [hbm:s4], $0x27100  }
.Ltmp2:
0x1a: {  	_ =	swait.ge @!p0 [sflag:s15], $0x27100;
	(pc) =	sbr.rel @p1 .LBB2_5-.Ltmp2, $3  }
0x1b: {  	[sflag:s15] =	ssyncset.done @!p0 $0x0  }
0x1c: {  	[sflag:s15] =	ssyncadd.s32 @!p0 $0xFFFD8F00  }
0x1d: {  	[bflag:$0x0] =	sbarrier.arrive $0xFFFF;
	_ =	sdelay $0x1  }
0x1e: {  	[tilespmem:s12], [sflag:$0x1] =	stream.linear.gather [hbm4b:s8+s3], $0x2800, $0x38;
	[tilespmem:$0x1A080] =	vst v63  }
0x1f: {  	_ =	swait.ge [sflag:s9], $0x2800  }
0x20: {  	[sflag:s9] =	ssyncset.done $0x0  }
0x21: {  	s16 =	simm.s32 $0x0;
	[sflag:s9] =	ssyncadd.s32 $0xFFFFD800  }
0x22: {  	[spmem:s2] =	stream.indirect.scatter.add.f32 [tilespmem:s12], [sflag:$0x1], $0x80, s16, s13, $0xb8;
	[tilespmem:$0x1A080] =	vst v63  }
0x23: {  	_ =	swait.ge [sflag:s9], $0x2800  }
0x24: {  	s17 =	smov.u32 s8;
	s16 =	simm.s32 $0x200;
	[sflag:s9] =	ssyncset.done $0x0  }
.LBB2_3:
0x25: {  	p2 =	sne.s32 s16, $0xF800;
	[sflag:s9] =	ssyncadd.s32 $0xFFFFD800;
	s17 =	sadd.s32 $0x500, s17  }
0x26: {  	[tilespmem:s12], [sflag:$0x1] =	stream.linear.gather [hbm4b:s17+s3], $0x2800, $0x38;
	[tilespmem:$0x1A080] =	vst v63  }
0x27: {  	s18 =	smov.u32 s16;
	s16 =	sadd.s32 $0x200, s16;
	_ =	swait.ge [sflag:s9], $0x2800  }
.Ltmp3:
0x28: {  	[sflag:s9] =	ssyncset.done $0x0;
	(pc) =	sbr.rel @p2 .LBB2_3-.Ltmp3, $4  }
0x29: {  	s18 =	sshra.s32 s18, $0x2;
	[sflag:s9] =	ssyncadd.s32 $0xFFFFD800  }
0x2a: {  	[spmem:s2] =	stream.indirect.scatter.add.f32 [tilespmem:s12], [sflag:$0x1], $0x80, s18, s13, $0xb8;
	[tilespmem:$0x1A080] =	vst v63  }
0x2b: {  	_ =	swait.ge [sflag:s9], $0x2800  }
0x2c: {  	[sflag:s9] =	ssyncset.done $0x0  }
.Ltmp4:
0x2d: {  	_ = 	snop;
	(pc) =	sbr.rel .LBB2_4-.Ltmp4, $1  }
0x2e: {  	_ =	sdelay $0x3  }
.LBB2_6:
0x2f: {  	_ =	sfence.sel $0x180000  }
0x30: {  	[bflag:$0x0] =	sbarrier.arrive $0xFFFF  }
0x31: {  	p0 =	sne.s32 s1, $0x0;
	_ =	strace $0x90000047  }
0x32: {  	s0 =	sadd.s32 @!p0 $0x100000, s0;
	[bflag:$0x2] =	sbarrier.arrive $0xFFFF  }
0x33: {  	[sflag:s0] =	ssyncadd.tile.s32 @!p0 $0x1;
	_ =	shalt  }
.Lfunc_end2:
_tile_overlayer_lowered:
.L_overlay_start_2:
0x34: {  	(tag) =	ssettag $0x2  }
0x35: {  	s0 =	rddreg [dreg:$0x0];
	s2 =	stileid.u32  }
0x36: {  	s1 =	rddreg [dreg:$0x1];
	p0 =	sne.s32 s2, $0x0  }
0x37: {  	s3 =	rddreg [dreg:$0x2];
	[bflag:$0x3] =	sbarrier.arrive $0xFFFF;
	s2 =	simm.s32 @!p0 $0x1C01  }
0x38: {  	[timem:s3], [sflag:s2] =	dma.local @!p0 [hbm:s0], s1  }
0x39: {  	s0 =	simm.s32 @!p0 $0x1  }
0x3a: {  	_ =	swait.ge @!p0 [sflag:s0], s1  }
0x3b: {  	s1 =	ssub.s32 @!p0 $0x0, s1;
	[sflag:s0] =	ssyncset.done @!p0 $0x0  }
0x3c: {  	[sflag:s0] =	ssyncadd.s32 @!p0 s1  }
0x3d: {  	[bflag:$0x3] =	sbarrier.arrive $0xFFFF  }
0x3e: {  	_ =	shalt  }

// kernel: kernel.21.cloned.1.call-start
scs
__scs_entry_jumppad:
0x0: {  	(pc) =	sbr.rel $0x88, $3  }
0x1: {  	(tag) =	ssettag $0x0;
	lr =	simm.s32 $0x1  }
0x2: {  	[smem:$0x3F71] =	sst lr;
	_ =	strace $0xD0000000  }
0x3: {  	_ = 	snop  }
0x4: {  	_ = 	snop  }
0x5: {  	_ = 	snop  }
0x6: {  	_ = 	snop  }
0x7: {  	_ = 	snop  }
__scs_overlays_trampoline_lowered:
0x8: {  	[smem:$0x3F80] =	sst s0  }
0x9: {  	[smem:$0x3F81] =	sst s1  }
0xa: {  	[smem:$0x3F82] =	sst s2  }
0xb: {  	[smem:$0x3F83] =	sst s3  }
0xc: {  	[smem:$0x3F84] =	sst s4  }
0xd: {  	[smem:$0x3F85] =	sst s5  }
0xe: {  	[smem:$0x3F86] =	sst s6  }
0xf: {  	[smem:$0x3F87] =	sst s7  }
0x10: {  	[smem:$0x3F88] =	sst s8  }
0x11: {  	[smem:$0x3F89] =	sst s9;
	s0 =	simm.s32 @!p0 $0x0  }
0x12: {  	s1 =	sld [smem:$0x3F6F];
	s0 =	simm.s32 @p0 $0x1  }
0x13: {  	[smem:$0x3F8A] =	sst s0;
	s0 =	simm.s32 @!p1 $0x0  }
0x14: {  	s2 =	sld [smem:$0x3F6E];
	s0 =	simm.s32 @p1 $0x1  }
0x15: {  	[smem:$0x3F8B] =	sst s0;
	s0 =	simm.s32 @!p2 $0x0  }
0x16: {  	s3 =	sld [smem:$0x3FDB];
	s0 =	simm.s32 @p2 $0x1  }
0x17: {  	s4 =	simm.s32 $0x1BF5;
	[smem:$0x3F8D] =	sst s0  }
0x18: {  	s0 =	sld [smem:$0x3F70];
	_ =	swait.ge [sflag:s4], $0x0  }
0x19: {  	s7 =	sld [smem:$0x3F71]  }
0x1a: {  	s8 =	sadd.s32 $0xFFFFE003, lr  }
0x1b: {  	s9 =	sadd.s32 $0xFFFFFEF7, lr;
	s5 =	simm.s32 $0xFFFFFFFF;
	p2 =	slt.u32 s8, $0xFFFFF086  }
0x1c: {  	p1 =	slt.u32 s9, $0xF7A;
	s5 =	simm.s32 @!p2 $0x0  }
0x1d: {  	s5 =	simm.s32 @p1 $0x1;
	p0 =	seq.s32 s7, s2  }
0x1e: {  	s7 =	smul.u32 @!p0 $0xF7A, s2;
	p2 =	seq.s32 @!p0 s5, $0x0  }
0x1f: {  	s9 =	smul.u32 $0xF7A, s1;
	s8 =	simm.s32 @!p0 $0x1BF5;
	p2 =	por !p2, p0  }
0x20: {  	[sflag:s8] =	ssyncset.s32 @!p0 $0xFFFFF086;
	s6 =	sadd.s32 @!p0 s3, s7;
	s7 =	simm.s32 @!p0 $0x108  }
0x21: {  	s3 =	sadd.s32 s3, s9;
	s6 =	sadd.s32 @!p0 $0x88, s6;
	s7 =	simm.s32 @p2 $0x1082  }
0x22: {  	[simem:s7], [sflag:s8] =	dma.local @!p0 [hbm:s6], $0xF7A  }
0x23: {  	s9 =	sor.u32 $0xD0000000, s2;
	s6 =	simm.s32 $0x108;
	_ =	swait.ge @!p0 [sflag:s8], $0x0  }
0x24: {  	s3 =	sadd.s32 $0x88, s3;
	s6 =	simm.s32 @!p1 $0x1082;
	[sflag:s4] =	ssyncset.s32 $0xFFFFF086  }
0x25: {  	[simem:s6], [sflag:s4] =	dma.local [hbm:s3], $0xF7A  }
0x26: {  	[smem:$0x3F71] =	sst s1;
	(tag) =	ssettag s2;
	_ =	strace s9  }
0x27: {  	s1 =	sld [smem:$0x3F81]  }
0x28: {  	s2 =	sld [smem:$0x3F82]  }
0x29: {  	s4 =	sld [smem:$0x3F84]  }
0x2a: {  	p0 =	seq.s32 s5, $0x0;
	s5 =	sld [smem:$0x3F85]  }
0x2b: {  	s6 =	sld [smem:$0x3F86]  }
0x2c: {  	s7 =	sld [smem:$0x3F87]  }
0x2d: {  	s3 =	simm.s32 $0x108;
	s8 =	sld [smem:$0x3F88]  }
0x2e: {  	s3 =	simm.s32 @!p0 $0x1082;
	s9 =	sld [smem:$0x3F89]  }
0x2f: {  	lr =	sadd.s32 s0, s3;
	s0 =	sld [smem:$0x3F80]  }
0x30: {  	s3 =	sld [smem:$0x3F83]  }
0x31: {  	[smem:$0x3F8C] =	sst s10  }
0x32: {  	s10 =	sld [smem:$0x3F8A];
	_ =	sdelay $0x3  }
0x33: {  	p0 =	seq.s32 s10, $0x1;
	s10 =	sld [smem:$0x3F8C];
	_ =	sdelay $0x3  }
0x34: {  	[smem:$0x3F8C] =	sst s10  }
0x35: {  	s10 =	sld [smem:$0x3F8B];
	_ =	sdelay $0x3  }
0x36: {  	p1 =	seq.s32 s10, $0x1;
	s10 =	sld [smem:$0x3F8C];
	_ =	sdelay $0x3  }
0x37: {  	[smem:$0x3F8C] =	sst s10  }
0x38: {  	s10 =	sld [smem:$0x3F8D]  }
0x39: {  	_ = 	snop;
	(pc) =	sbr.ind lr, $3  }
0x3a: {  	_ = 	snop  }
0x3b: {  	_ = 	snop  }
0x3c: {  	p2 =	seq.s32 s10, $0x1;
	s10 =	sld [smem:$0x3F8C]  }
0x3d: {  	_ =	shalt  }
0x3e: {  	_ =	shalt  }
0x3f: {  	_ =	shalt  }
0x40: {  	_ =	shalt  }
0x41: {  	_ =	shalt  }
0x42: {  	_ =	shalt  }
0x43: {  	_ =	shalt  }
0x44: {  	_ =	shalt  }
0x45: {  	_ =	shalt  }
0x46: {  	_ =	shalt  }
0x47: {  	_ =	shalt  }
0x48: {  	_ =	shalt  }
0x49: {  	_ =	shalt  }
0x4a: {  	_ =	shalt  }
0x4b: {  	_ =	shalt  }
0x4c: {  	_ =	shalt  }
0x4d: {  	_ =	shalt  }
0x4e: {  	_ =	shalt  }
0x4f: {  	_ =	shalt  }
0x50: {  	_ =	shalt  }
0x51: {  	_ =	shalt  }
0x52: {  	_ =	shalt  }
0x53: {  	_ =	shalt  }
0x54: {  	_ =	shalt  }
0x55: {  	_ =	shalt  }
0x56: {  	_ =	shalt  }
0x57: {  	_ =	shalt  }
0x58: {  	_ =	shalt  }
0x59: {  	_ =	shalt  }
0x5a: {  	_ =	shalt  }
0x5b: {  	_ =	shalt  }
0x5c: {  	_ =	shalt  }
0x5d: {  	_ =	shalt  }
0x5e: {  	_ =	shalt  }
0x5f: {  	_ =	shalt  }
0x60: {  	_ =	shalt  }
0x61: {  	_ =	shalt  }
0x62: {  	_ =	shalt  }
0x63: {  	_ =	shalt  }
0x64: {  	_ =	shalt  }
0x65: {  	_ =	shalt  }
0x66: {  	_ =	shalt  }
0x67: {  	_ =	shalt  }
0x68: {  	_ =	shalt  }
0x69: {  	_ =	shalt  }
0x6a: {  	_ =	shalt  }
0x6b: {  	_ =	shalt  }
0x6c: {  	_ =	shalt  }
0x6d: {  	_ =	shalt  }
0x6e: {  	_ =	shalt  }
0x6f: {  	_ =	shalt  }
0x70: {  	_ =	shalt  }
0x71: {  	_ =	shalt  }
0x72: {  	_ =	shalt  }
0x73: {  	_ =	shalt  }
0x74: {  	_ =	shalt  }
0x75: {  	_ =	shalt  }
0x76: {  	_ =	shalt  }
0x77: {  	_ =	shalt  }
0x78: {  	_ =	shalt  }
0x79: {  	_ =	shalt  }
0x7a: {  	_ =	shalt  }
0x7b: {  	_ =	shalt  }
0x7c: {  	_ =	shalt  }
0x7d: {  	_ =	shalt  }
0x7e: {  	_ =	shalt  }
0x7f: {  	_ =	shalt  }
0x80: {  	_ =	shalt  }
0x81: {  	_ =	shalt  }
0x82: {  	_ =	shalt  }
0x83: {  	_ =	shalt  }
0x84: {  	_ =	shalt  }
0x85: {  	_ =	shalt  }
0x86: {  	_ =	shalt  }
0x87: {  	_ =	shalt  }
.Lfunc_end0:
.L_simem_size_0:
called_computation.2_lowered:
.L_overlay_start_0:
0x88: {  	s2 =	sld [smem:$0x3FD9]  }
0x89: {  	s3 =	sld [smem:$0x3FFE];
	_ =	sdelay $0x1  }
0x8a: {  	s1 =	srdreg.scid  }
0x8b: {  	s0 =	sand.u32 $0x1, s1  }
0x8c: {  	s16 =	sshll.u32 s0, $0xA;
	s2 =	sadd.s32 s3, s2  }
0x8d: {  	s2 =	sadd.s32 s2, s16  }
0x8e: {  	[smem:$0x3F98] =	sst s2  }
0x8f: {  	_ = 	snop  }
0x90: {  	(tm) =	ssettm $0x1  }
0x91: {  	s17 =	sld [smem:$0x3FFB];
	_ =	sdelay $0x3  }
0x92: {  	_ =	strace s17  }
0x93: {  	s2 =	sld [smem:$0x3FFC];
	_ =	sdelay $0x3  }
0x94: {  	_ =	strace s2  }
0x95: {  	s2 =	sld [smem:$0x3FFD];
	_ =	sdelay $0x3  }
0x96: {  	_ =	strace s2  }
0x97: {  	_ =	strace $0x8FFFFFFF  }
0x98: {  	s18 =	sld [smem:$0x3FDB];
	_ =	sdelay $0x1  }
0x99: {  	s19 =	simm.s32 $_scs_section_size  }
0x9a: {  	s4 =	simm.s32 $_size__tile_overlayer_lowered;
	s5 =	simm.s32 $_tile_overlayer_lowered  }
0x9b: {  	s22 =	simm.s32 $0x1BFF;
	s21 =	sshll.u32 s5, $0x1;
	s2 =	sadd.s32 s19, s18  }
0x9c: {  	s6 =	simm.s32 $0x0;
	s20 =	sshll.u32 s4, $0x1;
	s4 =	sadd.s32 s21, s2  }
0x9d: {  	[timem:s6], [sflag:s22] =	dma.local [hbm:s4], s20  }
0x9e: {  	_ =	swait.ge [sflag:s22], s20  }
0x9f: {  	s3 =	ssub.s32 $0x0, s20;
	[sflag:s22] =	ssyncset.done $0x0  }
0xa0: {  	[sflag:s22] =	ssyncadd.s32 s3;
	_ =	sdelay $0x1  }
0xa1: {  	s23 =	simm.s32 $0x1B8B  }
0xa2: {  	_ =	swait.ge [sflag:s23], $0x1  }
0xa3: {  	[sflag:s23] =	ssyncset.done $0x0  }
0xa4: {  	s25 =	simm.s32 $0x1B8E;
	s24 =	sld [smem:$0x3FFE];
	[sflag:s23] =	ssyncadd.s32 $0xFFFFFFFF  }
0xa5: {  	s26 =	simm.s32 $execute0_lowered;
	[smem:$0x3FD2] =	sst s25  }
0xa6: {  	s4 =	sshll.u32 s26, $0x1;
	_ =	strace $0x80000049;
	[dreg:$0x1] =	wrdreg $0xFFFFFFFF  }
0xa7: {  	s28 =	simm.s32 $_size_execute0_lowered;
	s2 =	sadd.s32 s2, s4;
	[dreg:$0x0] =	wrdreg $0x0  }
0xa8: {  	s4 =	sshll.u32 s28, $0x1;
	[dreg:$0x2] =	wrdreg s2  }
0xa9: {  	[dreg:$0x3] =	wrdreg s4  }
0xaa: {  	[dreg:$0x4] =	wrdreg $0xC0  }
0xab: {  	_ =	task [dreg:s6], $0x5FFFF  }
0xac: {  	[dreg:$0x1] =	wrdreg $0xFFFFFFFF  }
0xad: {  	[dreg:$0x0] =	wrdreg $0x60  }
0xae: {  	[dreg:$0x2] =	wrdreg s24  }
0xaf: {  	[dreg:$0x3] =	wrdreg $0x68000  }
0xb0: {  	[dreg:$0x4] =	wrdreg $0x9  }
0xb1: {  	_ =	task.clear_ibuf [dreg:s6], $0x5FFFF;
	_ =	strace $0x90000049  }
0xb2: {  	s29 =	simm.s32 $0x9;
	_ =	strace $0x8000004B  }
0xb3: {  	_ =	swait.ge [sflag:s29], $0x1  }
0xb4: {  	[sflag:s29] =	ssyncadd.s32 $0xFFFFFFFF  }
0xb5: {  	_ =	strace $0x9000004B  }
0xb6: {  	_ =	sfence  }
0xb7: {  	s30 =	sld [smem:$0x0];
	_ =	sdelay $0x2  }
0xb8: {  	s31 =	sshll.u32 s1, $0xD;
	s1 =	sshrl.u32 s1, $0x2  }
0xb9: {  	s3 =	sand.u32 $0x4000, s31;
	s1 =	sadd.s32 s1, s30  }
0xba: {  	s0 =	sor.u32 s3, s0;
	s1 =	sshll.u32 s1, $0x11  }
0xbb: {  	s0 =	sor.u32 s1, s0  }
0xbc: {  	s0 =	sadd.s32 $0x8F2B, s0  }
0xbd: {  	[sflag:s0] =	ssyncadd.remote.s32 $0x1  }
0xbe: {  	_ =	sfence.sel $0xFFFF  }
0xbf: {  	[dreg:$0x0] =	wrdreg $0xFFFFFFFF;
	(pc) =	sbr.abs _section_cstart, $3  }
0xc0: {  	[dreg:$0x1] =	wrdreg $0xFFFFFFFF  }
0xc1: {  	_ =	task.clear_ibuf [dreg:s6], $0x2FFFF;
	_ =	strace $0x9FFFFFFF  }
0xc2: {  	(tm) =	ssettm $0x7FFFFFFF  }
0xc3: {  	_ =	shalt  }
tec
execute0_lowered:
.L_overlay_start_1:
0x0: {  	(tag) =	ssettag $0x1  }
0x1: {  	s8 =	rddreg [dreg:$0x0]  }
0x2: {  	s2 =	rddreg [dreg:$0x1]  }
0x3: {  	s0 =	rddreg [dreg:$0x2];
	s3 =	simm.s32 $0x0  }
0x4: {  	s1 =	stileid.u32;
	s5 =	srdreg.scid;
	s17 =	simm.s32 $0xC00  }
0x5: {  	s18 =	simm.s32 $0x4000;
	s19 =	simm.s32 $0x50;
	s21 =	simm.s32 $0x0  }
0x6: {  	[smem:$0x7FF] =	sst s3;
	s4 =	smul.u32 $0x75300, s1;
	s31 =	sshll.u32 s1, $0xB  }
0x7: {  	s16 =	sand.u32 $0x1, s5;
	p1 =	seq.s32 s1, $0x0;
	s5 =	sadd.s32 $0x6EE00, s8  }
0x8: {  	_ =	strace $0x8000004A;
	s6 =	sadd.s32 s31, s8;
	s7 =	ssub.s32 $0x2, s16  }
0x9: {  	p0 =	seq.s32 s16, $0x1;
	s13 =	sor.u32 s1, s16;
	p3 =	sne.s32 s16, $0x0  }
0xa: {  	s16 =	simm.s32 $0x400;
	s12 =	sadd.s32 s4, s8;
	s4 =	sadd.s32 $0x20A00, s8  }
0xb: {  	s9 =	sshrl.u32 s7, $0x1;
	p1 =	por !p1, !p0;
	s6 =	sadd.s32 $0x13400, s6  }
.Ltmp0:
0xc: {  	p2 =	sne.s32 s13, $0x0;
	s13 =	simm.s32 $0x1;
	(pc) =	sbr.rel .LBB2_1-.Ltmp0, $4  }
0xd: {  	s9 =	ssub.s32 s7, s9;
	s7 =	sadd.s32 $0x6EE80, s8;
	s8 =	sadd.s32 $0x6EF00, s8  }
0xe: {  	p1 =	por !p1, !p1;
	s10 =	sadd.s32 $0x1640C00, s12;
	s11 =	sadd.s32 $0x1640C80, s12  }
0xf: {  	s12 =	sadd.s32 $0x1640D00, s12;
	s14 =	sshll.u32 @!p2 s1, $0x6;
	s15 =	sshrl.u32 @!p2 s2, $0x3  }
0x10: {  	s9 =	smax.u32 s9, $0x1;
	s14 =	sor.u32 @!p2 $0x1C01, s14;
	s20 =	sshrl.u32 @p1 s2, $0x3  }
.LBB2_13:
0x11: {  	[sflag:s13] =	ssyncadd.s32 $0xFFFFD800  }
.LBB2_14:
0x12: {  	s21 =	sadd.s32 $0x1, s21  }
0x13: {  	[bflag:$0x0] =	sbarrier.arrive $0xFFFF;
	s23 =	simm.s32 @!p2 $0x8;
	p4 =	sne.s32 s21, s9  }
.Ltmp1:
0x14: {  	s24 =	simm.s32 @!p2 $0x180;
	s25 =	simm.s32 @!p2 $0x80;
	(pc) =	sbr.rel @!p4 .LBB2_15-.Ltmp1, $4  }
0x15: {  	[hbm:s8@s24], [sflag:s14] =	dma.strided @!p2 [spmem:s15@s25], $0x27100, s23, $0x10   }
0x16: {  	_ =	swait.ge @!p2 [sflag:s22], $0x27100  }
0x17: {  	[sflag:s22] =	ssyncset.done @!p2 $0x0  }
0x18: {  	[sflag:s22] =	ssyncadd.s32 @!p2 $0xFFFD8F00  }
.LBB2_1:
0x19: {  	[tilespmem:s3], [sflag:$0x1] =	stream.linear.gather [hbm4b:s6+s3], $0x3E80, $0x38;
	[tilespmem:$0x1A080] =	vst v63  }
0x1a: {  	_ =	swait.ge [sflag:s13], $0x3E80  }
0x1b: {  	[sflag:s13] =	ssyncset.done $0x0  }
0x1c: {  	s22 =	simm.s32 @!p2 $0x1;
	[sflag:s13] =	ssyncadd.s32 $0xFFFFC180  }
0x1d: {  	[spmem:s15], [sflag:s14] =	dma.local @!p2 [hbm:s4], $0x27100  }
.Ltmp2:
0x1e: {  	_ =	swait.ge @!p2 [sflag:s22], $0x27100;
	(pc) =	sbr.rel @p3 .LBB2_5-.Ltmp2, $3  }
0x1f: {  	[sflag:s22] =	ssyncset.done @!p2 $0x0  }
0x20: {  	[sflag:s22] =	ssyncadd.s32 @!p2 $0xFFFD8F00  }
0x21: {  	[bflag:$0x0] =	sbarrier.arrive $0xFFFF;
	_ =	sdelay $0x1  }
0x22: {  	[tilespmem:s18], [sflag:$0x1] =	stream.strided.gather [hbm4b:s10+s16], $0x2800, s17, s16, $0x38;
	[tilespmem:$0x1A080] =	vst v63  }
0x23: {  	_ =	swait.ge [sflag:s13], $0x2800  }
0x24: {  	[sflag:s13] =	ssyncset.done $0x0  }
0x25: {  	s23 =	simm.s32 $0x0;
	[sflag:s13] =	ssyncadd.s32 $0xFFFFD800  }
0x26: {  	[spmem:s2] =	stream.indirect.scatter.add.f32 [tilespmem:s18], [sflag:$0x1], $0x80, s23, s19, $0xb8;
	[tilespmem:$0x1A080] =	vst v63  }
0x27: {  	_ =	swait.ge [sflag:s13], $0x2800  }
0x28: {  	s24 =	smov.u32 s10;
	s23 =	simm.s32 $0x200;
	[sflag:s13] =	ssyncset.done $0x0  }
.LBB2_3:
0x29: {  	p4 =	sne.s32 s23, $0xF800;
	[sflag:s13] =	ssyncadd.s32 $0xFFFFD800;
	s24 =	sadd.s32 $0xF00, s24  }
0x2a: {  	[tilespmem:s18], [sflag:$0x1] =	stream.strided.gather [hbm4b:s24+s16], $0x2800, s17, s16, $0x38;
	[tilespmem:$0x1A080] =	vst v63  }
0x2b: {  	s25 =	smov.u32 s23;
	s23 =	sadd.s32 $0x200, s23;
	_ =	swait.ge [sflag:s13], $0x2800  }
.Ltmp3:
0x2c: {  	[sflag:s13] =	ssyncset.done $0x0;
	(pc) =	sbr.rel @p4 .LBB2_3-.Ltmp3, $4  }
0x2d: {  	s25 =	sshra.s32 s25, $0x2;
	[sflag:s13] =	ssyncadd.s32 $0xFFFFD800  }
0x2e: {  	[spmem:s2] =	stream.indirect.scatter.add.f32 [tilespmem:s18], [sflag:$0x1], $0x80, s25, s19, $0xb8;
	[tilespmem:$0x1A080] =	vst v63  }
0x2f: {  	_ =	swait.ge [sflag:s13], $0x2800  }
0x30: {  	[sflag:s13] =	ssyncset.done $0x0  }
0x31: {  	[sflag:s13] =	ssyncadd.s32 $0xFFFFD800  }
.LBB2_5:
0x32: {  	[bflag:$0x0] =	sbarrier.arrive $0xFFFF  }
0x33: {  	s23 =	simm.s32 @!p2 $0x8;
	s24 =	simm.s32 @!p2 $0x180;
	s25 =	simm.s32 @!p2 $0x80  }
0x34: {  	[hbm:s5@s24], [sflag:s14] =	dma.strided @!p2 [spmem:s15@s25], $0x27100, s23, $0x10   }
0x35: {  	_ =	swait.ge @!p2 [sflag:s22], $0x27100  }
0x36: {  	[sflag:s22] =	ssyncset.done @!p2 $0x0  }
0x37: {  	[sflag:s22] =	ssyncadd.s32 @!p2 $0xFFFD8F00;
	s22 =	simm.s32 @p1 $0x1C01  }
0x38: {  	[spmem:s20], [sflag:s22] =	dma.local @p1 [hbm:s4], $0x27100  }
0x39: {  	s22 =	simm.s32 @p1 $0x1  }
.Ltmp4:
0x3a: {  	_ =	swait.ge @p1 [sflag:s22], $0x27100;
	(pc) =	sbr.rel @!p0 .LBB2_6-.Ltmp4, $3  }
0x3b: {  	[sflag:s22] =	ssyncset.done @p1 $0x0  }
0x3c: {  	[sflag:s22] =	ssyncadd.s32 @p1 $0xFFFD8F00  }
0x3d: {  	[bflag:$0x0] =	sbarrier.arrive $0xFFFF;
	_ =	sdelay $0x1  }
0x3e: {  	[tilespmem:s18], [sflag:$0x1] =	stream.strided.gather [hbm4b:s11+s16], $0x2800, s17, s16, $0x38;
	[tilespmem:$0x1A080] =	vst v63  }
0x3f: {  	_ =	swait.ge [sflag:s13], $0x2800  }
0x40: {  	[sflag:s13] =	ssyncset.done $0x0  }
0x41: {  	s22 =	simm.s32 $0x0;
	[sflag:s13] =	ssyncadd.s32 $0xFFFFD800  }
0x42: {  	[spmem:s2] =	stream.indirect.scatter.add.f32 [tilespmem:s18], [sflag:$0x1], $0x80, s22, s19, $0xb8;
	[tilespmem:$0x1A080] =	vst v63  }
0x43: {  	_ =	swait.ge [sflag:s13], $0x2800  }
0x44: {  	s23 =	smov.u32 s11;
	s22 =	simm.s32 $0x200;
	[sflag:s13] =	ssyncset.done $0x0  }
.LBB2_8:
0x45: {  	p4 =	sne.s32 s22, $0xF800;
	[sflag:s13] =	ssyncadd.s32 $0xFFFFD800;
	s23 =	sadd.s32 $0xF00, s23  }
0x46: {  	[tilespmem:s18], [sflag:$0x1] =	stream.strided.gather [hbm4b:s23+s16], $0x2800, s17, s16, $0x38;
	[tilespmem:$0x1A080] =	vst v63  }
0x47: {  	s24 =	smov.u32 s22;
	s22 =	sadd.s32 $0x200, s22;
	_ =	swait.ge [sflag:s13], $0x2800  }
.Ltmp5:
0x48: {  	[sflag:s13] =	ssyncset.done $0x0;
	(pc) =	sbr.rel @p4 .LBB2_8-.Ltmp5, $4  }
0x49: {  	s24 =	sshra.s32 s24, $0x2;
	[sflag:s13] =	ssyncadd.s32 $0xFFFFD800  }
0x4a: {  	[spmem:s2] =	stream.indirect.scatter.add.f32 [tilespmem:s18], [sflag:$0x1], $0x80, s24, s19, $0xb8;
	[tilespmem:$0x1A080] =	vst v63  }
0x4b: {  	_ =	swait.ge [sflag:s13], $0x2800  }
0x4c: {  	[sflag:s13] =	ssyncset.done $0x0  }
0x4d: {  	[sflag:s13] =	ssyncadd.s32 $0xFFFFD800;
	s22 =	simm.s32 @p1 $0x8;
	s23 =	simm.s32 @p1 $0x180  }
0x4e: {  	s24 =	simm.s32 @p1 $0x80;
	s25 =	simm.s32 @p1 $0x1C01;
	[bflag:$0x0] =	sbarrier.arrive $0xFFFF  }
0x4f: {  	[hbm:s7@s23], [sflag:s25] =	dma.strided @p1 [spmem:s20@s24], $0x27100, s22, $0x10   }
.Ltmp6:
0x50: {  	_ = 	snop;
	(pc) =	sbr.rel .LBB2_10-.Ltmp6, $4  }
0x51: {  	s22 =	simm.s32 @p1 $0x1  }
0x52: {  	_ =	swait.ge @p1 [sflag:s22], $0x27100  }
0x53: {  	[sflag:s22] =	ssyncset.done @p1 $0x0  }
0x54: {  	[sflag:s22] =	ssyncadd.s32 @p1 $0xFFFD8F00  }
.LBB2_6:
0x55: {  	[bflag:$0x0] =	sbarrier.arrive $0xFFFF  }
.LBB2_10:
0x56: {  	[spmem:s15], [sflag:s14] =	dma.local @!p2 [hbm:s4], $0x27100  }
0x57: {  	s22 =	simm.s32 @!p2 $0x1  }
.Ltmp7:
0x58: {  	_ =	swait.ge @!p2 [sflag:s22], $0x27100;
	(pc) =	sbr.rel @p3 .LBB2_14-.Ltmp7, $3  }
0x59: {  	[sflag:s22] =	ssyncset.done @!p2 $0x0  }
0x5a: {  	[sflag:s22] =	ssyncadd.s32 @!p2 $0xFFFD8F00  }
0x5b: {  	[bflag:$0x0] =	sbarrier.arrive $0xFFFF;
	_ =	sdelay $0x1  }
0x5c: {  	[tilespmem:s18], [sflag:$0x1] =	stream.strided.gather [hbm4b:s12+s16], $0x2800, s17, s16, $0x38;
	[tilespmem:$0x1A080] =	vst v63  }
0x5d: {  	_ =	swait.ge [sflag:s13], $0x2800  }
0x5e: {  	[sflag:s13] =	ssyncset.done $0x0  }
0x5f: {  	s23 =	simm.s32 $0x0;
	[sflag:s13] =	ssyncadd.s32 $0xFFFFD800  }
0x60: {  	[spmem:s2] =	stream.indirect.scatter.add.f32 [tilespmem:s18], [sflag:$0x1], $0x80, s23, s19, $0xb8;
	[tilespmem:$0x1A080] =	vst v63  }
0x61: {  	_ =	swait.ge [sflag:s13], $0x2800  }
0x62: {  	s24 =	smov.u32 s12;
	s23 =	simm.s32 $0x200;
	[sflag:s13] =	ssyncset.done $0x0  }
.LBB2_12:
0x63: {  	p4 =	sne.s32 s23, $0xF800;
	[sflag:s13] =	ssyncadd.s32 $0xFFFFD800;
	s24 =	sadd.s32 $0xF00, s24  }
0x64: {  	[tilespmem:s18], [sflag:$0x1] =	stream.strided.gather [hbm4b:s24+s16], $0x2800, s17, s16, $0x38;
	[tilespmem:$0x1A080] =	vst v63  }
0x65: {  	s25 =	smov.u32 s23;
	s23 =	sadd.s32 $0x200, s23;
	_ =	swait.ge [sflag:s13], $0x2800  }
.Ltmp8:
0x66: {  	[sflag:s13] =	ssyncset.done $0x0;
	(pc) =	sbr.rel @p4 .LBB2_12-.Ltmp8, $4  }
0x67: {  	s25 =	sshra.s32 s25, $0x2;
	[sflag:s13] =	ssyncadd.s32 $0xFFFFD800  }
0x68: {  	[spmem:s2] =	stream.indirect.scatter.add.f32 [tilespmem:s18], [sflag:$0x1], $0x80, s25, s19, $0xb8;
	[tilespmem:$0x1A080] =	vst v63  }
0x69: {  	_ =	swait.ge [sflag:s13], $0x2800  }
0x6a: {  	[sflag:s13] =	ssyncset.done $0x0  }
.Ltmp9:
0x6b: {  	_ = 	snop;
	(pc) =	sbr.rel .LBB2_13-.Ltmp9, $1  }
0x6c: {  	_ =	sdelay $0x3  }
.LBB2_15:
0x6d: {  	_ =	sfence.sel $0x180000  }
0x6e: {  	[bflag:$0x0] =	sbarrier.arrive $0xFFFF  }
0x6f: {  	p0 =	sne.s32 s1, $0x0;
	_ =	strace $0x9000004A  }
0x70: {  	s0 =	sadd.s32 @!p0 $0x100000, s0;
	[bflag:$0x2] =	sbarrier.arrive $0xFFFF  }
0x71: {  	[sflag:s0] =	ssyncadd.tile.s32 @!p0 $0x1;
	_ =	shalt  }
.Lfunc_end2:
_tile_overlayer_lowered:
.L_overlay_start_2:
0x72: {  	(tag) =	ssettag $0x2  }
0x73: {  	s0 =	rddreg [dreg:$0x0];
	s2 =	stileid.u32  }
0x74: {  	s1 =	rddreg [dreg:$0x1];
	p0 =	sne.s32 s2, $0x0  }
0x75: {  	s3 =	rddreg [dreg:$0x2];
	[bflag:$0x3] =	sbarrier.arrive $0xFFFF;
	s2 =	simm.s32 @!p0 $0x1C01  }
0x76: {  	[timem:s3], [sflag:s2] =	dma.local @!p0 [hbm:s0], s1  }
0x77: {  	s0 =	simm.s32 @!p0 $0x1  }
0x78: {  	_ =	swait.ge @!p0 [sflag:s0], s1  }
0x79: {  	s1 =	ssub.s32 @!p0 $0x0, s1;
	[sflag:s0] =	ssyncset.done @!p0 $0x0  }
0x7a: {  	[sflag:s0] =	ssyncadd.s32 @!p0 s1  }
0x7b: {  	[bflag:$0x3] =	sbarrier.arrive $0xFFFF  }
0x7c: {  	_ =	shalt  }

// kernel: kernel.24.cloned.1.call-start
scs
__scs_entry_jumppad:
0x0: {  	(pc) =	sbr.rel $0x88, $3  }
0x1: {  	(tag) =	ssettag $0x0;
	lr =	simm.s32 $0x1  }
0x2: {  	[smem:$0x3F71] =	sst lr;
	_ =	strace $0xD0000000  }
0x3: {  	_ = 	snop  }
0x4: {  	_ = 	snop  }
0x5: {  	_ = 	snop  }
0x6: {  	_ = 	snop  }
0x7: {  	_ = 	snop  }
__scs_overlays_trampoline_lowered:
0x8: {  	[smem:$0x3F80] =	sst s0  }
0x9: {  	[smem:$0x3F81] =	sst s1  }
0xa: {  	[smem:$0x3F82] =	sst s2  }
0xb: {  	[smem:$0x3F83] =	sst s3  }
0xc: {  	[smem:$0x3F84] =	sst s4  }
0xd: {  	[smem:$0x3F85] =	sst s5  }
0xe: {  	[smem:$0x3F86] =	sst s6  }
0xf: {  	[smem:$0x3F87] =	sst s7  }
0x10: {  	[smem:$0x3F88] =	sst s8  }
0x11: {  	[smem:$0x3F89] =	sst s9;
	s0 =	simm.s32 @!p0 $0x0  }
0x12: {  	s1 =	sld [smem:$0x3F6F];
	s0 =	simm.s32 @p0 $0x1  }
0x13: {  	[smem:$0x3F8A] =	sst s0;
	s0 =	simm.s32 @!p1 $0x0  }
0x14: {  	s2 =	sld [smem:$0x3F6E];
	s0 =	simm.s32 @p1 $0x1  }
0x15: {  	[smem:$0x3F8B] =	sst s0;
	s0 =	simm.s32 @!p2 $0x0  }
0x16: {  	s3 =	sld [smem:$0x3FDB];
	s0 =	simm.s32 @p2 $0x1  }
0x17: {  	s4 =	simm.s32 $0x1BF5;
	[smem:$0x3F8D] =	sst s0  }
0x18: {  	s0 =	sld [smem:$0x3F70];
	_ =	swait.ge [sflag:s4], $0x0  }
0x19: {  	s7 =	sld [smem:$0x3F71]  }
0x1a: {  	s8 =	sadd.s32 $0xFFFFE003, lr  }
0x1b: {  	s9 =	sadd.s32 $0xFFFFFEF7, lr;
	s5 =	simm.s32 $0xFFFFFFFF;
	p2 =	slt.u32 s8, $0xFFFFF086  }
0x1c: {  	p1 =	slt.u32 s9, $0xF7A;
	s5 =	simm.s32 @!p2 $0x0  }
0x1d: {  	s5 =	simm.s32 @p1 $0x1;
	p0 =	seq.s32 s7, s2  }
0x1e: {  	s7 =	smul.u32 @!p0 $0xF7A, s2;
	p2 =	seq.s32 @!p0 s5, $0x0  }
0x1f: {  	s9 =	smul.u32 $0xF7A, s1;
	s8 =	simm.s32 @!p0 $0x1BF5;
	p2 =	por !p2, p0  }
0x20: {  	[sflag:s8] =	ssyncset.s32 @!p0 $0xFFFFF086;
	s6 =	sadd.s32 @!p0 s3, s7;
	s7 =	simm.s32 @!p0 $0x108  }
0x21: {  	s3 =	sadd.s32 s3, s9;
	s6 =	sadd.s32 @!p0 $0x88, s6;
	s7 =	simm.s32 @p2 $0x1082  }
0x22: {  	[simem:s7], [sflag:s8] =	dma.local @!p0 [hbm:s6], $0xF7A  }
0x23: {  	s9 =	sor.u32 $0xD0000000, s2;
	s6 =	simm.s32 $0x108;
	_ =	swait.ge @!p0 [sflag:s8], $0x0  }
0x24: {  	s3 =	sadd.s32 $0x88, s3;
	s6 =	simm.s32 @!p1 $0x1082;
	[sflag:s4] =	ssyncset.s32 $0xFFFFF086  }
0x25: {  	[simem:s6], [sflag:s4] =	dma.local [hbm:s3], $0xF7A  }
0x26: {  	[smem:$0x3F71] =	sst s1;
	(tag) =	ssettag s2;
	_ =	strace s9  }
0x27: {  	s1 =	sld [smem:$0x3F81]  }
0x28: {  	s2 =	sld [smem:$0x3F82]  }
0x29: {  	s4 =	sld [smem:$0x3F84]  }
0x2a: {  	p0 =	seq.s32 s5, $0x0;
	s5 =	sld [smem:$0x3F85]  }
0x2b: {  	s6 =	sld [smem:$0x3F86]  }
0x2c: {  	s7 =	sld [smem:$0x3F87]  }
0x2d: {  	s3 =	simm.s32 $0x108;
	s8 =	sld [smem:$0x3F88]  }
0x2e: {  	s3 =	simm.s32 @!p0 $0x1082;
	s9 =	sld [smem:$0x3F89]  }
0x2f: {  	lr =	sadd.s32 s0, s3;
	s0 =	sld [smem:$0x3F80]  }
0x30: {  	s3 =	sld [smem:$0x3F83]  }
0x31: {  	[smem:$0x3F8C] =	sst s10  }
0x32: {  	s10 =	sld [smem:$0x3F8A];
	_ =	sdelay $0x3  }
0x33: {  	p0 =	seq.s32 s10, $0x1;
	s10 =	sld [smem:$0x3F8C];
	_ =	sdelay $0x3  }
0x34: {  	[smem:$0x3F8C] =	sst s10  }
0x35: {  	s10 =	sld [smem:$0x3F8B];
	_ =	sdelay $0x3  }
0x36: {  	p1 =	seq.s32 s10, $0x1;
	s10 =	sld [smem:$0x3F8C];
	_ =	sdelay $0x3  }
0x37: {  	[smem:$0x3F8C] =	sst s10  }
0x38: {  	s10 =	sld [smem:$0x3F8D]  }
0x39: {  	_ = 	snop;
	(pc) =	sbr.ind lr, $3  }
0x3a: {  	_ = 	snop  }
0x3b: {  	_ = 	snop  }
0x3c: {  	p2 =	seq.s32 s10, $0x1;
	s10 =	sld [smem:$0x3F8C]  }
0x3d: {  	_ =	shalt  }
0x3e: {  	_ =	shalt  }
0x3f: {  	_ =	shalt  }
0x40: {  	_ =	shalt  }
0x41: {  	_ =	shalt  }
0x42: {  	_ =	shalt  }
0x43: {  	_ =	shalt  }
0x44: {  	_ =	shalt  }
0x45: {  	_ =	shalt  }
0x46: {  	_ =	shalt  }
0x47: {  	_ =	shalt  }
0x48: {  	_ =	shalt  }
0x49: {  	_ =	shalt  }
0x4a: {  	_ =	shalt  }
0x4b: {  	_ =	shalt  }
0x4c: {  	_ =	shalt  }
0x4d: {  	_ =	shalt  }
0x4e: {  	_ =	shalt  }
0x4f: {  	_ =	shalt  }
0x50: {  	_ =	shalt  }
0x51: {  	_ =	shalt  }
0x52: {  	_ =	shalt  }
0x53: {  	_ =	shalt  }
0x54: {  	_ =	shalt  }
0x55: {  	_ =	shalt  }
0x56: {  	_ =	shalt  }
0x57: {  	_ =	shalt  }
0x58: {  	_ =	shalt  }
0x59: {  	_ =	shalt  }
0x5a: {  	_ =	shalt  }
0x5b: {  	_ =	shalt  }
0x5c: {  	_ =	shalt  }
0x5d: {  	_ =	shalt  }
0x5e: {  	_ =	shalt  }
0x5f: {  	_ =	shalt  }
0x60: {  	_ =	shalt  }
0x61: {  	_ =	shalt  }
0x62: {  	_ =	shalt  }
0x63: {  	_ =	shalt  }
0x64: {  	_ =	shalt  }
0x65: {  	_ =	shalt  }
0x66: {  	_ =	shalt  }
0x67: {  	_ =	shalt  }
0x68: {  	_ =	shalt  }
0x69: {  	_ =	shalt  }
0x6a: {  	_ =	shalt  }
0x6b: {  	_ =	shalt  }
0x6c: {  	_ =	shalt  }
0x6d: {  	_ =	shalt  }
0x6e: {  	_ =	shalt  }
0x6f: {  	_ =	shalt  }
0x70: {  	_ =	shalt  }
0x71: {  	_ =	shalt  }
0x72: {  	_ =	shalt  }
0x73: {  	_ =	shalt  }
0x74: {  	_ =	shalt  }
0x75: {  	_ =	shalt  }
0x76: {  	_ =	shalt  }
0x77: {  	_ =	shalt  }
0x78: {  	_ =	shalt  }
0x79: {  	_ =	shalt  }
0x7a: {  	_ =	shalt  }
0x7b: {  	_ =	shalt  }
0x7c: {  	_ =	shalt  }
0x7d: {  	_ =	shalt  }
0x7e: {  	_ =	shalt  }
0x7f: {  	_ =	shalt  }
0x80: {  	_ =	shalt  }
0x81: {  	_ =	shalt  }
0x82: {  	_ =	shalt  }
0x83: {  	_ =	shalt  }
0x84: {  	_ =	shalt  }
0x85: {  	_ =	shalt  }
0x86: {  	_ =	shalt  }
0x87: {  	_ =	shalt  }
.Lfunc_end0:
.L_simem_size_0:
called_computation.3_lowered:
.L_overlay_start_0:
0x88: {  	s2 =	sld [smem:$0x3FD9]  }
0x89: {  	s3 =	sld [smem:$0x3FFE];
	_ =	sdelay $0x1  }
0x8a: {  	s1 =	srdreg.scid  }
0x8b: {  	s0 =	sand.u32 $0x1, s1  }
0x8c: {  	s17 =	sshll.u32 s0, $0xA;
	s2 =	sadd.s32 s3, s2  }
0x8d: {  	s2 =	sadd.s32 s2, s17  }
0x8e: {  	[smem:$0x3F98] =	sst s2  }
0x8f: {  	_ = 	snop  }
0x90: {  	(tm) =	ssettm $0x1  }
0x91: {  	s18 =	sld [smem:$0x3FFB];
	_ =	sdelay $0x3  }
0x92: {  	_ =	strace s18  }
0x93: {  	s2 =	sld [smem:$0x3FFC];
	_ =	sdelay $0x3  }
0x94: {  	_ =	strace s2  }
0x95: {  	s2 =	sld [smem:$0x3FFD];
	_ =	sdelay $0x3  }
0x96: {  	_ =	strace s2  }
0x97: {  	_ =	strace $0x8FFFFFFF  }
0x98: {  	s19 =	sld [smem:$0x3FDB];
	_ =	sdelay $0x1  }
0x99: {  	s20 =	simm.s32 $_scs_section_size  }
0x9a: {  	s4 =	simm.s32 $_size__tile_overlayer_lowered;
	s5 =	simm.s32 $_tile_overlayer_lowered  }
0x9b: {  	s6 =	simm.s32 $0x1BFF;
	s21 =	sshll.u32 s5, $0x1;
	s3 =	sadd.s32 s20, s19  }
0x9c: {  	s22 =	simm.s32 $0x0;
	s4 =	sshll.u32 s4, $0x1;
	s5 =	sadd.s32 s21, s3  }
0x9d: {  	[timem:s22], [sflag:s6] =	dma.local [hbm:s5], s4  }
0x9e: {  	_ =	swait.ge [sflag:s6], s4  }
0x9f: {  	s4 =	ssub.s32 $0x0, s4;
	[sflag:s6] =	ssyncset.done $0x0  }
0xa0: {  	[sflag:s6] =	ssyncadd.s32 s4;
	_ =	sdelay $0x1  }
0xa1: {  	s23 =	simm.s32 $0x1B8B  }
0xa2: {  	_ =	swait.ge [sflag:s23], $0x1  }
0xa3: {  	[sflag:s23] =	ssyncset.done $0x0  }
0xa4: {  	[sflag:s23] =	ssyncadd.s32 $0xFFFFFFFF  }
0xa5: {  	s4 =	sld [smem:$0x0]  }
0xa6: {  	s5 =	sand.u32 $0xFFFFFFFE, s1  }
0xa7: {  	p0 =	sne.s32 s1, s5  }
0xa8: {  	s5 =	sshll.u32 @p0 s5, $0xE  }
0xa9: {  	s5 =	sadd.s32 @p0 $0x11B8D, s5;
	s6 =	sshll.u32 @p0 s4, $0x11  }
0xaa: {  	s5 =	sor.u32 @p0 s6, s5  }
0xab: {  	[sflag:s5] =	ssyncadd.remote.s32 @p0 $0x1;
	_ =	sdelay $0x1  }
0xac: {  	s5 =	simm.s32 @p0 $0x1B8D  }
0xad: {  	_ =	swait.eq @p0 [sflag:s5], $0x1  }
0xae: {  	[sflag:s5] =	ssyncadd.s32 @p0 $0xFFFFFFFF  }
0xaf: {  	s6 =	sshll.u32 @!p0 s1, $0xE  }
0xb0: {  	s6 =	sor.u32 @!p0 $0x4000, s6;
	s5 =	simm.s32 @!p0 $0x1B8D  }
0xb1: {  	s4 =	sshll.u32 @!p0 s4, $0x11;
	s6 =	sadd.s32 @!p0 $0x11B8D, s6;
	_ =	swait.eq @!p0 [sflag:s5], $0x1  }
0xb2: {  	s4 =	sor.u32 @!p0 s4, s6;
	[sflag:s5] =	ssyncadd.s32 @!p0 $0xFFFFFFFF  }
0xb3: {  	s25 =	simm.s32 $0x1B8E;
	s24 =	sld [smem:$0x3FFE];
	[sflag:s4] =	ssyncadd.remote.s32 @!p0 $0x1  }
0xb4: {  	s26 =	simm.s32 $execute0_lowered;
	[smem:$0x3FD2] =	sst s25  }
0xb5: {  	s5 =	sshll.u32 s26, $0x1;
	_ =	strace $0x8000004F;
	[dreg:$0x1] =	wrdreg $0xFFFFFFFF  }
0xb6: {  	s28 =	simm.s32 $_size_execute0_lowered;
	s3 =	sadd.s32 s3, s5;
	[dreg:$0x0] =	wrdreg $0x0  }
0xb7: {  	s5 =	sshll.u32 s28, $0x1;
	[dreg:$0x2] =	wrdreg s3  }
0xb8: {  	[dreg:$0x3] =	wrdreg s5  }
0xb9: {  	[dreg:$0x4] =	wrdreg $0xC0  }
0xba: {  	_ =	task [dreg:s22], $0x5FFFF  }
0xbb: {  	[dreg:$0x1] =	wrdreg $0xFFFFFFFF  }
0xbc: {  	[dreg:$0x0] =	wrdreg $0x60  }
0xbd: {  	[dreg:$0x2] =	wrdreg s24  }
0xbe: {  	[dreg:$0x3] =	wrdreg $0x68000  }
0xbf: {  	[dreg:$0x4] =	wrdreg $0x9  }
0xc0: {  	_ =	task.clear_ibuf [dreg:s22], $0x5FFFF;
	_ =	strace $0x9000004F  }
0xc1: {  	s29 =	simm.s32 $0x9;
	_ =	strace $0x80000051  }
0xc2: {  	_ =	swait.ge [sflag:s29], $0x1  }
0xc3: {  	[sflag:s29] =	ssyncadd.s32 $0xFFFFFFFF  }
0xc4: {  	_ =	strace $0x90000051  }
0xc5: {  	_ =	sfence  }
0xc6: {  	s30 =	sld [smem:$0x0];
	_ =	sdelay $0x2  }
0xc7: {  	s31 =	sshll.u32 s1, $0xD;
	s1 =	sshrl.u32 s1, $0x2  }
0xc8: {  	s4 =	sand.u32 $0x4000, s31;
	s1 =	sadd.s32 s1, s30  }
0xc9: {  	s0 =	sor.u32 s4, s0;
	s1 =	sshll.u32 s1, $0x11  }
0xca: {  	s0 =	sor.u32 s1, s0  }
0xcb: {  	s0 =	sadd.s32 $0x8F2B, s0  }
0xcc: {  	[sflag:s0] =	ssyncadd.remote.s32 $0x1  }
0xcd: {  	_ =	sfence.sel $0xFFFF  }
0xce: {  	[dreg:$0x0] =	wrdreg $0xFFFFFFFF;
	(pc) =	sbr.abs _section_cstart, $3  }
0xcf: {  	[dreg:$0x1] =	wrdreg $0xFFFFFFFF  }
0xd0: {  	_ =	task.clear_ibuf [dreg:s22], $0x2FFFF;
	_ =	strace $0x9FFFFFFF  }
0xd1: {  	(tm) =	ssettm $0x7FFFFFFF  }
tec
execute0_lowered:
.L_overlay_start_1:
0x0: {  	(tag) =	ssettag $0x1  }
0x1: {  	s5 =	rddreg [dreg:$0x0]  }
0x2: {  	s2 =	rddreg [dreg:$0x1]  }
0x3: {  	s0 =	rddreg [dreg:$0x2];
	s3 =	simm.s32 $0x0;
	s1 =	stileid.u32  }
0x4: {  	s6 =	srdreg.scid;
	s13 =	simm.s32 $0x50;
	s14 =	simm.s32 $0x0  }
0x5: {  	[smem:$0x7FF] =	sst s3;
	s4 =	smul.u32 $0x27100, s1;
	s12 =	sand.u32 $0x1, s6  }
0x6: {  	s31 =	sshll.u32 s1, $0xB;
	_ =	strace $0x80000050;
	s6 =	ssub.s32 $0x2, s12  }
0x7: {  	s7 =	sadd.s32 s31, s5;
	s10 =	sor.u32 s1, s12;
	p1 =	sne.s32 s12, $0x0  }
.Ltmp0:
0x8: {  	s12 =	simm.s32 $0x4000;
	s8 =	sadd.s32 s4, s5;
	(pc) =	sbr.rel .LBB2_1-.Ltmp0, $4  }
0x9: {  	s4 =	sadd.s32 $0x20A00, s5;
	s9 =	sshrl.u32 s6, $0x1;
	s5 =	sadd.s32 $0x1E09000, s5  }
0xa: {  	p0 =	sne.s32 s10, $0x0;
	s9 =	ssub.s32 s6, s9;
	s6 =	sadd.s32 $0x13400, s7  }
0xb: {  	s8 =	sadd.s32 $0x6EE00, s8;
	s10 =	sshll.u32 @!p0 s1, $0x6;
	s11 =	sshrl.u32 @!p0 s2, $0x3  }
0xc: {  	s7 =	smax.u32 s9, $0x1;
	s9 =	simm.s32 $0x1;
	s10 =	sor.u32 @!p0 $0x1C01, s10  }
.LBB2_4:
0xd: {  	[sflag:s9] =	ssyncadd.s32 $0xFFFFD800  }
.LBB2_5:
0xe: {  	s14 =	sadd.s32 $0x1, s14  }
0xf: {  	p2 =	sne.s32 s14, s7  }
.Ltmp1:
0x10: {  	[bflag:$0x0] =	sbarrier.arrive $0xFFFF;
	(pc) =	sbr.rel @!p2 .LBB2_6-.Ltmp1, $4  }
0x11: {  	[hbm:s5], [sflag:s10] =	dma.local @!p0 [spmem:s11], $0x27100  }
0x12: {  	_ =	swait.ge @!p0 [sflag:s15], $0x27100  }
0x13: {  	[sflag:s15] =	ssyncset.done @!p0 $0x0  }
0x14: {  	[sflag:s15] =	ssyncadd.s32 @!p0 $0xFFFD8F00  }
.LBB2_1:
0x15: {  	[tilespmem:s3], [sflag:$0x1] =	stream.linear.gather [hbm4b:s6+s3], $0x3E80, $0x38;
	[tilespmem:$0x1A080] =	vst v63  }
0x16: {  	_ =	swait.ge [sflag:s9], $0x3E80  }
0x17: {  	[sflag:s9] =	ssyncset.done $0x0  }
0x18: {  	s15 =	simm.s32 @!p0 $0x1;
	[sflag:s9] =	ssyncadd.s32 $0xFFFFC180  }
0x19: {  	[spmem:s11], [sflag:s10] =	dma.local @!p0 [hbm:s4], $0x27100  }
.Ltmp2:
0x1a: {  	_ =	swait.ge @!p0 [sflag:s15], $0x27100;
	(pc) =	sbr.rel @p1 .LBB2_5-.Ltmp2, $3  }
0x1b: {  	[sflag:s15] =	ssyncset.done @!p0 $0x0  }
0x1c: {  	[sflag:s15] =	ssyncadd.s32 @!p0 $0xFFFD8F00  }
0x1d: {  	[bflag:$0x0] =	sbarrier.arrive $0xFFFF;
	_ =	sdelay $0x1  }
0x1e: {  	[tilespmem:s12], [sflag:$0x1] =	stream.linear.gather [hbm4b:s8+s3], $0x2800, $0x38;
	[tilespmem:$0x1A080] =	vst v63  }
0x1f: {  	_ =	swait.ge [sflag:s9], $0x2800  }
0x20: {  	[sflag:s9] =	ssyncset.done $0x0  }
0x21: {  	s16 =	simm.s32 $0x0;
	[sflag:s9] =	ssyncadd.s32 $0xFFFFD800  }
0x22: {  	[spmem:s2] =	stream.indirect.scatter.add.f32 [tilespmem:s12], [sflag:$0x1], $0x80, s16, s13, $0xb8;
	[tilespmem:$0x1A080] =	vst v63  }
0x23: {  	_ =	swait.ge [sflag:s9], $0x2800  }
0x24: {  	s17 =	smov.u32 s8;
	s16 =	simm.s32 $0x200;
	[sflag:s9] =	ssyncset.done $0x0  }
.LBB2_3:
0x25: {  	p2 =	sne.s32 s16, $0xF800;
	[sflag:s9] =	ssyncadd.s32 $0xFFFFD800;
	s17 =	sadd.s32 $0x500, s17  }
0x26: {  	[tilespmem:s12], [sflag:$0x1] =	stream.linear.gather [hbm4b:s17+s3], $0x2800, $0x38;
	[tilespmem:$0x1A080] =	vst v63  }
0x27: {  	s18 =	smov.u32 s16;
	s16 =	sadd.s32 $0x200, s16;
	_ =	swait.ge [sflag:s9], $0x2800  }
.Ltmp3:
0x28: {  	[sflag:s9] =	ssyncset.done $0x0;
	(pc) =	sbr.rel @p2 .LBB2_3-.Ltmp3, $4  }
0x29: {  	s18 =	sshra.s32 s18, $0x2;
	[sflag:s9] =	ssyncadd.s32 $0xFFFFD800  }
0x2a: {  	[spmem:s2] =	stream.indirect.scatter.add.f32 [tilespmem:s12], [sflag:$0x1], $0x80, s18, s13, $0xb8;
	[tilespmem:$0x1A080] =	vst v63  }
0x2b: {  	_ =	swait.ge [sflag:s9], $0x2800  }
0x2c: {  	[sflag:s9] =	ssyncset.done $0x0  }
.Ltmp4:
0x2d: {  	_ = 	snop;
	(pc) =	sbr.rel .LBB2_4-.Ltmp4, $1  }
0x2e: {  	_ =	sdelay $0x3  }
.LBB2_6:
0x2f: {  	_ =	sfence.sel $0x180000  }
0x30: {  	[bflag:$0x0] =	sbarrier.arrive $0xFFFF  }
0x31: {  	p0 =	sne.s32 s1, $0x0;
	_ =	strace $0x90000050  }
0x32: {  	s0 =	sadd.s32 @!p0 $0x100000, s0;
	[bflag:$0x2] =	sbarrier.arrive $0xFFFF  }
0x33: {  	[sflag:s0] =	ssyncadd.tile.s32 @!p0 $0x1;
	_ =	shalt  }
.Lfunc_end2:
_tile_overlayer_lowered:
.L_overlay_start_2:
0x34: {  	(tag) =	ssettag $0x2  }
0x35: {  	s0 =	rddreg [dreg:$0x0];
	s2 =	stileid.u32  }
0x36: {  	s1 =	rddreg [dreg:$0x1];
	p0 =	sne.s32 s2, $0x0  }
0x37: {  	s3 =	rddreg [dreg:$0x2];
	[bflag:$0x3] =	sbarrier.arrive $0xFFFF;
	s2 =	simm.s32 @!p0 $0x1C01  }
0x38: {  	[timem:s3], [sflag:s2] =	dma.local @!p0 [hbm:s0], s1  }
0x39: {  	s0 =	simm.s32 @!p0 $0x1  }
0x3a: {  	_ =	swait.ge @!p0 [sflag:s0], s1  }
0x3b: {  	s1 =	ssub.s32 @!p0 $0x0, s1;
	[sflag:s0] =	ssyncset.done @!p0 $0x0  }
0x3c: {  	[sflag:s0] =	ssyncadd.s32 @!p0 s1  }
0x3d: {  	[bflag:$0x3] =	sbarrier.arrive $0xFFFF  }
0x3e: {  	_ =	shalt  }

// kernel: kernel.27.cloned.1.call-start
scs
__scs_entry_jumppad:
0x0: {  	(pc) =	sbr.rel $0x88, $3  }
0x1: {  	(tag) =	ssettag $0x0;
	lr =	simm.s32 $0x1  }
0x2: {  	[smem:$0x3F71] =	sst lr;
	_ =	strace $0xD0000000  }
0x3: {  	_ = 	snop  }
0x4: {  	_ = 	snop  }
0x5: {  	_ = 	snop  }
0x6: {  	_ = 	snop  }
0x7: {  	_ = 	snop  }
__scs_overlays_trampoline_lowered:
0x8: {  	[smem:$0x3F80] =	sst s0  }
0x9: {  	[smem:$0x3F81] =	sst s1  }
0xa: {  	[smem:$0x3F82] =	sst s2  }
0xb: {  	[smem:$0x3F83] =	sst s3  }
0xc: {  	[smem:$0x3F84] =	sst s4  }
0xd: {  	[smem:$0x3F85] =	sst s5  }
0xe: {  	[smem:$0x3F86] =	sst s6  }
0xf: {  	[smem:$0x3F87] =	sst s7  }
0x10: {  	[smem:$0x3F88] =	sst s8  }
0x11: {  	[smem:$0x3F89] =	sst s9;
	s0 =	simm.s32 @!p0 $0x0  }
0x12: {  	s1 =	sld [smem:$0x3F6F];
	s0 =	simm.s32 @p0 $0x1  }
0x13: {  	[smem:$0x3F8A] =	sst s0;
	s0 =	simm.s32 @!p1 $0x0  }
0x14: {  	s2 =	sld [smem:$0x3F6E];
	s0 =	simm.s32 @p1 $0x1  }
0x15: {  	[smem:$0x3F8B] =	sst s0;
	s0 =	simm.s32 @!p2 $0x0  }
0x16: {  	s3 =	sld [smem:$0x3FDB];
	s0 =	simm.s32 @p2 $0x1  }
0x17: {  	s4 =	simm.s32 $0x1BF5;
	[smem:$0x3F8D] =	sst s0  }
0x18: {  	s0 =	sld [smem:$0x3F70];
	_ =	swait.ge [sflag:s4], $0x0  }
0x19: {  	s7 =	sld [smem:$0x3F71]  }
0x1a: {  	s8 =	sadd.s32 $0xFFFFE003, lr  }
0x1b: {  	s9 =	sadd.s32 $0xFFFFFEF7, lr;
	s5 =	simm.s32 $0xFFFFFFFF;
	p2 =	slt.u32 s8, $0xFFFFF086  }
0x1c: {  	p1 =	slt.u32 s9, $0xF7A;
	s5 =	simm.s32 @!p2 $0x0  }
0x1d: {  	s5 =	simm.s32 @p1 $0x1;
	p0 =	seq.s32 s7, s2  }
0x1e: {  	s7 =	smul.u32 @!p0 $0xF7A, s2;
	p2 =	seq.s32 @!p0 s5, $0x0  }
0x1f: {  	s9 =	smul.u32 $0xF7A, s1;
	s8 =	simm.s32 @!p0 $0x1BF5;
	p2 =	por !p2, p0  }
0x20: {  	[sflag:s8] =	ssyncset.s32 @!p0 $0xFFFFF086;
	s6 =	sadd.s32 @!p0 s3, s7;
	s7 =	simm.s32 @!p0 $0x108  }
0x21: {  	s3 =	sadd.s32 s3, s9;
	s6 =	sadd.s32 @!p0 $0x88, s6;
	s7 =	simm.s32 @p2 $0x1082  }
0x22: {  	[simem:s7], [sflag:s8] =	dma.local @!p0 [hbm:s6], $0xF7A  }
0x23: {  	s9 =	sor.u32 $0xD0000000, s2;
	s6 =	simm.s32 $0x108;
	_ =	swait.ge @!p0 [sflag:s8], $0x0  }
0x24: {  	s3 =	sadd.s32 $0x88, s3;
	s6 =	simm.s32 @!p1 $0x1082;
	[sflag:s4] =	ssyncset.s32 $0xFFFFF086  }
0x25: {  	[simem:s6], [sflag:s4] =	dma.local [hbm:s3], $0xF7A  }
0x26: {  	[smem:$0x3F71] =	sst s1;
	(tag) =	ssettag s2;
	_ =	strace s9  }
0x27: {  	s1 =	sld [smem:$0x3F81]  }
0x28: {  	s2 =	sld [smem:$0x3F82]  }
0x29: {  	s4 =	sld [smem:$0x3F84]  }
0x2a: {  	p0 =	seq.s32 s5, $0x0;
	s5 =	sld [smem:$0x3F85]  }
0x2b: {  	s6 =	sld [smem:$0x3F86]  }
0x2c: {  	s7 =	sld [smem:$0x3F87]  }
0x2d: {  	s3 =	simm.s32 $0x108;
	s8 =	sld [smem:$0x3F88]  }
0x2e: {  	s3 =	simm.s32 @!p0 $0x1082;
	s9 =	sld [smem:$0x3F89]  }
0x2f: {  	lr =	sadd.s32 s0, s3;
	s0 =	sld [smem:$0x3F80]  }
0x30: {  	s3 =	sld [smem:$0x3F83]  }
0x31: {  	[smem:$0x3F8C] =	sst s10  }
0x32: {  	s10 =	sld [smem:$0x3F8A];
	_ =	sdelay $0x3  }
0x33: {  	p0 =	seq.s32 s10, $0x1;
	s10 =	sld [smem:$0x3F8C];
	_ =	sdelay $0x3  }
0x34: {  	[smem:$0x3F8C] =	sst s10  }
0x35: {  	s10 =	sld [smem:$0x3F8B];
	_ =	sdelay $0x3  }
0x36: {  	p1 =	seq.s32 s10, $0x1;
	s10 =	sld [smem:$0x3F8C];
	_ =	sdelay $0x3  }
0x37: {  	[smem:$0x3F8C] =	sst s10  }
0x38: {  	s10 =	sld [smem:$0x3F8D]  }
0x39: {  	_ = 	snop;
	(pc) =	sbr.ind lr, $3  }
0x3a: {  	_ = 	snop  }
0x3b: {  	_ = 	snop  }
0x3c: {  	p2 =	seq.s32 s10, $0x1;
	s10 =	sld [smem:$0x3F8C]  }
0x3d: {  	_ =	shalt  }
0x3e: {  	_ =	shalt  }
0x3f: {  	_ =	shalt  }
0x40: {  	_ =	shalt  }
0x41: {  	_ =	shalt  }
0x42: {  	_ =	shalt  }
0x43: {  	_ =	shalt  }
0x44: {  	_ =	shalt  }
0x45: {  	_ =	shalt  }
0x46: {  	_ =	shalt  }
0x47: {  	_ =	shalt  }
0x48: {  	_ =	shalt  }
0x49: {  	_ =	shalt  }
0x4a: {  	_ =	shalt  }
0x4b: {  	_ =	shalt  }
0x4c: {  	_ =	shalt  }
0x4d: {  	_ =	shalt  }
0x4e: {  	_ =	shalt  }
0x4f: {  	_ =	shalt  }
0x50: {  	_ =	shalt  }
0x51: {  	_ =	shalt  }
0x52: {  	_ =	shalt  }
0x53: {  	_ =	shalt  }
0x54: {  	_ =	shalt  }
0x55: {  	_ =	shalt  }
0x56: {  	_ =	shalt  }
0x57: {  	_ =	shalt  }
0x58: {  	_ =	shalt  }
0x59: {  	_ =	shalt  }
0x5a: {  	_ =	shalt  }
0x5b: {  	_ =	shalt  }
0x5c: {  	_ =	shalt  }
0x5d: {  	_ =	shalt  }
0x5e: {  	_ =	shalt  }
0x5f: {  	_ =	shalt  }
0x60: {  	_ =	shalt  }
0x61: {  	_ =	shalt  }
0x62: {  	_ =	shalt  }
0x63: {  	_ =	shalt  }
0x64: {  	_ =	shalt  }
0x65: {  	_ =	shalt  }
0x66: {  	_ =	shalt  }
0x67: {  	_ =	shalt  }
0x68: {  	_ =	shalt  }
0x69: {  	_ =	shalt  }
0x6a: {  	_ =	shalt  }
0x6b: {  	_ =	shalt  }
0x6c: {  	_ =	shalt  }
0x6d: {  	_ =	shalt  }
0x6e: {  	_ =	shalt  }
0x6f: {  	_ =	shalt  }
0x70: {  	_ =	shalt  }
0x71: {  	_ =	shalt  }
0x72: {  	_ =	shalt  }
0x73: {  	_ =	shalt  }
0x74: {  	_ =	shalt  }
0x75: {  	_ =	shalt  }
0x76: {  	_ =	shalt  }
0x77: {  	_ =	shalt  }
0x78: {  	_ =	shalt  }
0x79: {  	_ =	shalt  }
0x7a: {  	_ =	shalt  }
0x7b: {  	_ =	shalt  }
0x7c: {  	_ =	shalt  }
0x7d: {  	_ =	shalt  }
0x7e: {  	_ =	shalt  }
0x7f: {  	_ =	shalt  }
0x80: {  	_ =	shalt  }
0x81: {  	_ =	shalt  }
0x82: {  	_ =	shalt  }
0x83: {  	_ =	shalt  }
0x84: {  	_ =	shalt  }
0x85: {  	_ =	shalt  }
0x86: {  	_ =	shalt  }
0x87: {  	_ =	shalt  }
.Lfunc_end0:
.L_simem_size_0:
called_computation.4_lowered:
.L_overlay_start_0:
0x88: {  	s2 =	sld [smem:$0x3FD9]  }
0x89: {  	s3 =	sld [smem:$0x3FFE];
	_ =	sdelay $0x1  }
0x8a: {  	s1 =	srdreg.scid  }
0x8b: {  	s0 =	sand.u32 $0x1, s1  }
0x8c: {  	s16 =	sshll.u32 s0, $0xA;
	s2 =	sadd.s32 s3, s2  }
0x8d: {  	s2 =	sadd.s32 s2, s16  }
0x8e: {  	[smem:$0x3F98] =	sst s2  }
0x8f: {  	_ = 	snop  }
0x90: {  	(tm) =	ssettm $0x1  }
0x91: {  	s17 =	sld [smem:$0x3FFB];
	_ =	sdelay $0x3  }
0x92: {  	_ =	strace s17  }
0x93: {  	s2 =	sld [smem:$0x3FFC];
	_ =	sdelay $0x3  }
0x94: {  	_ =	strace s2  }
0x95: {  	s2 =	sld [smem:$0x3FFD];
	_ =	sdelay $0x3  }
0x96: {  	_ =	strace s2  }
0x97: {  	_ =	strace $0x8FFFFFFF  }
0x98: {  	s18 =	sld [smem:$0x3FDB];
	_ =	sdelay $0x1  }
0x99: {  	s19 =	simm.s32 $_scs_section_size  }
0x9a: {  	s4 =	simm.s32 $_size__tile_overlayer_lowered;
	s5 =	simm.s32 $_tile_overlayer_lowered  }
0x9b: {  	s22 =	simm.s32 $0x1BFF;
	s21 =	sshll.u32 s5, $0x1;
	s2 =	sadd.s32 s19, s18  }
0x9c: {  	s6 =	simm.s32 $0x0;
	s20 =	sshll.u32 s4, $0x1;
	s4 =	sadd.s32 s21, s2  }
0x9d: {  	[timem:s6], [sflag:s22] =	dma.local [hbm:s4], s20  }
0x9e: {  	_ =	swait.ge [sflag:s22], s20  }
0x9f: {  	s3 =	ssub.s32 $0x0, s20;
	[sflag:s22] =	ssyncset.done $0x0  }
0xa0: {  	[sflag:s22] =	ssyncadd.s32 s3;
	_ =	sdelay $0x1  }
0xa1: {  	s23 =	simm.s32 $0x1B8B  }
0xa2: {  	_ =	swait.ge [sflag:s23], $0x1  }
0xa3: {  	[sflag:s23] =	ssyncset.done $0x0  }
0xa4: {  	s25 =	simm.s32 $0x1B8E;
	s24 =	sld [smem:$0x3FFE];
	[sflag:s23] =	ssyncadd.s32 $0xFFFFFFFF  }
0xa5: {  	s26 =	simm.s32 $execute0_lowered;
	[smem:$0x3FD2] =	sst s25  }
0xa6: {  	s4 =	sshll.u32 s26, $0x1;
	_ =	strace $0x8000004C;
	[dreg:$0x1] =	wrdreg $0xFFFFFFFF  }
0xa7: {  	s28 =	simm.s32 $_size_execute0_lowered;
	s2 =	sadd.s32 s2, s4;
	[dreg:$0x0] =	wrdreg $0x0  }
0xa8: {  	s4 =	sshll.u32 s28, $0x1;
	[dreg:$0x2] =	wrdreg s2  }
0xa9: {  	[dreg:$0x3] =	wrdreg s4  }
0xaa: {  	[dreg:$0x4] =	wrdreg $0xC0  }
0xab: {  	_ =	task [dreg:s6], $0x5FFFF  }
0xac: {  	[dreg:$0x1] =	wrdreg $0xFFFFFFFF  }
0xad: {  	[dreg:$0x0] =	wrdreg $0x60  }
0xae: {  	[dreg:$0x2] =	wrdreg s24  }
0xaf: {  	[dreg:$0x3] =	wrdreg $0x68000  }
0xb0: {  	[dreg:$0x4] =	wrdreg $0xA  }
0xb1: {  	_ =	task.clear_ibuf [dreg:s6], $0x5FFFF;
	_ =	strace $0x9000004C  }
0xb2: {  	s29 =	simm.s32 $0xA;
	_ =	strace $0x8000004E  }
0xb3: {  	_ =	swait.ge [sflag:s29], $0x1  }
0xb4: {  	[sflag:s29] =	ssyncadd.s32 $0xFFFFFFFF  }
0xb5: {  	_ =	strace $0x9000004E  }
0xb6: {  	_ =	sfence  }
0xb7: {  	s30 =	sld [smem:$0x0];
	_ =	sdelay $0x2  }
0xb8: {  	s31 =	sshll.u32 s1, $0xD;
	s1 =	sshrl.u32 s1, $0x2  }
0xb9: {  	s3 =	sand.u32 $0x4000, s31;
	s1 =	sadd.s32 s1, s30  }
0xba: {  	s0 =	sor.u32 s3, s0;
	s1 =	sshll.u32 s1, $0x11  }
0xbb: {  	s0 =	sor.u32 s1, s0  }
0xbc: {  	s0 =	sadd.s32 $0x8F2B, s0  }
0xbd: {  	[sflag:s0] =	ssyncadd.remote.s32 $0x1  }
0xbe: {  	_ =	sfence.sel $0xFFFF  }
0xbf: {  	[dreg:$0x0] =	wrdreg $0xFFFFFFFF;
	(pc) =	sbr.abs _section_cstart, $3  }
0xc0: {  	[dreg:$0x1] =	wrdreg $0xFFFFFFFF  }
0xc1: {  	_ =	task.clear_ibuf [dreg:s6], $0x2FFFF;
	_ =	strace $0x9FFFFFFF  }
0xc2: {  	(tm) =	ssettm $0x7FFFFFFF  }
0xc3: {  	_ =	shalt  }
tec
execute0_lowered:
.L_overlay_start_1:
0x0: {  	(tag) =	ssettag $0x1  }
0x1: {  	s8 =	rddreg [dreg:$0x0]  }
0x2: {  	s2 =	rddreg [dreg:$0x1]  }
0x3: {  	s0 =	rddreg [dreg:$0x2];
	s3 =	simm.s32 $0x0  }
0x4: {  	s1 =	stileid.u32;
	s5 =	srdreg.scid;
	s17 =	simm.s32 $0xC00  }
0x5: {  	s18 =	simm.s32 $0x4000;
	s19 =	simm.s32 $0x50;
	s21 =	simm.s32 $0x0  }
0x6: {  	[smem:$0x7FF] =	sst s3;
	s4 =	smul.u32 $0x75300, s1;
	s31 =	sshll.u32 s1, $0xB  }
0x7: {  	s16 =	sand.u32 $0x1, s5;
	p1 =	seq.s32 s1, $0x0;
	s5 =	sadd.s32 $0x1D93C00, s8  }
0x8: {  	_ =	strace $0x8000004D;
	s6 =	sadd.s32 s31, s8;
	s7 =	ssub.s32 $0x2, s16  }
0x9: {  	p0 =	seq.s32 s16, $0x1;
	s13 =	sor.u32 s1, s16;
	p3 =	sne.s32 s16, $0x0  }
0xa: {  	s16 =	simm.s32 $0x400;
	s12 =	sadd.s32 s4, s8;
	s4 =	sadd.s32 $0x20A00, s8  }
0xb: {  	s9 =	sshrl.u32 s7, $0x1;
	p1 =	por !p1, !p0;
	s6 =	sadd.s32 $0x13400, s6  }
.Ltmp0:
0xc: {  	p2 =	sne.s32 s13, $0x0;
	s13 =	simm.s32 $0x1;
	(pc) =	sbr.rel .LBB2_1-.Ltmp0, $4  }
0xd: {  	s9 =	ssub.s32 s7, s9;
	s7 =	sadd.s32 $0x1D93C80, s8;
	s8 =	sadd.s32 $0x1D93D00, s8  }
0xe: {  	p1 =	por !p1, !p1;
	s10 =	sadd.s32 $0x1640C00, s12;
	s11 =	sadd.s32 $0x1640C80, s12  }
0xf: {  	s12 =	sadd.s32 $0x1640D00, s12;
	s14 =	sshll.u32 @!p2 s1, $0x6;
	s15 =	sshrl.u32 @!p2 s2, $0x3  }
0x10: {  	s9 =	smax.u32 s9, $0x1;
	s14 =	sor.u32 @!p2 $0x1C01, s14;
	s20 =	sshrl.u32 @p1 s2, $0x3  }
.LBB2_13:
0x11: {  	[sflag:s13] =	ssyncadd.s32 $0xFFFFD800  }
.LBB2_14:
0x12: {  	s21 =	sadd.s32 $0x1, s21  }
0x13: {  	[bflag:$0x0] =	sbarrier.arrive $0xFFFF;
	s23 =	simm.s32 @!p2 $0x8;
	p4 =	sne.s32 s21, s9  }
.Ltmp1:
0x14: {  	s24 =	simm.s32 @!p2 $0x180;
	s25 =	simm.s32 @!p2 $0x80;
	(pc) =	sbr.rel @!p4 .LBB2_15-.Ltmp1, $4  }
0x15: {  	[hbm:s8@s24], [sflag:s14] =	dma.strided @!p2 [spmem:s15@s25], $0x27100, s23, $0x10   }
0x16: {  	_ =	swait.ge @!p2 [sflag:s22], $0x27100  }
0x17: {  	[sflag:s22] =	ssyncset.done @!p2 $0x0  }
0x18: {  	[sflag:s22] =	ssyncadd.s32 @!p2 $0xFFFD8F00  }
.LBB2_1:
0x19: {  	[tilespmem:s3], [sflag:$0x1] =	stream.linear.gather [hbm4b:s6+s3], $0x3E80, $0x38;
	[tilespmem:$0x1A080] =	vst v63  }
0x1a: {  	_ =	swait.ge [sflag:s13], $0x3E80  }
0x1b: {  	[sflag:s13] =	ssyncset.done $0x0  }
0x1c: {  	s22 =	simm.s32 @!p2 $0x1;
	[sflag:s13] =	ssyncadd.s32 $0xFFFFC180  }
0x1d: {  	[spmem:s15], [sflag:s14] =	dma.local @!p2 [hbm:s4], $0x27100  }
.Ltmp2:
0x1e: {  	_ =	swait.ge @!p2 [sflag:s22], $0x27100;
	(pc) =	sbr.rel @p3 .LBB2_5-.Ltmp2, $3  }
0x1f: {  	[sflag:s22] =	ssyncset.done @!p2 $0x0  }
0x20: {  	[sflag:s22] =	ssyncadd.s32 @!p2 $0xFFFD8F00  }
0x21: {  	[bflag:$0x0] =	sbarrier.arrive $0xFFFF;
	_ =	sdelay $0x1  }
0x22: {  	[tilespmem:s18], [sflag:$0x1] =	stream.strided.gather [hbm4b:s10+s16], $0x2800, s17, s16, $0x38;
	[tilespmem:$0x1A080] =	vst v63  }
0x23: {  	_ =	swait.ge [sflag:s13], $0x2800  }
0x24: {  	[sflag:s13] =	ssyncset.done $0x0  }
0x25: {  	s23 =	simm.s32 $0x0;
	[sflag:s13] =	ssyncadd.s32 $0xFFFFD800  }
0x26: {  	[spmem:s2] =	stream.indirect.scatter.add.f32 [tilespmem:s18], [sflag:$0x1], $0x80, s23, s19, $0xb8;
	[tilespmem:$0x1A080] =	vst v63  }
0x27: {  	_ =	swait.ge [sflag:s13], $0x2800  }
0x28: {  	s24 =	smov.u32 s10;
	s23 =	simm.s32 $0x200;
	[sflag:s13] =	ssyncset.done $0x0  }
.LBB2_3:
0x29: {  	p4 =	sne.s32 s23, $0xF800;
	[sflag:s13] =	ssyncadd.s32 $0xFFFFD800;
	s24 =	sadd.s32 $0xF00, s24  }
0x2a: {  	[tilespmem:s18], [sflag:$0x1] =	stream.strided.gather [hbm4b:s24+s16], $0x2800, s17, s16, $0x38;
	[tilespmem:$0x1A080] =	vst v63  }
0x2b: {  	s25 =	smov.u32 s23;
	s23 =	sadd.s32 $0x200, s23;
	_ =	swait.ge [sflag:s13], $0x2800  }
.Ltmp3:
0x2c: {  	[sflag:s13] =	ssyncset.done $0x0;
	(pc) =	sbr.rel @p4 .LBB2_3-.Ltmp3, $4  }
0x2d: {  	s25 =	sshra.s32 s25, $0x2;
	[sflag:s13] =	ssyncadd.s32 $0xFFFFD800  }
0x2e: {  	[spmem:s2] =	stream.indirect.scatter.add.f32 [tilespmem:s18], [sflag:$0x1], $0x80, s25, s19, $0xb8;
	[tilespmem:$0x1A080] =	vst v63  }
0x2f: {  	_ =	swait.ge [sflag:s13], $0x2800  }
0x30: {  	[sflag:s13] =	ssyncset.done $0x0  }
0x31: {  	[sflag:s13] =	ssyncadd.s32 $0xFFFFD800  }
.LBB2_5:
0x32: {  	[bflag:$0x0] =	sbarrier.arrive $0xFFFF  }
0x33: {  	s23 =	simm.s32 @!p2 $0x8;
	s24 =	simm.s32 @!p2 $0x180;
	s25 =	simm.s32 @!p2 $0x80  }
0x34: {  	[hbm:s5@s24], [sflag:s14] =	dma.strided @!p2 [spmem:s15@s25], $0x27100, s23, $0x10   }
0x35: {  	_ =	swait.ge @!p2 [sflag:s22], $0x27100  }
0x36: {  	[sflag:s22] =	ssyncset.done @!p2 $0x0  }
0x37: {  	[sflag:s22] =	ssyncadd.s32 @!p2 $0xFFFD8F00;
	s22 =	simm.s32 @p1 $0x1C01  }
0x38: {  	[spmem:s20], [sflag:s22] =	dma.local @p1 [hbm:s4], $0x27100  }
0x39: {  	s22 =	simm.s32 @p1 $0x1  }
.Ltmp4:
0x3a: {  	_ =	swait.ge @p1 [sflag:s22], $0x27100;
	(pc) =	sbr.rel @!p0 .LBB2_6-.Ltmp4, $3  }
0x3b: {  	[sflag:s22] =	ssyncset.done @p1 $0x0  }
0x3c: {  	[sflag:s22] =	ssyncadd.s32 @p1 $0xFFFD8F00  }
0x3d: {  	[bflag:$0x0] =	sbarrier.arrive $0xFFFF;
	_ =	sdelay $0x1  }
0x3e: {  	[tilespmem:s18], [sflag:$0x1] =	stream.strided.gather [hbm4b:s11+s16], $0x2800, s17, s16, $0x38;
	[tilespmem:$0x1A080] =	vst v63  }
0x3f: {  	_ =	swait.ge [sflag:s13], $0x2800  }
0x40: {  	[sflag:s13] =	ssyncset.done $0x0  }
0x41: {  	s22 =	simm.s32 $0x0;
	[sflag:s13] =	ssyncadd.s32 $0xFFFFD800  }
0x42: {  	[spmem:s2] =	stream.indirect.scatter.add.f32 [tilespmem:s18], [sflag:$0x1], $0x80, s22, s19, $0xb8;
	[tilespmem:$0x1A080] =	vst v63  }
0x43: {  	_ =	swait.ge [sflag:s13], $0x2800  }
0x44: {  	s23 =	smov.u32 s11;
	s22 =	simm.s32 $0x200;
	[sflag:s13] =	ssyncset.done $0x0  }
.LBB2_8:
0x45: {  	p4 =	sne.s32 s22, $0xF800;
	[sflag:s13] =	ssyncadd.s32 $0xFFFFD800;
	s23 =	sadd.s32 $0xF00, s23  }
0x46: {  	[tilespmem:s18], [sflag:$0x1] =	stream.strided.gather [hbm4b:s23+s16], $0x2800, s17, s16, $0x38;
	[tilespmem:$0x1A080] =	vst v63  }
0x47: {  	s24 =	smov.u32 s22;
	s22 =	sadd.s32 $0x200, s22;
	_ =	swait.ge [sflag:s13], $0x2800  }
.Ltmp5:
0x48: {  	[sflag:s13] =	ssyncset.done $0x0;
	(pc) =	sbr.rel @p4 .LBB2_8-.Ltmp5, $4  }
0x49: {  	s24 =	sshra.s32 s24, $0x2;
	[sflag:s13] =	ssyncadd.s32 $0xFFFFD800  }
0x4a: {  	[spmem:s2] =	stream.indirect.scatter.add.f32 [tilespmem:s18], [sflag:$0x1], $0x80, s24, s19, $0xb8;
	[tilespmem:$0x1A080] =	vst v63  }
0x4b: {  	_ =	swait.ge [sflag:s13], $0x2800  }
0x4c: {  	[sflag:s13] =	ssyncset.done $0x0  }
0x4d: {  	[sflag:s13] =	ssyncadd.s32 $0xFFFFD800;
	s22 =	simm.s32 @p1 $0x8;
	s23 =	simm.s32 @p1 $0x180  }
0x4e: {  	s24 =	simm.s32 @p1 $0x80;
	s25 =	simm.s32 @p1 $0x1C01;
	[bflag:$0x0] =	sbarrier.arrive $0xFFFF  }
0x4f: {  	[hbm:s7@s23], [sflag:s25] =	dma.strided @p1 [spmem:s20@s24], $0x27100, s22, $0x10   }
.Ltmp6:
0x50: {  	_ = 	snop;
	(pc) =	sbr.rel .LBB2_10-.Ltmp6, $4  }
0x51: {  	s22 =	simm.s32 @p1 $0x1  }
0x52: {  	_ =	swait.ge @p1 [sflag:s22], $0x27100  }
0x53: {  	[sflag:s22] =	ssyncset.done @p1 $0x0  }
0x54: {  	[sflag:s22] =	ssyncadd.s32 @p1 $0xFFFD8F00  }
.LBB2_6:
0x55: {  	[bflag:$0x0] =	sbarrier.arrive $0xFFFF  }
.LBB2_10:
0x56: {  	[spmem:s15], [sflag:s14] =	dma.local @!p2 [hbm:s4], $0x27100  }
0x57: {  	s22 =	simm.s32 @!p2 $0x1  }
.Ltmp7:
0x58: {  	_ =	swait.ge @!p2 [sflag:s22], $0x27100;
	(pc) =	sbr.rel @p3 .LBB2_14-.Ltmp7, $3  }
0x59: {  	[sflag:s22] =	ssyncset.done @!p2 $0x0  }
0x5a: {  	[sflag:s22] =	ssyncadd.s32 @!p2 $0xFFFD8F00  }
0x5b: {  	[bflag:$0x0] =	sbarrier.arrive $0xFFFF;
	_ =	sdelay $0x1  }
0x5c: {  	[tilespmem:s18], [sflag:$0x1] =	stream.strided.gather [hbm4b:s12+s16], $0x2800, s17, s16, $0x38;
	[tilespmem:$0x1A080] =	vst v63  }
0x5d: {  	_ =	swait.ge [sflag:s13], $0x2800  }
0x5e: {  	[sflag:s13] =	ssyncset.done $0x0  }
0x5f: {  	s23 =	simm.s32 $0x0;
	[sflag:s13] =	ssyncadd.s32 $0xFFFFD800  }
0x60: {  	[spmem:s2] =	stream.indirect.scatter.add.f32 [tilespmem:s18], [sflag:$0x1], $0x80, s23, s19, $0xb8;
	[tilespmem:$0x1A080] =	vst v63  }
0x61: {  	_ =	swait.ge [sflag:s13], $0x2800  }
0x62: {  	s24 =	smov.u32 s12;
	s23 =	simm.s32 $0x200;
	[sflag:s13] =	ssyncset.done $0x0  }
.LBB2_12:
0x63: {  	p4 =	sne.s32 s23, $0xF800;
	[sflag:s13] =	ssyncadd.s32 $0xFFFFD800;
	s24 =	sadd.s32 $0xF00, s24  }
0x64: {  	[tilespmem:s18], [sflag:$0x1] =	stream.strided.gather [hbm4b:s24+s16], $0x2800, s17, s16, $0x38;
	[tilespmem:$0x1A080] =	vst v63  }
0x65: {  	s25 =	smov.u32 s23;
	s23 =	sadd.s32 $0x200, s23;
	_ =	swait.ge [sflag:s13], $0x2800  }
.Ltmp8:
0x66: {  	[sflag:s13] =	ssyncset.done $0x0;
	(pc) =	sbr.rel @p4 .LBB2_12-.Ltmp8, $4  }
0x67: {  	s25 =	sshra.s32 s25, $0x2;
	[sflag:s13] =	ssyncadd.s32 $0xFFFFD800  }
0x68: {  	[spmem:s2] =	stream.indirect.scatter.add.f32 [tilespmem:s18], [sflag:$0x1], $0x80, s25, s19, $0xb8;
	[tilespmem:$0x1A080] =	vst v63  }
0x69: {  	_ =	swait.ge [sflag:s13], $0x2800  }
0x6a: {  	[sflag:s13] =	ssyncset.done $0x0  }
.Ltmp9:
0x6b: {  	_ = 	snop;
	(pc) =	sbr.rel .LBB2_13-.Ltmp9, $1  }
0x6c: {  	_ =	sdelay $0x3  }
.LBB2_15:
0x6d: {  	_ =	sfence.sel $0x180000  }
0x6e: {  	[bflag:$0x0] =	sbarrier.arrive $0xFFFF  }
0x6f: {  	p0 =	sne.s32 s1, $0x0;
	_ =	strace $0x9000004D  }
0x70: {  	s0 =	sadd.s32 @!p0 $0x100000, s0;
	[bflag:$0x2] =	sbarrier.arrive $0xFFFF  }
0x71: {  	[sflag:s0] =	ssyncadd.tile.s32 @!p0 $0x1;
	_ =	shalt  }
.Lfunc_end2:
_tile_overlayer_lowered:
.L_overlay_start_2:
0x72: {  	(tag) =	ssettag $0x2  }
0x73: {  	s0 =	rddreg [dreg:$0x0];
	s2 =	stileid.u32  }
0x74: {  	s1 =	rddreg [dreg:$0x1];
	p0 =	sne.s32 s2, $0x0  }
0x75: {  	s3 =	rddreg [dreg:$0x2];
	[bflag:$0x3] =	sbarrier.arrive $0xFFFF;
	s2 =	simm.s32 @!p0 $0x1C01  }
0x76: {  	[timem:s3], [sflag:s2] =	dma.local @!p0 [hbm:s0], s1  }
0x77: {  	s0 =	simm.s32 @!p0 $0x1  }
0x78: {  	_ =	swait.ge @!p0 [sflag:s0], s1  }
0x79: {  	s1 =	ssub.s32 @!p0 $0x0, s1;
	[sflag:s0] =	ssyncset.done @!p0 $0x0  }
0x7a: {  	[sflag:s0] =	ssyncadd.s32 @!p0 s1  }
0x7b: {  	[bflag:$0x3] =	sbarrier.arrive $0xFFFF  }
0x7c: {  	_ =	shalt  }

// kernel: kernel.30.cloned.1.call-start
scs
__scs_entry_jumppad:
0x0: {  	(pc) =	sbr.rel $0x88, $3  }
0x1: {  	(tag) =	ssettag $0x0;
	lr =	simm.s32 $0x1  }
0x2: {  	[smem:$0x3F71] =	sst lr;
	_ =	strace $0xD0000000  }
0x3: {  	_ = 	snop  }
0x4: {  	_ = 	snop  }
0x5: {  	_ = 	snop  }
0x6: {  	_ = 	snop  }
0x7: {  	_ = 	snop  }
__scs_overlays_trampoline_lowered:
0x8: {  	[smem:$0x3F80] =	sst s0  }
0x9: {  	[smem:$0x3F81] =	sst s1  }
0xa: {  	[smem:$0x3F82] =	sst s2  }
0xb: {  	[smem:$0x3F83] =	sst s3  }
0xc: {  	[smem:$0x3F84] =	sst s4  }
0xd: {  	[smem:$0x3F85] =	sst s5  }
0xe: {  	[smem:$0x3F86] =	sst s6  }
0xf: {  	[smem:$0x3F87] =	sst s7  }
0x10: {  	[smem:$0x3F88] =	sst s8  }
0x11: {  	[smem:$0x3F89] =	sst s9;
	s0 =	simm.s32 @!p0 $0x0  }
0x12: {  	s1 =	sld [smem:$0x3F6F];
	s0 =	simm.s32 @p0 $0x1  }
0x13: {  	[smem:$0x3F8A] =	sst s0;
	s0 =	simm.s32 @!p1 $0x0  }
0x14: {  	s2 =	sld [smem:$0x3F6E];
	s0 =	simm.s32 @p1 $0x1  }
0x15: {  	[smem:$0x3F8B] =	sst s0;
	s0 =	simm.s32 @!p2 $0x0  }
0x16: {  	s3 =	sld [smem:$0x3FDB];
	s0 =	simm.s32 @p2 $0x1  }
0x17: {  	s4 =	simm.s32 $0x1BF5;
	[smem:$0x3F8D] =	sst s0  }
0x18: {  	s0 =	sld [smem:$0x3F70];
	_ =	swait.ge [sflag:s4], $0x0  }
0x19: {  	s7 =	sld [smem:$0x3F71]  }
0x1a: {  	s8 =	sadd.s32 $0xFFFFE003, lr  }
0x1b: {  	s9 =	sadd.s32 $0xFFFFFEF7, lr;
	s5 =	simm.s32 $0xFFFFFFFF;
	p2 =	slt.u32 s8, $0xFFFFF086  }
0x1c: {  	p1 =	slt.u32 s9, $0xF7A;
	s5 =	simm.s32 @!p2 $0x0  }
0x1d: {  	s5 =	simm.s32 @p1 $0x1;
	p0 =	seq.s32 s7, s2  }
0x1e: {  	s7 =	smul.u32 @!p0 $0xF7A, s2;
	p2 =	seq.s32 @!p0 s5, $0x0  }
0x1f: {  	s9 =	smul.u32 $0xF7A, s1;
	s8 =	simm.s32 @!p0 $0x1BF5;
	p2 =	por !p2, p0  }
0x20: {  	[sflag:s8] =	ssyncset.s32 @!p0 $0xFFFFF086;
	s6 =	sadd.s32 @!p0 s3, s7;
	s7 =	simm.s32 @!p0 $0x108  }
0x21: {  	s3 =	sadd.s32 s3, s9;
	s6 =	sadd.s32 @!p0 $0x88, s6;
	s7 =	simm.s32 @p2 $0x1082  }
0x22: {  	[simem:s7], [sflag:s8] =	dma.local @!p0 [hbm:s6], $0xF7A  }
0x23: {  	s9 =	sor.u32 $0xD0000000, s2;
	s6 =	simm.s32 $0x108;
	_ =	swait.ge @!p0 [sflag:s8], $0x0  }
0x24: {  	s3 =	sadd.s32 $0x88, s3;
	s6 =	simm.s32 @!p1 $0x1082;
	[sflag:s4] =	ssyncset.s32 $0xFFFFF086  }
0x25: {  	[simem:s6], [sflag:s4] =	dma.local [hbm:s3], $0xF7A  }
0x26: {  	[smem:$0x3F71] =	sst s1;
	(tag) =	ssettag s2;
	_ =	strace s9  }
0x27: {  	s1 =	sld [smem:$0x3F81]  }
0x28: {  	s2 =	sld [smem:$0x3F82]  }
0x29: {  	s4 =	sld [smem:$0x3F84]  }
0x2a: {  	p0 =	seq.s32 s5, $0x0;
	s5 =	sld [smem:$0x3F85]  }
0x2b: {  	s6 =	sld [smem:$0x3F86]  }
0x2c: {  	s7 =	sld [smem:$0x3F87]  }
0x2d: {  	s3 =	simm.s32 $0x108;
	s8 =	sld [smem:$0x3F88]  }
0x2e: {  	s3 =	simm.s32 @!p0 $0x1082;
	s9 =	sld [smem:$0x3F89]  }
0x2f: {  	lr =	sadd.s32 s0, s3;
	s0 =	sld [smem:$0x3F80]  }
0x30: {  	s3 =	sld [smem:$0x3F83]  }
0x31: {  	[smem:$0x3F8C] =	sst s10  }
0x32: {  	s10 =	sld [smem:$0x3F8A];
	_ =	sdelay $0x3  }
0x33: {  	p0 =	seq.s32 s10, $0x1;
	s10 =	sld [smem:$0x3F8C];
	_ =	sdelay $0x3  }
0x34: {  	[smem:$0x3F8C] =	sst s10  }
0x35: {  	s10 =	sld [smem:$0x3F8B];
	_ =	sdelay $0x3  }
0x36: {  	p1 =	seq.s32 s10, $0x1;
	s10 =	sld [smem:$0x3F8C];
	_ =	sdelay $0x3  }
0x37: {  	[smem:$0x3F8C] =	sst s10  }
0x38: {  	s10 =	sld [smem:$0x3F8D]  }
0x39: {  	_ = 	snop;
	(pc) =	sbr.ind lr, $3  }
0x3a: {  	_ = 	snop  }
0x3b: {  	_ = 	snop  }
0x3c: {  	p2 =	seq.s32 s10, $0x1;
	s10 =	sld [smem:$0x3F8C]  }
0x3d: {  	_ =	shalt  }
0x3e: {  	_ =	shalt  }
0x3f: {  	_ =	shalt  }
0x40: {  	_ =	shalt  }
0x41: {  	_ =	shalt  }
0x42: {  	_ =	shalt  }
0x43: {  	_ =	shalt  }
0x44: {  	_ =	shalt  }
0x45: {  	_ =	shalt  }
0x46: {  	_ =	shalt  }
0x47: {  	_ =	shalt  }
0x48: {  	_ =	shalt  }
0x49: {  	_ =	shalt  }
0x4a: {  	_ =	shalt  }
0x4b: {  	_ =	shalt  }
0x4c: {  	_ =	shalt  }
0x4d: {  	_ =	shalt  }
0x4e: {  	_ =	shalt  }
0x4f: {  	_ =	shalt  }
0x50: {  	_ =	shalt  }
0x51: {  	_ =	shalt  }
0x52: {  	_ =	shalt  }
0x53: {  	_ =	shalt  }
0x54: {  	_ =	shalt  }
0x55: {  	_ =	shalt  }
0x56: {  	_ =	shalt  }
0x57: {  	_ =	shalt  }
0x58: {  	_ =	shalt  }
0x59: {  	_ =	shalt  }
0x5a: {  	_ =	shalt  }
0x5b: {  	_ =	shalt  }
0x5c: {  	_ =	shalt  }
0x5d: {  	_ =	shalt  }
0x5e: {  	_ =	shalt  }
0x5f: {  	_ =	shalt  }
0x60: {  	_ =	shalt  }
0x61: {  	_ =	shalt  }
0x62: {  	_ =	shalt  }
0x63: {  	_ =	shalt  }
0x64: {  	_ =	shalt  }
0x65: {  	_ =	shalt  }
0x66: {  	_ =	shalt  }
0x67: {  	_ =	shalt  }
0x68: {  	_ =	shalt  }
0x69: {  	_ =	shalt  }
0x6a: {  	_ =	shalt  }
0x6b: {  	_ =	shalt  }
0x6c: {  	_ =	shalt  }
0x6d: {  	_ =	shalt  }
0x6e: {  	_ =	shalt  }
0x6f: {  	_ =	shalt  }
0x70: {  	_ =	shalt  }
0x71: {  	_ =	shalt  }
0x72: {  	_ =	shalt  }
0x73: {  	_ =	shalt  }
0x74: {  	_ =	shalt  }
0x75: {  	_ =	shalt  }
0x76: {  	_ =	shalt  }
0x77: {  	_ =	shalt  }
0x78: {  	_ =	shalt  }
0x79: {  	_ =	shalt  }
0x7a: {  	_ =	shalt  }
0x7b: {  	_ =	shalt  }
0x7c: {  	_ =	shalt  }
0x7d: {  	_ =	shalt  }
0x7e: {  	_ =	shalt  }
0x7f: {  	_ =	shalt  }
0x80: {  	_ =	shalt  }
0x81: {  	_ =	shalt  }
0x82: {  	_ =	shalt  }
0x83: {  	_ =	shalt  }
0x84: {  	_ =	shalt  }
0x85: {  	_ =	shalt  }
0x86: {  	_ =	shalt  }
0x87: {  	_ =	shalt  }
.Lfunc_end0:
.L_simem_size_0:
called_computation.5_lowered:
.L_overlay_start_0:
0x88: {  	s2 =	sld [smem:$0x3FD9]  }
0x89: {  	s3 =	sld [smem:$0x3FFE];
	_ =	sdelay $0x1  }
0x8a: {  	s1 =	srdreg.scid  }
0x8b: {  	s0 =	sand.u32 $0x1, s1  }
0x8c: {  	s17 =	sshll.u32 s0, $0xA;
	s2 =	sadd.s32 s3, s2  }
0x8d: {  	s2 =	sadd.s32 s2, s17  }
0x8e: {  	[smem:$0x3F98] =	sst s2  }
0x8f: {  	_ = 	snop  }
0x90: {  	(tm) =	ssettm $0x1  }
0x91: {  	s18 =	sld [smem:$0x3FFB];
	_ =	sdelay $0x3  }
0x92: {  	_ =	strace s18  }
0x93: {  	s2 =	sld [smem:$0x3FFC];
	_ =	sdelay $0x3  }
0x94: {  	_ =	strace s2  }
0x95: {  	s2 =	sld [smem:$0x3FFD];
	_ =	sdelay $0x3  }
0x96: {  	_ =	strace s2  }
0x97: {  	_ =	strace $0x8FFFFFFF  }
0x98: {  	s19 =	sld [smem:$0x3FDB];
	_ =	sdelay $0x1  }
0x99: {  	s20 =	simm.s32 $_scs_section_size  }
0x9a: {  	s4 =	simm.s32 $_size__tile_overlayer_lowered;
	s5 =	simm.s32 $_tile_overlayer_lowered  }
0x9b: {  	s6 =	simm.s32 $0x1BFF;
	s21 =	sshll.u32 s5, $0x1;
	s3 =	sadd.s32 s20, s19  }
0x9c: {  	s22 =	simm.s32 $0x0;
	s4 =	sshll.u32 s4, $0x1;
	s5 =	sadd.s32 s21, s3  }
0x9d: {  	[timem:s22], [sflag:s6] =	dma.local [hbm:s5], s4  }
0x9e: {  	_ =	swait.ge [sflag:s6], s4  }
0x9f: {  	s4 =	ssub.s32 $0x0, s4;
	[sflag:s6] =	ssyncset.done $0x0  }
0xa0: {  	[sflag:s6] =	ssyncadd.s32 s4;
	_ =	sdelay $0x1  }
0xa1: {  	s23 =	simm.s32 $0x1B8B  }
0xa2: {  	_ =	swait.ge [sflag:s23], $0x1  }
0xa3: {  	[sflag:s23] =	ssyncset.done $0x0  }
0xa4: {  	[sflag:s23] =	ssyncadd.s32 $0xFFFFFFFF  }
0xa5: {  	s4 =	sld [smem:$0x0]  }
0xa6: {  	s5 =	sand.u32 $0xFFFFFFFE, s1  }
0xa7: {  	p0 =	sne.s32 s1, s5  }
0xa8: {  	s5 =	sshll.u32 @p0 s5, $0xE  }
0xa9: {  	s5 =	sadd.s32 @p0 $0x11B8D, s5;
	s6 =	sshll.u32 @p0 s4, $0x11  }
0xaa: {  	s5 =	sor.u32 @p0 s6, s5  }
0xab: {  	[sflag:s5] =	ssyncadd.remote.s32 @p0 $0x1;
	_ =	sdelay $0x1  }
0xac: {  	s5 =	simm.s32 @p0 $0x1B8D  }
0xad: {  	_ =	swait.eq @p0 [sflag:s5], $0x1  }
0xae: {  	[sflag:s5] =	ssyncadd.s32 @p0 $0xFFFFFFFF  }
0xaf: {  	s6 =	sshll.u32 @!p0 s1, $0xE  }
0xb0: {  	s6 =	sor.u32 @!p0 $0x4000, s6;
	s5 =	simm.s32 @!p0 $0x1B8D  }
0xb1: {  	s4 =	sshll.u32 @!p0 s4, $0x11;
	s6 =	sadd.s32 @!p0 $0x11B8D, s6;
	_ =	swait.eq @!p0 [sflag:s5], $0x1  }
0xb2: {  	s4 =	sor.u32 @!p0 s4, s6;
	[sflag:s5] =	ssyncadd.s32 @!p0 $0xFFFFFFFF  }
0xb3: {  	s25 =	simm.s32 $0x1B8E;
	s24 =	sld [smem:$0x3FFE];
	[sflag:s4] =	ssyncadd.remote.s32 @!p0 $0x1  }
0xb4: {  	s26 =	simm.s32 $execute0_lowered;
	[smem:$0x3FD2] =	sst s25  }
0xb5: {  	s5 =	sshll.u32 s26, $0x1;
	_ =	strace $0x80000055;
	[dreg:$0x1] =	wrdreg $0xFFFFFFFF  }
0xb6: {  	s28 =	simm.s32 $_size_execute0_lowered;
	s3 =	sadd.s32 s3, s5;
	[dreg:$0x0] =	wrdreg $0x0  }
0xb7: {  	s5 =	sshll.u32 s28, $0x1;
	[dreg:$0x2] =	wrdreg s3  }
0xb8: {  	[dreg:$0x3] =	wrdreg s5  }
0xb9: {  	[dreg:$0x4] =	wrdreg $0xC0  }
0xba: {  	_ =	task [dreg:s22], $0x5FFFF  }
0xbb: {  	[dreg:$0x1] =	wrdreg $0xFFFFFFFF  }
0xbc: {  	[dreg:$0x0] =	wrdreg $0x60  }
0xbd: {  	[dreg:$0x2] =	wrdreg s24  }
0xbe: {  	[dreg:$0x3] =	wrdreg $0x68000  }
0xbf: {  	[dreg:$0x4] =	wrdreg $0x9  }
0xc0: {  	_ =	task.clear_ibuf [dreg:s22], $0x5FFFF;
	_ =	strace $0x90000055  }
0xc1: {  	s29 =	simm.s32 $0x9;
	_ =	strace $0x80000057  }
0xc2: {  	_ =	swait.ge [sflag:s29], $0x1  }
0xc3: {  	[sflag:s29] =	ssyncadd.s32 $0xFFFFFFFF  }
0xc4: {  	_ =	strace $0x90000057  }
0xc5: {  	_ =	sfence  }
0xc6: {  	s30 =	sld [smem:$0x0];
	_ =	sdelay $0x2  }
0xc7: {  	s31 =	sshll.u32 s1, $0xD;
	s1 =	sshrl.u32 s1, $0x2  }
0xc8: {  	s4 =	sand.u32 $0x4000, s31;
	s1 =	sadd.s32 s1, s30  }
0xc9: {  	s0 =	sor.u32 s4, s0;
	s1 =	sshll.u32 s1, $0x11  }
0xca: {  	s0 =	sor.u32 s1, s0  }
0xcb: {  	s0 =	sadd.s32 $0x8F2B, s0  }
0xcc: {  	[sflag:s0] =	ssyncadd.remote.s32 $0x1  }
0xcd: {  	_ =	sfence.sel $0xFFFF  }
0xce: {  	[dreg:$0x0] =	wrdreg $0xFFFFFFFF;
	(pc) =	sbr.abs _section_cstart, $3  }
0xcf: {  	[dreg:$0x1] =	wrdreg $0xFFFFFFFF  }
0xd0: {  	_ =	task.clear_ibuf [dreg:s22], $0x2FFFF;
	_ =	strace $0x9FFFFFFF  }
0xd1: {  	(tm) =	ssettm $0x7FFFFFFF  }
tec
execute0_lowered:
.L_overlay_start_1:
0x0: {  	(tag) =	ssettag $0x1  }
0x1: {  	s5 =	rddreg [dreg:$0x0]  }
0x2: {  	s2 =	rddreg [dreg:$0x1]  }
0x3: {  	s0 =	rddreg [dreg:$0x2];
	s3 =	simm.s32 $0x0;
	s1 =	stileid.u32  }
0x4: {  	s6 =	srdreg.scid;
	s13 =	simm.s32 $0x50;
	s14 =	simm.s32 $0x0  }
0x5: {  	[smem:$0x7FF] =	sst s3;
	s4 =	smul.u32 $0x27100, s1;
	s12 =	sand.u32 $0x1, s6  }
0x6: {  	s31 =	sshll.u32 s1, $0xB;
	_ =	strace $0x80000056;
	s6 =	ssub.s32 $0x2, s12  }
0x7: {  	s7 =	sadd.s32 s31, s5;
	s10 =	sor.u32 s1, s12;
	p1 =	sne.s32 s12, $0x0  }
.Ltmp0:
0x8: {  	s12 =	simm.s32 $0x4000;
	s8 =	sadd.s32 s4, s5;
	(pc) =	sbr.rel .LBB2_1-.Ltmp0, $4  }
0x9: {  	s4 =	sadd.s32 $0x20A00, s5;
	s9 =	sshrl.u32 s6, $0x1;
	s5 =	sadd.s32 $0xBD000, s5  }
0xa: {  	p0 =	sne.s32 s10, $0x0;
	s9 =	ssub.s32 s6, s9;
	s6 =	sadd.s32 $0x13400, s7  }
0xb: {  	s8 =	sadd.s32 $0xEEDC00, s8;
	s10 =	sshll.u32 @!p0 s1, $0x6;
	s11 =	sshrl.u32 @!p0 s2, $0x3  }
0xc: {  	s7 =	smax.u32 s9, $0x1;
	s9 =	simm.s32 $0x1;
	s10 =	sor.u32 @!p0 $0x1C01, s10  }
.LBB2_4:
0xd: {  	[sflag:s9] =	ssyncadd.s32 $0xFFFFD800  }
.LBB2_5:
0xe: {  	s14 =	sadd.s32 $0x1, s14  }
0xf: {  	p2 =	sne.s32 s14, s7  }
.Ltmp1:
0x10: {  	[bflag:$0x0] =	sbarrier.arrive $0xFFFF;
	(pc) =	sbr.rel @!p2 .LBB2_6-.Ltmp1, $4  }
0x11: {  	[hbm:s5], [sflag:s10] =	dma.local @!p0 [spmem:s11], $0x27100  }
0x12: {  	_ =	swait.ge @!p0 [sflag:s15], $0x27100  }
0x13: {  	[sflag:s15] =	ssyncset.done @!p0 $0x0  }
0x14: {  	[sflag:s15] =	ssyncadd.s32 @!p0 $0xFFFD8F00  }
.LBB2_1:
0x15: {  	[tilespmem:s3], [sflag:$0x1] =	stream.linear.gather [hbm4b:s6+s3], $0x3E80, $0x38;
	[tilespmem:$0x1A080] =	vst v63  }
0x16: {  	_ =	swait.ge [sflag:s9], $0x3E80  }
0x17: {  	[sflag:s9] =	ssyncset.done $0x0  }
0x18: {  	s15 =	simm.s32 @!p0 $0x1;
	[sflag:s9] =	ssyncadd.s32 $0xFFFFC180  }
0x19: {  	[spmem:s11], [sflag:s10] =	dma.local @!p0 [hbm:s4], $0x27100  }
.Ltmp2:
0x1a: {  	_ =	swait.ge @!p0 [sflag:s15], $0x27100;
	(pc) =	sbr.rel @p1 .LBB2_5-.Ltmp2, $3  }
0x1b: {  	[sflag:s15] =	ssyncset.done @!p0 $0x0  }
0x1c: {  	[sflag:s15] =	ssyncadd.s32 @!p0 $0xFFFD8F00  }
0x1d: {  	[bflag:$0x0] =	sbarrier.arrive $0xFFFF;
	_ =	sdelay $0x1  }
0x1e: {  	[tilespmem:s12], [sflag:$0x1] =	stream.linear.gather [hbm4b:s8+s3], $0x2800, $0x38;
	[tilespmem:$0x1A080] =	vst v63  }
0x1f: {  	_ =	swait.ge [sflag:s9], $0x2800  }
0x20: {  	[sflag:s9] =	ssyncset.done $0x0  }
0x21: {  	s16 =	simm.s32 $0x0;
	[sflag:s9] =	ssyncadd.s32 $0xFFFFD800  }
0x22: {  	[spmem:s2] =	stream.indirect.scatter.add.f32 [tilespmem:s12], [sflag:$0x1], $0x80, s16, s13, $0xb8;
	[tilespmem:$0x1A080] =	vst v63  }
0x23: {  	_ =	swait.ge [sflag:s9], $0x2800  }
0x24: {  	s17 =	smov.u32 s8;
	s16 =	simm.s32 $0x200;
	[sflag:s9] =	ssyncset.done $0x0  }
.LBB2_3:
0x25: {  	p2 =	sne.s32 s16, $0xF800;
	[sflag:s9] =	ssyncadd.s32 $0xFFFFD800;
	s17 =	sadd.s32 $0x500, s17  }
0x26: {  	[tilespmem:s12], [sflag:$0x1] =	stream.linear.gather [hbm4b:s17+s3], $0x2800, $0x38;
	[tilespmem:$0x1A080] =	vst v63  }
0x27: {  	s18 =	smov.u32 s16;
	s16 =	sadd.s32 $0x200, s16;
	_ =	swait.ge [sflag:s9], $0x2800  }
.Ltmp3:
0x28: {  	[sflag:s9] =	ssyncset.done $0x0;
	(pc) =	sbr.rel @p2 .LBB2_3-.Ltmp3, $4  }
0x29: {  	s18 =	sshra.s32 s18, $0x2;
	[sflag:s9] =	ssyncadd.s32 $0xFFFFD800  }
0x2a: {  	[spmem:s2] =	stream.indirect.scatter.add.f32 [tilespmem:s12], [sflag:$0x1], $0x80, s18, s13, $0xb8;
	[tilespmem:$0x1A080] =	vst v63  }
0x2b: {  	_ =	swait.ge [sflag:s9], $0x2800  }
0x2c: {  	[sflag:s9] =	ssyncset.done $0x0  }
.Ltmp4:
0x2d: {  	_ = 	snop;
	(pc) =	sbr.rel .LBB2_4-.Ltmp4, $1  }
0x2e: {  	_ =	sdelay $0x3  }
.LBB2_6:
0x2f: {  	_ =	sfence.sel $0x180000  }
0x30: {  	[bflag:$0x0] =	sbarrier.arrive $0xFFFF  }
0x31: {  	p0 =	sne.s32 s1, $0x0;
	_ =	strace $0x90000056  }
0x32: {  	s0 =	sadd.s32 @!p0 $0x100000, s0;
	[bflag:$0x2] =	sbarrier.arrive $0xFFFF  }
0x33: {  	[sflag:s0] =	ssyncadd.tile.s32 @!p0 $0x1;
	_ =	shalt  }
.Lfunc_end2:
_tile_overlayer_lowered:
.L_overlay_start_2:
0x34: {  	(tag) =	ssettag $0x2  }
0x35: {  	s0 =	rddreg [dreg:$0x0];
	s2 =	stileid.u32  }
0x36: {  	s1 =	rddreg [dreg:$0x1];
	p0 =	sne.s32 s2, $0x0  }
0x37: {  	s3 =	rddreg [dreg:$0x2];
	[bflag:$0x3] =	sbarrier.arrive $0xFFFF;
	s2 =	simm.s32 @!p0 $0x1C01  }
0x38: {  	[timem:s3], [sflag:s2] =	dma.local @!p0 [hbm:s0], s1  }
0x39: {  	s0 =	simm.s32 @!p0 $0x1  }
0x3a: {  	_ =	swait.ge @!p0 [sflag:s0], s1  }
0x3b: {  	s1 =	ssub.s32 @!p0 $0x0, s1;
	[sflag:s0] =	ssyncset.done @!p0 $0x0  }
0x3c: {  	[sflag:s0] =	ssyncadd.s32 @!p0 s1  }
0x3d: {  	[bflag:$0x3] =	sbarrier.arrive $0xFFFF  }
0x3e: {  	_ =	shalt  }

// kernel: kernel.33.cloned.1.call-start
scs
__scs_entry_jumppad:
0x0: {  	(pc) =	sbr.rel $0x88, $3  }
0x1: {  	(tag) =	ssettag $0x0;
	lr =	simm.s32 $0x1  }
0x2: {  	[smem:$0x3F71] =	sst lr;
	_ =	strace $0xD0000000  }
0x3: {  	_ = 	snop  }
0x4: {  	_ = 	snop  }
0x5: {  	_ = 	snop  }
0x6: {  	_ = 	snop  }
0x7: {  	_ = 	snop  }
__scs_overlays_trampoline_lowered:
0x8: {  	[smem:$0x3F80] =	sst s0  }
0x9: {  	[smem:$0x3F81] =	sst s1  }
0xa: {  	[smem:$0x3F82] =	sst s2  }
0xb: {  	[smem:$0x3F83] =	sst s3  }
0xc: {  	[smem:$0x3F84] =	sst s4  }
0xd: {  	[smem:$0x3F85] =	sst s5  }
0xe: {  	[smem:$0x3F86] =	sst s6  }
0xf: {  	[smem:$0x3F87] =	sst s7  }
0x10: {  	[smem:$0x3F88] =	sst s8  }
0x11: {  	[smem:$0x3F89] =	sst s9;
	s0 =	simm.s32 @!p0 $0x0  }
0x12: {  	s1 =	sld [smem:$0x3F6F];
	s0 =	simm.s32 @p0 $0x1  }
0x13: {  	[smem:$0x3F8A] =	sst s0;
	s0 =	simm.s32 @!p1 $0x0  }
0x14: {  	s2 =	sld [smem:$0x3F6E];
	s0 =	simm.s32 @p1 $0x1  }
0x15: {  	[smem:$0x3F8B] =	sst s0;
	s0 =	simm.s32 @!p2 $0x0  }
0x16: {  	s3 =	sld [smem:$0x3FDB];
	s0 =	simm.s32 @p2 $0x1  }
0x17: {  	s4 =	simm.s32 $0x1BF5;
	[smem:$0x3F8D] =	sst s0  }
0x18: {  	s0 =	sld [smem:$0x3F70];
	_ =	swait.ge [sflag:s4], $0x0  }
0x19: {  	s7 =	sld [smem:$0x3F71]  }
0x1a: {  	s8 =	sadd.s32 $0xFFFFE003, lr  }
0x1b: {  	s9 =	sadd.s32 $0xFFFFFEF7, lr;
	s5 =	simm.s32 $0xFFFFFFFF;
	p2 =	slt.u32 s8, $0xFFFFF086  }
0x1c: {  	p1 =	slt.u32 s9, $0xF7A;
	s5 =	simm.s32 @!p2 $0x0  }
0x1d: {  	s5 =	simm.s32 @p1 $0x1;
	p0 =	seq.s32 s7, s2  }
0x1e: {  	s7 =	smul.u32 @!p0 $0xF7A, s2;
	p2 =	seq.s32 @!p0 s5, $0x0  }
0x1f: {  	s9 =	smul.u32 $0xF7A, s1;
	s8 =	simm.s32 @!p0 $0x1BF5;
	p2 =	por !p2, p0  }
0x20: {  	[sflag:s8] =	ssyncset.s32 @!p0 $0xFFFFF086;
	s6 =	sadd.s32 @!p0 s3, s7;
	s7 =	simm.s32 @!p0 $0x108  }
0x21: {  	s3 =	sadd.s32 s3, s9;
	s6 =	sadd.s32 @!p0 $0x88, s6;
	s7 =	simm.s32 @p2 $0x1082  }
0x22: {  	[simem:s7], [sflag:s8] =	dma.local @!p0 [hbm:s6], $0xF7A  }
0x23: {  	s9 =	sor.u32 $0xD0000000, s2;
	s6 =	simm.s32 $0x108;
	_ =	swait.ge @!p0 [sflag:s8], $0x0  }
0x24: {  	s3 =	sadd.s32 $0x88, s3;
	s6 =	simm.s32 @!p1 $0x1082;
	[sflag:s4] =	ssyncset.s32 $0xFFFFF086  }
0x25: {  	[simem:s6], [sflag:s4] =	dma.local [hbm:s3], $0xF7A  }
0x26: {  	[smem:$0x3F71] =	sst s1;
	(tag) =	ssettag s2;
	_ =	strace s9  }
0x27: {  	s1 =	sld [smem:$0x3F81]  }
0x28: {  	s2 =	sld [smem:$0x3F82]  }
0x29: {  	s4 =	sld [smem:$0x3F84]  }
0x2a: {  	p0 =	seq.s32 s5, $0x0;
	s5 =	sld [smem:$0x3F85]  }
0x2b: {  	s6 =	sld [smem:$0x3F86]  }
0x2c: {  	s7 =	sld [smem:$0x3F87]  }
0x2d: {  	s3 =	simm.s32 $0x108;
	s8 =	sld [smem:$0x3F88]  }
0x2e: {  	s3 =	simm.s32 @!p0 $0x1082;
	s9 =	sld [smem:$0x3F89]  }
0x2f: {  	lr =	sadd.s32 s0, s3;
	s0 =	sld [smem:$0x3F80]  }
0x30: {  	s3 =	sld [smem:$0x3F83]  }
0x31: {  	[smem:$0x3F8C] =	sst s10  }
0x32: {  	s10 =	sld [smem:$0x3F8A];
	_ =	sdelay $0x3  }
0x33: {  	p0 =	seq.s32 s10, $0x1;
	s10 =	sld [smem:$0x3F8C];
	_ =	sdelay $0x3  }
0x34: {  	[smem:$0x3F8C] =	sst s10  }
0x35: {  	s10 =	sld [smem:$0x3F8B];
	_ =	sdelay $0x3  }
0x36: {  	p1 =	seq.s32 s10, $0x1;
	s10 =	sld [smem:$0x3F8C];
	_ =	sdelay $0x3  }
0x37: {  	[smem:$0x3F8C] =	sst s10  }
0x38: {  	s10 =	sld [smem:$0x3F8D]  }
0x39: {  	_ = 	snop;
	(pc) =	sbr.ind lr, $3  }
0x3a: {  	_ = 	snop  }
0x3b: {  	_ = 	snop  }
0x3c: {  	p2 =	seq.s32 s10, $0x1;
	s10 =	sld [smem:$0x3F8C]  }
0x3d: {  	_ =	shalt  }
0x3e: {  	_ =	shalt  }
0x3f: {  	_ =	shalt  }
0x40: {  	_ =	shalt  }
0x41: {  	_ =	shalt  }
0x42: {  	_ =	shalt  }
0x43: {  	_ =	shalt  }
0x44: {  	_ =	shalt  }
0x45: {  	_ =	shalt  }
0x46: {  	_ =	shalt  }
0x47: {  	_ =	shalt  }
0x48: {  	_ =	shalt  }
0x49: {  	_ =	shalt  }
0x4a: {  	_ =	shalt  }
0x4b: {  	_ =	shalt  }
0x4c: {  	_ =	shalt  }
0x4d: {  	_ =	shalt  }
0x4e: {  	_ =	shalt  }
0x4f: {  	_ =	shalt  }
0x50: {  	_ =	shalt  }
0x51: {  	_ =	shalt  }
0x52: {  	_ =	shalt  }
0x53: {  	_ =	shalt  }
0x54: {  	_ =	shalt  }
0x55: {  	_ =	shalt  }
0x56: {  	_ =	shalt  }
0x57: {  	_ =	shalt  }
0x58: {  	_ =	shalt  }
0x59: {  	_ =	shalt  }
0x5a: {  	_ =	shalt  }
0x5b: {  	_ =	shalt  }
0x5c: {  	_ =	shalt  }
0x5d: {  	_ =	shalt  }
0x5e: {  	_ =	shalt  }
0x5f: {  	_ =	shalt  }
0x60: {  	_ =	shalt  }
0x61: {  	_ =	shalt  }
0x62: {  	_ =	shalt  }
0x63: {  	_ =	shalt  }
0x64: {  	_ =	shalt  }
0x65: {  	_ =	shalt  }
0x66: {  	_ =	shalt  }
0x67: {  	_ =	shalt  }
0x68: {  	_ =	shalt  }
0x69: {  	_ =	shalt  }
0x6a: {  	_ =	shalt  }
0x6b: {  	_ =	shalt  }
0x6c: {  	_ =	shalt  }
0x6d: {  	_ =	shalt  }
0x6e: {  	_ =	shalt  }
0x6f: {  	_ =	shalt  }
0x70: {  	_ =	shalt  }
0x71: {  	_ =	shalt  }
0x72: {  	_ =	shalt  }
0x73: {  	_ =	shalt  }
0x74: {  	_ =	shalt  }
0x75: {  	_ =	shalt  }
0x76: {  	_ =	shalt  }
0x77: {  	_ =	shalt  }
0x78: {  	_ =	shalt  }
0x79: {  	_ =	shalt  }
0x7a: {  	_ =	shalt  }
0x7b: {  	_ =	shalt  }
0x7c: {  	_ =	shalt  }
0x7d: {  	_ =	shalt  }
0x7e: {  	_ =	shalt  }
0x7f: {  	_ =	shalt  }
0x80: {  	_ =	shalt  }
0x81: {  	_ =	shalt  }
0x82: {  	_ =	shalt  }
0x83: {  	_ =	shalt  }
0x84: {  	_ =	shalt  }
0x85: {  	_ =	shalt  }
0x86: {  	_ =	shalt  }
0x87: {  	_ =	shalt  }
.Lfunc_end0:
.L_simem_size_0:
called_computation.6_lowered:
.L_overlay_start_0:
0x88: {  	s2 =	sld [smem:$0x3FD9]  }
0x89: {  	s3 =	sld [smem:$0x3FFE];
	_ =	sdelay $0x1  }
0x8a: {  	s1 =	srdreg.scid  }
0x8b: {  	s0 =	sand.u32 $0x1, s1  }
0x8c: {  	s16 =	sshll.u32 s0, $0xA;
	s2 =	sadd.s32 s3, s2  }
0x8d: {  	s2 =	sadd.s32 s2, s16  }
0x8e: {  	[smem:$0x3F98] =	sst s2  }
0x8f: {  	_ = 	snop  }
0x90: {  	(tm) =	ssettm $0x1  }
0x91: {  	s17 =	sld [smem:$0x3FFB];
	_ =	sdelay $0x3  }
0x92: {  	_ =	strace s17  }
0x93: {  	s2 =	sld [smem:$0x3FFC];
	_ =	sdelay $0x3  }
0x94: {  	_ =	strace s2  }
0x95: {  	s2 =	sld [smem:$0x3FFD];
	_ =	sdelay $0x3  }
0x96: {  	_ =	strace s2  }
0x97: {  	_ =	strace $0x8FFFFFFF  }
0x98: {  	s18 =	sld [smem:$0x3FDB];
	_ =	sdelay $0x1  }
0x99: {  	s19 =	simm.s32 $_scs_section_size  }
0x9a: {  	s4 =	simm.s32 $_size__tile_overlayer_lowered;
	s5 =	simm.s32 $_tile_overlayer_lowered  }
0x9b: {  	s22 =	simm.s32 $0x1BFF;
	s21 =	sshll.u32 s5, $0x1;
	s2 =	sadd.s32 s19, s18  }
0x9c: {  	s6 =	simm.s32 $0x0;
	s20 =	sshll.u32 s4, $0x1;
	s4 =	sadd.s32 s21, s2  }
0x9d: {  	[timem:s6], [sflag:s22] =	dma.local [hbm:s4], s20  }
0x9e: {  	_ =	swait.ge [sflag:s22], s20  }
0x9f: {  	s3 =	ssub.s32 $0x0, s20;
	[sflag:s22] =	ssyncset.done $0x0  }
0xa0: {  	[sflag:s22] =	ssyncadd.s32 s3;
	_ =	sdelay $0x1  }
0xa1: {  	s23 =	simm.s32 $0x1B8B  }
0xa2: {  	_ =	swait.ge [sflag:s23], $0x1  }
0xa3: {  	[sflag:s23] =	ssyncset.done $0x0  }
0xa4: {  	s25 =	simm.s32 $0x1B8E;
	s24 =	sld [smem:$0x3FFE];
	[sflag:s23] =	ssyncadd.s32 $0xFFFFFFFF  }
0xa5: {  	s26 =	simm.s32 $execute0_lowered;
	[smem:$0x3FD2] =	sst s25  }
0xa6: {  	s4 =	sshll.u32 s26, $0x1;
	_ =	strace $0x80000052;
	[dreg:$0x1] =	wrdreg $0xFFFFFFFF  }
0xa7: {  	s28 =	simm.s32 $_size_execute0_lowered;
	s2 =	sadd.s32 s2, s4;
	[dreg:$0x0] =	wrdreg $0x0  }
0xa8: {  	s4 =	sshll.u32 s28, $0x1;
	[dreg:$0x2] =	wrdreg s2  }
0xa9: {  	[dreg:$0x3] =	wrdreg s4  }
0xaa: {  	[dreg:$0x4] =	wrdreg $0xC0  }
0xab: {  	_ =	task [dreg:s6], $0x5FFFF  }
0xac: {  	[dreg:$0x1] =	wrdreg $0xFFFFFFFF  }
0xad: {  	[dreg:$0x0] =	wrdreg $0x60  }
0xae: {  	[dreg:$0x2] =	wrdreg s24  }
0xaf: {  	[dreg:$0x3] =	wrdreg $0x68000  }
0xb0: {  	[dreg:$0x4] =	wrdreg $0xA  }
0xb1: {  	_ =	task.clear_ibuf [dreg:s6], $0x5FFFF;
	_ =	strace $0x90000052  }
0xb2: {  	s29 =	simm.s32 $0xA;
	_ =	strace $0x80000054  }
0xb3: {  	_ =	swait.ge [sflag:s29], $0x1  }
0xb4: {  	[sflag:s29] =	ssyncadd.s32 $0xFFFFFFFF  }
0xb5: {  	_ =	strace $0x90000054  }
0xb6: {  	_ =	sfence  }
0xb7: {  	s30 =	sld [smem:$0x0];
	_ =	sdelay $0x2  }
0xb8: {  	s31 =	sshll.u32 s1, $0xD;
	s1 =	sshrl.u32 s1, $0x2  }
0xb9: {  	s3 =	sand.u32 $0x4000, s31;
	s1 =	sadd.s32 s1, s30  }
0xba: {  	s0 =	sor.u32 s3, s0;
	s1 =	sshll.u32 s1, $0x11  }
0xbb: {  	s0 =	sor.u32 s1, s0  }
0xbc: {  	s0 =	sadd.s32 $0x8F2B, s0  }
0xbd: {  	[sflag:s0] =	ssyncadd.remote.s32 $0x1  }
0xbe: {  	_ =	sfence.sel $0xFFFF  }
0xbf: {  	[dreg:$0x0] =	wrdreg $0xFFFFFFFF;
	(pc) =	sbr.abs _section_cstart, $3  }
0xc0: {  	[dreg:$0x1] =	wrdreg $0xFFFFFFFF  }
0xc1: {  	_ =	task.clear_ibuf [dreg:s6], $0x2FFFF;
	_ =	strace $0x9FFFFFFF  }
0xc2: {  	(tm) =	ssettm $0x7FFFFFFF  }
0xc3: {  	_ =	shalt  }
tec
execute0_lowered:
.L_overlay_start_1:
0x0: {  	(tag) =	ssettag $0x1  }
0x1: {  	s8 =	rddreg [dreg:$0x0]  }
0x2: {  	s2 =	rddreg [dreg:$0x1]  }
0x3: {  	s0 =	rddreg [dreg:$0x2];
	s3 =	simm.s32 $0x0  }
0x4: {  	s1 =	stileid.u32;
	s5 =	srdreg.scid;
	s17 =	simm.s32 $0xC00  }
0x5: {  	s18 =	simm.s32 $0x4000;
	s19 =	simm.s32 $0x50;
	s21 =	simm.s32 $0x0  }
0x6: {  	[smem:$0x7FF] =	sst s3;
	s4 =	smul.u32 $0x75300, s1;
	s31 =	sshll.u32 s1, $0xB  }
0x7: {  	s16 =	sand.u32 $0x1, s5;
	p1 =	seq.s32 s1, $0x0;
	s5 =	sadd.s32 $0x47C00, s8  }
0x8: {  	_ =	strace $0x80000053;
	s6 =	sadd.s32 s31, s8;
	s7 =	ssub.s32 $0x2, s16  }
0x9: {  	p0 =	seq.s32 s16, $0x1;
	s13 =	sor.u32 s1, s16;
	p3 =	sne.s32 s16, $0x0  }
0xa: {  	s16 =	simm.s32 $0x400;
	s12 =	sadd.s32 s4, s8;
	s4 =	sadd.s32 $0x20A00, s8  }
0xb: {  	s9 =	sshrl.u32 s7, $0x1;
	p1 =	por !p1, !p0;
	s6 =	sadd.s32 $0x13400, s6  }
.Ltmp0:
0xc: {  	p2 =	sne.s32 s13, $0x0;
	s13 =	simm.s32 $0x1;
	(pc) =	sbr.rel .LBB2_1-.Ltmp0, $4  }
0xd: {  	s9 =	ssub.s32 s7, s9;
	s7 =	sadd.s32 $0x47C80, s8;
	s8 =	sadd.s32 $0x47D00, s8  }
0xe: {  	p1 =	por !p1, !p1;
	s10 =	sadd.s32 $0x79AC00, s12;
	s11 =	sadd.s32 $0x79AC80, s12  }
0xf: {  	s12 =	sadd.s32 $0x79AD00, s12;
	s14 =	sshll.u32 @!p2 s1, $0x6;
	s15 =	sshrl.u32 @!p2 s2, $0x3  }
0x10: {  	s9 =	smax.u32 s9, $0x1;
	s14 =	sor.u32 @!p2 $0x1C01, s14;
	s20 =	sshrl.u32 @p1 s2, $0x3  }
.LBB2_13:
0x11: {  	[sflag:s13] =	ssyncadd.s32 $0xFFFFD800  }
.LBB2_14:
0x12: {  	s21 =	sadd.s32 $0x1, s21  }
0x13: {  	[bflag:$0x0] =	sbarrier.arrive $0xFFFF;
	s23 =	simm.s32 @!p2 $0x8;
	p4 =	sne.s32 s21, s9  }
.Ltmp1:
0x14: {  	s24 =	simm.s32 @!p2 $0x180;
	s25 =	simm.s32 @!p2 $0x80;
	(pc) =	sbr.rel @!p4 .LBB2_15-.Ltmp1, $4  }
0x15: {  	[hbm:s8@s24], [sflag:s14] =	dma.strided @!p2 [spmem:s15@s25], $0x27100, s23, $0x10   }
0x16: {  	_ =	swait.ge @!p2 [sflag:s22], $0x27100  }
0x17: {  	[sflag:s22] =	ssyncset.done @!p2 $0x0  }
0x18: {  	[sflag:s22] =	ssyncadd.s32 @!p2 $0xFFFD8F00  }
.LBB2_1:
0x19: {  	[tilespmem:s3], [sflag:$0x1] =	stream.linear.gather [hbm4b:s6+s3], $0x3E80, $0x38;
	[tilespmem:$0x1A080] =	vst v63  }
0x1a: {  	_ =	swait.ge [sflag:s13], $0x3E80  }
0x1b: {  	[sflag:s13] =	ssyncset.done $0x0  }
0x1c: {  	s22 =	simm.s32 @!p2 $0x1;
	[sflag:s13] =	ssyncadd.s32 $0xFFFFC180  }
0x1d: {  	[spmem:s15], [sflag:s14] =	dma.local @!p2 [hbm:s4], $0x27100  }
.Ltmp2:
0x1e: {  	_ =	swait.ge @!p2 [sflag:s22], $0x27100;
	(pc) =	sbr.rel @p3 .LBB2_5-.Ltmp2, $3  }
0x1f: {  	[sflag:s22] =	ssyncset.done @!p2 $0x0  }
0x20: {  	[sflag:s22] =	ssyncadd.s32 @!p2 $0xFFFD8F00  }
0x21: {  	[bflag:$0x0] =	sbarrier.arrive $0xFFFF;
	_ =	sdelay $0x1  }
0x22: {  	[tilespmem:s18], [sflag:$0x1] =	stream.strided.gather [hbm4b:s10+s16], $0x2800, s17, s16, $0x38;
	[tilespmem:$0x1A080] =	vst v63  }
0x23: {  	_ =	swait.ge [sflag:s13], $0x2800  }
0x24: {  	[sflag:s13] =	ssyncset.done $0x0  }
0x25: {  	s23 =	simm.s32 $0x0;
	[sflag:s13] =	ssyncadd.s32 $0xFFFFD800  }
0x26: {  	[spmem:s2] =	stream.indirect.scatter.add.f32 [tilespmem:s18], [sflag:$0x1], $0x80, s23, s19, $0xb8;
	[tilespmem:$0x1A080] =	vst v63  }
0x27: {  	_ =	swait.ge [sflag:s13], $0x2800  }
0x28: {  	s24 =	smov.u32 s10;
	s23 =	simm.s32 $0x200;
	[sflag:s13] =	ssyncset.done $0x0  }
.LBB2_3:
0x29: {  	p4 =	sne.s32 s23, $0xF800;
	[sflag:s13] =	ssyncadd.s32 $0xFFFFD800;
	s24 =	sadd.s32 $0xF00, s24  }
0x2a: {  	[tilespmem:s18], [sflag:$0x1] =	stream.strided.gather [hbm4b:s24+s16], $0x2800, s17, s16, $0x38;
	[tilespmem:$0x1A080] =	vst v63  }
0x2b: {  	s25 =	smov.u32 s23;
	s23 =	sadd.s32 $0x200, s23;
	_ =	swait.ge [sflag:s13], $0x2800  }
.Ltmp3:
0x2c: {  	[sflag:s13] =	ssyncset.done $0x0;
	(pc) =	sbr.rel @p4 .LBB2_3-.Ltmp3, $4  }
0x2d: {  	s25 =	sshra.s32 s25, $0x2;
	[sflag:s13] =	ssyncadd.s32 $0xFFFFD800  }
0x2e: {  	[spmem:s2] =	stream.indirect.scatter.add.f32 [tilespmem:s18], [sflag:$0x1], $0x80, s25, s19, $0xb8;
	[tilespmem:$0x1A080] =	vst v63  }
0x2f: {  	_ =	swait.ge [sflag:s13], $0x2800  }
0x30: {  	[sflag:s13] =	ssyncset.done $0x0  }
0x31: {  	[sflag:s13] =	ssyncadd.s32 $0xFFFFD800  }
.LBB2_5:
0x32: {  	[bflag:$0x0] =	sbarrier.arrive $0xFFFF  }
0x33: {  	s23 =	simm.s32 @!p2 $0x8;
	s24 =	simm.s32 @!p2 $0x180;
	s25 =	simm.s32 @!p2 $0x80  }
0x34: {  	[hbm:s5@s24], [sflag:s14] =	dma.strided @!p2 [spmem:s15@s25], $0x27100, s23, $0x10   }
0x35: {  	_ =	swait.ge @!p2 [sflag:s22], $0x27100  }
0x36: {  	[sflag:s22] =	ssyncset.done @!p2 $0x0  }
0x37: {  	[sflag:s22] =	ssyncadd.s32 @!p2 $0xFFFD8F00;
	s22 =	simm.s32 @p1 $0x1C01  }
0x38: {  	[spmem:s20], [sflag:s22] =	dma.local @p1 [hbm:s4], $0x27100  }
0x39: {  	s22 =	simm.s32 @p1 $0x1  }
.Ltmp4:
0x3a: {  	_ =	swait.ge @p1 [sflag:s22], $0x27100;
	(pc) =	sbr.rel @!p0 .LBB2_6-.Ltmp4, $3  }
0x3b: {  	[sflag:s22] =	ssyncset.done @p1 $0x0  }
0x3c: {  	[sflag:s22] =	ssyncadd.s32 @p1 $0xFFFD8F00  }
0x3d: {  	[bflag:$0x0] =	sbarrier.arrive $0xFFFF;
	_ =	sdelay $0x1  }
0x3e: {  	[tilespmem:s18], [sflag:$0x1] =	stream.strided.gather [hbm4b:s11+s16], $0x2800, s17, s16, $0x38;
	[tilespmem:$0x1A080] =	vst v63  }
0x3f: {  	_ =	swait.ge [sflag:s13], $0x2800  }
0x40: {  	[sflag:s13] =	ssyncset.done $0x0  }
0x41: {  	s22 =	simm.s32 $0x0;
	[sflag:s13] =	ssyncadd.s32 $0xFFFFD800  }
0x42: {  	[spmem:s2] =	stream.indirect.scatter.add.f32 [tilespmem:s18], [sflag:$0x1], $0x80, s22, s19, $0xb8;
	[tilespmem:$0x1A080] =	vst v63  }
0x43: {  	_ =	swait.ge [sflag:s13], $0x2800  }
0x44: {  	s23 =	smov.u32 s11;
	s22 =	simm.s32 $0x200;
	[sflag:s13] =	ssyncset.done $0x0  }
.LBB2_8:
0x45: {  	p4 =	sne.s32 s22, $0xF800;
	[sflag:s13] =	ssyncadd.s32 $0xFFFFD800;
	s23 =	sadd.s32 $0xF00, s23  }
0x46: {  	[tilespmem:s18], [sflag:$0x1] =	stream.strided.gather [hbm4b:s23+s16], $0x2800, s17, s16, $0x38;
	[tilespmem:$0x1A080] =	vst v63  }
0x47: {  	s24 =	smov.u32 s22;
	s22 =	sadd.s32 $0x200, s22;
	_ =	swait.ge [sflag:s13], $0x2800  }
.Ltmp5:
0x48: {  	[sflag:s13] =	ssyncset.done $0x0;
	(pc) =	sbr.rel @p4 .LBB2_8-.Ltmp5, $4  }
0x49: {  	s24 =	sshra.s32 s24, $0x2;
	[sflag:s13] =	ssyncadd.s32 $0xFFFFD800  }
0x4a: {  	[spmem:s2] =	stream.indirect.scatter.add.f32 [tilespmem:s18], [sflag:$0x1], $0x80, s24, s19, $0xb8;
	[tilespmem:$0x1A080] =	vst v63  }
0x4b: {  	_ =	swait.ge [sflag:s13], $0x2800  }
0x4c: {  	[sflag:s13] =	ssyncset.done $0x0  }
0x4d: {  	[sflag:s13] =	ssyncadd.s32 $0xFFFFD800;
	s22 =	simm.s32 @p1 $0x8;
	s23 =	simm.s32 @p1 $0x180  }
0x4e: {  	s24 =	simm.s32 @p1 $0x80;
	s25 =	simm.s32 @p1 $0x1C01;
	[bflag:$0x0] =	sbarrier.arrive $0xFFFF  }
0x4f: {  	[hbm:s7@s23], [sflag:s25] =	dma.strided @p1 [spmem:s20@s24], $0x27100, s22, $0x10   }
.Ltmp6:
0x50: {  	_ = 	snop;
	(pc) =	sbr.rel .LBB2_10-.Ltmp6, $4  }
0x51: {  	s22 =	simm.s32 @p1 $0x1  }
0x52: {  	_ =	swait.ge @p1 [sflag:s22], $0x27100  }
0x53: {  	[sflag:s22] =	ssyncset.done @p1 $0x0  }
0x54: {  	[sflag:s22] =	ssyncadd.s32 @p1 $0xFFFD8F00  }
.LBB2_6:
0x55: {  	[bflag:$0x0] =	sbarrier.arrive $0xFFFF  }
.LBB2_10:
0x56: {  	[spmem:s15], [sflag:s14] =	dma.local @!p2 [hbm:s4], $0x27100  }
0x57: {  	s22 =	simm.s32 @!p2 $0x1  }
.Ltmp7:
0x58: {  	_ =	swait.ge @!p2 [sflag:s22], $0x27100;
	(pc) =	sbr.rel @p3 .LBB2_14-.Ltmp7, $3  }
0x59: {  	[sflag:s22] =	ssyncset.done @!p2 $0x0  }
0x5a: {  	[sflag:s22] =	ssyncadd.s32 @!p2 $0xFFFD8F00  }
0x5b: {  	[bflag:$0x0] =	sbarrier.arrive $0xFFFF;
	_ =	sdelay $0x1  }
0x5c: {  	[tilespmem:s18], [sflag:$0x1] =	stream.strided.gather [hbm4b:s12+s16], $0x2800, s17, s16, $0x38;
	[tilespmem:$0x1A080] =	vst v63  }
0x5d: {  	_ =	swait.ge [sflag:s13], $0x2800  }
0x5e: {  	[sflag:s13] =	ssyncset.done $0x0  }
0x5f: {  	s23 =	simm.s32 $0x0;
	[sflag:s13] =	ssyncadd.s32 $0xFFFFD800  }
0x60: {  	[spmem:s2] =	stream.indirect.scatter.add.f32 [tilespmem:s18], [sflag:$0x1], $0x80, s23, s19, $0xb8;
	[tilespmem:$0x1A080] =	vst v63  }
0x61: {  	_ =	swait.ge [sflag:s13], $0x2800  }
0x62: {  	s24 =	smov.u32 s12;
	s23 =	simm.s32 $0x200;
	[sflag:s13] =	ssyncset.done $0x0  }
.LBB2_12:
0x63: {  	p4 =	sne.s32 s23, $0xF800;
	[sflag:s13] =	ssyncadd.s32 $0xFFFFD800;
	s24 =	sadd.s32 $0xF00, s24  }
0x64: {  	[tilespmem:s18], [sflag:$0x1] =	stream.strided.gather [hbm4b:s24+s16], $0x2800, s17, s16, $0x38;
	[tilespmem:$0x1A080] =	vst v63  }
0x65: {  	s25 =	smov.u32 s23;
	s23 =	sadd.s32 $0x200, s23;
	_ =	swait.ge [sflag:s13], $0x2800  }
.Ltmp8:
0x66: {  	[sflag:s13] =	ssyncset.done $0x0;
	(pc) =	sbr.rel @p4 .LBB2_12-.Ltmp8, $4  }
0x67: {  	s25 =	sshra.s32 s25, $0x2;
	[sflag:s13] =	ssyncadd.s32 $0xFFFFD800  }
0x68: {  	[spmem:s2] =	stream.indirect.scatter.add.f32 [tilespmem:s18], [sflag:$0x1], $0x80, s25, s19, $0xb8;
	[tilespmem:$0x1A080] =	vst v63  }
0x69: {  	_ =	swait.ge [sflag:s13], $0x2800  }
0x6a: {  	[sflag:s13] =	ssyncset.done $0x0  }
.Ltmp9:
0x6b: {  	_ = 	snop;
	(pc) =	sbr.rel .LBB2_13-.Ltmp9, $1  }
0x6c: {  	_ =	sdelay $0x3  }
.LBB2_15:
0x6d: {  	_ =	sfence.sel $0x180000  }
0x6e: {  	[bflag:$0x0] =	sbarrier.arrive $0xFFFF  }
0x6f: {  	p0 =	sne.s32 s1, $0x0;
	_ =	strace $0x90000053  }
0x70: {  	s0 =	sadd.s32 @!p0 $0x100000, s0;
	[bflag:$0x2] =	sbarrier.arrive $0xFFFF  }
0x71: {  	[sflag:s0] =	ssyncadd.tile.s32 @!p0 $0x1;
	_ =	shalt  }
.Lfunc_end2:
_tile_overlayer_lowered:
.L_overlay_start_2:
0x72: {  	(tag) =	ssettag $0x2  }
0x73: {  	s0 =	rddreg [dreg:$0x0];
	s2 =	stileid.u32  }
0x74: {  	s1 =	rddreg [dreg:$0x1];
	p0 =	sne.s32 s2, $0x0  }
0x75: {  	s3 =	rddreg [dreg:$0x2];
	[bflag:$0x3] =	sbarrier.arrive $0xFFFF;
	s2 =	simm.s32 @!p0 $0x1C01  }
0x76: {  	[timem:s3], [sflag:s2] =	dma.local @!p0 [hbm:s0], s1  }
0x77: {  	s0 =	simm.s32 @!p0 $0x1  }
0x78: {  	_ =	swait.ge @!p0 [sflag:s0], s1  }
0x79: {  	s1 =	ssub.s32 @!p0 $0x0, s1;
	[sflag:s0] =	ssyncset.done @!p0 $0x0  }
0x7a: {  	[sflag:s0] =	ssyncadd.s32 @!p0 s1  }
0x7b: {  	[bflag:$0x3] =	sbarrier.arrive $0xFFFF  }
0x7c: {  	_ =	shalt  }

// kernel: scatter_offload_async_start
scs
__scs_entry_jumppad:
0x0: {  	(pc) =	sbr.rel $0x88, $3  }
0x1: {  	(tag) =	ssettag $0x0;
	lr =	simm.s32 $0x1  }
0x2: {  	[smem:$0x3F71] =	sst lr;
	_ =	strace $0xD0000000  }
0x3: {  	_ = 	snop  }
0x4: {  	_ = 	snop  }
0x5: {  	_ = 	snop  }
0x6: {  	_ = 	snop  }
0x7: {  	_ = 	snop  }
__scs_overlays_trampoline_lowered:
0x8: {  	[smem:$0x3F80] =	sst s0  }
0x9: {  	[smem:$0x3F81] =	sst s1  }
0xa: {  	[smem:$0x3F82] =	sst s2  }
0xb: {  	[smem:$0x3F83] =	sst s3  }
0xc: {  	[smem:$0x3F84] =	sst s4  }
0xd: {  	[smem:$0x3F85] =	sst s5  }
0xe: {  	[smem:$0x3F86] =	sst s6  }
0xf: {  	[smem:$0x3F87] =	sst s7  }
0x10: {  	[smem:$0x3F88] =	sst s8  }
0x11: {  	[smem:$0x3F89] =	sst s9;
	s0 =	simm.s32 @!p0 $0x0  }
0x12: {  	s1 =	sld [smem:$0x3F6F];
	s0 =	simm.s32 @p0 $0x1  }
0x13: {  	[smem:$0x3F8A] =	sst s0;
	s0 =	simm.s32 @!p1 $0x0  }
0x14: {  	s2 =	sld [smem:$0x3F6E];
	s0 =	simm.s32 @p1 $0x1  }
0x15: {  	[smem:$0x3F8B] =	sst s0;
	s0 =	simm.s32 @!p2 $0x0  }
0x16: {  	s3 =	sld [smem:$0x3FDB];
	s0 =	simm.s32 @p2 $0x1  }
0x17: {  	s4 =	simm.s32 $0x1BF5;
	[smem:$0x3F8D] =	sst s0  }
0x18: {  	s0 =	sld [smem:$0x3F70];
	_ =	swait.ge [sflag:s4], $0x0  }
0x19: {  	s7 =	sld [smem:$0x3F71]  }
0x1a: {  	s8 =	sadd.s32 $0xFFFFE003, lr  }
0x1b: {  	s9 =	sadd.s32 $0xFFFFFEF7, lr;
	s5 =	simm.s32 $0xFFFFFFFF;
	p2 =	slt.u32 s8, $0xFFFFF086  }
0x1c: {  	p1 =	slt.u32 s9, $0xF7A;
	s5 =	simm.s32 @!p2 $0x0  }
0x1d: {  	s5 =	simm.s32 @p1 $0x1;
	p0 =	seq.s32 s7, s2  }
0x1e: {  	s7 =	smul.u32 @!p0 $0xF7A, s2;
	p2 =	seq.s32 @!p0 s5, $0x0  }
0x1f: {  	s9 =	smul.u32 $0xF7A, s1;
	s8 =	simm.s32 @!p0 $0x1BF5;
	p2 =	por !p2, p0  }
0x20: {  	[sflag:s8] =	ssyncset.s32 @!p0 $0xFFFFF086;
	s6 =	sadd.s32 @!p0 s3, s7;
	s7 =	simm.s32 @!p0 $0x108  }
0x21: {  	s3 =	sadd.s32 s3, s9;
	s6 =	sadd.s32 @!p0 $0x88, s6;
	s7 =	simm.s32 @p2 $0x1082  }
0x22: {  	[simem:s7], [sflag:s8] =	dma.local @!p0 [hbm:s6], $0xF7A  }
0x23: {  	s9 =	sor.u32 $0xD0000000, s2;
	s6 =	simm.s32 $0x108;
	_ =	swait.ge @!p0 [sflag:s8], $0x0  }
0x24: {  	s3 =	sadd.s32 $0x88, s3;
	s6 =	simm.s32 @!p1 $0x1082;
	[sflag:s4] =	ssyncset.s32 $0xFFFFF086  }
0x25: {  	[simem:s6], [sflag:s4] =	dma.local [hbm:s3], $0xF7A  }
0x26: {  	[smem:$0x3F71] =	sst s1;
	(tag) =	ssettag s2;
	_ =	strace s9  }
0x27: {  	s1 =	sld [smem:$0x3F81]  }
0x28: {  	s2 =	sld [smem:$0x3F82]  }
0x29: {  	s4 =	sld [smem:$0x3F84]  }
0x2a: {  	p0 =	seq.s32 s5, $0x0;
	s5 =	sld [smem:$0x3F85]  }
0x2b: {  	s6 =	sld [smem:$0x3F86]  }
0x2c: {  	s7 =	sld [smem:$0x3F87]  }
0x2d: {  	s3 =	simm.s32 $0x108;
	s8 =	sld [smem:$0x3F88]  }
0x2e: {  	s3 =	simm.s32 @!p0 $0x1082;
	s9 =	sld [smem:$0x3F89]  }
0x2f: {  	lr =	sadd.s32 s0, s3;
	s0 =	sld [smem:$0x3F80]  }
0x30: {  	s3 =	sld [smem:$0x3F83]  }
0x31: {  	[smem:$0x3F8C] =	sst s10  }
0x32: {  	s10 =	sld [smem:$0x3F8A];
	_ =	sdelay $0x3  }
0x33: {  	p0 =	seq.s32 s10, $0x1;
	s10 =	sld [smem:$0x3F8C];
	_ =	sdelay $0x3  }
0x34: {  	[smem:$0x3F8C] =	sst s10  }
0x35: {  	s10 =	sld [smem:$0x3F8B];
	_ =	sdelay $0x3  }
0x36: {  	p1 =	seq.s32 s10, $0x1;
	s10 =	sld [smem:$0x3F8C];
	_ =	sdelay $0x3  }
0x37: {  	[smem:$0x3F8C] =	sst s10  }
0x38: {  	s10 =	sld [smem:$0x3F8D]  }
0x39: {  	_ = 	snop;
	(pc) =	sbr.ind lr, $3  }
0x3a: {  	_ = 	snop  }
0x3b: {  	_ = 	snop  }
0x3c: {  	p2 =	seq.s32 s10, $0x1;
	s10 =	sld [smem:$0x3F8C]  }
0x3d: {  	_ =	shalt  }
0x3e: {  	_ =	shalt  }
0x3f: {  	_ =	shalt  }
0x40: {  	_ =	shalt  }
0x41: {  	_ =	shalt  }
0x42: {  	_ =	shalt  }
0x43: {  	_ =	shalt  }
0x44: {  	_ =	shalt  }
0x45: {  	_ =	shalt  }
0x46: {  	_ =	shalt  }
0x47: {  	_ =	shalt  }
0x48: {  	_ =	shalt  }
0x49: {  	_ =	shalt  }
0x4a: {  	_ =	shalt  }
0x4b: {  	_ =	shalt  }
0x4c: {  	_ =	shalt  }
0x4d: {  	_ =	shalt  }
0x4e: {  	_ =	shalt  }
0x4f: {  	_ =	shalt  }
0x50: {  	_ =	shalt  }
0x51: {  	_ =	shalt  }
0x52: {  	_ =	shalt  }
0x53: {  	_ =	shalt  }
0x54: {  	_ =	shalt  }
0x55: {  	_ =	shalt  }
0x56: {  	_ =	shalt  }
0x57: {  	_ =	shalt  }
0x58: {  	_ =	shalt  }
0x59: {  	_ =	shalt  }
0x5a: {  	_ =	shalt  }
0x5b: {  	_ =	shalt  }
0x5c: {  	_ =	shalt  }
0x5d: {  	_ =	shalt  }
0x5e: {  	_ =	shalt  }
0x5f: {  	_ =	shalt  }
0x60: {  	_ =	shalt  }
0x61: {  	_ =	shalt  }
0x62: {  	_ =	shalt  }
0x63: {  	_ =	shalt  }
0x64: {  	_ =	shalt  }
0x65: {  	_ =	shalt  }
0x66: {  	_ =	shalt  }
0x67: {  	_ =	shalt  }
0x68: {  	_ =	shalt  }
0x69: {  	_ =	shalt  }
0x6a: {  	_ =	shalt  }
0x6b: {  	_ =	shalt  }
0x6c: {  	_ =	shalt  }
0x6d: {  	_ =	shalt  }
0x6e: {  	_ =	shalt  }
0x6f: {  	_ =	shalt  }
0x70: {  	_ =	shalt  }
0x71: {  	_ =	shalt  }
0x72: {  	_ =	shalt  }
0x73: {  	_ =	shalt  }
0x74: {  	_ =	shalt  }
0x75: {  	_ =	shalt  }
0x76: {  	_ =	shalt  }
0x77: {  	_ =	shalt  }
0x78: {  	_ =	shalt  }
0x79: {  	_ =	shalt  }
0x7a: {  	_ =	shalt  }
0x7b: {  	_ =	shalt  }
0x7c: {  	_ =	shalt  }
0x7d: {  	_ =	shalt  }
0x7e: {  	_ =	shalt  }
0x7f: {  	_ =	shalt  }
0x80: {  	_ =	shalt  }
0x81: {  	_ =	shalt  }
0x82: {  	_ =	shalt  }
0x83: {  	_ =	shalt  }
0x84: {  	_ =	shalt  }
0x85: {  	_ =	shalt  }
0x86: {  	_ =	shalt  }
0x87: {  	_ =	shalt  }
.Lfunc_end0:
.L_simem_size_0:
called_computation_lowered:
.L_overlay_start_0:
0x88: {  	s0 =	sld [smem:$0x3FD9]  }
0x89: {  	s1 =	sld [smem:$0x3FFE];
	_ =	sdelay $0x3  }
0x8a: {  	s0 =	sadd.s32 s1, s0  }
0x8b: {  	[smem:$0x3F98] =	sst s0  }
0x8c: {  	_ = 	snop  }
0x8d: {  	s0 =	sld [smem:$0x3FD0];
	(tm) =	ssettm $0x1  }
0x8e: {  	s16 =	sld [smem:$0x3FFB];
	_ =	sdelay $0x3  }
0x8f: {  	_ =	strace s16  }
0x90: {  	s1 =	sld [smem:$0x3FFC];
	_ =	sdelay $0x3  }
0x91: {  	_ =	strace s1  }
0x92: {  	s1 =	sld [smem:$0x3FFD];
	_ =	sdelay $0x3  }
0x93: {  	_ =	strace s1  }
0x94: {  	_ =	strace $0x8FFFFFFF  }
0x95: {  	s17 =	sld [smem:$0x3FDB];
	_ =	sdelay $0x1  }
0x96: {  	s2 =	simm.s32 $_scs_section_size  }
0x97: {  	s3 =	simm.s32 $_size__tile_overlayer_lowered;
	s4 =	simm.s32 $_tile_overlayer_lowered  }
0x98: {  	s20 =	simm.s32 $0x1BFF;
	s19 =	sshll.u32 s4, $0x1;
	s1 =	sadd.s32 s2, s17  }
0x99: {  	s5 =	simm.s32 $0x0;
	s18 =	sshll.u32 s3, $0x1;
	s3 =	sadd.s32 s19, s1  }
0x9a: {  	[timem:s5], [sflag:s20] =	dma.local [hbm:s3], s18  }
0x9b: {  	_ =	swait.ge [sflag:s20], s18  }
0x9c: {  	s2 =	ssub.s32 $0x0, s18;
	[sflag:s20] =	ssyncset.done $0x0  }
0x9d: {  	[sflag:s20] =	ssyncadd.s32 s2;
	_ =	sdelay $0x1  }
0x9e: {  	s21 =	simm.s32 $0x1B8B  }
0x9f: {  	_ =	swait.ge [sflag:s21], $0x1  }
0xa0: {  	[sflag:s21] =	ssyncset.done $0x0  }
0xa1: {  	s23 =	simm.s32 $0x1B8E;
	s22 =	sld [smem:$0x3FFE];
	[sflag:s21] =	ssyncadd.s32 $0xFFFFFFFF  }
0xa2: {  	s24 =	simm.s32 $execute0_lowered;
	[smem:$0x3FD2] =	sst s23  }
0xa3: {  	s3 =	sshll.u32 s24, $0x1;
	_ =	strace $0x80000058;
	[dreg:$0x1] =	wrdreg $0xFFFFFFFF  }
0xa4: {  	s25 =	simm.s32 $_size_execute0_lowered;
	s1 =	sadd.s32 s1, s3;
	[dreg:$0x0] =	wrdreg $0x0  }
0xa5: {  	s3 =	sshll.u32 s25, $0x1;
	[dreg:$0x2] =	wrdreg s1  }
0xa6: {  	[dreg:$0x3] =	wrdreg s3  }
0xa7: {  	[dreg:$0x4] =	wrdreg $0xC0  }
0xa8: {  	_ =	task [dreg:s5], $0x5FFFF  }
0xa9: {  	[dreg:$0x1] =	wrdreg $0xFFFFFFFF  }
0xaa: {  	[dreg:$0x0] =	wrdreg $0x60  }
0xab: {  	[dreg:$0x2] =	wrdreg s0  }
0xac: {  	[dreg:$0x3] =	wrdreg s22  }
0xad: {  	[dreg:$0x4] =	wrdreg $0x9  }
0xae: {  	_ =	task.clear_ibuf [dreg:s5], $0x5FFFF;
	_ =	strace $0x90000058  }
0xaf: {  	s26 =	simm.s32 $0x9;
	_ =	strace $0x8000005A  }
0xb0: {  	_ =	swait.ge [sflag:s26], $0x1  }
0xb1: {  	[sflag:s26] =	ssyncadd.s32 $0xFFFFFFFF  }
0xb2: {  	_ =	strace $0x9000005A  }
0xb3: {  	_ =	sfence  }
0xb4: {  	s28 =	sld [smem:$0x0];
	_ =	sdelay $0x1  }
0xb5: {  	s29 =	srdreg.scid  }
0xb6: {  	s30 =	sshll.u32 s29, $0xD;
	s31 =	sshrl.u32 s29, $0x2  }
0xb7: {  	s2 =	sand.u32 $0x4000, s30;
	s1 =	sand.u32 $0x1, s29;
	s0 =	sadd.s32 s31, s28  }
0xb8: {  	s1 =	sor.u32 s2, s1;
	s0 =	sshll.u32 s0, $0x11  }
0xb9: {  	s0 =	sor.u32 s0, s1  }
0xba: {  	s0 =	sadd.s32 $0x8F2B, s0  }
0xbb: {  	[sflag:s0] =	ssyncadd.remote.s32 $0x1  }
0xbc: {  	_ =	sfence.sel $0xFFFF  }
0xbd: {  	[dreg:$0x0] =	wrdreg $0xFFFFFFFF;
	(pc) =	sbr.abs _section_cstart, $3  }
0xbe: {  	[dreg:$0x1] =	wrdreg $0xFFFFFFFF  }
0xbf: {  	_ =	task.clear_ibuf [dreg:s5], $0x2FFFF;
	_ =	strace $0x9FFFFFFF  }
0xc0: {  	(tm) =	ssettm $0x7FFFFFFF  }
0xc1: {  	_ =	shalt  }
tec
execute0_lowered:
.L_overlay_start_1:
0x0: {  	(tag) =	ssettag $0x1  }
0x1: {  	s1 =	rddreg [dreg:$0x0];
	s6 =	stileid.u32  }
0x2: {  	s0 =	rddreg [dreg:$0x1];
	_ =	strace $0x80000059;
	s2 =	smin.u32 s6, $0x9  }
0x3: {  	s9 =	simm.s32 $0x1;
	p0 =	slt.u32 s6, $0x9;
	s2 =	sadd.s32 s6, s2  }
0x4: {  	v1 =	vimm.s32 $0xFFFFFFFF;
	[sflag:s9] =	ssyncpa.u1 $0x0;
	s3 =	smul.u32 $0x190, s2;
	s2 =	simm.s32 $0x320  }
0x5: {  	[tilespmem:$0x10] =	vst v1;
	s2 =	simm.s32 @!p0 $0x190  }
0x6: {  	v0 =	vimm.f32 $0.0e+00;
	[tilespmem:$0x20] =	vst v1;
	s2 =	sadd.s32 s2, s3  }
0x7: {  	[tilespmem:$0x30] =	vst v0;
	s4 =	smin.u32 s2, $0x2710  }
0x8: {  	[tilespmem:$0x40] =	vst v0;
	s2 =	ssub.s32 s4, s3  }
0x9: {  	[tilespmem:$0x50] =	vst v0;
	p0 =	sgt.s32 s2, $0x0  }
0xa: {  	[tilespmem:$0x60] =	vst v1;
	s2 =	simm.s32 @!p0 $0x0  }
0xb: {  	s7 =	simm.s32 $0x2;
	s8 =	simm.s32 $0x8;
	[tilespmem:$0x70] =	vst v1;
	s5 =	sand.u32 $0xFFF0, s2  }
0xc: {  	s31 =	simm.s32 $0x9;
	s16 =	simm.s32 $0x0;
	[tilespmem:$0x80] =	vst v1;
	s5 =	sshrl.u32 s5, $0x4  }
0xd: {  	s17 =	simm.s32 $0xF0;
	s18 =	simm.s32 $0xFFFFFFFF;
	v1 =	vimm.s32 $0x0;
	[tilespmem:$0xB0] =	vst v0;
	s5 =	smul.u32 $0xA3E, s5  }
0xe: {  	s19 =	simm.s32 $0xFFFFFDE0;
	s20 =	simm.s32 $0xFFFFFFFE;
	s21 =	simm.s32 $0xF;
	[tilespmem:$0x90] =	vst v1  }
0xf: {  	[tilespmem:$0xA0] =	vst v1;
	[sflag:s7] =	ssyncpa.u1 $0x0;
	s7 =	simm.s32 $0x7;
	s10 =	sshrl.u32 s5, $0x10  }
0x10: {  	s25 =	simm.s32 $0x0;
	[sflag:s7] =	ssyncpa.u1 $0x0;
	s11 =	smul.u32 $0x190, s10  }
0x11: {  	s24 =	simm.s32 $0x0;
	s14 =	sshllo.u32 s6, $0x1;
	[sflag:s8] =	ssyncpa.u1 $0x0  }
.Ltmp0:
0x12: {  	s23 =	smov.u32 s3;
	p0 =	sne.s32 s2, s11;
	(pc) =	sbr.rel .LBB2_1-.Ltmp0, $4  }
0x13: {  	s5 =	sadd.s32 $0xBA00, s0;
	s0 =	sadd.s32 $0xC000, s0;
	s9 =	simm.s32 @!p0 $0x0  }
0x14: {  	[sflag:s31] =	ssyncpa.u1 $0x0;
	[dreg:$0x3] =	wrdreg s0;
	s9 =	sadd.s32 s10, s9  }
0x15: {  	vm0 =	vmmov $0xffff;
	v2 =	vlaneseq.u32;
	p0 =	por $0x0, $0x0;
	s10 =	sshll.u32 s6, $0x1;
	s11 =	sadd.s32 $0x1, s9  }
0x16: {  	vm1 =	vmxor vm1, vm1;
	vm2 =	vmmov $0x1;
	vm3 =	vcmask $0x3F3C;
	s12 =	sadd.s32 $0x2, s9;
	s13 =	sor.u32 $0x81, s10;
	s15 =	sor.u32 $0x80, s10  }
.LBB2_9:
0x17: {  	p1 =	slt.u32 s24, $0x3  }
0x18: {  	s0 =	simm.s32 @!p1 $0x2  }
0x19: {  	_ =	swait.ge @!p1 [sflag:s0], $0x190  }
0x1a: {  	[sflag:s0] =	ssyncset.done @!p1 $0x0  }
0x1b: {  	[sflag:s0] =	ssyncadd.s32 @!p1 $0xFFFFFE70;
	s0 =	simm.s32 @!p1 $0x9  }
0x1c: {  	_ =	swait.ge @!p1 [sflag:s0], $0x10  }
0x1d: {  	[sflag:s0] =	ssyncset.done @!p1 $0x0  }
0x1e: {  	[sflag:s0] =	ssyncadd.s32 @!p1 $0xFFFFFFF0;
	p1 =	sne.s32 s24, s12  }
.Ltmp1:
0x1f: {  	s2 =	sadd.s32 $0x190, s23;
	(pc) =	sbr.rel @!p1 .LBB2_10-.Ltmp1, $4  }
0x20: {  	s6 =	smov.u32 s3;
	s31 =	sadd.s32 $0x1, s24;
	s17 =	sadd.s32 $0x190, s17  }
0x21: {  	s18 =	sadd.s32 $0x1, s18;
	s25 =	smov.u32 s23;
	p2 =	slt.s32 s2, s4  }
0x22: {  	p0 =	por !p0, !p0;
	s19 =	sadd.s32 $0x190, s19;
	s6 =	smov.u32 @p2 s2  }
0x23: {  	s20 =	sadd.s32 $0x1, s20;
	s23 =	smov.u32 s6;
	s24 =	smov.u32 s31  }
.LBB2_1:
0x24: {  	p1 =	sge.u32 s24, s9  }
0x25: {  	s0 =	smulhi.u32 @!p1 $0xAAAAAAAB, s24;
	_ =	sdelay $0x1  }
0x26: {  	s0 =	sshrl.u32 @!p1 s0, $0x1  }
0x27: {  	s0 =	smul.u32 @!p1 $0x3, s0;
	_ =	sdelay $0x1  }
0x28: {  	s0 =	ssub.s32 @!p1 s24, s0  }
0x29: {  	s0 =	smul.u32 @!p1 $0x640, s0;
	_ =	sdelay $0x1  }
0x2a: {  	s2 =	sshrl.u32 @!p1 s23, $0x3;
	s0 =	sshrl.u32 @!p1 s0, $0x2  }
0x2b: {  	s22 =	sand.u32 @!p1 $0x7, s23;
	s2 =	sadd.s32 @!p1 s5, s2;
	s0 =	sadd.s32 @!p1 $0x100, s0  }
0x2c: {  	[tilespmem:s0], [sflag:$0x7] =	stream.linear.gather @!p1 [hbm4b:s2+s22], $0x190, $0x38;
	[tilespmem:$0xF30] =	vst v63  }
0x2d: {  	s0 =	sadd.s32 $0xFFFFFFFF, s24  }
0x2e: {  	p1 =	sge.u32 s0, s9  }
.Ltmp2:
0x2f: {  	_ = 	snop;
	(pc) =	sbr.rel @p1 .LBB2_5-.Ltmp2, $1  }
0x30: {  	_ =	sdelay $0x3  }
0x31: {  	s2 =	smulhi.u32 $0xAAAAAAAB, s0;
	_ =	sdelay $0x1  }
0x32: {  	s2 =	sshrl.u32 s2, $0x1  }
0x33: {  	s2 =	smul.u32 $0x3, s2;
	_ =	sdelay $0x1  }
0x34: {  	s2 =	ssub.s32 s0, s2  }
0x35: {  	s2 =	smul.u32 $0x640, s2  }
0x36: {  	_ =	swait.ge [sflag:s7], $0x190  }
0x37: {  	[sflag:s7] =	ssyncset.done $0x0;
	s2 =	sshrl.u32 s2, $0x2  }
0x38: {  	[sflag:s7] =	ssyncadd.s32 $0xFFFFFE70;
	(ifvalue) =	ssetifvalue $0xFFFFFFFF;
	v3 =	vld.msk [tilespmem:s2+$0x100 ss:$0x1], $0xffff;
	_ =	sdelay $0x2  }
0x39: {  	s30 =	smulhi.u32 $0xAAAAAAAB, s18;
	p1 =	sne.s32 s24, $0x1  }
0x3a: {  	v4 =	vimm.s32 @!p1 $0x0  }
0x3b: {  	s2 =	sshrl.u32 s30, $0x1;
	v4 =	vperm.xlane @!p1 v3, v4  }
0x3c: {  	s22 =	sshll.u32 s24, $0x4;
	s2 =	smul.u32 $0xFFFFED40, s2;
	vm4 =	vlt.u32 v3, $0x80  }
0x3d: {  	s22 =	sand.u32 $0x10, s22;
	v3 =	vnsel vm4, $0xFFFFFFFE, v3;
	vm4 =	vlt.u32 @!p1 v4, $0x80  }
0x3e: {  	s2 =	sshra.s32 s2, $0x2;
	[tilespmem:s22+$0x60] =	vst v3;
	v3 =	vnsel @!p1 vm4, $0xFFFFFFFE, v4  }
0x3f: {  	s28 =	sadd.s32 s2, s17;
	[tilespmem:$0x80] =	vst @!p1 v3  }
0x40: {  	v3 =	vld.msk [tilespmem:s28+$0x0 ss:$0x1], $0xffff;
	_ =	sdelay $0x4  }
0x41: {  	(xrf1) =	vunique.msk.u32 $0xffff, v3;
	_ =	sdelay $0xd  }
0x42: {  	v4 =	vimm.s32 $0xFFFFFFFF;
	v5, _, _ =	vpop (xrf1)  }
0x43: {  	vm5 =	vne.s32 v3, v4;
	vm4 =	veq.s32 v5, v2  }
0x44: {  	vm6 =	vlt.u32 v3, $0x80;
	vm4 =	vmand vm5, vm4  }
0x45: {  	vm4 =	vmand vm6, vm4  }
0x46: {  	v4 =	vnsel vm4, $0xFFFFFFFF, v3  }
0x47: {  	s31 =	sand.u32 $0x1, s0  }
0x48: {  	s0 =	simm.s32 $0x190;
	p1 =	seq.s32 s31, $0x1  }
0x49: {  	s0 =	simm.s32 @!p1 $0x0  }
0x4a: {  	s26 =	sadd.s32 $0x730, s0;
	(ifvalue) =	ssetifvalue $0xFFFFFFFF  }
0x4b: {  	v3 =	vperm.xlane v3, v1;
	[tilespmem:s26], [sflag:$0x8] =	stream.indirect_vreg.gather [hbm4b:s1+s16], $0x1, v4, vm0, $0x4038;
	v4 =	vnsel vm6, $0xFFFFFFFE, v4;
	[tilespmem:$0xF30] =	vst v63  }
0x4c: {  	s2 =	simm.s32 $0x0;
	s22 =	sadd.s32 $0xFFFFFFF0, s28;
	[tilespmem:s28+$0x0] =	vst v4  }
.LBB2_3:
0x4d: {  	v4 =	vld.msk [tilespmem:s22+$0x0 ss:$0x1], $0xffff;
	s2 =	sadd.s32 $0x10, s2;
	v5 =	vmov v3;
	s28 =	smov.u32 s22  }
0x4e: {  	p1 =	slt.u32 s2, $0x180;
	_ =	sdelay $0x4  }
0x4f: {  	v3 =	vperm.xlane v4, v1;
	(xrf1) =	vunique.msk.u32 $0xffff, v4;
	_ =	sdelay $0xd  }
0x50: {  	v6, _, _ =	vpop (xrf1)  }
0x51: {  	vm5 =	vne.s32 v4, v5;
	vm4 =	veq.s32 v6, v2  }
0x52: {  	vm6 =	vlt.u32 v4, $0x80;
	vm4 =	vmand vm5, vm4  }
0x53: {  	vm4 =	vmand vm6, vm4  }
0x54: {  	v4 =	vnsel vm4, $0xFFFFFFFF, v4  }
.Ltmp3:
0x55: {  	v5 =	vnsel vm6, $0xFFFFFFFE, v4;
	(pc) =	sbr.rel @p1 .LBB2_3-.Ltmp3, $3  }
0x56: {  	_ =	sdelay $0x1  }
0x57: {  	s22 =	sadd.s32 $0xFFFFFFF0, s22;
	s26 =	sadd.s32 $0xFFFFFFF0, s26;
	(ifvalue) =	ssetifvalue $0xFFFFFFFF  }
0x58: {  	[tilespmem:s26], [sflag:$0x8] =	stream.indirect_vreg.gather [hbm4b:s1+s16], $0x1, v4, vm0, $0x4038;
	[tilespmem:s28+$0x0] =	vst v5  }
0x59: {  	s2 =	sshrl.u32 s25, $0x3;
	s6 =	rddreg [dreg:$0x3]  }
0x5a: {  	s0 =	sadd.s32 $0x8D0, s0;
	s2 =	sadd.s32 s6, s2  }
0x5b: {  	[tilespmem:s0], [sflag:$0x8] =	stream.linear.gather [hbm:s2], $0x190, $0x38;
	[tilespmem:$0xF30] =	vst v63  }
.LBB2_5:
0x5c: {  	p1 =	slt.u32 s24, $0x2  }
0x5d: {  	p2 =	sge.u32 @!p1 s24, s12  }
0x5e: {  	p1 =	por p1, p2  }
.Ltmp4:
0x5f: {  	_ = 	snop;
	(pc) =	sbr.rel @p1 .LBB2_9-.Ltmp4, $1  }
0x60: {  	_ =	sdelay $0x3  }
0x61: {  	s0 =	sadd.s32 $0xFFFFFFFE, s24  }
0x62: {  	s2 =	smulhi.u32 $0xAAAAAAAB, s0;
	_ =	sdelay $0x1  }
0x63: {  	s2 =	sshrl.u32 s2, $0x1  }
0x64: {  	s2 =	smul.u32 $0x3, s2;
	_ =	sdelay $0x1  }
0x65: {  	s0 =	ssub.s32 s0, s2  }
0x66: {  	_ =	swait.ge [sflag:s8], $0x320;
	s0 =	smul.u32 $0x190, s0  }
0x67: {  	p1 =	sne.s32 s24, s11;
	[sflag:s8] =	ssyncset.done $0x0  }
0x68: {  	[sflag:s8] =	ssyncadd.s32 $0xFFFFFCE0;
	s2 =	sadd.s32 @!p1 $0x28F, s0  }
0x69: {  	[spmem:s13] =	stream.linear.scatter @!p1 [tilespmem:s2], [sflag:$0x1], $0x1, $0x38;
	[tilespmem:$0xF30] =	vst v63  }
0x6a: {  	s2 =	simm.s32 @!p1 $0x1  }
0x6b: {  	_ =	swait.ge @!p1 [sflag:s2], $0x1  }
0x6c: {  	s22 =	sshll.u32 s24, $0x4;
	[sflag:s2] =	ssyncset.done @!p1 $0x0  }
0x6d: {  	s25 =	sand.u32 $0x10, s22;
	[sflag:s2] =	ssyncadd.s32 @!p1 $0xFFFFFFFF  }
0x6e: {  	s2 =	sxor.u32 $0x10, s25;
	v4 =	vld [tilespmem:s25+$0x10]  }
0x6f: {  	v5 =	vld [tilespmem:s2+$0x60]  }
0x70: {  	v3 =	vld [tilespmem:$0x80];
	_ =	sdelay $0x2  }
0x71: {  	(v2sf) =	vpush v4, $0x0  }
0x72: {  	(v2sf) =	vpush v5, $0x0  }
0x73: {  	(v2sf) =	vpush v3, $0x0;
	_ =	sdelay $0xc  }
0x74: {  	s6 =	spop (v2sf)  }
0x75: {  	s28 =	spop (v2sf)  }
0x76: {  	s26 =	spop (v2sf)  }
0x77: {  	p2 =	seq.s32 s6, s28;
	p3 =	seq.s32 s26, s6  }
0x78: {  	p3 =	por p2, p3  }
0x79: {  	s6 =	sand.u32 $0x1, s24;
	v4 =	vpsel p3, $0xFFFFFFFF, v4  }
0x7a: {  	s28 =	smul.u32 $0x190, s6;
	[tilespmem:s25+$0x10] =	vst.msk $0x1, v4  }
0x7b: {  	v4 =	vld [tilespmem:$0x30]  }
0x7c: {  	v5 =	vld [tilespmem:s28+$0x8D0]  }
0x7d: {  	v6 =	vld [tilespmem:s25+$0x40];
	_ =	sdelay $0x3  }
0x7e: {  	vm4 =	vmmov vm1;
	v5 =	vadd.f32 v5, v4  }
0x7f: {  	vm5 =	vmmov vm2;
	vm4 =	vmmov @p2 vm2;
	v4 =	vadd.f32 v6, v4  }
0x80: {  	s22 =	sshll.u32 s6, $0x4;
	vm5 =	vmmov @p3 vm1;
	[tilespmem:s28+$0x8D0] =	vst.msk vm4, v5  }
0x81: {  	[tilespmem:s22+$0xF10] =	vst.msk vm5, v4  }
0x82: {  	v4 =	vld [tilespmem:s28+$0x730];
	_ =	sdelay $0x3  }
0x83: {  	v5 =	vimm.f32 $0.0e+00  }
0x84: {  	v4 =	vshift.insert v4, v5, s21  }
0x85: {  	s29 =	sor.u32 $0x40, s2  }
0x86: {  	[tilespmem:s29+$0x0] =	vst.msk $0x1, v4  }
0x87: {  	[tilespmem:s28+$0x73F] =	vst.msk $0x1, v5  }
0x88: {  	v4 =	vld [tilespmem:s0+$0x280];
	_ =	sdelay $0x1  }
0x89: {  	s29 =	smulhi.u32 $0xAAAAAAAB, s20;
	s0 =	simm.s32 $0x1  }
0x8a: {  	s0 =	simm.s32 @!p0 $0x0  }
0x8b: {  	s29 =	sshrl.u32 s29, $0x1;
	s0 =	smul.u32 $0x640, s0  }
0x8c: {  	s29 =	smul.u32 $0xFFFFED40, s29;
	v4 =	vshift.insert v4, v1, s21  }
0x8d: {  	s0 =	sshrl.u32 s0, $0x2  }
0x8e: {  	s29 =	sshra.s32 s29, $0x2;
	s30 =	sadd.s32 $0x8D0, s0;
	[tilespmem:s2+$0x10] =	vst.msk $0x1, v4  }
0x8f: {  	s6 =	sadd.s32 s29, s19;
	v6 =	vld [tilespmem:s30+$0x0]  }
0x90: {  	v7 =	vld [tilespmem:s6+$0x0];
	_ =	sdelay $0x3  }
0x91: {  	v5 =	vadd.f32 v6, v5  }
0x92: {  	vm4 =	vne.s32 v7, $0xFFFFFFFF  }
0x93: {  	(xrf2) =	vadd.seg.scan.f32 vm4, v5;
	_ =	sdelay $0x3  }
0x94: {  	s31 =	sadd.s32 $0x5B0, s0;
	v5 =	vperm.xlane v4, v1  }
0x95: {  	v6 =	vld [tilespmem:s31+$0x0]  }
0x96: {  	vm5 =	veq.s32 v7, v3;
	vm6 =	veq.s32 v7, v5  }
0x97: {  	vm7 =	vgt.u32 v7, $0xFFFFFFFD;
	vm6 =	vmor vm6, vm5  }
0x98: {  	vm6 =	vmor vm6, vm7  }
0x99: {  	v9 =	vld [tilespmem:$0xA0];
	v7 =	vsel vm6, $0xFFFFFFFF, v7  }
0x9a: {  	v10 =	vld [tilespmem:$0x90];
	v6 =	vsel vm5, $0x0, v6;
	v8, _, _ =	vpop (xrf2)  }
0x9b: {  	v6 =	vadd.f32 v8, v6  }
0x9c: {  	s0 =	sadd.s32 $0xBF0, s0  }
0x9d: {  	vm4 =	vmand vm4, vm3;
	[tilespmem:s0+$0x0] =	vst v6;
	(ifvalue) =	ssetifvalue $0xFFFFFFFF  }
0x9e: {  	vm6 =	veq.s32 v9, $0x1;
	[hbm4b:s1+s16] =	stream.indirect_vreg.scatter [tilespmem:s0], [sflag:$0x2], $0x1, v7, vm0, $0x4038;
	v7 =	vsel vm4, $0x0, v8;
	[tilespmem:$0xF30] =	vst v63  }
0x9f: {  	s29 =	sadd.s32 $0xF10, s22;
	s22 =	sadd.s32 $0x10, s6;
	s2 =	simm.s32 $0x0;
	vm4 =	vmor vm6, vm5;
	v6 =	vsel vm5, v8, v10;
	v7 =	vshift.insert v7, v0, s21  }
.LBB2_7:
0xa0: {  	v8 =	vld [tilespmem:s22+$0x0];
	s30 =	sadd.s32 $0x10, s30  }
0xa1: {  	s31 =	sadd.s32 $0x10, s31;
	v9 =	vld [tilespmem:s30+$0x0]  }
0xa2: {  	s2 =	sadd.s32 $0x10, s2;
	v10 =	vld [tilespmem:s31+$0x0]  }
0xa3: {  	p2 =	slt.u32 s2, $0x180;
	_ =	sdelay $0x2  }
0xa4: {  	v7 =	vadd.f32 v9, v7  }
0xa5: {  	vm5 =	vne.s32 v8, $0xFFFFFFFF  }
0xa6: {  	vm6 =	vmand vm5, vm3;
	(xrf2) =	vadd.seg.scan.f32 vm5, v7;
	_ =	sdelay $0x5  }
0xa7: {  	vm7 =	veq.s32 v8, v5;
	vm5 =	veq.s32 v8, v3  }
0xa8: {  	vm8 =	vgt.u32 v8, $0xFFFFFFFD;
	vm4 =	vmor vm4, vm5;
	vm7 =	vmor vm7, vm5  }
0xa9: {  	vm7 =	vmor vm7, vm8  }
0xaa: {  	v8 =	vsel vm7, $0xFFFFFFFF, v8  }
.Ltmp5:
0xab: {  	v7 =	vsel vm5, $0x0, v10;
	v9, _, _ =	vpop (xrf2);
	(pc) =	sbr.rel @p2 .LBB2_7-.Ltmp5, $4  }
0xac: {  	v6 =	vsel vm5, v9, v6;
	v10 =	vadd.f32 v9, v7;
	v7 =	vsel vm6, $0x0, v9  }
0xad: {  	s0 =	sadd.s32 $0x10, s0;
	v7 =	vshift.insert v7, v0, s21  }
0xae: {  	s22 =	sadd.s32 $0x10, s22;
	[tilespmem:s0+$0x0] =	vst v10;
	(ifvalue) =	ssetifvalue $0xFFFFFFFF  }
0xaf: {  	[hbm4b:s1+s16] =	stream.indirect_vreg.scatter [tilespmem:s0], [sflag:$0x2], $0x1, v8, vm0, $0x4038;
	[tilespmem:$0xF30] =	vst v63  }
0xb0: {  	v3 =	vld [tilespmem:s28+$0xD70];
	_ =	sdelay $0x4  }
0xb1: {  	v3 =	vshift.insert v3, v0, s21  }
0xb2: {  	s0 =	simm.s32 $0x30  }
0xb3: {  	[tilespmem:s0+$0x0] =	vst.msk $0x1, v3  }
0xb4: {  	v3 =	vsel vm4, $0x1, v1;
	[tilespmem:$0x90] =	vst v6  }
0xb5: {  	s0 =	sadd.s32 @!p1 $0xD7F, s28;
	[tilespmem:$0xA0] =	vst v3  }
0xb6: {  	[spmem:s14] =	stream.linear.scatter @!p1 [tilespmem:s0], [sflag:$0x1], $0x1, $0x38;
	[tilespmem:$0xF30] =	vst v63  }
0xb7: {  	s0 =	simm.s32 @!p1 $0x1  }
0xb8: {  	v3 =	vmctz.xlane @!p1 vm4;
	_ =	swait.ge @!p1 [sflag:s0], $0x1  }
0xb9: {  	(v2sf) =	vpush @!p1 v4, $0x0  }
0xba: {  	(v2sf) =	vpush @!p1 v3, $0x0;
	_ =	sdelay $0xd  }
0xbb: {  	s2 =	spop @!p1 (v2sf)  }
0xbc: {  	s6 =	spop @!p1 (v2sf)  }
0xbd: {  	p2 =	sne.s32 @!p1 s26, s2;
	p3 =	slt.s32 @!p1 s6, $0xF  }
0xbe: {  	[sflag:s0] =	ssyncset.done @!p1 $0x0;
	p2 =	por p2, p1;
	p3 =	por !p3, p1  }
0xbf: {  	[sflag:s0] =	ssyncadd.s32 @!p1 $0xFFFFFFFF;
	v3 =	vimm.s32 @!p2 $0xFFFFFFFF;
	s6 =	simm.s32 @p3 $0xF  }
0xc0: {  	[tilespmem:$0x80] =	vst @!p2 v3;
	s2 =	sadd.s32 @!p1 $0x90, s6  }
0xc1: {  	[spmem:s10] =	stream.linear.scatter @!p1 [tilespmem:s2], [sflag:$0x1], $0x1, $0x38;
	[tilespmem:$0xF30] =	vst v63  }
0xc2: {  	_ =	swait.ge @!p1 [sflag:s0], $0x1  }
0xc3: {  	[sflag:s0] =	ssyncset.done @!p1 $0x0  }
0xc4: {  	s2 =	simm.s32 @!p1 $0x80;
	[sflag:s0] =	ssyncadd.s32 @!p1 $0xFFFFFFFF  }
0xc5: {  	[spmem:s15] =	stream.linear.scatter @!p1 [tilespmem:s2], [sflag:$0x1], $0x1, $0x38;
	[tilespmem:$0xF30] =	vst v63  }
0xc6: {  	_ =	swait.ge @!p1 [sflag:s0], $0x1  }
0xc7: {  	[sflag:s0] =	ssyncset.done @!p1 $0x0  }
0xc8: {  	[sflag:s0] =	ssyncadd.s32 @!p1 $0xFFFFFFFF;
	(ifvalue) =	ssetifvalue $0xFFFFFFFF;
	v3 =	vld [tilespmem:s25+$0x10];
	_ =	sdelay $0x3  }
.Ltmp6:
0xc9: {  	_ = 	snop;
	(pc) =	sbr.rel .LBB2_9-.Ltmp6, $3  }
0xca: {  	_ =	sdelay $0x1  }
0xcb: {  	(ifvalue) =	ssetifvalue $0xFFFFFFFF  }
0xcc: {  	[hbm4b:s1+s16] =	stream.indirect_vreg.scatter [tilespmem:s29], [sflag:$0x9], $0x1, v3, vm0, $0x4038;
	[tilespmem:$0xF30] =	vst v63  }
.LBB2_10:
0xcd: {  	_ =	sfence.sel $0x180000  }
0xce: {  	s0 =	simm.s32 $0x7;
	[bflag:$0x0] =	sbarrier.arrive $0xFFFF  }
0xcf: {  	s26 =	simm.s32 $0x8;
	[sflag:s0] =	ssyncpa.u1 $0x1  }
0xd0: {  	s28 =	simm.s32 $0x9;
	[sflag:s26] =	ssyncpa.u1 $0x1  }
0xd1: {  	[sflag:s28] =	ssyncpa.u1 $0x1  }
0xd2: {  	_ =	sfence.stream.spmem  }
0xd3: {  	s29 =	simm.s32 $0x3;
	[bflag:$0x0] =	sbarrier.arrive $0xFFFF  }
0xd4: {  	s30 =	simm.s32 $0x4;
	[sflag:s29] =	ssyncpa.u1 $0x1  }
0xd5: {  	s31 =	simm.s32 $0x3C;
	s2 =	stileid.u32;
	[sflag:s30] =	ssyncpa.u1 $0x1  }
0xd6: {  	p0 =	sne.s32 s2, $0x0;
	[sflag:s31] =	ssyncpa.u1 $0x1  }
0xd7: {  	s0 =	simm.s32 @p0 $0x1;
	_ =	sfence @p0  }
0xd8: {  	[sflag:s0] =	ssyncpa.u1 @p0 $0x1;
	s0 =	simm.s32 @p0 $0x2  }
0xd9: {  	[sflag:s0] =	ssyncpa.u1 @p0 $0x1  }
0xda: {  	_ =	strace @p0 $0x90000059  }
0xdb: {  	[bflag:$0x2] =	sbarrier.arrive @p0 $0xFFFF  }
0xdc: {  	_ =	shalt @p0  }
.LBB2_11:
0xdd: {  	_ =	sfence.stream.spmem;
	s0 =	simm.s32 $0x5  }
0xde: {  	s2 =	simm.s32 $0x80;
	s3 =	simm.s32 $0xC0;
	[sflag:s0] =	ssyncpa.u1 $0x0  }
0xdf: {  	[tilespmem:s3], [sflag:$0x5] =	stream.linear.gather [spmem:s2], $0x20, $0x38;
	[tilespmem:$0xF30] =	vst v63  }
0xe0: {  	s2 =	simm.s32 $0x0;
	s3 =	simm.s32 $0xE0  }
0xe1: {  	[tilespmem:s3], [sflag:$0x5] =	stream.linear.gather [spmem:s2], $0x20, $0x38;
	[tilespmem:$0xF30] =	vst v63  }
.Ltmp7:
0xe2: {  	_ = 	snop;
	(pc) =	sbr.rel .LBB2_12-.Ltmp7, $4  }
0xe3: {  	_ =	swait.ge [sflag:s0], $0x40  }
0xe4: {  	[sflag:s0] =	ssyncset.done $0x0  }
0xe5: {  	s31 =	simm.s32 $0x6;
	[sflag:s0] =	ssyncadd.s32 $0xFFFFFFC0  }
0xe6: {  	s4 =	simm.s32 $0x0;
	[sflag:s31] =	ssyncpa.u1 $0x0  }
.LBB2_17:
0xe7: {  	p0 =	sgt.u32 s5, $0x7F  }
0xe8: {  	s0 =	sshrl.u32 @!p0 s5, $0x3  }
0xe9: {  	s5 =	sand.u32 @!p0 $0x7, s5;
	s6 =	simm.s32 @!p0 $0xB0;
	s0 =	sadd.s32 @!p0 s1, s0  }
0xea: {  	[tilespmem:s6], [sflag:$0x6] =	stream.linear.gather @!p0 [hbm4b:s0+s5], $0x1, $0x38;
	[tilespmem:$0xF30] =	vst v63  }
0xeb: {  	s0 =	simm.s32 @!p0 $0x6  }
0xec: {  	_ =	swait.ge @!p0 [sflag:s0], $0x1  }
0xed: {  	[sflag:s0] =	ssyncset.done @!p0 $0x0  }
0xee: {  	[sflag:s0] =	ssyncadd.s32 @!p0 $0xFFFFFFFF  }
0xef: {  	v2 =	vmov @!p0 s4;
	v1 =	vld.msk @!p0 [tilespmem:$0xB0], $0x1;
	_ =	sdelay $0x3  }
0xf0: {  	s0 =	simm.s32 @!p0 $0xE0  }
0xf1: {  	[tilespmem:v2+s0+$0x0], v1 =	vst.idx.ret.add.f32.msk @!p0 $0x1, v1  }
0xf2: {  	[tilespmem:s2+$0xC0] =	vst.msk $0x1, v0  }
0xf3: {  	v0 =	vld.msk [tilespmem:s4+$0xE0], $0x1;
	_ =	sdelay $0x4  }
0xf4: {  	[tilespmem:s2+$0xE0] =	vst.msk $0x1, v0;
	s2 =	sadd.s32 $0x1, s2  }
.LBB2_19:
0xf5: {  	s4 =	sadd.s32 $0x1, s4  }
0xf6: {  	p0 =	sne.s32 s4, $0x20  }
.Ltmp8:
0xf7: {  	_ = 	snop;
	(pc) =	sbr.rel @!p0 .LBB2_20-.Ltmp8, $1  }
0xf8: {  	_ =	sdelay $0x3  }
.LBB2_12:
0xf9: {  	v0 =	vld.msk [tilespmem:s4+$0xC0], $0x1;
	_ =	sdelay $0x4  }
0xfa: {  	(v2sf) =	vpush v0, $0x0;
	_ =	sdelay $0xe  }
0xfb: {  	s5 =	spop (v2sf)  }
0xfc: {  	p0 =	seq.s32 s5, $0xFFFFFFFF  }
.Ltmp9:
0xfd: {  	_ = 	snop;
	(pc) =	sbr.rel @p0 .LBB2_19-.Ltmp9, $1  }
0xfe: {  	_ =	sdelay $0x3  }
0xff: {  	p0 =	slt.s32 s2, $0x1  }
.Ltmp10:
0x100: {  	_ = 	snop;
	(pc) =	sbr.rel @p0 .LBB2_17-.Ltmp10, $1  }
0x101: {  	_ =	sdelay $0x3  }
0x102: {  	s0 =	simm.s32 $0xC0;
	p0 =	por $0x0, $0x0  }
0x103: {  	v1 =	vld.msk @!p0 [tilespmem:s0+$0x0], $0x1;
	_ =	sdelay $0x4  }
0x104: {  	(v2sf) =	vpush @!p0 v1, $0x0;
	_ =	sdelay $0xd  }
0x105: {  	p2 =	sne.s32 s2, $0x1  }
.Ltmp11:
0x106: {  	s6 =	spop @!p0 (v2sf);
	(pc) =	sbr.rel @!p2 .LBB2_16-.Ltmp11, $4  }
0x107: {  	p1 =	seq.s32 @!p0 s5, s6  }
0x108: {  	s6 =	simm.s32 $0x0;
	p1 =	por !p1, p0  }
0x109: {  	s8 =	simm.s32 $0xFFFFFFFF;
	s6 =	simm.s32 @p1 $0xFFFFFFFF  }
0x10a: {  	s7 =	simm.s32 $0x1;
	s6 =	smov.u32 @p0 s8  }
.LBB2_15:
0x10b: {  	s8 =	smov.u32 s6;
	p0 =	sne.s32 s6, $0xFFFFFFFF  }
0x10c: {  	s0 =	sadd.s32 $0x1, s0;
	s6 =	smov.u32 s7;
	s7 =	sadd.s32 $0x1, s7  }
0x10d: {  	p1 =	sne.s32 s2, s7;
	v1 =	vld.msk @!p0 [tilespmem:s0+$0x0], $0x1;
	_ =	sdelay $0x4  }
0x10e: {  	(v2sf) =	vpush @!p0 v1, $0x0;
	_ =	sdelay $0xe  }
.Ltmp12:
0x10f: {  	s9 =	spop @!p0 (v2sf);
	(pc) =	sbr.rel @p1 .LBB2_15-.Ltmp12, $4  }
0x110: {  	p2 =	seq.s32 @!p0 s5, s9  }
0x111: {  	p2 =	por !p2, p0  }
0x112: {  	s6 =	simm.s32 @p2 $0xFFFFFFFF  }
0x113: {  	s6 =	smov.u32 @p0 s8  }
.LBB2_16:
0x114: {  	p0 =	sne.s32 s6, $0xFFFFFFFF  }
.Ltmp13:
0x115: {  	_ = 	snop;
	(pc) =	sbr.rel @!p0 .LBB2_17-.Ltmp13, $1  }
0x116: {  	_ =	sdelay $0x3  }
0x117: {  	v0 =	vld.msk [tilespmem:s4+$0xE0], $0x1;
	v1 =	vmov s6  }
.Ltmp14:
0x118: {  	_ = 	snop;
	(pc) =	sbr.rel .LBB2_19-.Ltmp14, $2  }
0x119: {  	_ =	sdelay $0x2  }
0x11a: {  	[tilespmem:v1+s3+$0x0], v0 =	vst.idx.ret.add.f32.msk $0x1, v0  }
.LBB2_20:
0x11b: {  	p0 =	slt.s32 s2, $0x1  }
.Ltmp15:
0x11c: {  	_ = 	snop;
	(pc) =	sbr.rel @p0 .LBB2_24-.Ltmp15, $3  }
0x11d: {  	_ =	sdelay $0x1  }
0x11e: {  	s0 =	simm.s32 $0x6  }
0x11f: {  	s3 =	simm.s32 $0x0;
	[sflag:s0] =	ssyncpa.u1 $0x1  }
0x120: {  	s0 =	simm.s32 $0xC0  }
0x121: {  	v0 =	vld.msk [tilespmem:s0+$0x0], $0x1;
	_ =	sdelay $0x4  }
0x122: {  	(v2sf) =	vpush v0, $0x0;
	_ =	sdelay $0xe  }
0x123: {  	s2 =	sadd.s32 $0xFFFFFFFF, s2;
	s4 =	spop (v2sf)  }
0x124: {  	p1 =	sne.s32 s2, $0x0;
	p0 =	sgt.u32 s4, $0x7F  }
.Ltmp16:
0x125: {  	s5 =	sshrl.u32 @!p0 s4, $0x3;
	(pc) =	sbr.rel @!p1 .LBB2_23-.Ltmp16, $4  }
0x126: {  	s0 =	simm.s32 $0xE0;
	s4 =	sand.u32 @!p0 $0x7, s4;
	s5 =	sadd.s32 @!p0 s1, s5  }
0x127: {  	[hbm4b:s5+s4] =	stream.linear.scatter @!p0 [tilespmem:s0], [sflag:$0x5], $0x1, $0x38;
	[tilespmem:$0xF30] =	vst v63  }
0x128: {  	s5 =	simm.s32 $0x0  }
0x129: {  	s4 =	simm.s32 $0xC1;
	s5 =	simm.s32 @!p0 $0x4  }
.LBB2_22:
0x12a: {  	v0 =	vld.msk [tilespmem:s4+$0x0], $0x1;
	s2 =	sadd.s32 $0xFFFFFFFF, s2;
	s3 =	sadd.s32 s3, s5  }
0x12b: {  	p0 =	sne.s32 s2, $0x0;
	_ =	sdelay $0x3  }
0x12c: {  	(v2sf) =	vpush v0, $0x0;
	_ =	sdelay $0xe  }
.Ltmp17:
0x12d: {  	s6 =	spop (v2sf);
	(pc) =	sbr.rel @p0 .LBB2_22-.Ltmp17, $4  }
0x12e: {  	s5 =	simm.s32 $0x0;
	p1 =	sgt.u32 s6, $0x7F  }
0x12f: {  	s0 =	sadd.s32 $0x1, s0;
	s5 =	simm.s32 @!p1 $0x4;
	s7 =	sshrl.u32 @!p1 s6, $0x3  }
0x130: {  	s4 =	sadd.s32 $0x1, s4;
	s6 =	sand.u32 @!p1 $0x7, s6;
	s7 =	sadd.s32 @!p1 s1, s7  }
0x131: {  	[hbm4b:s7+s6] =	stream.linear.scatter @!p1 [tilespmem:s0], [sflag:$0x5], $0x1, $0x38;
	[tilespmem:$0xF30] =	vst v63  }
.LBB2_23:
0x132: {  	s0 =	sadd.s32 s3, s5  }
0x133: {  	s3 =	sshrl.u32 s0, $0x2  }
.LBB2_24:
0x134: {  	s0 =	simm.s32 $0x5  }
0x135: {  	_ =	swait.ge [sflag:s0], s3  }
0x136: {  	s1 =	ssub.s32 $0x0, s3;
	[sflag:s0] =	ssyncset.done $0x0  }
0x137: {  	[sflag:s0] =	ssyncadd.s32 s1  }
0x138: {  	[sflag:s0] =	ssyncpa.u1 $0x1  }
0x139: {  	s29 =	simm.s32 $0x1;
	_ =	sfence  }
0x13a: {  	s30 =	simm.s32 $0x2;
	[sflag:s29] =	ssyncpa.u1 $0x1  }
0x13b: {  	[sflag:s30] =	ssyncpa.u1 $0x1  }
0x13c: {  	_ =	strace $0x90000059  }
0x13d: {  	[bflag:$0x2] =	sbarrier.arrive $0xFFFF  }
0x13e: {  	s31 =	rddreg [dreg:$0x2]  }
0x13f: {  	s0 =	sadd.s32 $0x100000, s31  }
0x140: {  	[sflag:s0] =	ssyncadd.tile.s32 $0x1;
	_ =	shalt  }
.Lfunc_end2:
_tile_overlayer_lowered:
.L_overlay_start_2:
0x141: {  	(tag) =	ssettag $0x2  }
0x142: {  	s0 =	rddreg [dreg:$0x0];
	s2 =	stileid.u32  }
0x143: {  	s1 =	rddreg [dreg:$0x1];
	p0 =	sne.s32 s2, $0x0  }
0x144: {  	s3 =	rddreg [dreg:$0x2];
	[bflag:$0x3] =	sbarrier.arrive $0xFFFF;
	s2 =	simm.s32 @!p0 $0x1C01  }
0x145: {  	[timem:s3], [sflag:s2] =	dma.local @!p0 [hbm:s0], s1  }
0x146: {  	s0 =	simm.s32 @!p0 $0x1  }
0x147: {  	_ =	swait.ge @!p0 [sflag:s0], s1  }
0x148: {  	s1 =	ssub.s32 @!p0 $0x0, s1;
	[sflag:s0] =	ssyncset.done @!p0 $0x0  }
0x149: {  	[sflag:s0] =	ssyncadd.s32 @!p0 s1  }
0x14a: {  	[bflag:$0x3] =	sbarrier.arrive $0xFFFF  }
0x14b: {  	_ =	shalt  }

</sc_bundles>
